<compile_context>
chip_gen: v7x
topology: tpu7x:2x2x1
jax: 0.10.2.dev20260603
libtpu: 0.0.44.dev20260713+nightly
codegen_flags: <defaults>
</compile_context>

<pallas_src>
import functools

import jax
import jax.numpy as jnp
from jax import lax
from jax.experimental import pallas as pl
from jax.experimental.pallas import tpu as pltpu
from jax.experimental.pallas import tpu_sc as plsc

R = 4
D = 256
N = 10000
E = 160000
NCORES = 2
NSUB = 16
NW = NCORES * NSUB
OWN = 320
LASTSTART = N - OWN
CH = 3200
GRP2 = CH // 32
NCHUNK = E // CH
CNTW = 1344
CDUM = OWN * R
ADUM = OWN
QCAP = 64
NB = 10
BM = N // NB


def _dense_body(x_ref, w_ref, b_ref, o_ref):
    r = pl.program_id(0)
    acc = jnp.dot(x_ref[...], w_ref[0], preferred_element_type=jnp.float32)
    o_ref[...] = acc + jnp.where(r == R, 1.0, 0.0) * b_ref[...]


def _dense_table(x, w5, bias2d):
    return pl.pallas_call(
        _dense_body,
        grid=(R + 1, NB),
        in_specs=[
            pl.BlockSpec((BM, D), lambda r, i: (i, 0)),
            pl.BlockSpec((1, D, D), lambda r, i: (r, 0, 0)),
            pl.BlockSpec((1, D), lambda r, i: (0, 0)),
        ],
        out_specs=pl.BlockSpec((BM, D), lambda r, i: (r * NB + i, 0)),
        out_shape=jax.ShapeDtypeStruct(((R + 1) * N, D), jnp.float32),
    )(x, w5, bias2d)


def _sc_body(table, srcv, dstv, typv, eww, out,
             src_b, dst_b, typ_b, ew_b, cnt_l, rows,
             qg, qd, qw, gidx_b, acc, sem, msem, gsem):
    core = lax.axis_index("c")
    sub = lax.axis_index("s")
    wid = sub * NCORES + core
    own_start = jnp.minimum(wid * OWN, LASTSTART)
    iota16 = lax.iota(jnp.int32, 16)
    zeros16 = jnp.zeros((16,), jnp.float32)

    def _zero(i, _):
        cnt_l[pl.ds(i * 16, 16)] = zeros16
        return 0
    lax.fori_loop(0, CNTW // 16, _zero, 0)
    for q16 in range(QCAP // 16):
        qg[pl.ds(q16 * 16, 16)] = jnp.zeros((16,), jnp.int32)
    pltpu.sync_copy(table.at[pl.ds(R * N + own_start, OWN)],
                    acc.at[pl.ds(0, OWN)])

    def _meta(ch, par, arrays):
        off = ch * CH
        return [pltpu.make_async_copy(hbm.at[pl.ds(off, CH)], buf.at[par],
                                      msem.at[par]) for hbm, buf in arrays]

    ones = jnp.full((16,), 1.0, jnp.float32)
    p1arrs = [(dstv, dst_b), (typv, typ_b)]
    for c in _meta(0, 0, p1arrs):
        c.start()

    def _p1_chunk(ch, _):
        par = ch & 1

        @pl.when(ch + 1 < NCHUNK)
        def _():
            for c in _meta(ch + 1, 1 - par, p1arrs):
                c.start()
        for c in _meta(ch, par, p1arrs):
            c.wait()

        @plsc.parallel_loop(0, GRP2, 1, unroll=4)
        def _grp(g):
            for h in range(2):
                o = g * 32 + h * 16
                d = dst_b[par, pl.ds(o, 16)]
                t = typ_b[par, pl.ds(o, 16)]
                dl = d - own_start
                m = (dl >= 0) & (dl < OWN)
                cidx = jnp.where(m, dl * R + t, CDUM)
                plsc.addupdate_scatter(cnt_l, [cidx], ones, mask=m)
        return 0
    lax.fori_loop(0, NCHUNK, _p1_chunk, 0)

    def _stage_fire(j, base):
        j32 = pl.multiple_of(j * 32, 32)
        for b in range(2):
            gidx_b[pl.ds(j32 + b * 16, 16)] = qg[pl.ds(base + b * 16, 16)]
            qd[pl.ds(QCAP + j32 + b * 16, 16)] = qd[pl.ds(base + b * 16, 16)]
            qw[pl.ds(QCAP + j32 + b * 16, 16)] = qw[pl.ds(base + b * 16, 16)]
        for b in range(2):
            pltpu.make_async_copy(
                table.at[gidx_b.at[pl.ds(j32 + b * 16, 16)]],
                rows.at[pl.ds(j32 + b * 16, 16)], gsem.at[j]).start()

    def _wait_acc(j):
        j32 = pl.multiple_of(j * 32, 32)
        for b in range(2):
            pltpu.make_async_copy(
                table.at[gidx_b.at[pl.ds(j32 + b * 16, 16)]],
                rows.at[pl.ds(j32 + b * 16, 16)], gsem.at[j]).wait()
        dv = [qd[pl.ds(QCAP + j32 + b * 16, 16)] for b in range(2)]
        sv = [qw[pl.ds(QCAP + j32 + b * 16, 16)] for b in range(2)]

        @plsc.parallel_loop(0, 32, 1, unroll=4)
        def _edges(e):
            lane = iota16 == (e & 15)
            d16 = jnp.where(e < 16, dv[0], dv[1])
            s16 = jnp.where(e < 16, sv[0], sv[1])
            dl_e = jnp.sum(jnp.where(lane, d16, 0))
            sc_e = jnp.sum(jnp.where(lane, s16, 0.0))
            for j in range(D // 16):
                v = rows[j32 + e, pl.ds(j * 16, 16)]
                plsc.addupdate(acc.at[dl_e, pl.ds(j * 16, 16)], v * sc_e)

    p2arrs = [(srcv, src_b), (dstv, dst_b), (typv, typ_b), (eww, ew_b)]
    for c in _meta(0, 0, p2arrs):
        c.start()

    def _p2_chunk(ch, carry):
        par = ch & 1

        @pl.when(ch + 1 < NCHUNK)
        def _():
            for c in _meta(ch + 1, 1 - par, p2arrs):
                c.start()
        for c in _meta(ch, par, p2arrs):
            c.wait()

        def _grp(g, carry):
            qc, pend, pr = carry
            for h in range(2):
                o = g * 32 + h * 16
                s = src_b[par, pl.ds(o, 16)]
                d = dst_b[par, pl.ds(o, 16)]
                t = typ_b[par, pl.ds(o, 16)]
                w = ew_b[par, pl.ds(o, 16)]
                dl = d - own_start
                m = (dl >= 0) & (dl < OWN)
                cidx = jnp.where(m, dl * R + t, CDUM)
                cnt = plsc.load_gather(cnt_l, [cidx])
                sc = jnp.where(m, w / jnp.maximum(cnt, 1.0), 0.0)
                plsc.store_compressed(qg.at[pl.ds(qc, 16)], t * N + s, mask=m)
                plsc.store_compressed(qd.at[pl.ds(qc, 16)], dl, mask=m)
                plsc.store_compressed(qw.at[pl.ds(qc, 16)], sc, mask=m)
                qc = qc + plsc.all_reduce_population_count(m)[0]
                fire = qc >= 32

                @pl.when(fire)
                def _():
                    _stage_fire(pr, qc - 32)

                    @pl.when(pend == 1)
                    def _():
                        _wait_acc(1 - pr)
                qc = jnp.where(fire, qc - 32, qc)
                pend = jnp.where(fire, 1, pend)
                pr = jnp.where(fire, 1 - pr, pr)
            return (qc, pend, pr)
        return lax.fori_loop(0, GRP2, _grp, carry)
    qc, pend, pr = lax.fori_loop(0, NCHUNK, _p2_chunk,
                                 (0, 0, 0))

    @pl.when(pend == 1)
    def _():
        _wait_acc(1 - pr)

    livecnt0 = jnp.minimum(qc, 16)
    livecnt1 = jnp.clip(qc - 16, 0, 16)
    qd[pl.ds(0, 16)] = jnp.where(iota16 < livecnt0, qd[pl.ds(0, 16)], ADUM)
    qw[pl.ds(0, 16)] = jnp.where(iota16 < livecnt0, qw[pl.ds(0, 16)], 0.0)
    qd[pl.ds(16, 16)] = jnp.where(iota16 < livecnt1, qd[pl.ds(16, 16)], ADUM)
    qw[pl.ds(16, 16)] = jnp.where(iota16 < livecnt1, qw[pl.ds(16, 16)], 0.0)
    _stage_fire(jnp.int32(0), 0)
    _wait_acc(jnp.int32(0))

    pltpu.sync_copy(acc.at[pl.ds(0, OWN)], out.at[pl.ds(own_start, OWN)])


_sc_kernel = functools.partial(
    pl.kernel,
    out_type=jax.ShapeDtypeStruct((N, D), jnp.float32),
    mesh=plsc.VectorSubcoreMesh(core_axis_name="c", subcore_axis_name="s",
                                num_cores=NCORES, num_subcores=NSUB),
    compiler_params=pltpu.CompilerParams(needs_layout_passes=False),
    scratch_types=[
        pltpu.VMEM((2, CH), jnp.int32),
        pltpu.VMEM((2, CH), jnp.int32),
        pltpu.VMEM((2, CH), jnp.int32),
        pltpu.VMEM((2, CH), jnp.float32),
        pltpu.VMEM((CNTW,), jnp.float32),
        pltpu.VMEM((64, D), jnp.float32),
        pltpu.VMEM((QCAP,), jnp.int32),
        pltpu.VMEM((QCAP + 64,), jnp.int32),
        pltpu.VMEM((QCAP + 64,), jnp.float32),
        pltpu.VMEM((64,), jnp.int32),
        pltpu.VMEM((OWN + 8, D), jnp.float32),
        pltpu.SemaphoreType.DMA,
        pltpu.SemaphoreType.DMA((2,)),
        pltpu.SemaphoreType.DMA((2,)),
    ],
)(_sc_body)


def kernel(x, edge_index, edge_type, edge_weight, weight, root, bias):
    x = x.astype(jnp.float32)
    src = edge_index[0].astype(jnp.int32)
    dst = edge_index[1].astype(jnp.int32)
    typ = edge_type.astype(jnp.int32)
    ew = edge_weight.astype(jnp.float32)
    w5 = jnp.concatenate([weight.astype(jnp.float32),
                          root.astype(jnp.float32)[None]], axis=0)
    table = _dense_table(x, w5, bias.astype(jnp.float32).reshape(1, D))
    return _sc_kernel(table, src, dst, typ, ew)

# --- scband reference (transcript-rebuilt; emitter-appended) ---
"""Pipeline reference for scband-goggle-16432544874899 (READ-ONLY COPY).

The authoritative reference and input builder live on the scoring server;
editing this copy changes nothing except your own understanding.
"""

import jax, jax.numpy as jnp
import numpy as np

NUM_RELATIONS = 4
IN_CH = 256
OUT_CH = 256
N_NODES = 10000
N_EDGES = 160000


def glorot(key, shape):
    fan = shape[-2] + shape[-1]
    std = jnp.sqrt(6.0 / fan)
    return jax.random.uniform(key, shape, dtype=jnp.float32, minval=-std, maxval=std)


def setup_inputs(seed: int = 0) -> dict:
    key = jax.random.key(seed)
    k_x, k_ei, k_et, k_ew, k_w, k_r = jax.random.split(key, 6)
    x = jax.random.normal(k_x, (N_NODES, IN_CH), dtype=jnp.float32)
    edge_index = jax.random.randint(k_ei, (2, N_EDGES), 0, N_NODES, dtype=jnp.int64)
    edge_type = jax.random.randint(k_et, (N_EDGES,), 0, NUM_RELATIONS, dtype=jnp.int64)
    edge_weight = jax.random.uniform(k_ew, (N_EDGES,), dtype=jnp.float32)
    # learned parameters (no basis / block decomposition)
    weight = glorot(k_w, (NUM_RELATIONS, IN_CH, OUT_CH))
    root = glorot(k_r, (IN_CH, OUT_CH))
    bias = jnp.zeros((OUT_CH,), dtype=jnp.float32)
    return {"x": x, "edge_index": edge_index, "edge_type": edge_type,
            "edge_weight": edge_weight, "weight": weight, "root": root, "bias": bias}


def reference(x, edge_index, edge_type, edge_weight, weight, root, bias):
    # RGCNConv forward (num_bases=None, num_blocks=None, aggr='mean')
    N = x.shape[0]
    src = edge_index[0]
    dst = edge_index[1]
    x_src = jnp.take(x, src, axis=0)  # gather source-node features [E, d]
    out = jnp.zeros((N, weight.shape[2]), dtype=x.dtype)
    for i in range(NUM_RELATIONS):
        mask = (edge_type == i).astype(x.dtype)  # [E]
        w_e = edge_weight * mask
        # messages: x_j * edge_weight, mean-aggregated per destination node
        msg_sum = jax.ops.segment_sum(x_src * w_e[:, None], dst, num_segments=N)
        cnt = jax.ops.segment_sum(mask, dst, num_segments=N)
        h = msg_sum / jnp.maximum(cnt, 1.0)[:, None]
        out = out + h @ weight[i]
    out = out + x @ root
    out = out + bias
    return out

if __name__ == "__main__":
    import jax
    _d = setup_inputs()
    print(jax.jit(kernel)(*tuple(_d.values())))

</pallas_src>

<mosaic_0001>
#map = affine_map<(d0, d1) -> (0, 0)>
#map1 = affine_map<(d0, d1) -> (0)>
module attributes {stable_mosaic.version = 14 : i64} {
  func.func @_sc_body(%arg0: i32, %arg1: i32, %arg2: memref<50000x256xf32, #tpu.memory_space<hbm>>, %arg3: memref<160000xi32, #tpu.memory_space<hbm>>, %arg4: memref<160000xi32, #tpu.memory_space<hbm>>, %arg5: memref<160000xi32, #tpu.memory_space<hbm>>, %arg6: memref<160000xf32, #tpu.memory_space<hbm>>, %arg7: memref<10000x256xf32, #tpu.memory_space<hbm>>, %arg8: memref<2x3200xi32, #tpu.memory_space<vmem>>, %arg9: memref<2x3200xi32, #tpu.memory_space<vmem>>, %arg10: memref<2x3200xi32, #tpu.memory_space<vmem>>, %arg11: memref<2x3200xf32, #tpu.memory_space<vmem>>, %arg12: memref<1344xf32, #tpu.memory_space<vmem>>, %arg13: memref<64x256xf32, #tpu.memory_space<vmem>>, %arg14: memref<64xi32, #tpu.memory_space<vmem>>, %arg15: memref<128xi32, #tpu.memory_space<vmem>>, %arg16: memref<128xf32, #tpu.memory_space<vmem>>, %arg17: memref<64xi32, #tpu.memory_space<vmem>>, %arg18: memref<328x256xf32, #tpu.memory_space<vmem>>, %arg19: memref<!tpu.dma_semaphore, #tpu.memory_space<semaphore_mem>>, %arg20: memref<2x!tpu.dma_semaphore, #tpu.memory_space<semaphore_mem>>, %arg21: memref<2x!tpu.dma_semaphore, #tpu.memory_space<semaphore_mem>>) attributes {dimension_semantics = [#tpu.dimension_semantics<core_parallel>, #tpu.dimension_semantics<subcore_parallel>], iteration_bounds = array<i64: 2, 16>, scalar_prefetch = 0 : i64, scratch_operands = 14 : i64, tpu.core_type = #tpu.core_type<sc_vector_subcore>, window_params = [{transform_indices = #map}, {transform_indices = #map1}, {transform_indices = #map1}, {transform_indices = #map1}, {transform_indices = #map1}, {transform_indices = #map}]} {
    %mul3A = arith.constant 2 : i32
    %mul3A_0 = arith.muli %arg1, %mul3A : i32
    %add3A = arith.addi %mul3A_0, %arg0 : i32
    %mul3A_1 = arith.constant 320 : i32
    %mul3A_2 = arith.muli %add3A, %mul3A_1 : i32
    %min3A = arith.constant 9680 : i32
    %min3A_3 = arith.minsi %mul3A_2, %min3A : i32
    %iota3A = tpu.iota {dimensions = array<i32: 0>} : vector<16xi32>
    %broadcast_in_dim3A = arith.constant 0.000000e+00 : f32
    %broadcast_in_dim3A_4 = vector.broadcast %broadcast_in_dim3A : f32 to vector<16xf32>
    %scan3A = arith.constant 0 : i32
    %scan3A_5 = arith.constant 0 : i32
    %scan3A_6 = arith.constant 84 : i32
    %scan3A_7 = arith.addi %scan3A_5, %scan3A_6 : i32
    %scan3A_8 = arith.constant 1 : i32
    %scan3A_9 = scf.for %scan3A_297 = %scan3A_5 to %scan3A_7 step %scan3A_8 iter_args(%scan3A_298 = %scan3A) -> (i32)  : i32 {
      %mul3A_299 = arith.constant 16 : i32
      %mul3A_300 = arith.muli %scan3A_297, %mul3A_299 : i32
      %swap3A_301 = arith.index_cast %mul3A_300 : i32 to index
      %swap3A_302 = tpu.vector_load %arg12[%swap3A_301] {strides = array<i32>} : memref<1344xf32, #tpu.memory_space<vmem>>, vector<16xf32>,
      tpu.vector_store %arg12[%swap3A_301], %broadcast_in_dim3A_4 {strides = array<i32>} : memref<1344xf32, #tpu.memory_space<vmem>>, vector<16xf32>,
      %scan3A_303 = arith.constant 0 : i32
      scf.yield %scan3A_303 : i32
    }
    %scan3A_10 = arith.constant 84 : i32
    %broadcast_in_dim3A_11 = arith.constant 0 : i32
    %broadcast_in_dim3A_12 = vector.broadcast %broadcast_in_dim3A_11 : i32 to vector<16xi32>
    %swap3A = arith.constant 0 : index
    %swap3A_13 = tpu.vector_load %arg14[%swap3A] {strides = array<i32>} : memref<64xi32, #tpu.memory_space<vmem>>, vector<16xi32>,
    tpu.vector_store %arg14[%swap3A], %broadcast_in_dim3A_12 {strides = array<i32>} : memref<64xi32, #tpu.memory_space<vmem>>, vector<16xi32>,
    %broadcast_in_dim3A_14 = arith.constant 0 : i32
    %broadcast_in_dim3A_15 = vector.broadcast %broadcast_in_dim3A_14 : i32 to vector<16xi32>
    %swap3A_16 = arith.constant 16 : index
    %swap3A_17 = tpu.vector_load %arg14[%swap3A_16] {strides = array<i32>} : memref<64xi32, #tpu.memory_space<vmem>>, vector<16xi32>,
    tpu.vector_store %arg14[%swap3A_16], %broadcast_in_dim3A_15 {strides = array<i32>} : memref<64xi32, #tpu.memory_space<vmem>>, vector<16xi32>,
    %broadcast_in_dim3A_18 = arith.constant 0 : i32
    %broadcast_in_dim3A_19 = vector.broadcast %broadcast_in_dim3A_18 : i32 to vector<16xi32>
    %swap3A_20 = arith.constant 32 : index
    %swap3A_21 = tpu.vector_load %arg14[%swap3A_20] {strides = array<i32>} : memref<64xi32, #tpu.memory_space<vmem>>, vector<16xi32>,
    tpu.vector_store %arg14[%swap3A_20], %broadcast_in_dim3A_19 {strides = array<i32>} : memref<64xi32, #tpu.memory_space<vmem>>, vector<16xi32>,
    %broadcast_in_dim3A_22 = arith.constant 0 : i32
    %broadcast_in_dim3A_23 = vector.broadcast %broadcast_in_dim3A_22 : i32 to vector<16xi32>
    %swap3A_24 = arith.constant 48 : index
    %swap3A_25 = tpu.vector_load %arg14[%swap3A_24] {strides = array<i32>} : memref<64xi32, #tpu.memory_space<vmem>>, vector<16xi32>,
    tpu.vector_store %arg14[%swap3A_24], %broadcast_in_dim3A_23 {strides = array<i32>} : memref<64xi32, #tpu.memory_space<vmem>>, vector<16xi32>,
    %add3A_26 = arith.constant 40000 : i32
    %add3A_27 = arith.addi %add3A_26, %min3A_3 : i32
    "tpu.region"() ({
      %run_scoped3A = tpu.sem_alloc : memref<!tpu.dma_semaphore, #tpu.memory_space<semaphore_mem>>
      %dma_start3A_297 = arith.constant 0 : i32
      %dma_start3A_298 = arith.constant 0 : i32
      %dma_start3A_299 = tpu.memref_slice %arg18[%dma_start3A_297, %dma_start3A_298] : memref<328x256xf32, #tpu.memory_space<vmem>> -> memref<320x256xf32, #tpu.memory_space<vmem>>
      %dma_start3A_300 = arith.constant 0 : i32
      %dma_start3A_301 = tpu.memref_slice %arg2[%add3A_27, %dma_start3A_300] : memref<50000x256xf32, #tpu.memory_space<hbm>> -> memref<320x256xf32, #tpu.memory_space<hbm>>
      %dma_start3A_302 = arith.constant 0 : i32
      %dma_start3A_303 = arith.constant 0 : i32
      %dma_start3A_304 = tpu.memref_slice %arg18[%dma_start3A_302, %dma_start3A_303] : memref<328x256xf32, #tpu.memory_space<vmem>> -> memref<320x256xf32, #tpu.memory_space<vmem>>
      %dma_start3A_305 = arith.constant 0 : i32
      %dma_start3A_306 = tpu.memref_slice %arg2[%add3A_27, %dma_start3A_305] : memref<50000x256xf32, #tpu.memory_space<hbm>> -> memref<320x256xf32, #tpu.memory_space<hbm>>
      tpu.enqueue_dma source(%dma_start3A_306 : memref<320x256xf32, #tpu.memory_space<hbm>>) target(%dma_start3A_304 : memref<320x256xf32, #tpu.memory_space<vmem>>) target_semaphore(%run_scoped3A : memref<!tpu.dma_semaphore, #tpu.memory_space<semaphore_mem>>)
      %dma_wait3A_307 = arith.constant 0 : i32
      %dma_wait3A_308 = arith.constant 0 : i32
      %dma_wait3A_309 = tpu.memref_slice %arg18[%dma_wait3A_307, %dma_wait3A_308] : memref<328x256xf32, #tpu.memory_space<vmem>> -> memref<320x256xf32, #tpu.memory_space<vmem>>
      %dma_wait3A_310 = arith.constant 0 : i32
      %dma_wait3A_311 = tpu.memref_slice %arg2[%add3A_27, %dma_wait3A_310] : memref<50000x256xf32, #tpu.memory_space<hbm>> -> memref<320x256xf32, #tpu.memory_space<hbm>>
      %dma_wait3A_312 = arith.constant 0 : i32
      %dma_wait3A_313 = arith.constant 0 : i32
      %dma_wait3A_314 = tpu.memref_slice %arg18[%dma_wait3A_312, %dma_wait3A_313] : memref<328x256xf32, #tpu.memory_space<vmem>> -> memref<320x256xf32, #tpu.memory_space<vmem>>
      %dma_wait3A_315 = arith.constant 0 : i32
      %dma_wait3A_316 = tpu.memref_slice %arg2[%add3A_27, %dma_wait3A_315] : memref<50000x256xf32, #tpu.memory_space<hbm>> -> memref<320x256xf32, #tpu.memory_space<hbm>>
      tpu.wait_dma2 semaphore(%run_scoped3A : memref<!tpu.dma_semaphore, #tpu.memory_space<semaphore_mem>>) src(%dma_wait3A_316 : memref<320x256xf32, #tpu.memory_space<hbm>>) dst(%dma_wait3A_314 : memref<320x256xf32, #tpu.memory_space<vmem>>)
      tpu.yield
    }) : () -> ()
    %broadcast_in_dim3A_28 = arith.constant 1.000000e+00 : f32
    %broadcast_in_dim3A_29 = vector.broadcast %broadcast_in_dim3A_28 : f32 to vector<16xf32>
    %dma_start3A = arith.constant 0 : i32
    %dma_start3A_30 = arith.constant 0 : i32
    %dma_start3A_31 = arith.constant 0 : i32
    %dma_start3A_32 = tpu.memref_slice %arg9[%dma_start3A, %dma_start3A_31] : memref<2x3200xi32, #tpu.memory_space<vmem>> -> memref<1x3200xi32, #tpu.memory_space<vmem>>
    %dma_start3A_33 = tpu.memref_squeeze %dma_start3A_32 : memref<1x3200xi32, #tpu.memory_space<vmem>> -> memref<3200xi32, #tpu.memory_space<vmem>>
    %dma_start3A_34 = arith.constant 0 : i32
    %dma_start3A_35 = tpu.memref_slice %arg4[%dma_start3A_34] : memref<160000xi32, #tpu.memory_space<hbm>> -> memref<3200xi32, #tpu.memory_space<hbm>>
    %dma_start3A_36 = tpu.memref_slice %arg20[%dma_start3A_30] : memref<2x!tpu.dma_semaphore, #tpu.memory_space<semaphore_mem>> -> memref<1x!tpu.dma_semaphore, #tpu.memory_space<semaphore_mem>>
    %dma_start3A_37 = tpu.memref_squeeze %dma_start3A_36 : memref<1x!tpu.dma_semaphore, #tpu.memory_space<semaphore_mem>> -> memref<!tpu.dma_semaphore, #tpu.memory_space<semaphore_mem>>
    %dma_start3A_38 = arith.constant 0 : i32
    %dma_start3A_39 = tpu.memref_slice %arg9[%dma_start3A, %dma_start3A_38] : memref<2x3200xi32, #tpu.memory_space<vmem>> -> memref<1x3200xi32, #tpu.memory_space<vmem>>
    %dma_start3A_40 = tpu.memref_squeeze %dma_start3A_39 : memref<1x3200xi32, #tpu.memory_space<vmem>> -> memref<3200xi32, #tpu.memory_space<vmem>>
    %dma_start3A_41 = arith.constant 0 : i32
    %dma_start3A_42 = tpu.memref_slice %arg4[%dma_start3A_41] : memref<160000xi32, #tpu.memory_space<hbm>> -> memref<3200xi32, #tpu.memory_space<hbm>>
    tpu.enqueue_dma source(%dma_start3A_42 : memref<3200xi32, #tpu.memory_space<hbm>>) target(%dma_start3A_40 : memref<3200xi32, #tpu.memory_space<vmem>>) target_semaphore(%dma_start3A_37 : memref<!tpu.dma_semaphore, #tpu.memory_space<semaphore_mem>>)
    %dma_start3A_43 = arith.constant 0 : i32
    %dma_start3A_44 = arith.constant 0 : i32
    %dma_start3A_45 = arith.constant 0 : i32
    %dma_start3A_46 = tpu.memref_slice %arg10[%dma_start3A_43, %dma_start3A_45] : memref<2x3200xi32, #tpu.memory_space<vmem>> -> memref<1x3200xi32, #tpu.memory_space<vmem>>
    %dma_start3A_47 = tpu.memref_squeeze %dma_start3A_46 : memref<1x3200xi32, #tpu.memory_space<vmem>> -> memref<3200xi32, #tpu.memory_space<vmem>>
    %dma_start3A_48 = arith.constant 0 : i32
    %dma_start3A_49 = tpu.memref_slice %arg5[%dma_start3A_48] : memref<160000xi32, #tpu.memory_space<hbm>> -> memref<3200xi32, #tpu.memory_space<hbm>>
    %dma_start3A_50 = tpu.memref_slice %arg20[%dma_start3A_44] : memref<2x!tpu.dma_semaphore, #tpu.memory_space<semaphore_mem>> -> memref<1x!tpu.dma_semaphore, #tpu.memory_space<semaphore_mem>>
    %dma_start3A_51 = tpu.memref_squeeze %dma_start3A_50 : memref<1x!tpu.dma_semaphore, #tpu.memory_space<semaphore_mem>> -> memref<!tpu.dma_semaphore, #tpu.memory_space<semaphore_mem>>
    %dma_start3A_52 = arith.constant 0 : i32
    %dma_start3A_53 = tpu.memref_slice %arg10[%dma_start3A_43, %dma_start3A_52] : memref<2x3200xi32, #tpu.memory_space<vmem>> -> memref<1x3200xi32, #tpu.memory_space<vmem>>
    %dma_start3A_54 = tpu.memref_squeeze %dma_start3A_53 : memref<1x3200xi32, #tpu.memory_space<vmem>> -> memref<3200xi32, #tpu.memory_space<vmem>>
    %dma_start3A_55 = arith.constant 0 : i32
    %dma_start3A_56 = tpu.memref_slice %arg5[%dma_start3A_55] : memref<160000xi32, #tpu.memory_space<hbm>> -> memref<3200xi32, #tpu.memory_space<hbm>>
    tpu.enqueue_dma source(%dma_start3A_56 : memref<3200xi32, #tpu.memory_space<hbm>>) target(%dma_start3A_54 : memref<3200xi32, #tpu.memory_space<vmem>>) target_semaphore(%dma_start3A_51 : memref<!tpu.dma_semaphore, #tpu.memory_space<semaphore_mem>>)
    %scan3A_57 = arith.constant 0 : i32
    %scan3A_58 = arith.constant 0 : i32
    %scan3A_59 = arith.constant 50 : i32
    %scan3A_60 = arith.addi %scan3A_58, %scan3A_59 : i32
    %scan3A_61 = arith.constant 1 : i32
    %scan3A_62 = scf.for %scan3A_297 = %scan3A_58 to %scan3A_60 step %scan3A_61 iter_args(%scan3A_298 = %scan3A_57) -> (i32)  : i32 {
      %and3A = arith.constant 1 : i32
      %and3A_299 = arith.andi %scan3A_297, %and3A : i32
      %add3A_300 = arith.constant 1 : i32
      %add3A_301 = arith.addi %scan3A_297, %add3A_300 : i32
      %lt3A_302 = arith.constant 50 : i32
      %lt3A_303 = arith.cmpi slt, %add3A_301, %lt3A_302 : i32
      %convert_element_type3A_304 = arith.extui %lt3A_303 : i1 to i32
      %cond3A_305 = arith.constant 0 : i32
      %cond3A_306 = arith.cmpi ne, %convert_element_type3A_304, %cond3A_305 : i32
      scf.if %cond3A_306 {
        %add3A_333 = arith.constant 1 : i32
        %add3A_334 = arith.addi %scan3A_297, %add3A_333 : i32
        %sub3A_335 = arith.constant 1 : i32
        %sub3A_336 = arith.subi %sub3A_335, %and3A_299 : i32
        %mul3A_337 = arith.constant 3200 : i32
        %mul3A_338 = arith.muli %add3A_334, %mul3A_337 : i32
        %dma_start3A_339 = arith.constant 0 : i32
        %dma_start3A_340 = tpu.memref_slice %arg9[%sub3A_336, %dma_start3A_339] : memref<2x3200xi32, #tpu.memory_space<vmem>> -> memref<1x3200xi32, #tpu.memory_space<vmem>>
        %dma_start3A_341 = tpu.memref_squeeze %dma_start3A_340 : memref<1x3200xi32, #tpu.memory_space<vmem>> -> memref<3200xi32, #tpu.memory_space<vmem>>
        %dma_start3A_342 = tpu.memref_slice %arg4[%mul3A_338] : memref<160000xi32, #tpu.memory_space<hbm>> -> memref<3200xi32, #tpu.memory_space<hbm>>
        %dma_start3A_343 = tpu.memref_slice %arg20[%sub3A_336] : memref<2x!tpu.dma_semaphore, #tpu.memory_space<semaphore_mem>> -> memref<1x!tpu.dma_semaphore, #tpu.memory_space<semaphore_mem>>
        %dma_start3A_344 = tpu.memref_squeeze %dma_start3A_343 : memref<1x!tpu.dma_semaphore, #tpu.memory_space<semaphore_mem>> -> memref<!tpu.dma_semaphore, #tpu.memory_space<semaphore_mem>>
        %dma_start3A_345 = arith.constant 0 : i32
        %dma_start3A_346 = tpu.memref_slice %arg9[%sub3A_336, %dma_start3A_345] : memref<2x3200xi32, #tpu.memory_space<vmem>> -> memref<1x3200xi32, #tpu.memory_space<vmem>>
        %dma_start3A_347 = tpu.memref_squeeze %dma_start3A_346 : memref<1x3200xi32, #tpu.memory_space<vmem>> -> memref<3200xi32, #tpu.memory_space<vmem>>
        %dma_start3A_348 = tpu.memref_slice %arg4[%mul3A_338] : memref<160000xi32, #tpu.memory_space<hbm>> -> memref<3200xi32, #tpu.memory_space<hbm>>
        tpu.enqueue_dma source(%dma_start3A_348 : memref<3200xi32, #tpu.memory_space<hbm>>) target(%dma_start3A_347 : memref<3200xi32, #tpu.memory_space<vmem>>) target_semaphore(%dma_start3A_344 : memref<!tpu.dma_semaphore, #tpu.memory_space<semaphore_mem>>)
        %dma_start3A_349 = arith.constant 0 : i32
        %dma_start3A_350 = tpu.memref_slice %arg10[%sub3A_336, %dma_start3A_349] : memref<2x3200xi32, #tpu.memory_space<vmem>> -> memref<1x3200xi32, #tpu.memory_space<vmem>>
        %dma_start3A_351 = tpu.memref_squeeze %dma_start3A_350 : memref<1x3200xi32, #tpu.memory_space<vmem>> -> memref<3200xi32, #tpu.memory_space<vmem>>
        %dma_start3A_352 = tpu.memref_slice %arg5[%mul3A_338] : memref<160000xi32, #tpu.memory_space<hbm>> -> memref<3200xi32, #tpu.memory_space<hbm>>
        %dma_start3A_353 = tpu.memref_slice %arg20[%sub3A_336] : memref<2x!tpu.dma_semaphore, #tpu.memory_space<semaphore_mem>> -> memref<1x!tpu.dma_semaphore, #tpu.memory_space<semaphore_mem>>
        %dma_start3A_354 = tpu.memref_squeeze %dma_start3A_353 : memref<1x!tpu.dma_semaphore, #tpu.memory_space<semaphore_mem>> -> memref<!tpu.dma_semaphore, #tpu.memory_space<semaphore_mem>>
        %dma_start3A_355 = arith.constant 0 : i32
        %dma_start3A_356 = tpu.memref_slice %arg10[%sub3A_336, %dma_start3A_355] : memref<2x3200xi32, #tpu.memory_space<vmem>> -> memref<1x3200xi32, #tpu.memory_space<vmem>>
        %dma_start3A_357 = tpu.memref_squeeze %dma_start3A_356 : memref<1x3200xi32, #tpu.memory_space<vmem>> -> memref<3200xi32, #tpu.memory_space<vmem>>
        %dma_start3A_358 = tpu.memref_slice %arg5[%mul3A_338] : memref<160000xi32, #tpu.memory_space<hbm>> -> memref<3200xi32, #tpu.memory_space<hbm>>
        tpu.enqueue_dma source(%dma_start3A_358 : memref<3200xi32, #tpu.memory_space<hbm>>) target(%dma_start3A_357 : memref<3200xi32, #tpu.memory_space<vmem>>) target_semaphore(%dma_start3A_354 : memref<!tpu.dma_semaphore, #tpu.memory_space<semaphore_mem>>)
      } else {
      }
      %mul3A_307 = arith.constant 3200 : i32
      %mul3A_308 = arith.muli %scan3A_297, %mul3A_307 : i32
      %dma_wait3A_309 = arith.constant 0 : i32
      %dma_wait3A_310 = tpu.memref_slice %arg9[%and3A_299, %dma_wait3A_309] : memref<2x3200xi32, #tpu.memory_space<vmem>> -> memref<1x3200xi32, #tpu.memory_space<vmem>>
      %dma_wait3A_311 = tpu.memref_squeeze %dma_wait3A_310 : memref<1x3200xi32, #tpu.memory_space<vmem>> -> memref<3200xi32, #tpu.memory_space<vmem>>
      %dma_wait3A_312 = tpu.memref_slice %arg4[%mul3A_308] : memref<160000xi32, #tpu.memory_space<hbm>> -> memref<3200xi32, #tpu.memory_space<hbm>>
      %dma_wait3A_313 = tpu.memref_slice %arg20[%and3A_299] : memref<2x!tpu.dma_semaphore, #tpu.memory_space<semaphore_mem>> -> memref<1x!tpu.dma_semaphore, #tpu.memory_space<semaphore_mem>>
      %dma_wait3A_314 = tpu.memref_squeeze %dma_wait3A_313 : memref<1x!tpu.dma_semaphore, #tpu.memory_space<semaphore_mem>> -> memref<!tpu.dma_semaphore, #tpu.memory_space<semaphore_mem>>
      %dma_wait3A_315 = arith.constant 0 : i32
      %dma_wait3A_316 = tpu.memref_slice %arg9[%and3A_299, %dma_wait3A_315] : memref<2x3200xi32, #tpu.memory_space<vmem>> -> memref<1x3200xi32, #tpu.memory_space<vmem>>
      %dma_wait3A_317 = tpu.memref_squeeze %dma_wait3A_316 : memref<1x3200xi32, #tpu.memory_space<vmem>> -> memref<3200xi32, #tpu.memory_space<vmem>>
      %dma_wait3A_318 = tpu.memref_slice %arg4[%mul3A_308] : memref<160000xi32, #tpu.memory_space<hbm>> -> memref<3200xi32, #tpu.memory_space<hbm>>
      tpu.wait_dma2 semaphore(%dma_wait3A_314 : memref<!tpu.dma_semaphore, #tpu.memory_space<semaphore_mem>>) src(%dma_wait3A_318 : memref<3200xi32, #tpu.memory_space<hbm>>) dst(%dma_wait3A_317 : memref<3200xi32, #tpu.memory_space<vmem>>)
      %dma_wait3A_319 = arith.constant 0 : i32
      %dma_wait3A_320 = tpu.memref_slice %arg10[%and3A_299, %dma_wait3A_319] : memref<2x3200xi32, #tpu.memory_space<vmem>> -> memref<1x3200xi32, #tpu.memory_space<vmem>>
      %dma_wait3A_321 = tpu.memref_squeeze %dma_wait3A_320 : memref<1x3200xi32, #tpu.memory_space<vmem>> -> memref<3200xi32, #tpu.memory_space<vmem>>
      %dma_wait3A_322 = tpu.memref_slice %arg5[%mul3A_308] : memref<160000xi32, #tpu.memory_space<hbm>> -> memref<3200xi32, #tpu.memory_space<hbm>>
      %dma_wait3A_323 = tpu.memref_slice %arg20[%and3A_299] : memref<2x!tpu.dma_semaphore, #tpu.memory_space<semaphore_mem>> -> memref<1x!tpu.dma_semaphore, #tpu.memory_space<semaphore_mem>>
      %dma_wait3A_324 = tpu.memref_squeeze %dma_wait3A_323 : memref<1x!tpu.dma_semaphore, #tpu.memory_space<semaphore_mem>> -> memref<!tpu.dma_semaphore, #tpu.memory_space<semaphore_mem>>
      %dma_wait3A_325 = arith.constant 0 : i32
      %dma_wait3A_326 = tpu.memref_slice %arg10[%and3A_299, %dma_wait3A_325] : memref<2x3200xi32, #tpu.memory_space<vmem>> -> memref<1x3200xi32, #tpu.memory_space<vmem>>
      %dma_wait3A_327 = tpu.memref_squeeze %dma_wait3A_326 : memref<1x3200xi32, #tpu.memory_space<vmem>> -> memref<3200xi32, #tpu.memory_space<vmem>>
      %dma_wait3A_328 = tpu.memref_slice %arg5[%mul3A_308] : memref<160000xi32, #tpu.memory_space<hbm>> -> memref<3200xi32, #tpu.memory_space<hbm>>
      tpu.wait_dma2 semaphore(%dma_wait3A_324 : memref<!tpu.dma_semaphore, #tpu.memory_space<semaphore_mem>>) src(%dma_wait3A_328 : memref<3200xi32, #tpu.memory_space<hbm>>) dst(%dma_wait3A_327 : memref<3200xi32, #tpu.memory_space<vmem>>)
      %parallel_loop3A_329 = arith.constant 0 : i32
      %parallel_loop3A_330 = arith.constant 100 : i32
      %parallel_loop3A_331 = arith.constant 1 : i32
      scf.for %parallel_loop3A_333 = %parallel_loop3A_329 to %parallel_loop3A_330 step %parallel_loop3A_331  : i32 {
        %parallel_loop3A_334 = arith.constant 32 : i32
        %parallel_loop3A_335 = arith.muli %parallel_loop3A_333, %parallel_loop3A_334 : i32
        %parallel_loop3A_336 = arith.constant 0 : i32
        %parallel_loop3A_337 = arith.addi %parallel_loop3A_335, %parallel_loop3A_336 : i32
        %parallel_loop3A_338 = arith.index_cast %and3A_299 : i32 to index
        %parallel_loop3A_339 = arith.index_cast %parallel_loop3A_337 : i32 to index
        %parallel_loop3A_340 = tpu.vector_load %arg9[%parallel_loop3A_338, %parallel_loop3A_339] {strides = array<i32>} : memref<2x3200xi32, #tpu.memory_space<vmem>>, vector<16xi32>,
        %parallel_loop3A_341 = arith.index_cast %and3A_299 : i32 to index
        %parallel_loop3A_342 = arith.index_cast %parallel_loop3A_337 : i32 to index
        %parallel_loop3A_343 = tpu.vector_load %arg10[%parallel_loop3A_341, %parallel_loop3A_342] {strides = array<i32>} : memref<2x3200xi32, #tpu.memory_space<vmem>>, vector<16xi32>,
        %parallel_loop3A_344 = vector.broadcast %min3A_3 : i32 to vector<16xi32>
        %parallel_loop3A_345 = arith.subi %parallel_loop3A_340, %parallel_loop3A_344 : vector<16xi32>
        %parallel_loop3A_346 = arith.constant 0 : i32
        %parallel_loop3A_347 = vector.broadcast %parallel_loop3A_346 : i32 to vector<16xi32>
        %parallel_loop3A_348 = arith.cmpi sge, %parallel_loop3A_345, %parallel_loop3A_347 : vector<16xi32>
        %parallel_loop3A_349 = arith.constant 320 : i32
        %parallel_loop3A_350 = vector.broadcast %parallel_loop3A_349 : i32 to vector<16xi32>
        %parallel_loop3A_351 = arith.cmpi slt, %parallel_loop3A_345, %parallel_loop3A_350 : vector<16xi32>
        %parallel_loop3A_352 = arith.andi %parallel_loop3A_348, %parallel_loop3A_351 : vector<16xi1>
        %parallel_loop3A_353 = arith.constant 4 : i32
        %parallel_loop3A_354 = vector.broadcast %parallel_loop3A_353 : i32 to vector<16xi32>
        %parallel_loop3A_355 = arith.muli %parallel_loop3A_345, %parallel_loop3A_354 : vector<16xi32>
        %parallel_loop3A_356 = arith.addi %parallel_loop3A_355, %parallel_loop3A_343 : vector<16xi32>
        %parallel_loop3A_357 = arith.constant 1280 : i32
        %parallel_loop3A_358 = vector.broadcast %parallel_loop3A_357 : i32 to vector<16xi32>
        %parallel_loop3A_359 = arith.select %parallel_loop3A_352, %parallel_loop3A_356, %parallel_loop3A_358 : vector<16xi1>, vector<16xi32>
        tpu.vector_store_idx %arg12[%parallel_loop3A_359], %broadcast_in_dim3A_29 masked %parallel_loop3A_352 {add = true} : memref<1344xf32, #tpu.memory_space<vmem>>[vector<16xi32>], vector<16xf32>, vector<16xi1>
        %parallel_loop3A_360 = arith.constant 32 : i32
        %parallel_loop3A_361 = arith.muli %parallel_loop3A_333, %parallel_loop3A_360 : i32
        %parallel_loop3A_362 = arith.constant 16 : i32
        %parallel_loop3A_363 = arith.addi %parallel_loop3A_361, %parallel_loop3A_362 : i32
        %parallel_loop3A_364 = arith.index_cast %and3A_299 : i32 to index
        %parallel_loop3A_365 = arith.index_cast %parallel_loop3A_363 : i32 to index
        %parallel_loop3A_366 = tpu.vector_load %arg9[%parallel_loop3A_364, %parallel_loop3A_365] {strides = array<i32>} : memref<2x3200xi32, #tpu.memory_space<vmem>>, vector<16xi32>,
        %parallel_loop3A_367 = arith.index_cast %and3A_299 : i32 to index
        %parallel_loop3A_368 = arith.index_cast %parallel_loop3A_363 : i32 to index
        %parallel_loop3A_369 = tpu.vector_load %arg10[%parallel_loop3A_367, %parallel_loop3A_368] {strides = array<i32>} : memref<2x3200xi32, #tpu.memory_space<vmem>>, vector<16xi32>,
        %parallel_loop3A_370 = vector.broadcast %min3A_3 : i32 to vector<16xi32>
        %parallel_loop3A_371 = arith.subi %parallel_loop3A_366, %parallel_loop3A_370 : vector<16xi32>
        %parallel_loop3A_372 = arith.constant 0 : i32
        %parallel_loop3A_373 = vector.broadcast %parallel_loop3A_372 : i32 to vector<16xi32>
        %parallel_loop3A_374 = arith.cmpi sge, %parallel_loop3A_371, %parallel_loop3A_373 : vector<16xi32>
        %parallel_loop3A_375 = arith.constant 320 : i32
        %parallel_loop3A_376 = vector.broadcast %parallel_loop3A_375 : i32 to vector<16xi32>
        %parallel_loop3A_377 = arith.cmpi slt, %parallel_loop3A_371, %parallel_loop3A_376 : vector<16xi32>
        %parallel_loop3A_378 = arith.andi %parallel_loop3A_374, %parallel_loop3A_377 : vector<16xi1>
        %parallel_loop3A_379 = arith.constant 4 : i32
        %parallel_loop3A_380 = vector.broadcast %parallel_loop3A_379 : i32 to vector<16xi32>
        %parallel_loop3A_381 = arith.muli %parallel_loop3A_371, %parallel_loop3A_380 : vector<16xi32>
        %parallel_loop3A_382 = arith.addi %parallel_loop3A_381, %parallel_loop3A_369 : vector<16xi32>
        %parallel_loop3A_383 = arith.constant 1280 : i32
        %parallel_loop3A_384 = vector.broadcast %parallel_loop3A_383 : i32 to vector<16xi32>
        %parallel_loop3A_385 = arith.select %parallel_loop3A_378, %parallel_loop3A_382, %parallel_loop3A_384 : vector<16xi1>, vector<16xi32>
        tpu.vector_store_idx %arg12[%parallel_loop3A_385], %broadcast_in_dim3A_29 masked %parallel_loop3A_378 {add = true} : memref<1344xf32, #tpu.memory_space<vmem>>[vector<16xi32>], vector<16xf32>, vector<16xi1>
      } {sc.loop_unroll_factor = 4 : i64, sc.parallel_access}
      %scan3A_332 = arith.constant 0 : i32
      scf.yield %scan3A_332 : i32
    }
    %scan3A_63 = arith.constant 50 : i32
    %dma_start3A_64 = arith.constant 0 : i32
    %dma_start3A_65 = arith.constant 0 : i32
    %dma_start3A_66 = arith.constant 0 : i32
    %dma_start3A_67 = tpu.memref_slice %arg8[%dma_start3A_64, %dma_start3A_66] : memref<2x3200xi32, #tpu.memory_space<vmem>> -> memref<1x3200xi32, #tpu.memory_space<vmem>>
    %dma_start3A_68 = tpu.memref_squeeze %dma_start3A_67 : memref<1x3200xi32, #tpu.memory_space<vmem>> -> memref<3200xi32, #tpu.memory_space<vmem>>
    %dma_start3A_69 = arith.constant 0 : i32
    %dma_start3A_70 = tpu.memref_slice %arg3[%dma_start3A_69] : memref<160000xi32, #tpu.memory_space<hbm>> -> memref<3200xi32, #tpu.memory_space<hbm>>
    %dma_start3A_71 = tpu.memref_slice %arg20[%dma_start3A_65] : memref<2x!tpu.dma_semaphore, #tpu.memory_space<semaphore_mem>> -> memref<1x!tpu.dma_semaphore, #tpu.memory_space<semaphore_mem>>
    %dma_start3A_72 = tpu.memref_squeeze %dma_start3A_71 : memref<1x!tpu.dma_semaphore, #tpu.memory_space<semaphore_mem>> -> memref<!tpu.dma_semaphore, #tpu.memory_space<semaphore_mem>>
    %dma_start3A_73 = arith.constant 0 : i32
    %dma_start3A_74 = tpu.memref_slice %arg8[%dma_start3A_64, %dma_start3A_73] : memref<2x3200xi32, #tpu.memory_space<vmem>> -> memref<1x3200xi32, #tpu.memory_space<vmem>>
    %dma_start3A_75 = tpu.memref_squeeze %dma_start3A_74 : memref<1x3200xi32, #tpu.memory_space<vmem>> -> memref<3200xi32, #tpu.memory_space<vmem>>
    %dma_start3A_76 = arith.constant 0 : i32
    %dma_start3A_77 = tpu.memref_slice %arg3[%dma_start3A_76] : memref<160000xi32, #tpu.memory_space<hbm>> -> memref<3200xi32, #tpu.memory_space<hbm>>
    tpu.enqueue_dma source(%dma_start3A_77 : memref<3200xi32, #tpu.memory_space<hbm>>) target(%dma_start3A_75 : memref<3200xi32, #tpu.memory_space<vmem>>) target_semaphore(%dma_start3A_72 : memref<!tpu.dma_semaphore, #tpu.memory_space<semaphore_mem>>)
    %dma_start3A_78 = arith.constant 0 : i32
    %dma_start3A_79 = arith.constant 0 : i32
    %dma_start3A_80 = arith.constant 0 : i32
    %dma_start3A_81 = tpu.memref_slice %arg9[%dma_start3A_78, %dma_start3A_80] : memref<2x3200xi32, #tpu.memory_space<vmem>> -> memref<1x3200xi32, #tpu.memory_space<vmem>>
    %dma_start3A_82 = tpu.memref_squeeze %dma_start3A_81 : memref<1x3200xi32, #tpu.memory_space<vmem>> -> memref<3200xi32, #tpu.memory_space<vmem>>
    %dma_start3A_83 = arith.constant 0 : i32
    %dma_start3A_84 = tpu.memref_slice %arg4[%dma_start3A_83] : memref<160000xi32, #tpu.memory_space<hbm>> -> memref<3200xi32, #tpu.memory_space<hbm>>
    %dma_start3A_85 = tpu.memref_slice %arg20[%dma_start3A_79] : memref<2x!tpu.dma_semaphore, #tpu.memory_space<semaphore_mem>> -> memref<1x!tpu.dma_semaphore, #tpu.memory_space<semaphore_mem>>
    %dma_start3A_86 = tpu.memref_squeeze %dma_start3A_85 : memref<1x!tpu.dma_semaphore, #tpu.memory_space<semaphore_mem>> -> memref<!tpu.dma_semaphore, #tpu.memory_space<semaphore_mem>>
    %dma_start3A_87 = arith.constant 0 : i32
    %dma_start3A_88 = tpu.memref_slice %arg9[%dma_start3A_78, %dma_start3A_87] : memref<2x3200xi32, #tpu.memory_space<vmem>> -> memref<1x3200xi32, #tpu.memory_space<vmem>>
    %dma_start3A_89 = tpu.memref_squeeze %dma_start3A_88 : memref<1x3200xi32, #tpu.memory_space<vmem>> -> memref<3200xi32, #tpu.memory_space<vmem>>
    %dma_start3A_90 = arith.constant 0 : i32
    %dma_start3A_91 = tpu.memref_slice %arg4[%dma_start3A_90] : memref<160000xi32, #tpu.memory_space<hbm>> -> memref<3200xi32, #tpu.memory_space<hbm>>
    tpu.enqueue_dma source(%dma_start3A_91 : memref<3200xi32, #tpu.memory_space<hbm>>) target(%dma_start3A_89 : memref<3200xi32, #tpu.memory_space<vmem>>) target_semaphore(%dma_start3A_86 : memref<!tpu.dma_semaphore, #tpu.memory_space<semaphore_mem>>)
    %dma_start3A_92 = arith.constant 0 : i32
    %dma_start3A_93 = arith.constant 0 : i32
    %dma_start3A_94 = arith.constant 0 : i32
    %dma_start3A_95 = tpu.memref_slice %arg10[%dma_start3A_92, %dma_start3A_94] : memref<2x3200xi32, #tpu.memory_space<vmem>> -> memref<1x3200xi32, #tpu.memory_space<vmem>>
    %dma_start3A_96 = tpu.memref_squeeze %dma_start3A_95 : memref<1x3200xi32, #tpu.memory_space<vmem>> -> memref<3200xi32, #tpu.memory_space<vmem>>
    %dma_start3A_97 = arith.constant 0 : i32
    %dma_start3A_98 = tpu.memref_slice %arg5[%dma_start3A_97] : memref<160000xi32, #tpu.memory_space<hbm>> -> memref<3200xi32, #tpu.memory_space<hbm>>
    %dma_start3A_99 = tpu.memref_slice %arg20[%dma_start3A_93] : memref<2x!tpu.dma_semaphore, #tpu.memory_space<semaphore_mem>> -> memref<1x!tpu.dma_semaphore, #tpu.memory_space<semaphore_mem>>
    %dma_start3A_100 = tpu.memref_squeeze %dma_start3A_99 : memref<1x!tpu.dma_semaphore, #tpu.memory_space<semaphore_mem>> -> memref<!tpu.dma_semaphore, #tpu.memory_space<semaphore_mem>>
    %dma_start3A_101 = arith.constant 0 : i32
    %dma_start3A_102 = tpu.memref_slice %arg10[%dma_start3A_92, %dma_start3A_101] : memref<2x3200xi32, #tpu.memory_space<vmem>> -> memref<1x3200xi32, #tpu.memory_space<vmem>>
    %dma_start3A_103 = tpu.memref_squeeze %dma_start3A_102 : memref<1x3200xi32, #tpu.memory_space<vmem>> -> memref<3200xi32, #tpu.memory_space<vmem>>
    %dma_start3A_104 = arith.constant 0 : i32
    %dma_start3A_105 = tpu.memref_slice %arg5[%dma_start3A_104] : memref<160000xi32, #tpu.memory_space<hbm>> -> memref<3200xi32, #tpu.memory_space<hbm>>
    tpu.enqueue_dma source(%dma_start3A_105 : memref<3200xi32, #tpu.memory_space<hbm>>) target(%dma_start3A_103 : memref<3200xi32, #tpu.memory_space<vmem>>) target_semaphore(%dma_start3A_100 : memref<!tpu.dma_semaphore, #tpu.memory_space<semaphore_mem>>)
    %dma_start3A_106 = arith.constant 0 : i32
    %dma_start3A_107 = arith.constant 0 : i32
    %dma_start3A_108 = arith.constant 0 : i32
    %dma_start3A_109 = tpu.memref_slice %arg11[%dma_start3A_106, %dma_start3A_108] : memref<2x3200xf32, #tpu.memory_space<vmem>> -> memref<1x3200xf32, #tpu.memory_space<vmem>>
    %dma_start3A_110 = tpu.memref_squeeze %dma_start3A_109 : memref<1x3200xf32, #tpu.memory_space<vmem>> -> memref<3200xf32, #tpu.memory_space<vmem>>
    %dma_start3A_111 = arith.constant 0 : i32
    %dma_start3A_112 = tpu.memref_slice %arg6[%dma_start3A_111] : memref<160000xf32, #tpu.memory_space<hbm>> -> memref<3200xf32, #tpu.memory_space<hbm>>
    %dma_start3A_113 = tpu.memref_slice %arg20[%dma_start3A_107] : memref<2x!tpu.dma_semaphore, #tpu.memory_space<semaphore_mem>> -> memref<1x!tpu.dma_semaphore, #tpu.memory_space<semaphore_mem>>
    %dma_start3A_114 = tpu.memref_squeeze %dma_start3A_113 : memref<1x!tpu.dma_semaphore, #tpu.memory_space<semaphore_mem>> -> memref<!tpu.dma_semaphore, #tpu.memory_space<semaphore_mem>>
    %dma_start3A_115 = arith.constant 0 : i32
    %dma_start3A_116 = tpu.memref_slice %arg11[%dma_start3A_106, %dma_start3A_115] : memref<2x3200xf32, #tpu.memory_space<vmem>> -> memref<1x3200xf32, #tpu.memory_space<vmem>>
    %dma_start3A_117 = tpu.memref_squeeze %dma_start3A_116 : memref<1x3200xf32, #tpu.memory_space<vmem>> -> memref<3200xf32, #tpu.memory_space<vmem>>
    %dma_start3A_118 = arith.constant 0 : i32
    %dma_start3A_119 = tpu.memref_slice %arg6[%dma_start3A_118] : memref<160000xf32, #tpu.memory_space<hbm>> -> memref<3200xf32, #tpu.memory_space<hbm>>
    tpu.enqueue_dma source(%dma_start3A_119 : memref<3200xf32, #tpu.memory_space<hbm>>) target(%dma_start3A_117 : memref<3200xf32, #tpu.memory_space<vmem>>) target_semaphore(%dma_start3A_114 : memref<!tpu.dma_semaphore, #tpu.memory_space<semaphore_mem>>)
    %scan3A_120 = arith.constant 0 : i32
    %scan3A_121 = arith.constant 0 : i32
    %scan3A_122 = arith.constant 0 : i32
    %scan3A_123 = arith.constant 0 : i32
    %scan3A_124 = arith.constant 50 : i32
    %scan3A_125 = arith.addi %scan3A_123, %scan3A_124 : i32
    %scan3A_126 = arith.constant 1 : i32
    %scan3A_127:3 = scf.for %scan3A_297 = %scan3A_123 to %scan3A_125 step %scan3A_126 iter_args(%scan3A_298 = %scan3A_120, %scan3A_299 = %scan3A_121, %scan3A_300 = %scan3A_122) -> (i32, i32, i32)  : i32 {
      %and3A = arith.constant 1 : i32
      %and3A_301 = arith.andi %scan3A_297, %and3A : i32
      %add3A_302 = arith.constant 1 : i32
      %add3A_303 = arith.addi %scan3A_297, %add3A_302 : i32
      %lt3A_304 = arith.constant 50 : i32
      %lt3A_305 = arith.cmpi slt, %add3A_303, %lt3A_304 : i32
      %convert_element_type3A_306 = arith.extui %lt3A_305 : i1 to i32
      %cond3A_307 = arith.constant 0 : i32
      %cond3A_308 = arith.cmpi ne, %convert_element_type3A_306, %cond3A_307 : i32
      scf.if %cond3A_308 {
        %add3A_357 = arith.constant 1 : i32
        %add3A_358 = arith.addi %scan3A_297, %add3A_357 : i32
        %sub3A_359 = arith.constant 1 : i32
        %sub3A_360 = arith.subi %sub3A_359, %and3A_301 : i32
        %mul3A_361 = arith.constant 3200 : i32
        %mul3A_362 = arith.muli %add3A_358, %mul3A_361 : i32
        %dma_start3A_363 = arith.constant 0 : i32
        %dma_start3A_364 = tpu.memref_slice %arg8[%sub3A_360, %dma_start3A_363] : memref<2x3200xi32, #tpu.memory_space<vmem>> -> memref<1x3200xi32, #tpu.memory_space<vmem>>
        %dma_start3A_365 = tpu.memref_squeeze %dma_start3A_364 : memref<1x3200xi32, #tpu.memory_space<vmem>> -> memref<3200xi32, #tpu.memory_space<vmem>>
        %dma_start3A_366 = tpu.memref_slice %arg3[%mul3A_362] : memref<160000xi32, #tpu.memory_space<hbm>> -> memref<3200xi32, #tpu.memory_space<hbm>>
        %dma_start3A_367 = tpu.memref_slice %arg20[%sub3A_360] : memref<2x!tpu.dma_semaphore, #tpu.memory_space<semaphore_mem>> -> memref<1x!tpu.dma_semaphore, #tpu.memory_space<semaphore_mem>>
        %dma_start3A_368 = tpu.memref_squeeze %dma_start3A_367 : memref<1x!tpu.dma_semaphore, #tpu.memory_space<semaphore_mem>> -> memref<!tpu.dma_semaphore, #tpu.memory_space<semaphore_mem>>
        %dma_start3A_369 = arith.constant 0 : i32
        %dma_start3A_370 = tpu.memref_slice %arg8[%sub3A_360, %dma_start3A_369] : memref<2x3200xi32, #tpu.memory_space<vmem>> -> memref<1x3200xi32, #tpu.memory_space<vmem>>
        %dma_start3A_371 = tpu.memref_squeeze %dma_start3A_370 : memref<1x3200xi32, #tpu.memory_space<vmem>> -> memref<3200xi32, #tpu.memory_space<vmem>>
        %dma_start3A_372 = tpu.memref_slice %arg3[%mul3A_362] : memref<160000xi32, #tpu.memory_space<hbm>> -> memref<3200xi32, #tpu.memory_space<hbm>>
        tpu.enqueue_dma source(%dma_start3A_372 : memref<3200xi32, #tpu.memory_space<hbm>>) target(%dma_start3A_371 : memref<3200xi32, #tpu.memory_space<vmem>>) target_semaphore(%dma_start3A_368 : memref<!tpu.dma_semaphore, #tpu.memory_space<semaphore_mem>>)
        %dma_start3A_373 = arith.constant 0 : i32
        %dma_start3A_374 = tpu.memref_slice %arg9[%sub3A_360, %dma_start3A_373] : memref<2x3200xi32, #tpu.memory_space<vmem>> -> memref<1x3200xi32, #tpu.memory_space<vmem>>
        %dma_start3A_375 = tpu.memref_squeeze %dma_start3A_374 : memref<1x3200xi32, #tpu.memory_space<vmem>> -> memref<3200xi32, #tpu.memory_space<vmem>>
        %dma_start3A_376 = tpu.memref_slice %arg4[%mul3A_362] : memref<160000xi32, #tpu.memory_space<hbm>> -> memref<3200xi32, #tpu.memory_space<hbm>>
        %dma_start3A_377 = tpu.memref_slice %arg20[%sub3A_360] : memref<2x!tpu.dma_semaphore, #tpu.memory_space<semaphore_mem>> -> memref<1x!tpu.dma_semaphore, #tpu.memory_space<semaphore_mem>>
        %dma_start3A_378 = tpu.memref_squeeze %dma_start3A_377 : memref<1x!tpu.dma_semaphore, #tpu.memory_space<semaphore_mem>> -> memref<!tpu.dma_semaphore, #tpu.memory_space<semaphore_mem>>
        %dma_start3A_379 = arith.constant 0 : i32
        %dma_start3A_380 = tpu.memref_slice %arg9[%sub3A_360, %dma_start3A_379] : memref<2x3200xi32, #tpu.memory_space<vmem>> -> memref<1x3200xi32, #tpu.memory_space<vmem>>
        %dma_start3A_381 = tpu.memref_squeeze %dma_start3A_380 : memref<1x3200xi32, #tpu.memory_space<vmem>> -> memref<3200xi32, #tpu.memory_space<vmem>>
        %dma_start3A_382 = tpu.memref_slice %arg4[%mul3A_362] : memref<160000xi32, #tpu.memory_space<hbm>> -> memref<3200xi32, #tpu.memory_space<hbm>>
        tpu.enqueue_dma source(%dma_start3A_382 : memref<3200xi32, #tpu.memory_space<hbm>>) target(%dma_start3A_381 : memref<3200xi32, #tpu.memory_space<vmem>>) target_semaphore(%dma_start3A_378 : memref<!tpu.dma_semaphore, #tpu.memory_space<semaphore_mem>>)
        %dma_start3A_383 = arith.constant 0 : i32
        %dma_start3A_384 = tpu.memref_slice %arg10[%sub3A_360, %dma_start3A_383] : memref<2x3200xi32, #tpu.memory_space<vmem>> -> memref<1x3200xi32, #tpu.memory_space<vmem>>
        %dma_start3A_385 = tpu.memref_squeeze %dma_start3A_384 : memref<1x3200xi32, #tpu.memory_space<vmem>> -> memref<3200xi32, #tpu.memory_space<vmem>>
        %dma_start3A_386 = tpu.memref_slice %arg5[%mul3A_362] : memref<160000xi32, #tpu.memory_space<hbm>> -> memref<3200xi32, #tpu.memory_space<hbm>>
        %dma_start3A_387 = tpu.memref_slice %arg20[%sub3A_360] : memref<2x!tpu.dma_semaphore, #tpu.memory_space<semaphore_mem>> -> memref<1x!tpu.dma_semaphore, #tpu.memory_space<semaphore_mem>>
        %dma_start3A_388 = tpu.memref_squeeze %dma_start3A_387 : memref<1x!tpu.dma_semaphore, #tpu.memory_space<semaphore_mem>> -> memref<!tpu.dma_semaphore, #tpu.memory_space<semaphore_mem>>
        %dma_start3A_389 = arith.constant 0 : i32
        %dma_start3A_390 = tpu.memref_slice %arg10[%sub3A_360, %dma_start3A_389] : memref<2x3200xi32, #tpu.memory_space<vmem>> -> memref<1x3200xi32, #tpu.memory_space<vmem>>
        %dma_start3A_391 = tpu.memref_squeeze %dma_start3A_390 : memref<1x3200xi32, #tpu.memory_space<vmem>> -> memref<3200xi32, #tpu.memory_space<vmem>>
        %dma_start3A_392 = tpu.memref_slice %arg5[%mul3A_362] : memref<160000xi32, #tpu.memory_space<hbm>> -> memref<3200xi32, #tpu.memory_space<hbm>>
        tpu.enqueue_dma source(%dma_start3A_392 : memref<3200xi32, #tpu.memory_space<hbm>>) target(%dma_start3A_391 : memref<3200xi32, #tpu.memory_space<vmem>>) target_semaphore(%dma_start3A_388 : memref<!tpu.dma_semaphore, #tpu.memory_space<semaphore_mem>>)
        %dma_start3A_393 = arith.constant 0 : i32
        %dma_start3A_394 = tpu.memref_slice %arg11[%sub3A_360, %dma_start3A_393] : memref<2x3200xf32, #tpu.memory_space<vmem>> -> memref<1x3200xf32, #tpu.memory_space<vmem>>
        %dma_start3A_395 = tpu.memref_squeeze %dma_start3A_394 : memref<1x3200xf32, #tpu.memory_space<vmem>> -> memref<3200xf32, #tpu.memory_space<vmem>>
        %dma_start3A_396 = tpu.memref_slice %arg6[%mul3A_362] : memref<160000xf32, #tpu.memory_space<hbm>> -> memref<3200xf32, #tpu.memory_space<hbm>>
        %dma_start3A_397 = tpu.memref_slice %arg20[%sub3A_360] : memref<2x!tpu.dma_semaphore, #tpu.memory_space<semaphore_mem>> -> memref<1x!tpu.dma_semaphore, #tpu.memory_space<semaphore_mem>>
        %dma_start3A_398 = tpu.memref_squeeze %dma_start3A_397 : memref<1x!tpu.dma_semaphore, #tpu.memory_space<semaphore_mem>> -> memref<!tpu.dma_semaphore, #tpu.memory_space<semaphore_mem>>
        %dma_start3A_399 = arith.constant 0 : i32
        %dma_start3A_400 = tpu.memref_slice %arg11[%sub3A_360, %dma_start3A_399] : memref<2x3200xf32, #tpu.memory_space<vmem>> -> memref<1x3200xf32, #tpu.memory_space<vmem>>
        %dma_start3A_401 = tpu.memref_squeeze %dma_start3A_400 : memref<1x3200xf32, #tpu.memory_space<vmem>> -> memref<3200xf32, #tpu.memory_space<vmem>>
        %dma_start3A_402 = tpu.memref_slice %arg6[%mul3A_362] : memref<160000xf32, #tpu.memory_space<hbm>> -> memref<3200xf32, #tpu.memory_space<hbm>>
        tpu.enqueue_dma source(%dma_start3A_402 : memref<3200xf32, #tpu.memory_space<hbm>>) target(%dma_start3A_401 : memref<3200xf32, #tpu.memory_space<vmem>>) target_semaphore(%dma_start3A_398 : memref<!tpu.dma_semaphore, #tpu.memory_space<semaphore_mem>>)
      } else {
      }
      %mul3A_309 = arith.constant 3200 : i32
      %mul3A_310 = arith.muli %scan3A_297, %mul3A_309 : i32
      %dma_wait3A_311 = arith.constant 0 : i32
      %dma_wait3A_312 = tpu.memref_slice %arg8[%and3A_301, %dma_wait3A_311] : memref<2x3200xi32, #tpu.memory_space<vmem>> -> memref<1x3200xi32, #tpu.memory_space<vmem>>
      %dma_wait3A_313 = tpu.memref_squeeze %dma_wait3A_312 : memref<1x3200xi32, #tpu.memory_space<vmem>> -> memref<3200xi32, #tpu.memory_space<vmem>>
      %dma_wait3A_314 = tpu.memref_slice %arg3[%mul3A_310] : memref<160000xi32, #tpu.memory_space<hbm>> -> memref<3200xi32, #tpu.memory_space<hbm>>
      %dma_wait3A_315 = tpu.memref_slice %arg20[%and3A_301] : memref<2x!tpu.dma_semaphore, #tpu.memory_space<semaphore_mem>> -> memref<1x!tpu.dma_semaphore, #tpu.memory_space<semaphore_mem>>
      %dma_wait3A_316 = tpu.memref_squeeze %dma_wait3A_315 : memref<1x!tpu.dma_semaphore, #tpu.memory_space<semaphore_mem>> -> memref<!tpu.dma_semaphore, #tpu.memory_space<semaphore_mem>>
      %dma_wait3A_317 = arith.constant 0 : i32
      %dma_wait3A_318 = tpu.memref_slice %arg8[%and3A_301, %dma_wait3A_317] : memref<2x3200xi32, #tpu.memory_space<vmem>> -> memref<1x3200xi32, #tpu.memory_space<vmem>>
      %dma_wait3A_319 = tpu.memref_squeeze %dma_wait3A_318 : memref<1x3200xi32, #tpu.memory_space<vmem>> -> memref<3200xi32, #tpu.memory_space<vmem>>
      %dma_wait3A_320 = tpu.memref_slice %arg3[%mul3A_310] : memref<160000xi32, #tpu.memory_space<hbm>> -> memref<3200xi32, #tpu.memory_space<hbm>>
      tpu.wait_dma2 semaphore(%dma_wait3A_316 : memref<!tpu.dma_semaphore, #tpu.memory_space<semaphore_mem>>) src(%dma_wait3A_320 : memref<3200xi32, #tpu.memory_space<hbm>>) dst(%dma_wait3A_319 : memref<3200xi32, #tpu.memory_space<vmem>>)
      %dma_wait3A_321 = arith.constant 0 : i32
      %dma_wait3A_322 = tpu.memref_slice %arg9[%and3A_301, %dma_wait3A_321] : memref<2x3200xi32, #tpu.memory_space<vmem>> -> memref<1x3200xi32, #tpu.memory_space<vmem>>
      %dma_wait3A_323 = tpu.memref_squeeze %dma_wait3A_322 : memref<1x3200xi32, #tpu.memory_space<vmem>> -> memref<3200xi32, #tpu.memory_space<vmem>>
      %dma_wait3A_324 = tpu.memref_slice %arg4[%mul3A_310] : memref<160000xi32, #tpu.memory_space<hbm>> -> memref<3200xi32, #tpu.memory_space<hbm>>
      %dma_wait3A_325 = tpu.memref_slice %arg20[%and3A_301] : memref<2x!tpu.dma_semaphore, #tpu.memory_space<semaphore_mem>> -> memref<1x!tpu.dma_semaphore, #tpu.memory_space<semaphore_mem>>
      %dma_wait3A_326 = tpu.memref_squeeze %dma_wait3A_325 : memref<1x!tpu.dma_semaphore, #tpu.memory_space<semaphore_mem>> -> memref<!tpu.dma_semaphore, #tpu.memory_space<semaphore_mem>>
      %dma_wait3A_327 = arith.constant 0 : i32
      %dma_wait3A_328 = tpu.memref_slice %arg9[%and3A_301, %dma_wait3A_327] : memref<2x3200xi32, #tpu.memory_space<vmem>> -> memref<1x3200xi32, #tpu.memory_space<vmem>>
      %dma_wait3A_329 = tpu.memref_squeeze %dma_wait3A_328 : memref<1x3200xi32, #tpu.memory_space<vmem>> -> memref<3200xi32, #tpu.memory_space<vmem>>
      %dma_wait3A_330 = tpu.memref_slice %arg4[%mul3A_310] : memref<160000xi32, #tpu.memory_space<hbm>> -> memref<3200xi32, #tpu.memory_space<hbm>>
      tpu.wait_dma2 semaphore(%dma_wait3A_326 : memref<!tpu.dma_semaphore, #tpu.memory_space<semaphore_mem>>) src(%dma_wait3A_330 : memref<3200xi32, #tpu.memory_space<hbm>>) dst(%dma_wait3A_329 : memref<3200xi32, #tpu.memory_space<vmem>>)
      %dma_wait3A_331 = arith.constant 0 : i32
      %dma_wait3A_332 = tpu.memref_slice %arg10[%and3A_301, %dma_wait3A_331] : memref<2x3200xi32, #tpu.memory_space<vmem>> -> memref<1x3200xi32, #tpu.memory_space<vmem>>
      %dma_wait3A_333 = tpu.memref_squeeze %dma_wait3A_332 : memref<1x3200xi32, #tpu.memory_space<vmem>> -> memref<3200xi32, #tpu.memory_space<vmem>>
      %dma_wait3A_334 = tpu.memref_slice %arg5[%mul3A_310] : memref<160000xi32, #tpu.memory_space<hbm>> -> memref<3200xi32, #tpu.memory_space<hbm>>
      %dma_wait3A_335 = tpu.memref_slice %arg20[%and3A_301] : memref<2x!tpu.dma_semaphore, #tpu.memory_space<semaphore_mem>> -> memref<1x!tpu.dma_semaphore, #tpu.memory_space<semaphore_mem>>
      %dma_wait3A_336 = tpu.memref_squeeze %dma_wait3A_335 : memref<1x!tpu.dma_semaphore, #tpu.memory_space<semaphore_mem>> -> memref<!tpu.dma_semaphore, #tpu.memory_space<semaphore_mem>>
      %dma_wait3A_337 = arith.constant 0 : i32
      %dma_wait3A_338 = tpu.memref_slice %arg10[%and3A_301, %dma_wait3A_337] : memref<2x3200xi32, #tpu.memory_space<vmem>> -> memref<1x3200xi32, #tpu.memory_space<vmem>>
      %dma_wait3A_339 = tpu.memref_squeeze %dma_wait3A_338 : memref<1x3200xi32, #tpu.memory_space<vmem>> -> memref<3200xi32, #tpu.memory_space<vmem>>
      %dma_wait3A_340 = tpu.memref_slice %arg5[%mul3A_310] : memref<160000xi32, #tpu.memory_space<hbm>> -> memref<3200xi32, #tpu.memory_space<hbm>>
      tpu.wait_dma2 semaphore(%dma_wait3A_336 : memref<!tpu.dma_semaphore, #tpu.memory_space<semaphore_mem>>) src(%dma_wait3A_340 : memref<3200xi32, #tpu.memory_space<hbm>>) dst(%dma_wait3A_339 : memref<3200xi32, #tpu.memory_space<vmem>>)
      %dma_wait3A_341 = arith.constant 0 : i32
      %dma_wait3A_342 = tpu.memref_slice %arg11[%and3A_301, %dma_wait3A_341] : memref<2x3200xf32, #tpu.memory_space<vmem>> -> memref<1x3200xf32, #tpu.memory_space<vmem>>
      %dma_wait3A_343 = tpu.memref_squeeze %dma_wait3A_342 : memref<1x3200xf32, #tpu.memory_space<vmem>> -> memref<3200xf32, #tpu.memory_space<vmem>>
      %dma_wait3A_344 = tpu.memref_slice %arg6[%mul3A_310] : memref<160000xf32, #tpu.memory_space<hbm>> -> memref<3200xf32, #tpu.memory_space<hbm>>
      %dma_wait3A_345 = tpu.memref_slice %arg20[%and3A_301] : memref<2x!tpu.dma_semaphore, #tpu.memory_space<semaphore_mem>> -> memref<1x!tpu.dma_semaphore, #tpu.memory_space<semaphore_mem>>
      %dma_wait3A_346 = tpu.memref_squeeze %dma_wait3A_345 : memref<1x!tpu.dma_semaphore, #tpu.memory_space<semaphore_mem>> -> memref<!tpu.dma_semaphore, #tpu.memory_space<semaphore_mem>>
      %dma_wait3A_347 = arith.constant 0 : i32
      %dma_wait3A_348 = tpu.memref_slice %arg11[%and3A_301, %dma_wait3A_347] : memref<2x3200xf32, #tpu.memory_space<vmem>> -> memref<1x3200xf32, #tpu.memory_space<vmem>>
      %dma_wait3A_349 = tpu.memref_squeeze %dma_wait3A_348 : memref<1x3200xf32, #tpu.memory_space<vmem>> -> memref<3200xf32, #tpu.memory_space<vmem>>
      %dma_wait3A_350 = tpu.memref_slice %arg6[%mul3A_310] : memref<160000xf32, #tpu.memory_space<hbm>> -> memref<3200xf32, #tpu.memory_space<hbm>>
      tpu.wait_dma2 semaphore(%dma_wait3A_346 : memref<!tpu.dma_semaphore, #tpu.memory_space<semaphore_mem>>) src(%dma_wait3A_350 : memref<3200xf32, #tpu.memory_space<hbm>>) dst(%dma_wait3A_349 : memref<3200xf32, #tpu.memory_space<vmem>>)
      %scan3A_351 = arith.constant 0 : i32
      %scan3A_352 = arith.constant 100 : i32
      %scan3A_353 = arith.addi %scan3A_351, %scan3A_352 : i32
      %scan3A_354 = arith.constant 1 : i32
      %scan3A_355:3 = scf.for %scan3A_357 = %scan3A_351 to %scan3A_353 step %scan3A_354 iter_args(%scan3A_358 = %scan3A_298, %scan3A_359 = %scan3A_299, %scan3A_360 = %scan3A_300) -> (i32, i32, i32)  : i32 {
        %mul3A_361 = arith.constant 32 : i32
        %mul3A_362 = arith.muli %scan3A_357, %mul3A_361 : i32
        %add3A_363 = arith.constant 0 : i32
        %add3A_364 = arith.addi %mul3A_362, %add3A_363 : i32
        %get3A_365 = arith.index_cast %and3A_301 : i32 to index
        %get3A_366 = arith.index_cast %add3A_364 : i32 to index
        %get3A_367 = tpu.vector_load %arg8[%get3A_365, %get3A_366] {strides = array<i32>} : memref<2x3200xi32, #tpu.memory_space<vmem>>, vector<16xi32>,
        %get3A_368 = arith.index_cast %and3A_301 : i32 to index
        %get3A_369 = arith.index_cast %add3A_364 : i32 to index
        %get3A_370 = tpu.vector_load %arg9[%get3A_368, %get3A_369] {strides = array<i32>} : memref<2x3200xi32, #tpu.memory_space<vmem>>, vector<16xi32>,
        %get3A_371 = arith.index_cast %and3A_301 : i32 to index
        %get3A_372 = arith.index_cast %add3A_364 : i32 to index
        %get3A_373 = tpu.vector_load %arg10[%get3A_371, %get3A_372] {strides = array<i32>} : memref<2x3200xi32, #tpu.memory_space<vmem>>, vector<16xi32>,
        %get3A_374 = arith.index_cast %and3A_301 : i32 to index
        %get3A_375 = arith.index_cast %add3A_364 : i32 to index
        %get3A_376 = tpu.vector_load %arg11[%get3A_374, %get3A_375] {strides = array<i32>} : memref<2x3200xf32, #tpu.memory_space<vmem>>, vector<16xf32>,
        %sub3A_377 = vector.broadcast %min3A_3 : i32 to vector<16xi32>
        %sub3A_378 = arith.subi %get3A_370, %sub3A_377 : vector<16xi32>
        %ge3A = arith.constant 0 : i32
        %ge3A_379 = vector.broadcast %ge3A : i32 to vector<16xi32>
        %ge3A_380 = arith.cmpi sge, %sub3A_378, %ge3A_379 : vector<16xi32>
        %lt3A_381 = arith.constant 320 : i32
        %lt3A_382 = vector.broadcast %lt3A_381 : i32 to vector<16xi32>
        %lt3A_383 = arith.cmpi slt, %sub3A_378, %lt3A_382 : vector<16xi32>
        %and3A_384 = arith.andi %ge3A_380, %lt3A_383 : vector<16xi1>
        %mul3A_385 = arith.constant 4 : i32
        %mul3A_386 = vector.broadcast %mul3A_385 : i32 to vector<16xi32>
        %mul3A_387 = arith.muli %sub3A_378, %mul3A_386 : vector<16xi32>
        %add3A_388 = arith.addi %mul3A_387, %get3A_373 : vector<16xi32>
        %jit3A_389 = arith.constant 1280 : i32
        %broadcast_in_dim3A_390 = vector.broadcast %jit3A_389 : i32 to vector<16xi32>
        %select_n3A_391 = arith.select %and3A_384, %add3A_388, %broadcast_in_dim3A_390 : vector<16xi1>, vector<16xi32>
        %gather3A = tpu.vector_load_idx %arg12[%select_n3A_391] : memref<1344xf32, #tpu.memory_space<vmem>>[vector<16xi32>], vector<16xf32>,
        %max3A_392 = arith.constant 1.000000e+00 : f32
        %max3A_393 = vector.broadcast %max3A_392 : f32 to vector<16xf32>
        %max3A_394 = arith.maximumf %gather3A, %max3A_393 : vector<16xf32>
        %div3A = arith.divf %get3A_376, %max3A_394 : vector<16xf32>
        %jit3A_395 = arith.constant 0.000000e+00 : f32
        %broadcast_in_dim3A_396 = vector.broadcast %jit3A_395 : f32 to vector<16xf32>
        %select_n3A_397 = arith.select %and3A_384, %div3A, %broadcast_in_dim3A_396 : vector<16xi1>, vector<16xf32>
        %mul3A_398 = arith.constant 10000 : i32
        %mul3A_399 = vector.broadcast %mul3A_398 : i32 to vector<16xi32>
        %mul3A_400 = arith.muli %get3A_373, %mul3A_399 : vector<16xi32>
        %add3A_401 = arith.addi %mul3A_400, %get3A_367 : vector<16xi32>
        %swap3A_402 = arith.index_cast %scan3A_358 : i32 to index
        %swap3A_403 = tpu.vector_load %arg14[%swap3A_402] masked %and3A_384 {strides = array<i32>} : memref<64xi32, #tpu.memory_space<vmem>>, vector<16xi32>, vector<16xi1>
        tpu.vector_store %arg14[%swap3A_402], %add3A_401 masked %and3A_384 {strides = array<i32>} : memref<64xi32, #tpu.memory_space<vmem>>, vector<16xi32>, vector<16xi1>
        %swap3A_404 = arith.index_cast %scan3A_358 : i32 to index
        %swap3A_405 = tpu.vector_load %arg15[%swap3A_404] masked %and3A_384 {strides = array<i32>} : memref<128xi32, #tpu.memory_space<vmem>>, vector<16xi32>, vector<16xi1>
        tpu.vector_store %arg15[%swap3A_404], %sub3A_378 masked %and3A_384 {strides = array<i32>} : memref<128xi32, #tpu.memory_space<vmem>>, vector<16xi32>, vector<16xi1>
        %swap3A_406 = arith.index_cast %scan3A_358 : i32 to index
        %swap3A_407 = tpu.vector_load %arg16[%swap3A_406] masked %and3A_384 {strides = array<i32>} : memref<128xf32, #tpu.memory_space<vmem>>, vector<16xf32>, vector<16xi1>
        tpu.vector_store %arg16[%swap3A_406], %select_n3A_397 masked %and3A_384 {strides = array<i32>} : memref<128xf32, #tpu.memory_space<vmem>>, vector<16xf32>, vector<16xi1>
        %all_reduce_population_count3A = tpu.all_reduce %and3A_384 {dim = 0 : i64, kind = #tpu.reduction_kind<sum>} : vector<16xi1> -> vector<16xi32>
        %slice3A = vector.extract_strided_slice %all_reduce_population_count3A {offsets = [0], sizes = [1], strides = [1]} : vector<16xi32> to vector<1xi32>
        %squeeze3A = vector.extract %slice3A[0] : i32 from vector<1xi32>
        %add3A_408 = arith.addi %scan3A_358, %squeeze3A : i32
        %ge3A_409 = arith.constant 32 : i32
        %ge3A_410 = arith.cmpi sge, %add3A_408, %ge3A_409 : i32
        %convert_element_type3A_411 = arith.extui %ge3A_410 : i1 to i32
        %cond3A_412 = arith.constant 0 : i32
        %cond3A_413 = arith.cmpi ne, %convert_element_type3A_411, %cond3A_412 : i32
        scf.if %cond3A_413 {
          %sub3A_489 = arith.constant 32 : i32
          %sub3A_490 = arith.subi %add3A_408, %sub3A_489 : i32
          %mul3A_491 = arith.constant 32 : i32
          %mul3A_492 = arith.muli %scan3A_360, %mul3A_491 : i32
          %multiple_of3A_493 = tpu.assume_multiple %mul3A_492, 32 : i32
          %add3A_494 = arith.constant 0 : i32
          %add3A_495 = arith.addi %sub3A_490, %add3A_494 : i32
          %get3A_496 = arith.index_cast %add3A_495 : i32 to index
          %get3A_497 = tpu.vector_load %arg14[%get3A_496] {strides = array<i32>} : memref<64xi32, #tpu.memory_space<vmem>>, vector<16xi32>,
          %add3A_498 = arith.constant 0 : i32
          %add3A_499 = arith.addi %multiple_of3A_493, %add3A_498 : i32
          %swap3A_500 = arith.index_cast %add3A_499 : i32 to index
          %swap3A_501 = tpu.vector_load %arg17[%swap3A_500] {strides = array<i32>} : memref<64xi32, #tpu.memory_space<vmem>>, vector<16xi32>,
          tpu.vector_store %arg17[%swap3A_500], %get3A_497 {strides = array<i32>} : memref<64xi32, #tpu.memory_space<vmem>>, vector<16xi32>,
          %add3A_502 = arith.constant 0 : i32
          %add3A_503 = arith.addi %sub3A_490, %add3A_502 : i32
          %get3A_504 = arith.index_cast %add3A_503 : i32 to index
          %get3A_505 = tpu.vector_load %arg15[%get3A_504] {strides = array<i32>} : memref<128xi32, #tpu.memory_space<vmem>>, vector<16xi32>,
          %add3A_506 = arith.constant 64 : i32
          %add3A_507 = arith.addi %add3A_506, %multiple_of3A_493 : i32
          %add3A_508 = arith.constant 0 : i32
          %add3A_509 = arith.addi %add3A_507, %add3A_508 : i32
          %swap3A_510 = arith.index_cast %add3A_509 : i32 to index
          %swap3A_511 = tpu.vector_load %arg15[%swap3A_510] {strides = array<i32>} : memref<128xi32, #tpu.memory_space<vmem>>, vector<16xi32>,
          tpu.vector_store %arg15[%swap3A_510], %get3A_505 {strides = array<i32>} : memref<128xi32, #tpu.memory_space<vmem>>, vector<16xi32>,
          %add3A_512 = arith.constant 0 : i32
          %add3A_513 = arith.addi %sub3A_490, %add3A_512 : i32
          %get3A_514 = arith.index_cast %add3A_513 : i32 to index
          %get3A_515 = tpu.vector_load %arg16[%get3A_514] {strides = array<i32>} : memref<128xf32, #tpu.memory_space<vmem>>, vector<16xf32>,
          %add3A_516 = arith.constant 64 : i32
          %add3A_517 = arith.addi %add3A_516, %multiple_of3A_493 : i32
          %add3A_518 = arith.constant 0 : i32
          %add3A_519 = arith.addi %add3A_517, %add3A_518 : i32
          %swap3A_520 = arith.index_cast %add3A_519 : i32 to index
          %swap3A_521 = tpu.vector_load %arg16[%swap3A_520] {strides = array<i32>} : memref<128xf32, #tpu.memory_space<vmem>>, vector<16xf32>,
          tpu.vector_store %arg16[%swap3A_520], %get3A_515 {strides = array<i32>} : memref<128xf32, #tpu.memory_space<vmem>>, vector<16xf32>,
          %add3A_522 = arith.constant 16 : i32
          %add3A_523 = arith.addi %sub3A_490, %add3A_522 : i32
          %get3A_524 = arith.index_cast %add3A_523 : i32 to index
          %get3A_525 = tpu.vector_load %arg14[%get3A_524] {strides = array<i32>} : memref<64xi32, #tpu.memory_space<vmem>>, vector<16xi32>,
          %add3A_526 = arith.constant 16 : i32
          %add3A_527 = arith.addi %multiple_of3A_493, %add3A_526 : i32
          %swap3A_528 = arith.index_cast %add3A_527 : i32 to index
          %swap3A_529 = tpu.vector_load %arg17[%swap3A_528] {strides = array<i32>} : memref<64xi32, #tpu.memory_space<vmem>>, vector<16xi32>,
          tpu.vector_store %arg17[%swap3A_528], %get3A_525 {strides = array<i32>} : memref<64xi32, #tpu.memory_space<vmem>>, vector<16xi32>,
          %add3A_530 = arith.constant 16 : i32
          %add3A_531 = arith.addi %sub3A_490, %add3A_530 : i32
          %get3A_532 = arith.index_cast %add3A_531 : i32 to index
          %get3A_533 = tpu.vector_load %arg15[%get3A_532] {strides = array<i32>} : memref<128xi32, #tpu.memory_space<vmem>>, vector<16xi32>,
          %add3A_534 = arith.constant 64 : i32
          %add3A_535 = arith.addi %add3A_534, %multiple_of3A_493 : i32
          %add3A_536 = arith.constant 16 : i32
          %add3A_537 = arith.addi %add3A_535, %add3A_536 : i32
          %swap3A_538 = arith.index_cast %add3A_537 : i32 to index
          %swap3A_539 = tpu.vector_load %arg15[%swap3A_538] {strides = array<i32>} : memref<128xi32, #tpu.memory_space<vmem>>, vector<16xi32>,
          tpu.vector_store %arg15[%swap3A_538], %get3A_533 {strides = array<i32>} : memref<128xi32, #tpu.memory_space<vmem>>, vector<16xi32>,
          %add3A_540 = arith.constant 16 : i32
          %add3A_541 = arith.addi %sub3A_490, %add3A_540 : i32
          %get3A_542 = arith.index_cast %add3A_541 : i32 to index
          %get3A_543 = tpu.vector_load %arg16[%get3A_542] {strides = array<i32>} : memref<128xf32, #tpu.memory_space<vmem>>, vector<16xf32>,
          %add3A_544 = arith.constant 64 : i32
          %add3A_545 = arith.addi %add3A_544, %multiple_of3A_493 : i32
          %add3A_546 = arith.constant 16 : i32
          %add3A_547 = arith.addi %add3A_545, %add3A_546 : i32
          %swap3A_548 = arith.index_cast %add3A_547 : i32 to index
          %swap3A_549 = tpu.vector_load %arg16[%swap3A_548] {strides = array<i32>} : memref<128xf32, #tpu.memory_space<vmem>>, vector<16xf32>,
          tpu.vector_store %arg16[%swap3A_548], %get3A_543 {strides = array<i32>} : memref<128xf32, #tpu.memory_space<vmem>>, vector<16xf32>,
          %add3A_550 = arith.constant 0 : i32
          %add3A_551 = arith.addi %multiple_of3A_493, %add3A_550 : i32
          %add3A_552 = arith.constant 0 : i32
          %add3A_553 = arith.addi %multiple_of3A_493, %add3A_552 : i32
          %dma_start3A_554 = arith.constant 0 : i32
          %dma_start3A_555 = tpu.memref_slice %arg13[%add3A_553, %dma_start3A_554] : memref<64x256xf32, #tpu.memory_space<vmem>> -> memref<16x256xf32, #tpu.memory_space<vmem>>
          %dma_start3A_556 = tpu.memref_slice %arg17[%add3A_551] : memref<64xi32, #tpu.memory_space<vmem>> -> memref<16xi32, #tpu.memory_space<vmem>>
          %dma_start3A_557 = arith.constant 0 : i32
          %dma_start3A_558 = arith.constant 0 : i32
          %dma_start3A_559 = tpu.memref_slice %arg2[%dma_start3A_557, %dma_start3A_558] : memref<50000x256xf32, #tpu.memory_space<hbm>> -> memref<50000x256xf32, #tpu.memory_space<hbm>>
          %dma_start3A_560 = tpu.memref_slice %arg21[%scan3A_360] : memref<2x!tpu.dma_semaphore, #tpu.memory_space<semaphore_mem>> -> memref<1x!tpu.dma_semaphore, #tpu.memory_space<semaphore_mem>>
          %dma_start3A_561 = tpu.memref_squeeze %dma_start3A_560 : memref<1x!tpu.dma_semaphore, #tpu.memory_space<semaphore_mem>> -> memref<!tpu.dma_semaphore, #tpu.memory_space<semaphore_mem>>
          tpu.enqueue_indirect_dma source(%dma_start3A_559 : memref<50000x256xf32, #tpu.memory_space<hbm>>) target(%dma_start3A_555 : memref<16x256xf32, #tpu.memory_space<vmem>>) offsets(%dma_start3A_556 : memref<16xi32, #tpu.memory_space<vmem>>) semaphore(%dma_start3A_561 : memref<!tpu.dma_semaphore, #tpu.memory_space<semaphore_mem>>)
          %add3A_562 = arith.constant 16 : i32
          %add3A_563 = arith.addi %multiple_of3A_493, %add3A_562 : i32
          %add3A_564 = arith.constant 16 : i32
          %add3A_565 = arith.addi %multiple_of3A_493, %add3A_564 : i32
          %dma_start3A_566 = arith.constant 0 : i32
          %dma_start3A_567 = tpu.memref_slice %arg13[%add3A_565, %dma_start3A_566] : memref<64x256xf32, #tpu.memory_space<vmem>> -> memref<16x256xf32, #tpu.memory_space<vmem>>
          %dma_start3A_568 = tpu.memref_slice %arg17[%add3A_563] : memref<64xi32, #tpu.memory_space<vmem>> -> memref<16xi32, #tpu.memory_space<vmem>>
          %dma_start3A_569 = arith.constant 0 : i32
          %dma_start3A_570 = arith.constant 0 : i32
          %dma_start3A_571 = tpu.memref_slice %arg2[%dma_start3A_569, %dma_start3A_570] : memref<50000x256xf32, #tpu.memory_space<hbm>> -> memref<50000x256xf32, #tpu.memory_space<hbm>>
          %dma_start3A_572 = tpu.memref_slice %arg21[%scan3A_360] : memref<2x!tpu.dma_semaphore, #tpu.memory_space<semaphore_mem>> -> memref<1x!tpu.dma_semaphore, #tpu.memory_space<semaphore_mem>>
          %dma_start3A_573 = tpu.memref_squeeze %dma_start3A_572 : memref<1x!tpu.dma_semaphore, #tpu.memory_space<semaphore_mem>> -> memref<!tpu.dma_semaphore, #tpu.memory_space<semaphore_mem>>
          tpu.enqueue_indirect_dma source(%dma_start3A_571 : memref<50000x256xf32, #tpu.memory_space<hbm>>) target(%dma_start3A_567 : memref<16x256xf32, #tpu.memory_space<vmem>>) offsets(%dma_start3A_568 : memref<16xi32, #tpu.memory_space<vmem>>) semaphore(%dma_start3A_573 : memref<!tpu.dma_semaphore, #tpu.memory_space<semaphore_mem>>)
          %eq3A_574 = arith.constant 1 : i32
          %eq3A_575 = arith.cmpi eq, %scan3A_359, %eq3A_574 : i32
          %convert_element_type3A_576 = arith.extui %eq3A_575 : i1 to i32
          %cond3A_577 = arith.constant 0 : i32
          %cond3A_578 = arith.cmpi ne, %convert_element_type3A_576, %cond3A_577 : i32
          scf.if %cond3A_578 {
            %sub3A_579 = arith.constant 1 : i32
            %sub3A_580 = arith.subi %sub3A_579, %scan3A_360 : i32
            %mul3A_581 = arith.constant 32 : i32
            %mul3A_582 = arith.muli %sub3A_580, %mul3A_581 : i32
            %multiple_of3A_583 = tpu.assume_multiple %mul3A_582, 32 : i32
            %add3A_584 = arith.constant 0 : i32
            %add3A_585 = arith.addi %multiple_of3A_583, %add3A_584 : i32
            %add3A_586 = arith.constant 0 : i32
            %add3A_587 = arith.addi %multiple_of3A_583, %add3A_586 : i32
            %dma_wait3A_588 = arith.constant 0 : i32
            %dma_wait3A_589 = tpu.memref_slice %arg13[%add3A_587, %dma_wait3A_588] : memref<64x256xf32, #tpu.memory_space<vmem>> -> memref<16x256xf32, #tpu.memory_space<vmem>>
            %dma_wait3A_590 = tpu.memref_slice %arg17[%add3A_585] : memref<64xi32, #tpu.memory_space<vmem>> -> memref<16xi32, #tpu.memory_space<vmem>>
            %dma_wait3A_591 = arith.constant 0 : i32
            %dma_wait3A_592 = arith.constant 0 : i32
            %dma_wait3A_593 = tpu.memref_slice %arg2[%dma_wait3A_591, %dma_wait3A_592] : memref<50000x256xf32, #tpu.memory_space<hbm>> -> memref<50000x256xf32, #tpu.memory_space<hbm>>
            %dma_wait3A_594 = tpu.memref_slice %arg21[%sub3A_580] : memref<2x!tpu.dma_semaphore, #tpu.memory_space<semaphore_mem>> -> memref<1x!tpu.dma_semaphore, #tpu.memory_space<semaphore_mem>>
            %dma_wait3A_595 = tpu.memref_squeeze %dma_wait3A_594 : memref<1x!tpu.dma_semaphore, #tpu.memory_space<semaphore_mem>> -> memref<!tpu.dma_semaphore, #tpu.memory_space<semaphore_mem>>
            tpu.wait_indirect_dma semaphore(%dma_wait3A_595 : memref<!tpu.dma_semaphore, #tpu.memory_space<semaphore_mem>>) src(%dma_wait3A_593 : memref<50000x256xf32, #tpu.memory_space<hbm>>) dst(%dma_wait3A_589 : memref<16x256xf32, #tpu.memory_space<vmem>>)
            %add3A_596 = arith.constant 16 : i32
            %add3A_597 = arith.addi %multiple_of3A_583, %add3A_596 : i32
            %add3A_598 = arith.constant 16 : i32
            %add3A_599 = arith.addi %multiple_of3A_583, %add3A_598 : i32
            %dma_wait3A_600 = arith.constant 0 : i32
            %dma_wait3A_601 = tpu.memref_slice %arg13[%add3A_599, %dma_wait3A_600] : memref<64x256xf32, #tpu.memory_space<vmem>> -> memref<16x256xf32, #tpu.memory_space<vmem>>
            %dma_wait3A_602 = tpu.memref_slice %arg17[%add3A_597] : memref<64xi32, #tpu.memory_space<vmem>> -> memref<16xi32, #tpu.memory_space<vmem>>
            %dma_wait3A_603 = arith.constant 0 : i32
            %dma_wait3A_604 = arith.constant 0 : i32
            %dma_wait3A_605 = tpu.memref_slice %arg2[%dma_wait3A_603, %dma_wait3A_604] : memref<50000x256xf32, #tpu.memory_space<hbm>> -> memref<50000x256xf32, #tpu.memory_space<hbm>>
            %dma_wait3A_606 = tpu.memref_slice %arg21[%sub3A_580] : memref<2x!tpu.dma_semaphore, #tpu.memory_space<semaphore_mem>> -> memref<1x!tpu.dma_semaphore, #tpu.memory_space<semaphore_mem>>
            %dma_wait3A_607 = tpu.memref_squeeze %dma_wait3A_606 : memref<1x!tpu.dma_semaphore, #tpu.memory_space<semaphore_mem>> -> memref<!tpu.dma_semaphore, #tpu.memory_space<semaphore_mem>>
            tpu.wait_indirect_dma semaphore(%dma_wait3A_607 : memref<!tpu.dma_semaphore, #tpu.memory_space<semaphore_mem>>) src(%dma_wait3A_605 : memref<50000x256xf32, #tpu.memory_space<hbm>>) dst(%dma_wait3A_601 : memref<16x256xf32, #tpu.memory_space<vmem>>)
            %add3A_608 = arith.constant 64 : i32
            %add3A_609 = arith.addi %add3A_608, %multiple_of3A_583 : i32
            %add3A_610 = arith.constant 0 : i32
            %add3A_611 = arith.addi %add3A_609, %add3A_610 : i32
            %get3A_612 = arith.index_cast %add3A_611 : i32 to index
            %get3A_613 = tpu.vector_load %arg15[%get3A_612] {strides = array<i32>} : memref<128xi32, #tpu.memory_space<vmem>>, vector<16xi32>,
            %add3A_614 = arith.constant 64 : i32
            %add3A_615 = arith.addi %add3A_614, %multiple_of3A_583 : i32
            %add3A_616 = arith.constant 16 : i32
            %add3A_617 = arith.addi %add3A_615, %add3A_616 : i32
            %get3A_618 = arith.index_cast %add3A_617 : i32 to index
            %get3A_619 = tpu.vector_load %arg15[%get3A_618] {strides = array<i32>} : memref<128xi32, #tpu.memory_space<vmem>>, vector<16xi32>,
            %add3A_620 = arith.constant 64 : i32
            %add3A_621 = arith.addi %add3A_620, %multiple_of3A_583 : i32
            %add3A_622 = arith.constant 0 : i32
            %add3A_623 = arith.addi %add3A_621, %add3A_622 : i32
            %get3A_624 = arith.index_cast %add3A_623 : i32 to index
            %get3A_625 = tpu.vector_load %arg16[%get3A_624] {strides = array<i32>} : memref<128xf32, #tpu.memory_space<vmem>>, vector<16xf32>,
            %add3A_626 = arith.constant 64 : i32
            %add3A_627 = arith.addi %add3A_626, %multiple_of3A_583 : i32
            %add3A_628 = arith.constant 16 : i32
            %add3A_629 = arith.addi %add3A_627, %add3A_628 : i32
            %get3A_630 = arith.index_cast %add3A_629 : i32 to index
            %get3A_631 = tpu.vector_load %arg16[%get3A_630] {strides = array<i32>} : memref<128xf32, #tpu.memory_space<vmem>>, vector<16xf32>,
            %parallel_loop3A_632 = arith.constant 0 : i32
            %parallel_loop3A_633 = arith.constant 32 : i32
            %parallel_loop3A_634 = arith.constant 1 : i32
            scf.for %parallel_loop3A_635 = %parallel_loop3A_632 to %parallel_loop3A_633 step %parallel_loop3A_634  : i32 {
              %parallel_loop3A_636 = arith.constant 15 : i32
              %parallel_loop3A_637 = arith.andi %parallel_loop3A_635, %parallel_loop3A_636 : i32
              %parallel_loop3A_638 = vector.broadcast %parallel_loop3A_637 : i32 to vector<16xi32>
              %parallel_loop3A_639 = arith.cmpi eq, %iota3A, %parallel_loop3A_638 : vector<16xi32>
              %parallel_loop3A_640 = arith.constant 16 : i32
              %parallel_loop3A_641 = arith.cmpi slt, %parallel_loop3A_635, %parallel_loop3A_640 : i32
              %parallel_loop3A_642 = arith.select %parallel_loop3A_641, %get3A_613, %get3A_619 : vector<16xi32>
              %parallel_loop3A_643 = arith.constant 16 : i32
              %parallel_loop3A_644 = arith.cmpi slt, %parallel_loop3A_635, %parallel_loop3A_643 : i32
              %parallel_loop3A_645 = arith.select %parallel_loop3A_644, %get3A_625, %get3A_631 : vector<16xf32>
              %parallel_loop3A_646 = arith.constant 0 : i32
              %parallel_loop3A_647 = vector.broadcast %parallel_loop3A_646 : i32 to vector<16xi32>
              %parallel_loop3A_648 = arith.select %parallel_loop3A_639, %parallel_loop3A_642, %parallel_loop3A_647 : vector<16xi1>, vector<16xi32>
              %parallel_loop3A_649 = arith.constant true
              %parallel_loop3A_650 = vector.broadcast %parallel_loop3A_649 : i1 to vector<16xi1>
              %parallel_loop3A_651 = tpu.scan <sum>, %parallel_loop3A_648 masked %parallel_loop3A_650 : vector<16xi32>, vector<16xi1> -> vector<16xi32>
              %parallel_loop3A_652 = vector.extract %parallel_loop3A_651[15] : i32 from vector<16xi32>
              %parallel_loop3A_653 = arith.constant 0.000000e+00 : f32
              %parallel_loop3A_654 = vector.broadcast %parallel_loop3A_653 : f32 to vector<16xf32>
              %parallel_loop3A_655 = arith.select %parallel_loop3A_639, %parallel_loop3A_645, %parallel_loop3A_654 : vector<16xi1>, vector<16xf32>
              %parallel_loop3A_656 = arith.constant true
              %parallel_loop3A_657 = vector.broadcast %parallel_loop3A_656 : i1 to vector<16xi1>
              %parallel_loop3A_658 = tpu.scan <sum>, %parallel_loop3A_655 masked %parallel_loop3A_657 : vector<16xf32>, vector<16xi1> -> vector<16xf32>
              %parallel_loop3A_659 = vector.extract %parallel_loop3A_658[15] : f32 from vector<16xf32>
              %parallel_loop3A_660 = arith.addi %multiple_of3A_583, %parallel_loop3A_635 : i32
              %parallel_loop3A_661 = arith.index_cast %parallel_loop3A_660 : i32 to index
              %parallel_loop3A_662 = arith.constant 0 : index
              %parallel_loop3A_663 = tpu.vector_load %arg13[%parallel_loop3A_661, %parallel_loop3A_662] {strides = array<i32>} : memref<64x256xf32, #tpu.memory_space<vmem>>, vector<16xf32>,
              %parallel_loop3A_664 = vector.broadcast %parallel_loop3A_659 : f32 to vector<16xf32>
              %parallel_loop3A_665 = arith.mulf %parallel_loop3A_663, %parallel_loop3A_664 : vector<16xf32>
              %parallel_loop3A_666 = arith.index_cast %parallel_loop3A_652 : i32 to index
              %parallel_loop3A_667 = arith.constant 0 : index
              %parallel_loop3A_668 = tpu.vector_load %arg18[%parallel_loop3A_666, %parallel_loop3A_667] {strides = array<i32>} : memref<328x256xf32, #tpu.memory_space<vmem>>, vector<16xf32>,
              tpu.vector_store %arg18[%parallel_loop3A_666, %parallel_loop3A_667], %parallel_loop3A_665 {add = true, strides = array<i32>} : memref<328x256xf32, #tpu.memory_space<vmem>>, vector<16xf32>,
              %parallel_loop3A_669 = arith.addi %multiple_of3A_583, %parallel_loop3A_635 : i32
              %parallel_loop3A_670 = arith.index_cast %parallel_loop3A_669 : i32 to index
              %parallel_loop3A_671 = arith.constant 16 : index
              %parallel_loop3A_672 = tpu.vector_load %arg13[%parallel_loop3A_670, %parallel_loop3A_671] {strides = array<i32>} : memref<64x256xf32, #tpu.memory_space<vmem>>, vector<16xf32>,
              %parallel_loop3A_673 = vector.broadcast %parallel_loop3A_659 : f32 to vector<16xf32>
              %parallel_loop3A_674 = arith.mulf %parallel_loop3A_672, %parallel_loop3A_673 : vector<16xf32>
              %parallel_loop3A_675 = arith.index_cast %parallel_loop3A_652 : i32 to index
              %parallel_loop3A_676 = arith.constant 16 : index
              %parallel_loop3A_677 = tpu.vector_load %arg18[%parallel_loop3A_675, %parallel_loop3A_676] {strides = array<i32>} : memref<328x256xf32, #tpu.memory_space<vmem>>, vector<16xf32>,
              tpu.vector_store %arg18[%parallel_loop3A_675, %parallel_loop3A_676], %parallel_loop3A_674 {add = true, strides = array<i32>} : memref<328x256xf32, #tpu.memory_space<vmem>>, vector<16xf32>,
              %parallel_loop3A_678 = arith.addi %multiple_of3A_583, %parallel_loop3A_635 : i32
              %parallel_loop3A_679 = arith.index_cast %parallel_loop3A_678 : i32 to index
              %parallel_loop3A_680 = arith.constant 32 : index
              %parallel_loop3A_681 = tpu.vector_load %arg13[%parallel_loop3A_679, %parallel_loop3A_680] {strides = array<i32>} : memref<64x256xf32, #tpu.memory_space<vmem>>, vector<16xf32>,
              %parallel_loop3A_682 = vector.broadcast %parallel_loop3A_659 : f32 to vector<16xf32>
              %parallel_loop3A_683 = arith.mulf %parallel_loop3A_681, %parallel_loop3A_682 : vector<16xf32>
              %parallel_loop3A_684 = arith.index_cast %parallel_loop3A_652 : i32 to index
              %parallel_loop3A_685 = arith.constant 32 : index
              %parallel_loop3A_686 = tpu.vector_load %arg18[%parallel_loop3A_684, %parallel_loop3A_685] {strides = array<i32>} : memref<328x256xf32, #tpu.memory_space<vmem>>, vector<16xf32>,
              tpu.vector_store %arg18[%parallel_loop3A_684, %parallel_loop3A_685], %parallel_loop3A_683 {add = true, strides = array<i32>} : memref<328x256xf32, #tpu.memory_space<vmem>>, vector<16xf32>,
              %parallel_loop3A_687 = arith.addi %multiple_of3A_583, %parallel_loop3A_635 : i32
              %parallel_loop3A_688 = arith.index_cast %parallel_loop3A_687 : i32 to index
              %parallel_loop3A_689 = arith.constant 48 : index
              %parallel_loop3A_690 = tpu.vector_load %arg13[%parallel_loop3A_688, %parallel_loop3A_689] {strides = array<i32>} : memref<64x256xf32, #tpu.memory_space<vmem>>, vector<16xf32>,
              %parallel_loop3A_691 = vector.broadcast %parallel_loop3A_659 : f32 to vector<16xf32>
              %parallel_loop3A_692 = arith.mulf %parallel_loop3A_690, %parallel_loop3A_691 : vector<16xf32>
              %parallel_loop3A_693 = arith.index_cast %parallel_loop3A_652 : i32 to index
              %parallel_loop3A_694 = arith.constant 48 : index
              %parallel_loop3A_695 = tpu.vector_load %arg18[%parallel_loop3A_693, %parallel_loop3A_694] {strides = array<i32>} : memref<328x256xf32, #tpu.memory_space<vmem>>, vector<16xf32>,
              tpu.vector_store %arg18[%parallel_loop3A_693, %parallel_loop3A_694], %parallel_loop3A_692 {add = true, strides = array<i32>} : memref<328x256xf32, #tpu.memory_space<vmem>>, vector<16xf32>,
              %parallel_loop3A_696 = arith.addi %multiple_of3A_583, %parallel_loop3A_635 : i32
              %parallel_loop3A_697 = arith.index_cast %parallel_loop3A_696 : i32 to index
              %parallel_loop3A_698 = arith.constant 64 : index
              %parallel_loop3A_699 = tpu.vector_load %arg13[%parallel_loop3A_697, %parallel_loop3A_698] {strides = array<i32>} : memref<64x256xf32, #tpu.memory_space<vmem>>, vector<16xf32>,
              %parallel_loop3A_700 = vector.broadcast %parallel_loop3A_659 : f32 to vector<16xf32>
              %parallel_loop3A_701 = arith.mulf %parallel_loop3A_699, %parallel_loop3A_700 : vector<16xf32>
              %parallel_loop3A_702 = arith.index_cast %parallel_loop3A_652 : i32 to index
              %parallel_loop3A_703 = arith.constant 64 : index
              %parallel_loop3A_704 = tpu.vector_load %arg18[%parallel_loop3A_702, %parallel_loop3A_703] {strides = array<i32>} : memref<328x256xf32, #tpu.memory_space<vmem>>, vector<16xf32>,
              tpu.vector_store %arg18[%parallel_loop3A_702, %parallel_loop3A_703], %parallel_loop3A_701 {add = true, strides = array<i32>} : memref<328x256xf32, #tpu.memory_space<vmem>>, vector<16xf32>,
              %parallel_loop3A_705 = arith.addi %multiple_of3A_583, %parallel_loop3A_635 : i32
              %parallel_loop3A_706 = arith.index_cast %parallel_loop3A_705 : i32 to index
              %parallel_loop3A_707 = arith.constant 80 : index
              %parallel_loop3A_708 = tpu.vector_load %arg13[%parallel_loop3A_706, %parallel_loop3A_707] {strides = array<i32>} : memref<64x256xf32, #tpu.memory_space<vmem>>, vector<16xf32>,
              %parallel_loop3A_709 = vector.broadcast %parallel_loop3A_659 : f32 to vector<16xf32>
              %parallel_loop3A_710 = arith.mulf %parallel_loop3A_708, %parallel_loop3A_709 : vector<16xf32>
              %parallel_loop3A_711 = arith.index_cast %parallel_loop3A_652 : i32 to index
              %parallel_loop3A_712 = arith.constant 80 : index
              %parallel_loop3A_713 = tpu.vector_load %arg18[%parallel_loop3A_711, %parallel_loop3A_712] {strides = array<i32>} : memref<328x256xf32, #tpu.memory_space<vmem>>, vector<16xf32>,
              tpu.vector_store %arg18[%parallel_loop3A_711, %parallel_loop3A_712], %parallel_loop3A_710 {add = true, strides = array<i32>} : memref<328x256xf32, #tpu.memory_space<vmem>>, vector<16xf32>,
              %parallel_loop3A_714 = arith.addi %multiple_of3A_583, %parallel_loop3A_635 : i32
              %parallel_loop3A_715 = arith.index_cast %parallel_loop3A_714 : i32 to index
              %parallel_loop3A_716 = arith.constant 96 : index
              %parallel_loop3A_717 = tpu.vector_load %arg13[%parallel_loop3A_715, %parallel_loop3A_716] {strides = array<i32>} : memref<64x256xf32, #tpu.memory_space<vmem>>, vector<16xf32>,
              %parallel_loop3A_718 = vector.broadcast %parallel_loop3A_659 : f32 to vector<16xf32>
              %parallel_loop3A_719 = arith.mulf %parallel_loop3A_717, %parallel_loop3A_718 : vector<16xf32>
              %parallel_loop3A_720 = arith.index_cast %parallel_loop3A_652 : i32 to index
              %parallel_loop3A_721 = arith.constant 96 : index
              %parallel_loop3A_722 = tpu.vector_load %arg18[%parallel_loop3A_720, %parallel_loop3A_721] {strides = array<i32>} : memref<328x256xf32, #tpu.memory_space<vmem>>, vector<16xf32>,
              tpu.vector_store %arg18[%parallel_loop3A_720, %parallel_loop3A_721], %parallel_loop3A_719 {add = true, strides = array<i32>} : memref<328x256xf32, #tpu.memory_space<vmem>>, vector<16xf32>,
              %parallel_loop3A_723 = arith.addi %multiple_of3A_583, %parallel_loop3A_635 : i32
              %parallel_loop3A_724 = arith.index_cast %parallel_loop3A_723 : i32 to index
              %parallel_loop3A_725 = arith.constant 112 : index
              %parallel_loop3A_726 = tpu.vector_load %arg13[%parallel_loop3A_724, %parallel_loop3A_725] {strides = array<i32>} : memref<64x256xf32, #tpu.memory_space<vmem>>, vector<16xf32>,
              %parallel_loop3A_727 = vector.broadcast %parallel_loop3A_659 : f32 to vector<16xf32>
              %parallel_loop3A_728 = arith.mulf %parallel_loop3A_726, %parallel_loop3A_727 : vector<16xf32>
              %parallel_loop3A_729 = arith.index_cast %parallel_loop3A_652 : i32 to index
              %parallel_loop3A_730 = arith.constant 112 : index
              %parallel_loop3A_731 = tpu.vector_load %arg18[%parallel_loop3A_729, %parallel_loop3A_730] {strides = array<i32>} : memref<328x256xf32, #tpu.memory_space<vmem>>, vector<16xf32>,
              tpu.vector_store %arg18[%parallel_loop3A_729, %parallel_loop3A_730], %parallel_loop3A_728 {add = true, strides = array<i32>} : memref<328x256xf32, #tpu.memory_space<vmem>>, vector<16xf32>,
              %parallel_loop3A_732 = arith.addi %multiple_of3A_583, %parallel_loop3A_635 : i32
              %parallel_loop3A_733 = arith.index_cast %parallel_loop3A_732 : i32 to index
              %parallel_loop3A_734 = arith.constant 128 : index
              %parallel_loop3A_735 = tpu.vector_load %arg13[%parallel_loop3A_733, %parallel_loop3A_734] {strides = array<i32>} : memref<64x256xf32, #tpu.memory_space<vmem>>, vector<16xf32>,
              %parallel_loop3A_736 = vector.broadcast %parallel_loop3A_659 : f32 to vector<16xf32>
              %parallel_loop3A_737 = arith.mulf %parallel_loop3A_735, %parallel_loop3A_736 : vector<16xf32>
              %parallel_loop3A_738 = arith.index_cast %parallel_loop3A_652 : i32 to index
              %parallel_loop3A_739 = arith.constant 128 : index
              %parallel_loop3A_740 = tpu.vector_load %arg18[%parallel_loop3A_738, %parallel_loop3A_739] {strides = array<i32>} : memref<328x256xf32, #tpu.memory_space<vmem>>, vector<16xf32>,
              tpu.vector_store %arg18[%parallel_loop3A_738, %parallel_loop3A_739], %parallel_loop3A_737 {add = true, strides = array<i32>} : memref<328x256xf32, #tpu.memory_space<vmem>>, vector<16xf32>,
              %parallel_loop3A_741 = arith.addi %multiple_of3A_583, %parallel_loop3A_635 : i32
              %parallel_loop3A_742 = arith.index_cast %parallel_loop3A_741 : i32 to index
              %parallel_loop3A_743 = arith.constant 144 : index
              %parallel_loop3A_744 = tpu.vector_load %arg13[%parallel_loop3A_742, %parallel_loop3A_743] {strides = array<i32>} : memref<64x256xf32, #tpu.memory_space<vmem>>, vector<16xf32>,
              %parallel_loop3A_745 = vector.broadcast %parallel_loop3A_659 : f32 to vector<16xf32>
              %parallel_loop3A_746 = arith.mulf %parallel_loop3A_744, %parallel_loop3A_745 : vector<16xf32>
              %parallel_loop3A_747 = arith.index_cast %parallel_loop3A_652 : i32 to index
              %parallel_loop3A_748 = arith.constant 144 : index
              %parallel_loop3A_749 = tpu.vector_load %arg18[%parallel_loop3A_747, %parallel_loop3A_748] {strides = array<i32>} : memref<328x256xf32, #tpu.memory_space<vmem>>, vector<16xf32>,
              tpu.vector_store %arg18[%parallel_loop3A_747, %parallel_loop3A_748], %parallel_loop3A_746 {add = true, strides = array<i32>} : memref<328x256xf32, #tpu.memory_space<vmem>>, vector<16xf32>,
              %parallel_loop3A_750 = arith.addi %multiple_of3A_583, %parallel_loop3A_635 : i32
              %parallel_loop3A_751 = arith.index_cast %parallel_loop3A_750 : i32 to index
              %parallel_loop3A_752 = arith.constant 160 : index
              %parallel_loop3A_753 = tpu.vector_load %arg13[%parallel_loop3A_751, %parallel_loop3A_752] {strides = array<i32>} : memref<64x256xf32, #tpu.memory_space<vmem>>, vector<16xf32>,
              %parallel_loop3A_754 = vector.broadcast %parallel_loop3A_659 : f32 to vector<16xf32>
              %parallel_loop3A_755 = arith.mulf %parallel_loop3A_753, %parallel_loop3A_754 : vector<16xf32>
              %parallel_loop3A_756 = arith.index_cast %parallel_loop3A_652 : i32 to index
              %parallel_loop3A_757 = arith.constant 160 : index
              %parallel_loop3A_758 = tpu.vector_load %arg18[%parallel_loop3A_756, %parallel_loop3A_757] {strides = array<i32>} : memref<328x256xf32, #tpu.memory_space<vmem>>, vector<16xf32>,
              tpu.vector_store %arg18[%parallel_loop3A_756, %parallel_loop3A_757], %parallel_loop3A_755 {add = true, strides = array<i32>} : memref<328x256xf32, #tpu.memory_space<vmem>>, vector<16xf32>,
              %parallel_loop3A_759 = arith.addi %multiple_of3A_583, %parallel_loop3A_635 : i32
              %parallel_loop3A_760 = arith.index_cast %parallel_loop3A_759 : i32 to index
              %parallel_loop3A_761 = arith.constant 176 : index
              %parallel_loop3A_762 = tpu.vector_load %arg13[%parallel_loop3A_760, %parallel_loop3A_761] {strides = array<i32>} : memref<64x256xf32, #tpu.memory_space<vmem>>, vector<16xf32>,
              %parallel_loop3A_763 = vector.broadcast %parallel_loop3A_659 : f32 to vector<16xf32>
              %parallel_loop3A_764 = arith.mulf %parallel_loop3A_762, %parallel_loop3A_763 : vector<16xf32>
              %parallel_loop3A_765 = arith.index_cast %parallel_loop3A_652 : i32 to index
              %parallel_loop3A_766 = arith.constant 176 : index
              %parallel_loop3A_767 = tpu.vector_load %arg18[%parallel_loop3A_765, %parallel_loop3A_766] {strides = array<i32>} : memref<328x256xf32, #tpu.memory_space<vmem>>, vector<16xf32>,
              tpu.vector_store %arg18[%parallel_loop3A_765, %parallel_loop3A_766], %parallel_loop3A_764 {add = true, strides = array<i32>} : memref<328x256xf32, #tpu.memory_space<vmem>>, vector<16xf32>,
              %parallel_loop3A_768 = arith.addi %multiple_of3A_583, %parallel_loop3A_635 : i32
              %parallel_loop3A_769 = arith.index_cast %parallel_loop3A_768 : i32 to index
              %parallel_loop3A_770 = arith.constant 192 : index
              %parallel_loop3A_771 = tpu.vector_load %arg13[%parallel_loop3A_769, %parallel_loop3A_770] {strides = array<i32>} : memref<64x256xf32, #tpu.memory_space<vmem>>, vector<16xf32>,
              %parallel_loop3A_772 = vector.broadcast %parallel_loop3A_659 : f32 to vector<16xf32>
              %parallel_loop3A_773 = arith.mulf %parallel_loop3A_771, %parallel_loop3A_772 : vector<16xf32>
              %parallel_loop3A_774 = arith.index_cast %parallel_loop3A_652 : i32 to index
              %parallel_loop3A_775 = arith.constant 192 : index
              %parallel_loop3A_776 = tpu.vector_load %arg18[%parallel_loop3A_774, %parallel_loop3A_775] {strides = array<i32>} : memref<328x256xf32, #tpu.memory_space<vmem>>, vector<16xf32>,
              tpu.vector_store %arg18[%parallel_loop3A_774, %parallel_loop3A_775], %parallel_loop3A_773 {add = true, strides = array<i32>} : memref<328x256xf32, #tpu.memory_space<vmem>>, vector<16xf32>,
              %parallel_loop3A_777 = arith.addi %multiple_of3A_583, %parallel_loop3A_635 : i32
              %parallel_loop3A_778 = arith.index_cast %parallel_loop3A_777 : i32 to index
              %parallel_loop3A_779 = arith.constant 208 : index
              %parallel_loop3A_780 = tpu.vector_load %arg13[%parallel_loop3A_778, %parallel_loop3A_779] {strides = array<i32>} : memref<64x256xf32, #tpu.memory_space<vmem>>, vector<16xf32>,
              %parallel_loop3A_781 = vector.broadcast %parallel_loop3A_659 : f32 to vector<16xf32>
              %parallel_loop3A_782 = arith.mulf %parallel_loop3A_780, %parallel_loop3A_781 : vector<16xf32>
              %parallel_loop3A_783 = arith.index_cast %parallel_loop3A_652 : i32 to index
              %parallel_loop3A_784 = arith.constant 208 : index
              %parallel_loop3A_785 = tpu.vector_load %arg18[%parallel_loop3A_783, %parallel_loop3A_784] {strides = array<i32>} : memref<328x256xf32, #tpu.memory_space<vmem>>, vector<16xf32>,
              tpu.vector_store %arg18[%parallel_loop3A_783, %parallel_loop3A_784], %parallel_loop3A_782 {add = true, strides = array<i32>} : memref<328x256xf32, #tpu.memory_space<vmem>>, vector<16xf32>,
              %parallel_loop3A_786 = arith.addi %multiple_of3A_583, %parallel_loop3A_635 : i32
              %parallel_loop3A_787 = arith.index_cast %parallel_loop3A_786 : i32 to index
              %parallel_loop3A_788 = arith.constant 224 : index
              %parallel_loop3A_789 = tpu.vector_load %arg13[%parallel_loop3A_787, %parallel_loop3A_788] {strides = array<i32>} : memref<64x256xf32, #tpu.memory_space<vmem>>, vector<16xf32>,
              %parallel_loop3A_790 = vector.broadcast %parallel_loop3A_659 : f32 to vector<16xf32>
              %parallel_loop3A_791 = arith.mulf %parallel_loop3A_789, %parallel_loop3A_790 : vector<16xf32>
              %parallel_loop3A_792 = arith.index_cast %parallel_loop3A_652 : i32 to index
              %parallel_loop3A_793 = arith.constant 224 : index
              %parallel_loop3A_794 = tpu.vector_load %arg18[%parallel_loop3A_792, %parallel_loop3A_793] {strides = array<i32>} : memref<328x256xf32, #tpu.memory_space<vmem>>, vector<16xf32>,
              tpu.vector_store %arg18[%parallel_loop3A_792, %parallel_loop3A_793], %parallel_loop3A_791 {add = true, strides = array<i32>} : memref<328x256xf32, #tpu.memory_space<vmem>>, vector<16xf32>,
              %parallel_loop3A_795 = arith.addi %multiple_of3A_583, %parallel_loop3A_635 : i32
              %parallel_loop3A_796 = arith.index_cast %parallel_loop3A_795 : i32 to index
              %parallel_loop3A_797 = arith.constant 240 : index
              %parallel_loop3A_798 = tpu.vector_load %arg13[%parallel_loop3A_796, %parallel_loop3A_797] {strides = array<i32>} : memref<64x256xf32, #tpu.memory_space<vmem>>, vector<16xf32>,
              %parallel_loop3A_799 = vector.broadcast %parallel_loop3A_659 : f32 to vector<16xf32>
              %parallel_loop3A_800 = arith.mulf %parallel_loop3A_798, %parallel_loop3A_799 : vector<16xf32>
              %parallel_loop3A_801 = arith.index_cast %parallel_loop3A_652 : i32 to index
              %parallel_loop3A_802 = arith.constant 240 : index
              %parallel_loop3A_803 = tpu.vector_load %arg18[%parallel_loop3A_801, %parallel_loop3A_802] {strides = array<i32>} : memref<328x256xf32, #tpu.memory_space<vmem>>, vector<16xf32>,
              tpu.vector_store %arg18[%parallel_loop3A_801, %parallel_loop3A_802], %parallel_loop3A_800 {add = true, strides = array<i32>} : memref<328x256xf32, #tpu.memory_space<vmem>>, vector<16xf32>,
            } {sc.loop_unroll_factor = 4 : i64, sc.parallel_access}
          } else {
          }
        } else {
        }
        %sub3A_414 = arith.constant 32 : i32
        %sub3A_415 = arith.subi %add3A_408, %sub3A_414 : i32
        %select_n3A_416 = arith.select %ge3A_410, %sub3A_415, %add3A_408 : i32
        %jit3A_417 = arith.constant 1 : i32
        %select_n3A_418 = arith.select %ge3A_410, %jit3A_417, %scan3A_359 : i32
        %sub3A_419 = arith.constant 1 : i32
        %sub3A_420 = arith.subi %sub3A_419, %scan3A_360 : i32
        %select_n3A_421 = arith.select %ge3A_410, %sub3A_420, %scan3A_360 : i32
        %mul3A_422 = arith.constant 32 : i32
        %mul3A_423 = arith.muli %scan3A_357, %mul3A_422 : i32
        %add3A_424 = arith.constant 16 : i32
        %add3A_425 = arith.addi %mul3A_423, %add3A_424 : i32
        %get3A_426 = arith.index_cast %and3A_301 : i32 to index
        %get3A_427 = arith.index_cast %add3A_425 : i32 to index
        %get3A_428 = tpu.vector_load %arg8[%get3A_426, %get3A_427] {strides = array<i32>} : memref<2x3200xi32, #tpu.memory_space<vmem>>, vector<16xi32>,
        %get3A_429 = arith.index_cast %and3A_301 : i32 to index
        %get3A_430 = arith.index_cast %add3A_425 : i32 to index
        %get3A_431 = tpu.vector_load %arg9[%get3A_429, %get3A_430] {strides = array<i32>} : memref<2x3200xi32, #tpu.memory_space<vmem>>, vector<16xi32>,
        %get3A_432 = arith.index_cast %and3A_301 : i32 to index
        %get3A_433 = arith.index_cast %add3A_425 : i32 to index
        %get3A_434 = tpu.vector_load %arg10[%get3A_432, %get3A_433] {strides = array<i32>} : memref<2x3200xi32, #tpu.memory_space<vmem>>, vector<16xi32>,
        %get3A_435 = arith.index_cast %and3A_301 : i32 to index
        %get3A_436 = arith.index_cast %add3A_425 : i32 to index
        %get3A_437 = tpu.vector_load %arg11[%get3A_435, %get3A_436] {strides = array<i32>} : memref<2x3200xf32, #tpu.memory_space<vmem>>, vector<16xf32>,
        %sub3A_438 = vector.broadcast %min3A_3 : i32 to vector<16xi32>
        %sub3A_439 = arith.subi %get3A_431, %sub3A_438 : vector<16xi32>
        %ge3A_440 = arith.constant 0 : i32
        %ge3A_441 = vector.broadcast %ge3A_440 : i32 to vector<16xi32>
        %ge3A_442 = arith.cmpi sge, %sub3A_439, %ge3A_441 : vector<16xi32>
        %lt3A_443 = arith.constant 320 : i32
        %lt3A_444 = vector.broadcast %lt3A_443 : i32 to vector<16xi32>
        %lt3A_445 = arith.cmpi slt, %sub3A_439, %lt3A_444 : vector<16xi32>
        %and3A_446 = arith.andi %ge3A_442, %lt3A_445 : vector<16xi1>
        %mul3A_447 = arith.constant 4 : i32
        %mul3A_448 = vector.broadcast %mul3A_447 : i32 to vector<16xi32>
        %mul3A_449 = arith.muli %sub3A_439, %mul3A_448 : vector<16xi32>
        %add3A_450 = arith.addi %mul3A_449, %get3A_434 : vector<16xi32>
        %jit3A_451 = arith.constant 1280 : i32
        %broadcast_in_dim3A_452 = vector.broadcast %jit3A_451 : i32 to vector<16xi32>
        %select_n3A_453 = arith.select %and3A_446, %add3A_450, %broadcast_in_dim3A_452 : vector<16xi1>, vector<16xi32>
        %gather3A_454 = tpu.vector_load_idx %arg12[%select_n3A_453] : memref<1344xf32, #tpu.memory_space<vmem>>[vector<16xi32>], vector<16xf32>,
        %max3A_455 = arith.constant 1.000000e+00 : f32
        %max3A_456 = vector.broadcast %max3A_455 : f32 to vector<16xf32>
        %max3A_457 = arith.maximumf %gather3A_454, %max3A_456 : vector<16xf32>
        %div3A_458 = arith.divf %get3A_437, %max3A_457 : vector<16xf32>
        %jit3A_459 = arith.constant 0.000000e+00 : f32
        %broadcast_in_dim3A_460 = vector.broadcast %jit3A_459 : f32 to vector<16xf32>
        %select_n3A_461 = arith.select %and3A_446, %div3A_458, %broadcast_in_dim3A_460 : vector<16xi1>, vector<16xf32>
        %mul3A_462 = arith.constant 10000 : i32
        %mul3A_463 = vector.broadcast %mul3A_462 : i32 to vector<16xi32>
        %mul3A_464 = arith.muli %get3A_434, %mul3A_463 : vector<16xi32>
        %add3A_465 = arith.addi %mul3A_464, %get3A_428 : vector<16xi32>
        %swap3A_466 = arith.index_cast %select_n3A_416 : i32 to index
        %swap3A_467 = tpu.vector_load %arg14[%swap3A_466] masked %and3A_446 {strides = array<i32>} : memref<64xi32, #tpu.memory_space<vmem>>, vector<16xi32>, vector<16xi1>
        tpu.vector_store %arg14[%swap3A_466], %add3A_465 masked %and3A_446 {strides = array<i32>} : memref<64xi32, #tpu.memory_space<vmem>>, vector<16xi32>, vector<16xi1>
        %swap3A_468 = arith.index_cast %select_n3A_416 : i32 to index
        %swap3A_469 = tpu.vector_load %arg15[%swap3A_468] masked %and3A_446 {strides = array<i32>} : memref<128xi32, #tpu.memory_space<vmem>>, vector<16xi32>, vector<16xi1>
        tpu.vector_store %arg15[%swap3A_468], %sub3A_439 masked %and3A_446 {strides = array<i32>} : memref<128xi32, #tpu.memory_space<vmem>>, vector<16xi32>, vector<16xi1>
        %swap3A_470 = arith.index_cast %select_n3A_416 : i32 to index
        %swap3A_471 = tpu.vector_load %arg16[%swap3A_470] masked %and3A_446 {strides = array<i32>} : memref<128xf32, #tpu.memory_space<vmem>>, vector<16xf32>, vector<16xi1>
        tpu.vector_store %arg16[%swap3A_470], %select_n3A_461 masked %and3A_446 {strides = array<i32>} : memref<128xf32, #tpu.memory_space<vmem>>, vector<16xf32>, vector<16xi1>
        %all_reduce_population_count3A_472 = tpu.all_reduce %and3A_446 {dim = 0 : i64, kind = #tpu.reduction_kind<sum>} : vector<16xi1> -> vector<16xi32>
        %slice3A_473 = vector.extract_strided_slice %all_reduce_population_count3A_472 {offsets = [0], sizes = [1], strides = [1]} : vector<16xi32> to vector<1xi32>
        %squeeze3A_474 = vector.extract %slice3A_473[0] : i32 from vector<1xi32>
        %add3A_475 = arith.addi %select_n3A_416, %squeeze3A_474 : i32
        %ge3A_476 = arith.constant 32 : i32
        %ge3A_477 = arith.cmpi sge, %add3A_475, %ge3A_476 : i32
        %convert_element_type3A_478 = arith.extui %ge3A_477 : i1 to i32
        %cond3A_479 = arith.constant 0 : i32
        %cond3A_480 = arith.cmpi ne, %convert_element_type3A_478, %cond3A_479 : i32
        scf.if %cond3A_480 {
          %sub3A_489 = arith.constant 32 : i32
          %sub3A_490 = arith.subi %add3A_475, %sub3A_489 : i32
          %mul3A_491 = arith.constant 32 : i32
          %mul3A_492 = arith.muli %select_n3A_421, %mul3A_491 : i32
          %multiple_of3A_493 = tpu.assume_multiple %mul3A_492, 32 : i32
          %add3A_494 = arith.constant 0 : i32
          %add3A_495 = arith.addi %sub3A_490, %add3A_494 : i32
          %get3A_496 = arith.index_cast %add3A_495 : i32 to index
          %get3A_497 = tpu.vector_load %arg14[%get3A_496] {strides = array<i32>} : memref<64xi32, #tpu.memory_space<vmem>>, vector<16xi32>,
          %add3A_498 = arith.constant 0 : i32
          %add3A_499 = arith.addi %multiple_of3A_493, %add3A_498 : i32
          %swap3A_500 = arith.index_cast %add3A_499 : i32 to index
          %swap3A_501 = tpu.vector_load %arg17[%swap3A_500] {strides = array<i32>} : memref<64xi32, #tpu.memory_space<vmem>>, vector<16xi32>,
          tpu.vector_store %arg17[%swap3A_500], %get3A_497 {strides = array<i32>} : memref<64xi32, #tpu.memory_space<vmem>>, vector<16xi32>,
          %add3A_502 = arith.constant 0 : i32
          %add3A_503 = arith.addi %sub3A_490, %add3A_502 : i32
          %get3A_504 = arith.index_cast %add3A_503 : i32 to index
          %get3A_505 = tpu.vector_load %arg15[%get3A_504] {strides = array<i32>} : memref<128xi32, #tpu.memory_space<vmem>>, vector<16xi32>,
          %add3A_506 = arith.constant 64 : i32
          %add3A_507 = arith.addi %add3A_506, %multiple_of3A_493 : i32
          %add3A_508 = arith.constant 0 : i32
          %add3A_509 = arith.addi %add3A_507, %add3A_508 : i32
          %swap3A_510 = arith.index_cast %add3A_509 : i32 to index
          %swap3A_511 = tpu.vector_load %arg15[%swap3A_510] {strides = array<i32>} : memref<128xi32, #tpu.memory_space<vmem>>, vector<16xi32>,
          tpu.vector_store %arg15[%swap3A_510], %get3A_505 {strides = array<i32>} : memref<128xi32, #tpu.memory_space<vmem>>, vector<16xi32>,
          %add3A_512 = arith.constant 0 : i32
          %add3A_513 = arith.addi %sub3A_490, %add3A_512 : i32
          %get3A_514 = arith.index_cast %add3A_513 : i32 to index
          %get3A_515 = tpu.vector_load %arg16[%get3A_514] {strides = array<i32>} : memref<128xf32, #tpu.memory_space<vmem>>, vector<16xf32>,
          %add3A_516 = arith.constant 64 : i32
          %add3A_517 = arith.addi %add3A_516, %multiple_of3A_493 : i32
          %add3A_518 = arith.constant 0 : i32
          %add3A_519 = arith.addi %add3A_517, %add3A_518 : i32
          %swap3A_520 = arith.index_cast %add3A_519 : i32 to index
          %swap3A_521 = tpu.vector_load %arg16[%swap3A_520] {strides = array<i32>} : memref<128xf32, #tpu.memory_space<vmem>>, vector<16xf32>,
          tpu.vector_store %arg16[%swap3A_520], %get3A_515 {strides = array<i32>} : memref<128xf32, #tpu.memory_space<vmem>>, vector<16xf32>,
          %add3A_522 = arith.constant 16 : i32
          %add3A_523 = arith.addi %sub3A_490, %add3A_522 : i32
          %get3A_524 = arith.index_cast %add3A_523 : i32 to index
          %get3A_525 = tpu.vector_load %arg14[%get3A_524] {strides = array<i32>} : memref<64xi32, #tpu.memory_space<vmem>>, vector<16xi32>,
          %add3A_526 = arith.constant 16 : i32
          %add3A_527 = arith.addi %multiple_of3A_493, %add3A_526 : i32
          %swap3A_528 = arith.index_cast %add3A_527 : i32 to index
          %swap3A_529 = tpu.vector_load %arg17[%swap3A_528] {strides = array<i32>} : memref<64xi32, #tpu.memory_space<vmem>>, vector<16xi32>,
          tpu.vector_store %arg17[%swap3A_528], %get3A_525 {strides = array<i32>} : memref<64xi32, #tpu.memory_space<vmem>>, vector<16xi32>,
          %add3A_530 = arith.constant 16 : i32
          %add3A_531 = arith.addi %sub3A_490, %add3A_530 : i32
          %get3A_532 = arith.index_cast %add3A_531 : i32 to index
          %get3A_533 = tpu.vector_load %arg15[%get3A_532] {strides = array<i32>} : memref<128xi32, #tpu.memory_space<vmem>>, vector<16xi32>,
          %add3A_534 = arith.constant 64 : i32
          %add3A_535 = arith.addi %add3A_534, %multiple_of3A_493 : i32
          %add3A_536 = arith.constant 16 : i32
          %add3A_537 = arith.addi %add3A_535, %add3A_536 : i32
          %swap3A_538 = arith.index_cast %add3A_537 : i32 to index
          %swap3A_539 = tpu.vector_load %arg15[%swap3A_538] {strides = array<i32>} : memref<128xi32, #tpu.memory_space<vmem>>, vector<16xi32>,
          tpu.vector_store %arg15[%swap3A_538], %get3A_533 {strides = array<i32>} : memref<128xi32, #tpu.memory_space<vmem>>, vector<16xi32>,
          %add3A_540 = arith.constant 16 : i32
          %add3A_541 = arith.addi %sub3A_490, %add3A_540 : i32
          %get3A_542 = arith.index_cast %add3A_541 : i32 to index
          %get3A_543 = tpu.vector_load %arg16[%get3A_542] {strides = array<i32>} : memref<128xf32, #tpu.memory_space<vmem>>, vector<16xf32>,
          %add3A_544 = arith.constant 64 : i32
          %add3A_545 = arith.addi %add3A_544, %multiple_of3A_493 : i32
          %add3A_546 = arith.constant 16 : i32
          %add3A_547 = arith.addi %add3A_545, %add3A_546 : i32
          %swap3A_548 = arith.index_cast %add3A_547 : i32 to index
          %swap3A_549 = tpu.vector_load %arg16[%swap3A_548] {strides = array<i32>} : memref<128xf32, #tpu.memory_space<vmem>>, vector<16xf32>,
          tpu.vector_store %arg16[%swap3A_548], %get3A_543 {strides = array<i32>} : memref<128xf32, #tpu.memory_space<vmem>>, vector<16xf32>,
          %add3A_550 = arith.constant 0 : i32
          %add3A_551 = arith.addi %multiple_of3A_493, %add3A_550 : i32
          %add3A_552 = arith.constant 0 : i32
          %add3A_553 = arith.addi %multiple_of3A_493, %add3A_552 : i32
          %dma_start3A_554 = arith.constant 0 : i32
          %dma_start3A_555 = tpu.memref_slice %arg13[%add3A_553, %dma_start3A_554] : memref<64x256xf32, #tpu.memory_space<vmem>> -> memref<16x256xf32, #tpu.memory_space<vmem>>
          %dma_start3A_556 = tpu.memref_slice %arg17[%add3A_551] : memref<64xi32, #tpu.memory_space<vmem>> -> memref<16xi32, #tpu.memory_space<vmem>>
          %dma_start3A_557 = arith.constant 0 : i32
          %dma_start3A_558 = arith.constant 0 : i32
          %dma_start3A_559 = tpu.memref_slice %arg2[%dma_start3A_557, %dma_start3A_558] : memref<50000x256xf32, #tpu.memory_space<hbm>> -> memref<50000x256xf32, #tpu.memory_space<hbm>>
          %dma_start3A_560 = tpu.memref_slice %arg21[%select_n3A_421] : memref<2x!tpu.dma_semaphore, #tpu.memory_space<semaphore_mem>> -> memref<1x!tpu.dma_semaphore, #tpu.memory_space<semaphore_mem>>
          %dma_start3A_561 = tpu.memref_squeeze %dma_start3A_560 : memref<1x!tpu.dma_semaphore, #tpu.memory_space<semaphore_mem>> -> memref<!tpu.dma_semaphore, #tpu.memory_space<semaphore_mem>>
          tpu.enqueue_indirect_dma source(%dma_start3A_559 : memref<50000x256xf32, #tpu.memory_space<hbm>>) target(%dma_start3A_555 : memref<16x256xf32, #tpu.memory_space<vmem>>) offsets(%dma_start3A_556 : memref<16xi32, #tpu.memory_space<vmem>>) semaphore(%dma_start3A_561 : memref<!tpu.dma_semaphore, #tpu.memory_space<semaphore_mem>>)
          %add3A_562 = arith.constant 16 : i32
          %add3A_563 = arith.addi %multiple_of3A_493, %add3A_562 : i32
          %add3A_564 = arith.constant 16 : i32
          %add3A_565 = arith.addi %multiple_of3A_493, %add3A_564 : i32
          %dma_start3A_566 = arith.constant 0 : i32
          %dma_start3A_567 = tpu.memref_slice %arg13[%add3A_565, %dma_start3A_566] : memref<64x256xf32, #tpu.memory_space<vmem>> -> memref<16x256xf32, #tpu.memory_space<vmem>>
          %dma_start3A_568 = tpu.memref_slice %arg17[%add3A_563] : memref<64xi32, #tpu.memory_space<vmem>> -> memref<16xi32, #tpu.memory_space<vmem>>
          %dma_start3A_569 = arith.constant 0 : i32
          %dma_start3A_570 = arith.constant 0 : i32
          %dma_start3A_571 = tpu.memref_slice %arg2[%dma_start3A_569, %dma_start3A_570] : memref<50000x256xf32, #tpu.memory_space<hbm>> -> memref<50000x256xf32, #tpu.memory_space<hbm>>
          %dma_start3A_572 = tpu.memref_slice %arg21[%select_n3A_421] : memref<2x!tpu.dma_semaphore, #tpu.memory_space<semaphore_mem>> -> memref<1x!tpu.dma_semaphore, #tpu.memory_space<semaphore_mem>>
          %dma_start3A_573 = tpu.memref_squeeze %dma_start3A_572 : memref<1x!tpu.dma_semaphore, #tpu.memory_space<semaphore_mem>> -> memref<!tpu.dma_semaphore, #tpu.memory_space<semaphore_mem>>
          tpu.enqueue_indirect_dma source(%dma_start3A_571 : memref<50000x256xf32, #tpu.memory_space<hbm>>) target(%dma_start3A_567 : memref<16x256xf32, #tpu.memory_space<vmem>>) offsets(%dma_start3A_568 : memref<16xi32, #tpu.memory_space<vmem>>) semaphore(%dma_start3A_573 : memref<!tpu.dma_semaphore, #tpu.memory_space<semaphore_mem>>)
          %eq3A_574 = arith.constant 1 : i32
          %eq3A_575 = arith.cmpi eq, %select_n3A_418, %eq3A_574 : i32
          %convert_element_type3A_576 = arith.extui %eq3A_575 : i1 to i32
          %cond3A_577 = arith.constant 0 : i32
          %cond3A_578 = arith.cmpi ne, %convert_element_type3A_576, %cond3A_577 : i32
          scf.if %cond3A_578 {
            %sub3A_579 = arith.constant 1 : i32
            %sub3A_580 = arith.subi %sub3A_579, %select_n3A_421 : i32
            %mul3A_581 = arith.constant 32 : i32
            %mul3A_582 = arith.muli %sub3A_580, %mul3A_581 : i32
            %multiple_of3A_583 = tpu.assume_multiple %mul3A_582, 32 : i32
            %add3A_584 = arith.constant 0 : i32
            %add3A_585 = arith.addi %multiple_of3A_583, %add3A_584 : i32
            %add3A_586 = arith.constant 0 : i32
            %add3A_587 = arith.addi %multiple_of3A_583, %add3A_586 : i32
            %dma_wait3A_588 = arith.constant 0 : i32
            %dma_wait3A_589 = tpu.memref_slice %arg13[%add3A_587, %dma_wait3A_588] : memref<64x256xf32, #tpu.memory_space<vmem>> -> memref<16x256xf32, #tpu.memory_space<vmem>>
            %dma_wait3A_590 = tpu.memref_slice %arg17[%add3A_585] : memref<64xi32, #tpu.memory_space<vmem>> -> memref<16xi32, #tpu.memory_space<vmem>>
            %dma_wait3A_591 = arith.constant 0 : i32
            %dma_wait3A_592 = arith.constant 0 : i32
            %dma_wait3A_593 = tpu.memref_slice %arg2[%dma_wait3A_591, %dma_wait3A_592] : memref<50000x256xf32, #tpu.memory_space<hbm>> -> memref<50000x256xf32, #tpu.memory_space<hbm>>
            %dma_wait3A_594 = tpu.memref_slice %arg21[%sub3A_580] : memref<2x!tpu.dma_semaphore, #tpu.memory_space<semaphore_mem>> -> memref<1x!tpu.dma_semaphore, #tpu.memory_space<semaphore_mem>>
            %dma_wait3A_595 = tpu.memref_squeeze %dma_wait3A_594 : memref<1x!tpu.dma_semaphore, #tpu.memory_space<semaphore_mem>> -> memref<!tpu.dma_semaphore, #tpu.memory_space<semaphore_mem>>
            tpu.wait_indirect_dma semaphore(%dma_wait3A_595 : memref<!tpu.dma_semaphore, #tpu.memory_space<semaphore_mem>>) src(%dma_wait3A_593 : memref<50000x256xf32, #tpu.memory_space<hbm>>) dst(%dma_wait3A_589 : memref<16x256xf32, #tpu.memory_space<vmem>>)
            %add3A_596 = arith.constant 16 : i32
            %add3A_597 = arith.addi %multiple_of3A_583, %add3A_596 : i32
            %add3A_598 = arith.constant 16 : i32
            %add3A_599 = arith.addi %multiple_of3A_583, %add3A_598 : i32
            %dma_wait3A_600 = arith.constant 0 : i32
            %dma_wait3A_601 = tpu.memref_slice %arg13[%add3A_599, %dma_wait3A_600] : memref<64x256xf32, #tpu.memory_space<vmem>> -> memref<16x256xf32, #tpu.memory_space<vmem>>
            %dma_wait3A_602 = tpu.memref_slice %arg17[%add3A_597] : memref<64xi32, #tpu.memory_space<vmem>> -> memref<16xi32, #tpu.memory_space<vmem>>
            %dma_wait3A_603 = arith.constant 0 : i32
            %dma_wait3A_604 = arith.constant 0 : i32
            %dma_wait3A_605 = tpu.memref_slice %arg2[%dma_wait3A_603, %dma_wait3A_604] : memref<50000x256xf32, #tpu.memory_space<hbm>> -> memref<50000x256xf32, #tpu.memory_space<hbm>>
            %dma_wait3A_606 = tpu.memref_slice %arg21[%sub3A_580] : memref<2x!tpu.dma_semaphore, #tpu.memory_space<semaphore_mem>> -> memref<1x!tpu.dma_semaphore, #tpu.memory_space<semaphore_mem>>
            %dma_wait3A_607 = tpu.memref_squeeze %dma_wait3A_606 : memref<1x!tpu.dma_semaphore, #tpu.memory_space<semaphore_mem>> -> memref<!tpu.dma_semaphore, #tpu.memory_space<semaphore_mem>>
            tpu.wait_indirect_dma semaphore(%dma_wait3A_607 : memref<!tpu.dma_semaphore, #tpu.memory_space<semaphore_mem>>) src(%dma_wait3A_605 : memref<50000x256xf32, #tpu.memory_space<hbm>>) dst(%dma_wait3A_601 : memref<16x256xf32, #tpu.memory_space<vmem>>)
            %add3A_608 = arith.constant 64 : i32
            %add3A_609 = arith.addi %add3A_608, %multiple_of3A_583 : i32
            %add3A_610 = arith.constant 0 : i32
            %add3A_611 = arith.addi %add3A_609, %add3A_610 : i32
            %get3A_612 = arith.index_cast %add3A_611 : i32 to index
            %get3A_613 = tpu.vector_load %arg15[%get3A_612] {strides = array<i32>} : memref<128xi32, #tpu.memory_space<vmem>>, vector<16xi32>,
            %add3A_614 = arith.constant 64 : i32
            %add3A_615 = arith.addi %add3A_614, %multiple_of3A_583 : i32
            %add3A_616 = arith.constant 16 : i32
            %add3A_617 = arith.addi %add3A_615, %add3A_616 : i32
            %get3A_618 = arith.index_cast %add3A_617 : i32 to index
            %get3A_619 = tpu.vector_load %arg15[%get3A_618] {strides = array<i32>} : memref<128xi32, #tpu.memory_space<vmem>>, vector<16xi32>,
            %add3A_620 = arith.constant 64 : i32
            %add3A_621 = arith.addi %add3A_620, %multiple_of3A_583 : i32
            %add3A_622 = arith.constant 0 : i32
            %add3A_623 = arith.addi %add3A_621, %add3A_622 : i32
            %get3A_624 = arith.index_cast %add3A_623 : i32 to index
            %get3A_625 = tpu.vector_load %arg16[%get3A_624] {strides = array<i32>} : memref<128xf32, #tpu.memory_space<vmem>>, vector<16xf32>,
            %add3A_626 = arith.constant 64 : i32
            %add3A_627 = arith.addi %add3A_626, %multiple_of3A_583 : i32
            %add3A_628 = arith.constant 16 : i32
            %add3A_629 = arith.addi %add3A_627, %add3A_628 : i32
            %get3A_630 = arith.index_cast %add3A_629 : i32 to index
            %get3A_631 = tpu.vector_load %arg16[%get3A_630] {strides = array<i32>} : memref<128xf32, #tpu.memory_space<vmem>>, vector<16xf32>,
            %parallel_loop3A_632 = arith.constant 0 : i32
            %parallel_loop3A_633 = arith.constant 32 : i32
            %parallel_loop3A_634 = arith.constant 1 : i32
            scf.for %parallel_loop3A_635 = %parallel_loop3A_632 to %parallel_loop3A_633 step %parallel_loop3A_634  : i32 {
              %parallel_loop3A_636 = arith.constant 15 : i32
              %parallel_loop3A_637 = arith.andi %parallel_loop3A_635, %parallel_loop3A_636 : i32
              %parallel_loop3A_638 = vector.broadcast %parallel_loop3A_637 : i32 to vector<16xi32>
              %parallel_loop3A_639 = arith.cmpi eq, %iota3A, %parallel_loop3A_638 : vector<16xi32>
              %parallel_loop3A_640 = arith.constant 16 : i32
              %parallel_loop3A_641 = arith.cmpi slt, %parallel_loop3A_635, %parallel_loop3A_640 : i32
              %parallel_loop3A_642 = arith.select %parallel_loop3A_641, %get3A_613, %get3A_619 : vector<16xi32>
              %parallel_loop3A_643 = arith.constant 16 : i32
              %parallel_loop3A_644 = arith.cmpi slt, %parallel_loop3A_635, %parallel_loop3A_643 : i32
              %parallel_loop3A_645 = arith.select %parallel_loop3A_644, %get3A_625, %get3A_631 : vector<16xf32>
              %parallel_loop3A_646 = arith.constant 0 : i32
              %parallel_loop3A_647 = vector.broadcast %parallel_loop3A_646 : i32 to vector<16xi32>
              %parallel_loop3A_648 = arith.select %parallel_loop3A_639, %parallel_loop3A_642, %parallel_loop3A_647 : vector<16xi1>, vector<16xi32>
              %parallel_loop3A_649 = arith.constant true
              %parallel_loop3A_650 = vector.broadcast %parallel_loop3A_649 : i1 to vector<16xi1>
              %parallel_loop3A_651 = tpu.scan <sum>, %parallel_loop3A_648 masked %parallel_loop3A_650 : vector<16xi32>, vector<16xi1> -> vector<16xi32>
              %parallel_loop3A_652 = vector.extract %parallel_loop3A_651[15] : i32 from vector<16xi32>
              %parallel_loop3A_653 = arith.constant 0.000000e+00 : f32
              %parallel_loop3A_654 = vector.broadcast %parallel_loop3A_653 : f32 to vector<16xf32>
              %parallel_loop3A_655 = arith.select %parallel_loop3A_639, %parallel_loop3A_645, %parallel_loop3A_654 : vector<16xi1>, vector<16xf32>
              %parallel_loop3A_656 = arith.constant true
              %parallel_loop3A_657 = vector.broadcast %parallel_loop3A_656 : i1 to vector<16xi1>
              %parallel_loop3A_658 = tpu.scan <sum>, %parallel_loop3A_655 masked %parallel_loop3A_657 : vector<16xf32>, vector<16xi1> -> vector<16xf32>
              %parallel_loop3A_659 = vector.extract %parallel_loop3A_658[15] : f32 from vector<16xf32>
              %parallel_loop3A_660 = arith.addi %multiple_of3A_583, %parallel_loop3A_635 : i32
              %parallel_loop3A_661 = arith.index_cast %parallel_loop3A_660 : i32 to index
              %parallel_loop3A_662 = arith.constant 0 : index
              %parallel_loop3A_663 = tpu.vector_load %arg13[%parallel_loop3A_661, %parallel_loop3A_662] {strides = array<i32>} : memref<64x256xf32, #tpu.memory_space<vmem>>, vector<16xf32>,
              %parallel_loop3A_664 = vector.broadcast %parallel_loop3A_659 : f32 to vector<16xf32>
              %parallel_loop3A_665 = arith.mulf %parallel_loop3A_663, %parallel_loop3A_664 : vector<16xf32>
              %parallel_loop3A_666 = arith.index_cast %parallel_loop3A_652 : i32 to index
              %parallel_loop3A_667 = arith.constant 0 : index
              %parallel_loop3A_668 = tpu.vector_load %arg18[%parallel_loop3A_666, %parallel_loop3A_667] {strides = array<i32>} : memref<328x256xf32, #tpu.memory_space<vmem>>, vector<16xf32>,
              tpu.vector_store %arg18[%parallel_loop3A_666, %parallel_loop3A_667], %parallel_loop3A_665 {add = true, strides = array<i32>} : memref<328x256xf32, #tpu.memory_space<vmem>>, vector<16xf32>,
              %parallel_loop3A_669 = arith.addi %multiple_of3A_583, %parallel_loop3A_635 : i32
              %parallel_loop3A_670 = arith.index_cast %parallel_loop3A_669 : i32 to index
              %parallel_loop3A_671 = arith.constant 16 : index
              %parallel_loop3A_672 = tpu.vector_load %arg13[%parallel_loop3A_670, %parallel_loop3A_671] {strides = array<i32>} : memref<64x256xf32, #tpu.memory_space<vmem>>, vector<16xf32>,
              %parallel_loop3A_673 = vector.broadcast %parallel_loop3A_659 : f32 to vector<16xf32>
              %parallel_loop3A_674 = arith.mulf %parallel_loop3A_672, %parallel_loop3A_673 : vector<16xf32>
              %parallel_loop3A_675 = arith.index_cast %parallel_loop3A_652 : i32 to index
              %parallel_loop3A_676 = arith.constant 16 : index
              %parallel_loop3A_677 = tpu.vector_load %arg18[%parallel_loop3A_675, %parallel_loop3A_676] {strides = array<i32>} : memref<328x256xf32, #tpu.memory_space<vmem>>, vector<16xf32>,
              tpu.vector_store %arg18[%parallel_loop3A_675, %parallel_loop3A_676], %parallel_loop3A_674 {add = true, strides = array<i32>} : memref<328x256xf32, #tpu.memory_space<vmem>>, vector<16xf32>,
              %parallel_loop3A_678 = arith.addi %multiple_of3A_583, %parallel_loop3A_635 : i32
              %parallel_loop3A_679 = arith.index_cast %parallel_loop3A_678 : i32 to index
              %parallel_loop3A_680 = arith.constant 32 : index
              %parallel_loop3A_681 = tpu.vector_load %arg13[%parallel_loop3A_679, %parallel_loop3A_680] {strides = array<i32>} : memref<64x256xf32, #tpu.memory_space<vmem>>, vector<16xf32>,
              %parallel_loop3A_682 = vector.broadcast %parallel_loop3A_659 : f32 to vector<16xf32>
              %parallel_loop3A_683 = arith.mulf %parallel_loop3A_681, %parallel_loop3A_682 : vector<16xf32>
              %parallel_loop3A_684 = arith.index_cast %parallel_loop3A_652 : i32 to index
              %parallel_loop3A_685 = arith.constant 32 : index
              %parallel_loop3A_686 = tpu.vector_load %arg18[%parallel_loop3A_684, %parallel_loop3A_685] {strides = array<i32>} : memref<328x256xf32, #tpu.memory_space<vmem>>, vector<16xf32>,
              tpu.vector_store %arg18[%parallel_loop3A_684, %parallel_loop3A_685], %parallel_loop3A_683 {add = true, strides = array<i32>} : memref<328x256xf32, #tpu.memory_space<vmem>>, vector<16xf32>,
              %parallel_loop3A_687 = arith.addi %multiple_of3A_583, %parallel_loop3A_635 : i32
              %parallel_loop3A_688 = arith.index_cast %parallel_loop3A_687 : i32 to index
              %parallel_loop3A_689 = arith.constant 48 : index
              %parallel_loop3A_690 = tpu.vector_load %arg13[%parallel_loop3A_688, %parallel_loop3A_689] {strides = array<i32>} : memref<64x256xf32, #tpu.memory_space<vmem>>, vector<16xf32>,
              %parallel_loop3A_691 = vector.broadcast %parallel_loop3A_659 : f32 to vector<16xf32>
              %parallel_loop3A_692 = arith.mulf %parallel_loop3A_690, %parallel_loop3A_691 : vector<16xf32>
              %parallel_loop3A_693 = arith.index_cast %parallel_loop3A_652 : i32 to index
              %parallel_loop3A_694 = arith.constant 48 : index
              %parallel_loop3A_695 = tpu.vector_load %arg18[%parallel_loop3A_693, %parallel_loop3A_694] {strides = array<i32>} : memref<328x256xf32, #tpu.memory_space<vmem>>, vector<16xf32>,
              tpu.vector_store %arg18[%parallel_loop3A_693, %parallel_loop3A_694], %parallel_loop3A_692 {add = true, strides = array<i32>} : memref<328x256xf32, #tpu.memory_space<vmem>>, vector<16xf32>,
              %parallel_loop3A_696 = arith.addi %multiple_of3A_583, %parallel_loop3A_635 : i32
              %parallel_loop3A_697 = arith.index_cast %parallel_loop3A_696 : i32 to index
              %parallel_loop3A_698 = arith.constant 64 : index
              %parallel_loop3A_699 = tpu.vector_load %arg13[%parallel_loop3A_697, %parallel_loop3A_698] {strides = array<i32>} : memref<64x256xf32, #tpu.memory_space<vmem>>, vector<16xf32>,
              %parallel_loop3A_700 = vector.broadcast %parallel_loop3A_659 : f32 to vector<16xf32>
              %parallel_loop3A_701 = arith.mulf %parallel_loop3A_699, %parallel_loop3A_700 : vector<16xf32>
              %parallel_loop3A_702 = arith.index_cast %parallel_loop3A_652 : i32 to index
              %parallel_loop3A_703 = arith.constant 64 : index
              %parallel_loop3A_704 = tpu.vector_load %arg18[%parallel_loop3A_702, %parallel_loop3A_703] {strides = array<i32>} : memref<328x256xf32, #tpu.memory_space<vmem>>, vector<16xf32>,
              tpu.vector_store %arg18[%parallel_loop3A_702, %parallel_loop3A_703], %parallel_loop3A_701 {add = true, strides = array<i32>} : memref<328x256xf32, #tpu.memory_space<vmem>>, vector<16xf32>,
              %parallel_loop3A_705 = arith.addi %multiple_of3A_583, %parallel_loop3A_635 : i32
              %parallel_loop3A_706 = arith.index_cast %parallel_loop3A_705 : i32 to index
              %parallel_loop3A_707 = arith.constant 80 : index
              %parallel_loop3A_708 = tpu.vector_load %arg13[%parallel_loop3A_706, %parallel_loop3A_707] {strides = array<i32>} : memref<64x256xf32, #tpu.memory_space<vmem>>, vector<16xf32>,
              %parallel_loop3A_709 = vector.broadcast %parallel_loop3A_659 : f32 to vector<16xf32>
              %parallel_loop3A_710 = arith.mulf %parallel_loop3A_708, %parallel_loop3A_709 : vector<16xf32>
              %parallel_loop3A_711 = arith.index_cast %parallel_loop3A_652 : i32 to index
              %parallel_loop3A_712 = arith.constant 80 : index
              %parallel_loop3A_713 = tpu.vector_load %arg18[%parallel_loop3A_711, %parallel_loop3A_712] {strides = array<i32>} : memref<328x256xf32, #tpu.memory_space<vmem>>, vector<16xf32>,
              tpu.vector_store %arg18[%parallel_loop3A_711, %parallel_loop3A_712], %parallel_loop3A_710 {add = true, strides = array<i32>} : memref<328x256xf32, #tpu.memory_space<vmem>>, vector<16xf32>,
              %parallel_loop3A_714 = arith.addi %multiple_of3A_583, %parallel_loop3A_635 : i32
              %parallel_loop3A_715 = arith.index_cast %parallel_loop3A_714 : i32 to index
              %parallel_loop3A_716 = arith.constant 96 : index
              %parallel_loop3A_717 = tpu.vector_load %arg13[%parallel_loop3A_715, %parallel_loop3A_716] {strides = array<i32>} : memref<64x256xf32, #tpu.memory_space<vmem>>, vector<16xf32>,
              %parallel_loop3A_718 = vector.broadcast %parallel_loop3A_659 : f32 to vector<16xf32>
              %parallel_loop3A_719 = arith.mulf %parallel_loop3A_717, %parallel_loop3A_718 : vector<16xf32>
              %parallel_loop3A_720 = arith.index_cast %parallel_loop3A_652 : i32 to index
              %parallel_loop3A_721 = arith.constant 96 : index
              %parallel_loop3A_722 = tpu.vector_load %arg18[%parallel_loop3A_720, %parallel_loop3A_721] {strides = array<i32>} : memref<328x256xf32, #tpu.memory_space<vmem>>, vector<16xf32>,
              tpu.vector_store %arg18[%parallel_loop3A_720, %parallel_loop3A_721], %parallel_loop3A_719 {add = true, strides = array<i32>} : memref<328x256xf32, #tpu.memory_space<vmem>>, vector<16xf32>,
              %parallel_loop3A_723 = arith.addi %multiple_of3A_583, %parallel_loop3A_635 : i32
              %parallel_loop3A_724 = arith.index_cast %parallel_loop3A_723 : i32 to index
              %parallel_loop3A_725 = arith.constant 112 : index
              %parallel_loop3A_726 = tpu.vector_load %arg13[%parallel_loop3A_724, %parallel_loop3A_725] {strides = array<i32>} : memref<64x256xf32, #tpu.memory_space<vmem>>, vector<16xf32>,
              %parallel_loop3A_727 = vector.broadcast %parallel_loop3A_659 : f32 to vector<16xf32>
              %parallel_loop3A_728 = arith.mulf %parallel_loop3A_726, %parallel_loop3A_727 : vector<16xf32>
              %parallel_loop3A_729 = arith.index_cast %parallel_loop3A_652 : i32 to index
              %parallel_loop3A_730 = arith.constant 112 : index
              %parallel_loop3A_731 = tpu.vector_load %arg18[%parallel_loop3A_729, %parallel_loop3A_730] {strides = array<i32>} : memref<328x256xf32, #tpu.memory_space<vmem>>, vector<16xf32>,
              tpu.vector_store %arg18[%parallel_loop3A_729, %parallel_loop3A_730], %parallel_loop3A_728 {add = true, strides = array<i32>} : memref<328x256xf32, #tpu.memory_space<vmem>>, vector<16xf32>,
              %parallel_loop3A_732 = arith.addi %multiple_of3A_583, %parallel_loop3A_635 : i32
              %parallel_loop3A_733 = arith.index_cast %parallel_loop3A_732 : i32 to index
              %parallel_loop3A_734 = arith.constant 128 : index
              %parallel_loop3A_735 = tpu.vector_load %arg13[%parallel_loop3A_733, %parallel_loop3A_734] {strides = array<i32>} : memref<64x256xf32, #tpu.memory_space<vmem>>, vector<16xf32>,
              %parallel_loop3A_736 = vector.broadcast %parallel_loop3A_659 : f32 to vector<16xf32>
              %parallel_loop3A_737 = arith.mulf %parallel_loop3A_735, %parallel_loop3A_736 : vector<16xf32>
              %parallel_loop3A_738 = arith.index_cast %parallel_loop3A_652 : i32 to index
              %parallel_loop3A_739 = arith.constant 128 : index
              %parallel_loop3A_740 = tpu.vector_load %arg18[%parallel_loop3A_738, %parallel_loop3A_739] {strides = array<i32>} : memref<328x256xf32, #tpu.memory_space<vmem>>, vector<16xf32>,
              tpu.vector_store %arg18[%parallel_loop3A_738, %parallel_loop3A_739], %parallel_loop3A_737 {add = true, strides = array<i32>} : memref<328x256xf32, #tpu.memory_space<vmem>>, vector<16xf32>,
              %parallel_loop3A_741 = arith.addi %multiple_of3A_583, %parallel_loop3A_635 : i32
              %parallel_loop3A_742 = arith.index_cast %parallel_loop3A_741 : i32 to index
              %parallel_loop3A_743 = arith.constant 144 : index
              %parallel_loop3A_744 = tpu.vector_load %arg13[%parallel_loop3A_742, %parallel_loop3A_743] {strides = array<i32>} : memref<64x256xf32, #tpu.memory_space<vmem>>, vector<16xf32>,
              %parallel_loop3A_745 = vector.broadcast %parallel_loop3A_659 : f32 to vector<16xf32>
              %parallel_loop3A_746 = arith.mulf %parallel_loop3A_744, %parallel_loop3A_745 : vector<16xf32>
              %parallel_loop3A_747 = arith.index_cast %parallel_loop3A_652 : i32 to index
              %parallel_loop3A_748 = arith.constant 144 : index
              %parallel_loop3A_749 = tpu.vector_load %arg18[%parallel_loop3A_747, %parallel_loop3A_748] {strides = array<i32>} : memref<328x256xf32, #tpu.memory_space<vmem>>, vector<16xf32>,
              tpu.vector_store %arg18[%parallel_loop3A_747, %parallel_loop3A_748], %parallel_loop3A_746 {add = true, strides = array<i32>} : memref<328x256xf32, #tpu.memory_space<vmem>>, vector<16xf32>,
              %parallel_loop3A_750 = arith.addi %multiple_of3A_583, %parallel_loop3A_635 : i32
              %parallel_loop3A_751 = arith.index_cast %parallel_loop3A_750 : i32 to index
              %parallel_loop3A_752 = arith.constant 160 : index
              %parallel_loop3A_753 = tpu.vector_load %arg13[%parallel_loop3A_751, %parallel_loop3A_752] {strides = array<i32>} : memref<64x256xf32, #tpu.memory_space<vmem>>, vector<16xf32>,
              %parallel_loop3A_754 = vector.broadcast %parallel_loop3A_659 : f32 to vector<16xf32>
              %parallel_loop3A_755 = arith.mulf %parallel_loop3A_753, %parallel_loop3A_754 : vector<16xf32>
              %parallel_loop3A_756 = arith.index_cast %parallel_loop3A_652 : i32 to index
              %parallel_loop3A_757 = arith.constant 160 : index
              %parallel_loop3A_758 = tpu.vector_load %arg18[%parallel_loop3A_756, %parallel_loop3A_757] {strides = array<i32>} : memref<328x256xf32, #tpu.memory_space<vmem>>, vector<16xf32>,
              tpu.vector_store %arg18[%parallel_loop3A_756, %parallel_loop3A_757], %parallel_loop3A_755 {add = true, strides = array<i32>} : memref<328x256xf32, #tpu.memory_space<vmem>>, vector<16xf32>,
              %parallel_loop3A_759 = arith.addi %multiple_of3A_583, %parallel_loop3A_635 : i32
              %parallel_loop3A_760 = arith.index_cast %parallel_loop3A_759 : i32 to index
              %parallel_loop3A_761 = arith.constant 176 : index
              %parallel_loop3A_762 = tpu.vector_load %arg13[%parallel_loop3A_760, %parallel_loop3A_761] {strides = array<i32>} : memref<64x256xf32, #tpu.memory_space<vmem>>, vector<16xf32>,
              %parallel_loop3A_763 = vector.broadcast %parallel_loop3A_659 : f32 to vector<16xf32>
              %parallel_loop3A_764 = arith.mulf %parallel_loop3A_762, %parallel_loop3A_763 : vector<16xf32>
              %parallel_loop3A_765 = arith.index_cast %parallel_loop3A_652 : i32 to index
              %parallel_loop3A_766 = arith.constant 176 : index
              %parallel_loop3A_767 = tpu.vector_load %arg18[%parallel_loop3A_765, %parallel_loop3A_766] {strides = array<i32>} : memref<328x256xf32, #tpu.memory_space<vmem>>, vector<16xf32>,
              tpu.vector_store %arg18[%parallel_loop3A_765, %parallel_loop3A_766], %parallel_loop3A_764 {add = true, strides = array<i32>} : memref<328x256xf32, #tpu.memory_space<vmem>>, vector<16xf32>,
              %parallel_loop3A_768 = arith.addi %multiple_of3A_583, %parallel_loop3A_635 : i32
              %parallel_loop3A_769 = arith.index_cast %parallel_loop3A_768 : i32 to index
              %parallel_loop3A_770 = arith.constant 192 : index
              %parallel_loop3A_771 = tpu.vector_load %arg13[%parallel_loop3A_769, %parallel_loop3A_770] {strides = array<i32>} : memref<64x256xf32, #tpu.memory_space<vmem>>, vector<16xf32>,
              %parallel_loop3A_772 = vector.broadcast %parallel_loop3A_659 : f32 to vector<16xf32>
              %parallel_loop3A_773 = arith.mulf %parallel_loop3A_771, %parallel_loop3A_772 : vector<16xf32>
              %parallel_loop3A_774 = arith.index_cast %parallel_loop3A_652 : i32 to index
              %parallel_loop3A_775 = arith.constant 192 : index
              %parallel_loop3A_776 = tpu.vector_load %arg18[%parallel_loop3A_774, %parallel_loop3A_775] {strides = array<i32>} : memref<328x256xf32, #tpu.memory_space<vmem>>, vector<16xf32>,
              tpu.vector_store %arg18[%parallel_loop3A_774, %parallel_loop3A_775], %parallel_loop3A_773 {add = true, strides = array<i32>} : memref<328x256xf32, #tpu.memory_space<vmem>>, vector<16xf32>,
              %parallel_loop3A_777 = arith.addi %multiple_of3A_583, %parallel_loop3A_635 : i32
              %parallel_loop3A_778 = arith.index_cast %parallel_loop3A_777 : i32 to index
              %parallel_loop3A_779 = arith.constant 208 : index
              %parallel_loop3A_780 = tpu.vector_load %arg13[%parallel_loop3A_778, %parallel_loop3A_779] {strides = array<i32>} : memref<64x256xf32, #tpu.memory_space<vmem>>, vector<16xf32>,
              %parallel_loop3A_781 = vector.broadcast %parallel_loop3A_659 : f32 to vector<16xf32>
              %parallel_loop3A_782 = arith.mulf %parallel_loop3A_780, %parallel_loop3A_781 : vector<16xf32>
              %parallel_loop3A_783 = arith.index_cast %parallel_loop3A_652 : i32 to index
              %parallel_loop3A_784 = arith.constant 208 : index
              %parallel_loop3A_785 = tpu.vector_load %arg18[%parallel_loop3A_783, %parallel_loop3A_784] {strides = array<i32>} : memref<328x256xf32, #tpu.memory_space<vmem>>, vector<16xf32>,
              tpu.vector_store %arg18[%parallel_loop3A_783, %parallel_loop3A_784], %parallel_loop3A_782 {add = true, strides = array<i32>} : memref<328x256xf32, #tpu.memory_space<vmem>>, vector<16xf32>,
              %parallel_loop3A_786 = arith.addi %multiple_of3A_583, %parallel_loop3A_635 : i32
              %parallel_loop3A_787 = arith.index_cast %parallel_loop3A_786 : i32 to index
              %parallel_loop3A_788 = arith.constant 224 : index
              %parallel_loop3A_789 = tpu.vector_load %arg13[%parallel_loop3A_787, %parallel_loop3A_788] {strides = array<i32>} : memref<64x256xf32, #tpu.memory_space<vmem>>, vector<16xf32>,
              %parallel_loop3A_790 = vector.broadcast %parallel_loop3A_659 : f32 to vector<16xf32>
              %parallel_loop3A_791 = arith.mulf %parallel_loop3A_789, %parallel_loop3A_790 : vector<16xf32>
              %parallel_loop3A_792 = arith.index_cast %parallel_loop3A_652 : i32 to index
              %parallel_loop3A_793 = arith.constant 224 : index
              %parallel_loop3A_794 = tpu.vector_load %arg18[%parallel_loop3A_792, %parallel_loop3A_793] {strides = array<i32>} : memref<328x256xf32, #tpu.memory_space<vmem>>, vector<16xf32>,
              tpu.vector_store %arg18[%parallel_loop3A_792, %parallel_loop3A_793], %parallel_loop3A_791 {add = true, strides = array<i32>} : memref<328x256xf32, #tpu.memory_space<vmem>>, vector<16xf32>,
              %parallel_loop3A_795 = arith.addi %multiple_of3A_583, %parallel_loop3A_635 : i32
              %parallel_loop3A_796 = arith.index_cast %parallel_loop3A_795 : i32 to index
              %parallel_loop3A_797 = arith.constant 240 : index
              %parallel_loop3A_798 = tpu.vector_load %arg13[%parallel_loop3A_796, %parallel_loop3A_797] {strides = array<i32>} : memref<64x256xf32, #tpu.memory_space<vmem>>, vector<16xf32>,
              %parallel_loop3A_799 = vector.broadcast %parallel_loop3A_659 : f32 to vector<16xf32>
              %parallel_loop3A_800 = arith.mulf %parallel_loop3A_798, %parallel_loop3A_799 : vector<16xf32>
              %parallel_loop3A_801 = arith.index_cast %parallel_loop3A_652 : i32 to index
              %parallel_loop3A_802 = arith.constant 240 : index
              %parallel_loop3A_803 = tpu.vector_load %arg18[%parallel_loop3A_801, %parallel_loop3A_802] {strides = array<i32>} : memref<328x256xf32, #tpu.memory_space<vmem>>, vector<16xf32>,
              tpu.vector_store %arg18[%parallel_loop3A_801, %parallel_loop3A_802], %parallel_loop3A_800 {add = true, strides = array<i32>} : memref<328x256xf32, #tpu.memory_space<vmem>>, vector<16xf32>,
            } {sc.loop_unroll_factor = 4 : i64, sc.parallel_access}
          } else {
          }
        } else {
        }
        %sub3A_481 = arith.constant 32 : i32
        %sub3A_482 = arith.subi %add3A_475, %sub3A_481 : i32
        %select_n3A_483 = arith.select %ge3A_477, %sub3A_482, %add3A_475 : i32
        %jit3A_484 = arith.constant 1 : i32
        %select_n3A_485 = arith.select %ge3A_477, %jit3A_484, %select_n3A_418 : i32
        %sub3A_486 = arith.constant 1 : i32
        %sub3A_487 = arith.subi %sub3A_486, %select_n3A_421 : i32
        %select_n3A_488 = arith.select %ge3A_477, %sub3A_487, %select_n3A_421 : i32
        scf.yield %select_n3A_483, %select_n3A_485, %select_n3A_488 : i32, i32, i32
      }
      %scan3A_356 = arith.constant 100 : i32
      scf.yield %scan3A_355#0, %scan3A_355#1, %scan3A_355#2 : i32, i32, i32
    }
    %scan3A_128 = arith.constant 50 : i32
    %eq3A = arith.constant 1 : i32
    %eq3A_129 = arith.cmpi eq, %scan3A_127#1, %eq3A : i32
    %convert_element_type3A = arith.extui %eq3A_129 : i1 to i32
    %cond3A = arith.constant 0 : i32
    %cond3A_130 = arith.cmpi ne, %convert_element_type3A, %cond3A : i32
    scf.if %cond3A_130 {
      %sub3A_297 = arith.constant 1 : i32
      %sub3A_298 = arith.subi %sub3A_297, %scan3A_127#2 : i32
      %mul3A_299 = arith.constant 32 : i32
      %mul3A_300 = arith.muli %sub3A_298, %mul3A_299 : i32
      %multiple_of3A_301 = tpu.assume_multiple %mul3A_300, 32 : i32
      %add3A_302 = arith.constant 0 : i32
      %add3A_303 = arith.addi %multiple_of3A_301, %add3A_302 : i32
      %add3A_304 = arith.constant 0 : i32
      %add3A_305 = arith.addi %multiple_of3A_301, %add3A_304 : i32
      %dma_wait3A_306 = arith.constant 0 : i32
      %dma_wait3A_307 = tpu.memref_slice %arg13[%add3A_305, %dma_wait3A_306] : memref<64x256xf32, #tpu.memory_space<vmem>> -> memref<16x256xf32, #tpu.memory_space<vmem>>
      %dma_wait3A_308 = tpu.memref_slice %arg17[%add3A_303] : memref<64xi32, #tpu.memory_space<vmem>> -> memref<16xi32, #tpu.memory_space<vmem>>
      %dma_wait3A_309 = arith.constant 0 : i32
      %dma_wait3A_310 = arith.constant 0 : i32
      %dma_wait3A_311 = tpu.memref_slice %arg2[%dma_wait3A_309, %dma_wait3A_310] : memref<50000x256xf32, #tpu.memory_space<hbm>> -> memref<50000x256xf32, #tpu.memory_space<hbm>>
      %dma_wait3A_312 = tpu.memref_slice %arg21[%sub3A_298] : memref<2x!tpu.dma_semaphore, #tpu.memory_space<semaphore_mem>> -> memref<1x!tpu.dma_semaphore, #tpu.memory_space<semaphore_mem>>
      %dma_wait3A_313 = tpu.memref_squeeze %dma_wait3A_312 : memref<1x!tpu.dma_semaphore, #tpu.memory_space<semaphore_mem>> -> memref<!tpu.dma_semaphore, #tpu.memory_space<semaphore_mem>>
      tpu.wait_indirect_dma semaphore(%dma_wait3A_313 : memref<!tpu.dma_semaphore, #tpu.memory_space<semaphore_mem>>) src(%dma_wait3A_311 : memref<50000x256xf32, #tpu.memory_space<hbm>>) dst(%dma_wait3A_307 : memref<16x256xf32, #tpu.memory_space<vmem>>)
      %add3A_314 = arith.constant 16 : i32
      %add3A_315 = arith.addi %multiple_of3A_301, %add3A_314 : i32
      %add3A_316 = arith.constant 16 : i32
      %add3A_317 = arith.addi %multiple_of3A_301, %add3A_316 : i32
      %dma_wait3A_318 = arith.constant 0 : i32
      %dma_wait3A_319 = tpu.memref_slice %arg13[%add3A_317, %dma_wait3A_318] : memref<64x256xf32, #tpu.memory_space<vmem>> -> memref<16x256xf32, #tpu.memory_space<vmem>>
      %dma_wait3A_320 = tpu.memref_slice %arg17[%add3A_315] : memref<64xi32, #tpu.memory_space<vmem>> -> memref<16xi32, #tpu.memory_space<vmem>>
      %dma_wait3A_321 = arith.constant 0 : i32
      %dma_wait3A_322 = arith.constant 0 : i32
      %dma_wait3A_323 = tpu.memref_slice %arg2[%dma_wait3A_321, %dma_wait3A_322] : memref<50000x256xf32, #tpu.memory_space<hbm>> -> memref<50000x256xf32, #tpu.memory_space<hbm>>
      %dma_wait3A_324 = tpu.memref_slice %arg21[%sub3A_298] : memref<2x!tpu.dma_semaphore, #tpu.memory_space<semaphore_mem>> -> memref<1x!tpu.dma_semaphore, #tpu.memory_space<semaphore_mem>>
      %dma_wait3A_325 = tpu.memref_squeeze %dma_wait3A_324 : memref<1x!tpu.dma_semaphore, #tpu.memory_space<semaphore_mem>> -> memref<!tpu.dma_semaphore, #tpu.memory_space<semaphore_mem>>
      tpu.wait_indirect_dma semaphore(%dma_wait3A_325 : memref<!tpu.dma_semaphore, #tpu.memory_space<semaphore_mem>>) src(%dma_wait3A_323 : memref<50000x256xf32, #tpu.memory_space<hbm>>) dst(%dma_wait3A_319 : memref<16x256xf32, #tpu.memory_space<vmem>>)
      %add3A_326 = arith.constant 64 : i32
      %add3A_327 = arith.addi %add3A_326, %multiple_of3A_301 : i32
      %add3A_328 = arith.constant 0 : i32
      %add3A_329 = arith.addi %add3A_327, %add3A_328 : i32
      %get3A_330 = arith.index_cast %add3A_329 : i32 to index
      %get3A_331 = tpu.vector_load %arg15[%get3A_330] {strides = array<i32>} : memref<128xi32, #tpu.memory_space<vmem>>, vector<16xi32>,
      %add3A_332 = arith.constant 64 : i32
      %add3A_333 = arith.addi %add3A_332, %multiple_of3A_301 : i32
      %add3A_334 = arith.constant 16 : i32
      %add3A_335 = arith.addi %add3A_333, %add3A_334 : i32
      %get3A_336 = arith.index_cast %add3A_335 : i32 to index
      %get3A_337 = tpu.vector_load %arg15[%get3A_336] {strides = array<i32>} : memref<128xi32, #tpu.memory_space<vmem>>, vector<16xi32>,
      %add3A_338 = arith.constant 64 : i32
      %add3A_339 = arith.addi %add3A_338, %multiple_of3A_301 : i32
      %add3A_340 = arith.constant 0 : i32
      %add3A_341 = arith.addi %add3A_339, %add3A_340 : i32
      %get3A_342 = arith.index_cast %add3A_341 : i32 to index
      %get3A_343 = tpu.vector_load %arg16[%get3A_342] {strides = array<i32>} : memref<128xf32, #tpu.memory_space<vmem>>, vector<16xf32>,
      %add3A_344 = arith.constant 64 : i32
      %add3A_345 = arith.addi %add3A_344, %multiple_of3A_301 : i32
      %add3A_346 = arith.constant 16 : i32
      %add3A_347 = arith.addi %add3A_345, %add3A_346 : i32
      %get3A_348 = arith.index_cast %add3A_347 : i32 to index
      %get3A_349 = tpu.vector_load %arg16[%get3A_348] {strides = array<i32>} : memref<128xf32, #tpu.memory_space<vmem>>, vector<16xf32>,
      %parallel_loop3A_350 = arith.constant 0 : i32
      %parallel_loop3A_351 = arith.constant 32 : i32
      %parallel_loop3A_352 = arith.constant 1 : i32
      scf.for %parallel_loop3A_353 = %parallel_loop3A_350 to %parallel_loop3A_351 step %parallel_loop3A_352  : i32 {
        %parallel_loop3A_354 = arith.constant 15 : i32
        %parallel_loop3A_355 = arith.andi %parallel_loop3A_353, %parallel_loop3A_354 : i32
        %parallel_loop3A_356 = vector.broadcast %parallel_loop3A_355 : i32 to vector<16xi32>
        %parallel_loop3A_357 = arith.cmpi eq, %iota3A, %parallel_loop3A_356 : vector<16xi32>
        %parallel_loop3A_358 = arith.constant 16 : i32
        %parallel_loop3A_359 = arith.cmpi slt, %parallel_loop3A_353, %parallel_loop3A_358 : i32
        %parallel_loop3A_360 = arith.select %parallel_loop3A_359, %get3A_331, %get3A_337 : vector<16xi32>
        %parallel_loop3A_361 = arith.constant 16 : i32
        %parallel_loop3A_362 = arith.cmpi slt, %parallel_loop3A_353, %parallel_loop3A_361 : i32
        %parallel_loop3A_363 = arith.select %parallel_loop3A_362, %get3A_343, %get3A_349 : vector<16xf32>
        %parallel_loop3A_364 = arith.constant 0 : i32
        %parallel_loop3A_365 = vector.broadcast %parallel_loop3A_364 : i32 to vector<16xi32>
        %parallel_loop3A_366 = arith.select %parallel_loop3A_357, %parallel_loop3A_360, %parallel_loop3A_365 : vector<16xi1>, vector<16xi32>
        %parallel_loop3A_367 = arith.constant true
        %parallel_loop3A_368 = vector.broadcast %parallel_loop3A_367 : i1 to vector<16xi1>
        %parallel_loop3A_369 = tpu.scan <sum>, %parallel_loop3A_366 masked %parallel_loop3A_368 : vector<16xi32>, vector<16xi1> -> vector<16xi32>
        %parallel_loop3A_370 = vector.extract %parallel_loop3A_369[15] : i32 from vector<16xi32>
        %parallel_loop3A_371 = arith.constant 0.000000e+00 : f32
        %parallel_loop3A_372 = vector.broadcast %parallel_loop3A_371 : f32 to vector<16xf32>
        %parallel_loop3A_373 = arith.select %parallel_loop3A_357, %parallel_loop3A_363, %parallel_loop3A_372 : vector<16xi1>, vector<16xf32>
        %parallel_loop3A_374 = arith.constant true
        %parallel_loop3A_375 = vector.broadcast %parallel_loop3A_374 : i1 to vector<16xi1>
        %parallel_loop3A_376 = tpu.scan <sum>, %parallel_loop3A_373 masked %parallel_loop3A_375 : vector<16xf32>, vector<16xi1> -> vector<16xf32>
        %parallel_loop3A_377 = vector.extract %parallel_loop3A_376[15] : f32 from vector<16xf32>
        %parallel_loop3A_378 = arith.addi %multiple_of3A_301, %parallel_loop3A_353 : i32
        %parallel_loop3A_379 = arith.index_cast %parallel_loop3A_378 : i32 to index
        %parallel_loop3A_380 = arith.constant 0 : index
        %parallel_loop3A_381 = tpu.vector_load %arg13[%parallel_loop3A_379, %parallel_loop3A_380] {strides = array<i32>} : memref<64x256xf32, #tpu.memory_space<vmem>>, vector<16xf32>,
        %parallel_loop3A_382 = vector.broadcast %parallel_loop3A_377 : f32 to vector<16xf32>
        %parallel_loop3A_383 = arith.mulf %parallel_loop3A_381, %parallel_loop3A_382 : vector<16xf32>
        %parallel_loop3A_384 = arith.index_cast %parallel_loop3A_370 : i32 to index
        %parallel_loop3A_385 = arith.constant 0 : index
        %parallel_loop3A_386 = tpu.vector_load %arg18[%parallel_loop3A_384, %parallel_loop3A_385] {strides = array<i32>} : memref<328x256xf32, #tpu.memory_space<vmem>>, vector<16xf32>,
        tpu.vector_store %arg18[%parallel_loop3A_384, %parallel_loop3A_385], %parallel_loop3A_383 {add = true, strides = array<i32>} : memref<328x256xf32, #tpu.memory_space<vmem>>, vector<16xf32>,
        %parallel_loop3A_387 = arith.addi %multiple_of3A_301, %parallel_loop3A_353 : i32
        %parallel_loop3A_388 = arith.index_cast %parallel_loop3A_387 : i32 to index
        %parallel_loop3A_389 = arith.constant 16 : index
        %parallel_loop3A_390 = tpu.vector_load %arg13[%parallel_loop3A_388, %parallel_loop3A_389] {strides = array<i32>} : memref<64x256xf32, #tpu.memory_space<vmem>>, vector<16xf32>,
        %parallel_loop3A_391 = vector.broadcast %parallel_loop3A_377 : f32 to vector<16xf32>
        %parallel_loop3A_392 = arith.mulf %parallel_loop3A_390, %parallel_loop3A_391 : vector<16xf32>
        %parallel_loop3A_393 = arith.index_cast %parallel_loop3A_370 : i32 to index
        %parallel_loop3A_394 = arith.constant 16 : index
        %parallel_loop3A_395 = tpu.vector_load %arg18[%parallel_loop3A_393, %parallel_loop3A_394] {strides = array<i32>} : memref<328x256xf32, #tpu.memory_space<vmem>>, vector<16xf32>,
        tpu.vector_store %arg18[%parallel_loop3A_393, %parallel_loop3A_394], %parallel_loop3A_392 {add = true, strides = array<i32>} : memref<328x256xf32, #tpu.memory_space<vmem>>, vector<16xf32>,
        %parallel_loop3A_396 = arith.addi %multiple_of3A_301, %parallel_loop3A_353 : i32
        %parallel_loop3A_397 = arith.index_cast %parallel_loop3A_396 : i32 to index
        %parallel_loop3A_398 = arith.constant 32 : index
        %parallel_loop3A_399 = tpu.vector_load %arg13[%parallel_loop3A_397, %parallel_loop3A_398] {strides = array<i32>} : memref<64x256xf32, #tpu.memory_space<vmem>>, vector<16xf32>,
        %parallel_loop3A_400 = vector.broadcast %parallel_loop3A_377 : f32 to vector<16xf32>
        %parallel_loop3A_401 = arith.mulf %parallel_loop3A_399, %parallel_loop3A_400 : vector<16xf32>
        %parallel_loop3A_402 = arith.index_cast %parallel_loop3A_370 : i32 to index
        %parallel_loop3A_403 = arith.constant 32 : index
        %parallel_loop3A_404 = tpu.vector_load %arg18[%parallel_loop3A_402, %parallel_loop3A_403] {strides = array<i32>} : memref<328x256xf32, #tpu.memory_space<vmem>>, vector<16xf32>,
        tpu.vector_store %arg18[%parallel_loop3A_402, %parallel_loop3A_403], %parallel_loop3A_401 {add = true, strides = array<i32>} : memref<328x256xf32, #tpu.memory_space<vmem>>, vector<16xf32>,
        %parallel_loop3A_405 = arith.addi %multiple_of3A_301, %parallel_loop3A_353 : i32
        %parallel_loop3A_406 = arith.index_cast %parallel_loop3A_405 : i32 to index
        %parallel_loop3A_407 = arith.constant 48 : index
        %parallel_loop3A_408 = tpu.vector_load %arg13[%parallel_loop3A_406, %parallel_loop3A_407] {strides = array<i32>} : memref<64x256xf32, #tpu.memory_space<vmem>>, vector<16xf32>,
        %parallel_loop3A_409 = vector.broadcast %parallel_loop3A_377 : f32 to vector<16xf32>
        %parallel_loop3A_410 = arith.mulf %parallel_loop3A_408, %parallel_loop3A_409 : vector<16xf32>
        %parallel_loop3A_411 = arith.index_cast %parallel_loop3A_370 : i32 to index
        %parallel_loop3A_412 = arith.constant 48 : index
        %parallel_loop3A_413 = tpu.vector_load %arg18[%parallel_loop3A_411, %parallel_loop3A_412] {strides = array<i32>} : memref<328x256xf32, #tpu.memory_space<vmem>>, vector<16xf32>,
        tpu.vector_store %arg18[%parallel_loop3A_411, %parallel_loop3A_412], %parallel_loop3A_410 {add = true, strides = array<i32>} : memref<328x256xf32, #tpu.memory_space<vmem>>, vector<16xf32>,
        %parallel_loop3A_414 = arith.addi %multiple_of3A_301, %parallel_loop3A_353 : i32
        %parallel_loop3A_415 = arith.index_cast %parallel_loop3A_414 : i32 to index
        %parallel_loop3A_416 = arith.constant 64 : index
        %parallel_loop3A_417 = tpu.vector_load %arg13[%parallel_loop3A_415, %parallel_loop3A_416] {strides = array<i32>} : memref<64x256xf32, #tpu.memory_space<vmem>>, vector<16xf32>,
        %parallel_loop3A_418 = vector.broadcast %parallel_loop3A_377 : f32 to vector<16xf32>
        %parallel_loop3A_419 = arith.mulf %parallel_loop3A_417, %parallel_loop3A_418 : vector<16xf32>
        %parallel_loop3A_420 = arith.index_cast %parallel_loop3A_370 : i32 to index
        %parallel_loop3A_421 = arith.constant 64 : index
        %parallel_loop3A_422 = tpu.vector_load %arg18[%parallel_loop3A_420, %parallel_loop3A_421] {strides = array<i32>} : memref<328x256xf32, #tpu.memory_space<vmem>>, vector<16xf32>,
        tpu.vector_store %arg18[%parallel_loop3A_420, %parallel_loop3A_421], %parallel_loop3A_419 {add = true, strides = array<i32>} : memref<328x256xf32, #tpu.memory_space<vmem>>, vector<16xf32>,
        %parallel_loop3A_423 = arith.addi %multiple_of3A_301, %parallel_loop3A_353 : i32
        %parallel_loop3A_424 = arith.index_cast %parallel_loop3A_423 : i32 to index
        %parallel_loop3A_425 = arith.constant 80 : index
        %parallel_loop3A_426 = tpu.vector_load %arg13[%parallel_loop3A_424, %parallel_loop3A_425] {strides = array<i32>} : memref<64x256xf32, #tpu.memory_space<vmem>>, vector<16xf32>,
        %parallel_loop3A_427 = vector.broadcast %parallel_loop3A_377 : f32 to vector<16xf32>
        %parallel_loop3A_428 = arith.mulf %parallel_loop3A_426, %parallel_loop3A_427 : vector<16xf32>
        %parallel_loop3A_429 = arith.index_cast %parallel_loop3A_370 : i32 to index
        %parallel_loop3A_430 = arith.constant 80 : index
        %parallel_loop3A_431 = tpu.vector_load %arg18[%parallel_loop3A_429, %parallel_loop3A_430] {strides = array<i32>} : memref<328x256xf32, #tpu.memory_space<vmem>>, vector<16xf32>,
        tpu.vector_store %arg18[%parallel_loop3A_429, %parallel_loop3A_430], %parallel_loop3A_428 {add = true, strides = array<i32>} : memref<328x256xf32, #tpu.memory_space<vmem>>, vector<16xf32>,
        %parallel_loop3A_432 = arith.addi %multiple_of3A_301, %parallel_loop3A_353 : i32
        %parallel_loop3A_433 = arith.index_cast %parallel_loop3A_432 : i32 to index
        %parallel_loop3A_434 = arith.constant 96 : index
        %parallel_loop3A_435 = tpu.vector_load %arg13[%parallel_loop3A_433, %parallel_loop3A_434] {strides = array<i32>} : memref<64x256xf32, #tpu.memory_space<vmem>>, vector<16xf32>,
        %parallel_loop3A_436 = vector.broadcast %parallel_loop3A_377 : f32 to vector<16xf32>
        %parallel_loop3A_437 = arith.mulf %parallel_loop3A_435, %parallel_loop3A_436 : vector<16xf32>
        %parallel_loop3A_438 = arith.index_cast %parallel_loop3A_370 : i32 to index
        %parallel_loop3A_439 = arith.constant 96 : index
        %parallel_loop3A_440 = tpu.vector_load %arg18[%parallel_loop3A_438, %parallel_loop3A_439] {strides = array<i32>} : memref<328x256xf32, #tpu.memory_space<vmem>>, vector<16xf32>,
        tpu.vector_store %arg18[%parallel_loop3A_438, %parallel_loop3A_439], %parallel_loop3A_437 {add = true, strides = array<i32>} : memref<328x256xf32, #tpu.memory_space<vmem>>, vector<16xf32>,
        %parallel_loop3A_441 = arith.addi %multiple_of3A_301, %parallel_loop3A_353 : i32
        %parallel_loop3A_442 = arith.index_cast %parallel_loop3A_441 : i32 to index
        %parallel_loop3A_443 = arith.constant 112 : index
        %parallel_loop3A_444 = tpu.vector_load %arg13[%parallel_loop3A_442, %parallel_loop3A_443] {strides = array<i32>} : memref<64x256xf32, #tpu.memory_space<vmem>>, vector<16xf32>,
        %parallel_loop3A_445 = vector.broadcast %parallel_loop3A_377 : f32 to vector<16xf32>
        %parallel_loop3A_446 = arith.mulf %parallel_loop3A_444, %parallel_loop3A_445 : vector<16xf32>
        %parallel_loop3A_447 = arith.index_cast %parallel_loop3A_370 : i32 to index
        %parallel_loop3A_448 = arith.constant 112 : index
        %parallel_loop3A_449 = tpu.vector_load %arg18[%parallel_loop3A_447, %parallel_loop3A_448] {strides = array<i32>} : memref<328x256xf32, #tpu.memory_space<vmem>>, vector<16xf32>,
        tpu.vector_store %arg18[%parallel_loop3A_447, %parallel_loop3A_448], %parallel_loop3A_446 {add = true, strides = array<i32>} : memref<328x256xf32, #tpu.memory_space<vmem>>, vector<16xf32>,
        %parallel_loop3A_450 = arith.addi %multiple_of3A_301, %parallel_loop3A_353 : i32
        %parallel_loop3A_451 = arith.index_cast %parallel_loop3A_450 : i32 to index
        %parallel_loop3A_452 = arith.constant 128 : index
        %parallel_loop3A_453 = tpu.vector_load %arg13[%parallel_loop3A_451, %parallel_loop3A_452] {strides = array<i32>} : memref<64x256xf32, #tpu.memory_space<vmem>>, vector<16xf32>,
        %parallel_loop3A_454 = vector.broadcast %parallel_loop3A_377 : f32 to vector<16xf32>
        %parallel_loop3A_455 = arith.mulf %parallel_loop3A_453, %parallel_loop3A_454 : vector<16xf32>
        %parallel_loop3A_456 = arith.index_cast %parallel_loop3A_370 : i32 to index
        %parallel_loop3A_457 = arith.constant 128 : index
        %parallel_loop3A_458 = tpu.vector_load %arg18[%parallel_loop3A_456, %parallel_loop3A_457] {strides = array<i32>} : memref<328x256xf32, #tpu.memory_space<vmem>>, vector<16xf32>,
        tpu.vector_store %arg18[%parallel_loop3A_456, %parallel_loop3A_457], %parallel_loop3A_455 {add = true, strides = array<i32>} : memref<328x256xf32, #tpu.memory_space<vmem>>, vector<16xf32>,
        %parallel_loop3A_459 = arith.addi %multiple_of3A_301, %parallel_loop3A_353 : i32
        %parallel_loop3A_460 = arith.index_cast %parallel_loop3A_459 : i32 to index
        %parallel_loop3A_461 = arith.constant 144 : index
        %parallel_loop3A_462 = tpu.vector_load %arg13[%parallel_loop3A_460, %parallel_loop3A_461] {strides = array<i32>} : memref<64x256xf32, #tpu.memory_space<vmem>>, vector<16xf32>,
        %parallel_loop3A_463 = vector.broadcast %parallel_loop3A_377 : f32 to vector<16xf32>
        %parallel_loop3A_464 = arith.mulf %parallel_loop3A_462, %parallel_loop3A_463 : vector<16xf32>
        %parallel_loop3A_465 = arith.index_cast %parallel_loop3A_370 : i32 to index
        %parallel_loop3A_466 = arith.constant 144 : index
        %parallel_loop3A_467 = tpu.vector_load %arg18[%parallel_loop3A_465, %parallel_loop3A_466] {strides = array<i32>} : memref<328x256xf32, #tpu.memory_space<vmem>>, vector<16xf32>,
        tpu.vector_store %arg18[%parallel_loop3A_465, %parallel_loop3A_466], %parallel_loop3A_464 {add = true, strides = array<i32>} : memref<328x256xf32, #tpu.memory_space<vmem>>, vector<16xf32>,
        %parallel_loop3A_468 = arith.addi %multiple_of3A_301, %parallel_loop3A_353 : i32
        %parallel_loop3A_469 = arith.index_cast %parallel_loop3A_468 : i32 to index
        %parallel_loop3A_470 = arith.constant 160 : index
        %parallel_loop3A_471 = tpu.vector_load %arg13[%parallel_loop3A_469, %parallel_loop3A_470] {strides = array<i32>} : memref<64x256xf32, #tpu.memory_space<vmem>>, vector<16xf32>,
        %parallel_loop3A_472 = vector.broadcast %parallel_loop3A_377 : f32 to vector<16xf32>
        %parallel_loop3A_473 = arith.mulf %parallel_loop3A_471, %parallel_loop3A_472 : vector<16xf32>
        %parallel_loop3A_474 = arith.index_cast %parallel_loop3A_370 : i32 to index
        %parallel_loop3A_475 = arith.constant 160 : index
        %parallel_loop3A_476 = tpu.vector_load %arg18[%parallel_loop3A_474, %parallel_loop3A_475] {strides = array<i32>} : memref<328x256xf32, #tpu.memory_space<vmem>>, vector<16xf32>,
        tpu.vector_store %arg18[%parallel_loop3A_474, %parallel_loop3A_475], %parallel_loop3A_473 {add = true, strides = array<i32>} : memref<328x256xf32, #tpu.memory_space<vmem>>, vector<16xf32>,
        %parallel_loop3A_477 = arith.addi %multiple_of3A_301, %parallel_loop3A_353 : i32
        %parallel_loop3A_478 = arith.index_cast %parallel_loop3A_477 : i32 to index
        %parallel_loop3A_479 = arith.constant 176 : index
        %parallel_loop3A_480 = tpu.vector_load %arg13[%parallel_loop3A_478, %parallel_loop3A_479] {strides = array<i32>} : memref<64x256xf32, #tpu.memory_space<vmem>>, vector<16xf32>,
        %parallel_loop3A_481 = vector.broadcast %parallel_loop3A_377 : f32 to vector<16xf32>
        %parallel_loop3A_482 = arith.mulf %parallel_loop3A_480, %parallel_loop3A_481 : vector<16xf32>
        %parallel_loop3A_483 = arith.index_cast %parallel_loop3A_370 : i32 to index
        %parallel_loop3A_484 = arith.constant 176 : index
        %parallel_loop3A_485 = tpu.vector_load %arg18[%parallel_loop3A_483, %parallel_loop3A_484] {strides = array<i32>} : memref<328x256xf32, #tpu.memory_space<vmem>>, vector<16xf32>,
        tpu.vector_store %arg18[%parallel_loop3A_483, %parallel_loop3A_484], %parallel_loop3A_482 {add = true, strides = array<i32>} : memref<328x256xf32, #tpu.memory_space<vmem>>, vector<16xf32>,
        %parallel_loop3A_486 = arith.addi %multiple_of3A_301, %parallel_loop3A_353 : i32
        %parallel_loop3A_487 = arith.index_cast %parallel_loop3A_486 : i32 to index
        %parallel_loop3A_488 = arith.constant 192 : index
        %parallel_loop3A_489 = tpu.vector_load %arg13[%parallel_loop3A_487, %parallel_loop3A_488] {strides = array<i32>} : memref<64x256xf32, #tpu.memory_space<vmem>>, vector<16xf32>,
        %parallel_loop3A_490 = vector.broadcast %parallel_loop3A_377 : f32 to vector<16xf32>
        %parallel_loop3A_491 = arith.mulf %parallel_loop3A_489, %parallel_loop3A_490 : vector<16xf32>
        %parallel_loop3A_492 = arith.index_cast %parallel_loop3A_370 : i32 to index
        %parallel_loop3A_493 = arith.constant 192 : index
        %parallel_loop3A_494 = tpu.vector_load %arg18[%parallel_loop3A_492, %parallel_loop3A_493] {strides = array<i32>} : memref<328x256xf32, #tpu.memory_space<vmem>>, vector<16xf32>,
        tpu.vector_store %arg18[%parallel_loop3A_492, %parallel_loop3A_493], %parallel_loop3A_491 {add = true, strides = array<i32>} : memref<328x256xf32, #tpu.memory_space<vmem>>, vector<16xf32>,
        %parallel_loop3A_495 = arith.addi %multiple_of3A_301, %parallel_loop3A_353 : i32
        %parallel_loop3A_496 = arith.index_cast %parallel_loop3A_495 : i32 to index
        %parallel_loop3A_497 = arith.constant 208 : index
        %parallel_loop3A_498 = tpu.vector_load %arg13[%parallel_loop3A_496, %parallel_loop3A_497] {strides = array<i32>} : memref<64x256xf32, #tpu.memory_space<vmem>>, vector<16xf32>,
        %parallel_loop3A_499 = vector.broadcast %parallel_loop3A_377 : f32 to vector<16xf32>
        %parallel_loop3A_500 = arith.mulf %parallel_loop3A_498, %parallel_loop3A_499 : vector<16xf32>
        %parallel_loop3A_501 = arith.index_cast %parallel_loop3A_370 : i32 to index
        %parallel_loop3A_502 = arith.constant 208 : index
        %parallel_loop3A_503 = tpu.vector_load %arg18[%parallel_loop3A_501, %parallel_loop3A_502] {strides = array<i32>} : memref<328x256xf32, #tpu.memory_space<vmem>>, vector<16xf32>,
        tpu.vector_store %arg18[%parallel_loop3A_501, %parallel_loop3A_502], %parallel_loop3A_500 {add = true, strides = array<i32>} : memref<328x256xf32, #tpu.memory_space<vmem>>, vector<16xf32>,
        %parallel_loop3A_504 = arith.addi %multiple_of3A_301, %parallel_loop3A_353 : i32
        %parallel_loop3A_505 = arith.index_cast %parallel_loop3A_504 : i32 to index
        %parallel_loop3A_506 = arith.constant 224 : index
        %parallel_loop3A_507 = tpu.vector_load %arg13[%parallel_loop3A_505, %parallel_loop3A_506] {strides = array<i32>} : memref<64x256xf32, #tpu.memory_space<vmem>>, vector<16xf32>,
        %parallel_loop3A_508 = vector.broadcast %parallel_loop3A_377 : f32 to vector<16xf32>
        %parallel_loop3A_509 = arith.mulf %parallel_loop3A_507, %parallel_loop3A_508 : vector<16xf32>
        %parallel_loop3A_510 = arith.index_cast %parallel_loop3A_370 : i32 to index
        %parallel_loop3A_511 = arith.constant 224 : index
        %parallel_loop3A_512 = tpu.vector_load %arg18[%parallel_loop3A_510, %parallel_loop3A_511] {strides = array<i32>} : memref<328x256xf32, #tpu.memory_space<vmem>>, vector<16xf32>,
        tpu.vector_store %arg18[%parallel_loop3A_510, %parallel_loop3A_511], %parallel_loop3A_509 {add = true, strides = array<i32>} : memref<328x256xf32, #tpu.memory_space<vmem>>, vector<16xf32>,
        %parallel_loop3A_513 = arith.addi %multiple_of3A_301, %parallel_loop3A_353 : i32
        %parallel_loop3A_514 = arith.index_cast %parallel_loop3A_513 : i32 to index
        %parallel_loop3A_515 = arith.constant 240 : index
        %parallel_loop3A_516 = tpu.vector_load %arg13[%parallel_loop3A_514, %parallel_loop3A_515] {strides = array<i32>} : memref<64x256xf32, #tpu.memory_space<vmem>>, vector<16xf32>,
        %parallel_loop3A_517 = vector.broadcast %parallel_loop3A_377 : f32 to vector<16xf32>
        %parallel_loop3A_518 = arith.mulf %parallel_loop3A_516, %parallel_loop3A_517 : vector<16xf32>
        %parallel_loop3A_519 = arith.index_cast %parallel_loop3A_370 : i32 to index
        %parallel_loop3A_520 = arith.constant 240 : index
        %parallel_loop3A_521 = tpu.vector_load %arg18[%parallel_loop3A_519, %parallel_loop3A_520] {strides = array<i32>} : memref<328x256xf32, #tpu.memory_space<vmem>>, vector<16xf32>,
        tpu.vector_store %arg18[%parallel_loop3A_519, %parallel_loop3A_520], %parallel_loop3A_518 {add = true, strides = array<i32>} : memref<328x256xf32, #tpu.memory_space<vmem>>, vector<16xf32>,
      } {sc.loop_unroll_factor = 4 : i64, sc.parallel_access}
    } else {
    }
    %min3A_131 = arith.constant 16 : i32
    %min3A_132 = arith.minsi %scan3A_127#0, %min3A_131 : i32
    %sub3A = arith.constant 16 : i32
    %sub3A_133 = arith.subi %scan3A_127#0, %sub3A : i32
    %jit3A = arith.constant 0 : i32
    %jit3A_134 = arith.constant 16 : i32
    %max3A = arith.maxsi %jit3A, %sub3A_133 : i32
    %min3A_135 = arith.minsi %jit3A_134, %max3A : i32
    %lt3A = vector.broadcast %min3A_132 : i32 to vector<16xi32>
    %lt3A_136 = arith.cmpi slt, %iota3A, %lt3A : vector<16xi32>
    %get3A = arith.constant 0 : index
    %get3A_137 = tpu.vector_load %arg15[%get3A] {strides = array<i32>} : memref<128xi32, #tpu.memory_space<vmem>>, vector<16xi32>,
    %jit3A_138 = arith.constant 320 : i32
    %broadcast_in_dim3A_139 = vector.broadcast %jit3A_138 : i32 to vector<16xi32>
    %select_n3A = arith.select %lt3A_136, %get3A_137, %broadcast_in_dim3A_139 : vector<16xi1>, vector<16xi32>
    %swap3A_140 = arith.constant 0 : index
    %swap3A_141 = tpu.vector_load %arg15[%swap3A_140] {strides = array<i32>} : memref<128xi32, #tpu.memory_space<vmem>>, vector<16xi32>,
    tpu.vector_store %arg15[%swap3A_140], %select_n3A {strides = array<i32>} : memref<128xi32, #tpu.memory_space<vmem>>, vector<16xi32>,
    %lt3A_142 = vector.broadcast %min3A_132 : i32 to vector<16xi32>
    %lt3A_143 = arith.cmpi slt, %iota3A, %lt3A_142 : vector<16xi32>
    %get3A_144 = arith.constant 0 : index
    %get3A_145 = tpu.vector_load %arg16[%get3A_144] {strides = array<i32>} : memref<128xf32, #tpu.memory_space<vmem>>, vector<16xf32>,
    %jit3A_146 = arith.constant 0.000000e+00 : f32
    %broadcast_in_dim3A_147 = vector.broadcast %jit3A_146 : f32 to vector<16xf32>
    %select_n3A_148 = arith.select %lt3A_143, %get3A_145, %broadcast_in_dim3A_147 : vector<16xi1>, vector<16xf32>
    %swap3A_149 = arith.constant 0 : index
    %swap3A_150 = tpu.vector_load %arg16[%swap3A_149] {strides = array<i32>} : memref<128xf32, #tpu.memory_space<vmem>>, vector<16xf32>,
    tpu.vector_store %arg16[%swap3A_149], %select_n3A_148 {strides = array<i32>} : memref<128xf32, #tpu.memory_space<vmem>>, vector<16xf32>,
    %lt3A_151 = vector.broadcast %min3A_135 : i32 to vector<16xi32>
    %lt3A_152 = arith.cmpi slt, %iota3A, %lt3A_151 : vector<16xi32>
    %get3A_153 = arith.constant 16 : index
    %get3A_154 = tpu.vector_load %arg15[%get3A_153] {strides = array<i32>} : memref<128xi32, #tpu.memory_space<vmem>>, vector<16xi32>,
    %jit3A_155 = arith.constant 320 : i32
    %broadcast_in_dim3A_156 = vector.broadcast %jit3A_155 : i32 to vector<16xi32>
    %select_n3A_157 = arith.select %lt3A_152, %get3A_154, %broadcast_in_dim3A_156 : vector<16xi1>, vector<16xi32>
    %swap3A_158 = arith.constant 16 : index
    %swap3A_159 = tpu.vector_load %arg15[%swap3A_158] {strides = array<i32>} : memref<128xi32, #tpu.memory_space<vmem>>, vector<16xi32>,
    tpu.vector_store %arg15[%swap3A_158], %select_n3A_157 {strides = array<i32>} : memref<128xi32, #tpu.memory_space<vmem>>, vector<16xi32>,
    %lt3A_160 = vector.broadcast %min3A_135 : i32 to vector<16xi32>
    %lt3A_161 = arith.cmpi slt, %iota3A, %lt3A_160 : vector<16xi32>
    %get3A_162 = arith.constant 16 : index
    %get3A_163 = tpu.vector_load %arg16[%get3A_162] {strides = array<i32>} : memref<128xf32, #tpu.memory_space<vmem>>, vector<16xf32>,
    %jit3A_164 = arith.constant 0.000000e+00 : f32
    %broadcast_in_dim3A_165 = vector.broadcast %jit3A_164 : f32 to vector<16xf32>
    %select_n3A_166 = arith.select %lt3A_161, %get3A_163, %broadcast_in_dim3A_165 : vector<16xi1>, vector<16xf32>
    %swap3A_167 = arith.constant 16 : index
    %swap3A_168 = tpu.vector_load %arg16[%swap3A_167] {strides = array<i32>} : memref<128xf32, #tpu.memory_space<vmem>>, vector<16xf32>,
    tpu.vector_store %arg16[%swap3A_167], %select_n3A_166 {strides = array<i32>} : memref<128xf32, #tpu.memory_space<vmem>>, vector<16xf32>,
    %mul3A_169 = arith.constant 0 : i32
    %mul3A_170 = arith.constant 32 : i32
    %mul3A_171 = arith.muli %mul3A_169, %mul3A_170 : i32
    %multiple_of3A = tpu.assume_multiple %mul3A_171, 32 : i32
    %get3A_172 = arith.constant 0 : index
    %get3A_173 = tpu.vector_load %arg14[%get3A_172] {strides = array<i32>} : memref<64xi32, #tpu.memory_space<vmem>>, vector<16xi32>,
    %add3A_174 = arith.constant 0 : i32
    %add3A_175 = arith.addi %multiple_of3A, %add3A_174 : i32
    %swap3A_176 = arith.index_cast %add3A_175 : i32 to index
    %swap3A_177 = tpu.vector_load %arg17[%swap3A_176] {strides = array<i32>} : memref<64xi32, #tpu.memory_space<vmem>>, vector<16xi32>,
    tpu.vector_store %arg17[%swap3A_176], %get3A_173 {strides = array<i32>} : memref<64xi32, #tpu.memory_space<vmem>>, vector<16xi32>,
    %get3A_178 = arith.constant 0 : index
    %get3A_179 = tpu.vector_load %arg15[%get3A_178] {strides = array<i32>} : memref<128xi32, #tpu.memory_space<vmem>>, vector<16xi32>,
    %add3A_180 = arith.constant 64 : i32
    %add3A_181 = arith.addi %add3A_180, %multiple_of3A : i32
    %add3A_182 = arith.constant 0 : i32
    %add3A_183 = arith.addi %add3A_181, %add3A_182 : i32
    %swap3A_184 = arith.index_cast %add3A_183 : i32 to index
    %swap3A_185 = tpu.vector_load %arg15[%swap3A_184] {strides = array<i32>} : memref<128xi32, #tpu.memory_space<vmem>>, vector<16xi32>,
    tpu.vector_store %arg15[%swap3A_184], %get3A_179 {strides = array<i32>} : memref<128xi32, #tpu.memory_space<vmem>>, vector<16xi32>,
    %get3A_186 = arith.constant 0 : index
    %get3A_187 = tpu.vector_load %arg16[%get3A_186] {strides = array<i32>} : memref<128xf32, #tpu.memory_space<vmem>>, vector<16xf32>,
    %add3A_188 = arith.constant 64 : i32
    %add3A_189 = arith.addi %add3A_188, %multiple_of3A : i32
    %add3A_190 = arith.constant 0 : i32
    %add3A_191 = arith.addi %add3A_189, %add3A_190 : i32
    %swap3A_192 = arith.index_cast %add3A_191 : i32 to index
    %swap3A_193 = tpu.vector_load %arg16[%swap3A_192] {strides = array<i32>} : memref<128xf32, #tpu.memory_space<vmem>>, vector<16xf32>,
    tpu.vector_store %arg16[%swap3A_192], %get3A_187 {strides = array<i32>} : memref<128xf32, #tpu.memory_space<vmem>>, vector<16xf32>,
    %get3A_194 = arith.constant 16 : index
    %get3A_195 = tpu.vector_load %arg14[%get3A_194] {strides = array<i32>} : memref<64xi32, #tpu.memory_space<vmem>>, vector<16xi32>,
    %add3A_196 = arith.constant 16 : i32
    %add3A_197 = arith.addi %multiple_of3A, %add3A_196 : i32
    %swap3A_198 = arith.index_cast %add3A_197 : i32 to index
    %swap3A_199 = tpu.vector_load %arg17[%swap3A_198] {strides = array<i32>} : memref<64xi32, #tpu.memory_space<vmem>>, vector<16xi32>,
    tpu.vector_store %arg17[%swap3A_198], %get3A_195 {strides = array<i32>} : memref<64xi32, #tpu.memory_space<vmem>>, vector<16xi32>,
    %get3A_200 = arith.constant 16 : index
    %get3A_201 = tpu.vector_load %arg15[%get3A_200] {strides = array<i32>} : memref<128xi32, #tpu.memory_space<vmem>>, vector<16xi32>,
    %add3A_202 = arith.constant 64 : i32
    %add3A_203 = arith.addi %add3A_202, %multiple_of3A : i32
    %add3A_204 = arith.constant 16 : i32
    %add3A_205 = arith.addi %add3A_203, %add3A_204 : i32
    %swap3A_206 = arith.index_cast %add3A_205 : i32 to index
    %swap3A_207 = tpu.vector_load %arg15[%swap3A_206] {strides = array<i32>} : memref<128xi32, #tpu.memory_space<vmem>>, vector<16xi32>,
    tpu.vector_store %arg15[%swap3A_206], %get3A_201 {strides = array<i32>} : memref<128xi32, #tpu.memory_space<vmem>>, vector<16xi32>,
    %get3A_208 = arith.constant 16 : index
    %get3A_209 = tpu.vector_load %arg16[%get3A_208] {strides = array<i32>} : memref<128xf32, #tpu.memory_space<vmem>>, vector<16xf32>,
    %add3A_210 = arith.constant 64 : i32
    %add3A_211 = arith.addi %add3A_210, %multiple_of3A : i32
    %add3A_212 = arith.constant 16 : i32
    %add3A_213 = arith.addi %add3A_211, %add3A_212 : i32
    %swap3A_214 = arith.index_cast %add3A_213 : i32 to index
    %swap3A_215 = tpu.vector_load %arg16[%swap3A_214] {strides = array<i32>} : memref<128xf32, #tpu.memory_space<vmem>>, vector<16xf32>,
    tpu.vector_store %arg16[%swap3A_214], %get3A_209 {strides = array<i32>} : memref<128xf32, #tpu.memory_space<vmem>>, vector<16xf32>,
    %add3A_216 = arith.constant 0 : i32
    %add3A_217 = arith.addi %multiple_of3A, %add3A_216 : i32
    %add3A_218 = arith.constant 0 : i32
    %add3A_219 = arith.addi %multiple_of3A, %add3A_218 : i32
    %dma_start3A_220 = arith.constant 0 : i32
    %dma_start3A_221 = arith.constant 0 : i32
    %dma_start3A_222 = tpu.memref_slice %arg13[%add3A_219, %dma_start3A_221] : memref<64x256xf32, #tpu.memory_space<vmem>> -> memref<16x256xf32, #tpu.memory_space<vmem>>
    %dma_start3A_223 = tpu.memref_slice %arg17[%add3A_217] : memref<64xi32, #tpu.memory_space<vmem>> -> memref<16xi32, #tpu.memory_space<vmem>>
    %dma_start3A_224 = arith.constant 0 : i32
    %dma_start3A_225 = arith.constant 0 : i32
    %dma_start3A_226 = tpu.memref_slice %arg2[%dma_start3A_224, %dma_start3A_225] : memref<50000x256xf32, #tpu.memory_space<hbm>> -> memref<50000x256xf32, #tpu.memory_space<hbm>>
    %dma_start3A_227 = tpu.memref_slice %arg21[%dma_start3A_220] : memref<2x!tpu.dma_semaphore, #tpu.memory_space<semaphore_mem>> -> memref<1x!tpu.dma_semaphore, #tpu.memory_space<semaphore_mem>>
    %dma_start3A_228 = tpu.memref_squeeze %dma_start3A_227 : memref<1x!tpu.dma_semaphore, #tpu.memory_space<semaphore_mem>> -> memref<!tpu.dma_semaphore, #tpu.memory_space<semaphore_mem>>
    tpu.enqueue_indirect_dma source(%dma_start3A_226 : memref<50000x256xf32, #tpu.memory_space<hbm>>) target(%dma_start3A_222 : memref<16x256xf32, #tpu.memory_space<vmem>>) offsets(%dma_start3A_223 : memref<16xi32, #tpu.memory_space<vmem>>) semaphore(%dma_start3A_228 : memref<!tpu.dma_semaphore, #tpu.memory_space<semaphore_mem>>)
    %add3A_229 = arith.constant 16 : i32
    %add3A_230 = arith.addi %multiple_of3A, %add3A_229 : i32
    %add3A_231 = arith.constant 16 : i32
    %add3A_232 = arith.addi %multiple_of3A, %add3A_231 : i32
    %dma_start3A_233 = arith.constant 0 : i32
    %dma_start3A_234 = arith.constant 0 : i32
    %dma_start3A_235 = tpu.memref_slice %arg13[%add3A_232, %dma_start3A_234] : memref<64x256xf32, #tpu.memory_space<vmem>> -> memref<16x256xf32, #tpu.memory_space<vmem>>
    %dma_start3A_236 = tpu.memref_slice %arg17[%add3A_230] : memref<64xi32, #tpu.memory_space<vmem>> -> memref<16xi32, #tpu.memory_space<vmem>>
    %dma_start3A_237 = arith.constant 0 : i32
    %dma_start3A_238 = arith.constant 0 : i32
    %dma_start3A_239 = tpu.memref_slice %arg2[%dma_start3A_237, %dma_start3A_238] : memref<50000x256xf32, #tpu.memory_space<hbm>> -> memref<50000x256xf32, #tpu.memory_space<hbm>>
    %dma_start3A_240 = tpu.memref_slice %arg21[%dma_start3A_233] : memref<2x!tpu.dma_semaphore, #tpu.memory_space<semaphore_mem>> -> memref<1x!tpu.dma_semaphore, #tpu.memory_space<semaphore_mem>>
    %dma_start3A_241 = tpu.memref_squeeze %dma_start3A_240 : memref<1x!tpu.dma_semaphore, #tpu.memory_space<semaphore_mem>> -> memref<!tpu.dma_semaphore, #tpu.memory_space<semaphore_mem>>
    tpu.enqueue_indirect_dma source(%dma_start3A_239 : memref<50000x256xf32, #tpu.memory_space<hbm>>) target(%dma_start3A_235 : memref<16x256xf32, #tpu.memory_space<vmem>>) offsets(%dma_start3A_236 : memref<16xi32, #tpu.memory_space<vmem>>) semaphore(%dma_start3A_241 : memref<!tpu.dma_semaphore, #tpu.memory_space<semaphore_mem>>)
    %mul3A_242 = arith.constant 0 : i32
    %mul3A_243 = arith.constant 32 : i32
    %mul3A_244 = arith.muli %mul3A_242, %mul3A_243 : i32
    %multiple_of3A_245 = tpu.assume_multiple %mul3A_244, 32 : i32
    %add3A_246 = arith.constant 0 : i32
    %add3A_247 = arith.addi %multiple_of3A_245, %add3A_246 : i32
    %add3A_248 = arith.constant 0 : i32
    %add3A_249 = arith.addi %multiple_of3A_245, %add3A_248 : i32
    %dma_wait3A = arith.constant 0 : i32
    %dma_wait3A_250 = arith.constant 0 : i32
    %dma_wait3A_251 = tpu.memref_slice %arg13[%add3A_249, %dma_wait3A_250] : memref<64x256xf32, #tpu.memory_space<vmem>> -> memref<16x256xf32, #tpu.memory_space<vmem>>
    %dma_wait3A_252 = tpu.memref_slice %arg17[%add3A_247] : memref<64xi32, #tpu.memory_space<vmem>> -> memref<16xi32, #tpu.memory_space<vmem>>
    %dma_wait3A_253 = arith.constant 0 : i32
    %dma_wait3A_254 = arith.constant 0 : i32
    %dma_wait3A_255 = tpu.memref_slice %arg2[%dma_wait3A_253, %dma_wait3A_254] : memref<50000x256xf32, #tpu.memory_space<hbm>> -> memref<50000x256xf32, #tpu.memory_space<hbm>>
    %dma_wait3A_256 = tpu.memref_slice %arg21[%dma_wait3A] : memref<2x!tpu.dma_semaphore, #tpu.memory_space<semaphore_mem>> -> memref<1x!tpu.dma_semaphore, #tpu.memory_space<semaphore_mem>>
    %dma_wait3A_257 = tpu.memref_squeeze %dma_wait3A_256 : memref<1x!tpu.dma_semaphore, #tpu.memory_space<semaphore_mem>> -> memref<!tpu.dma_semaphore, #tpu.memory_space<semaphore_mem>>
    tpu.wait_indirect_dma semaphore(%dma_wait3A_257 : memref<!tpu.dma_semaphore, #tpu.memory_space<semaphore_mem>>) src(%dma_wait3A_255 : memref<50000x256xf32, #tpu.memory_space<hbm>>) dst(%dma_wait3A_251 : memref<16x256xf32, #tpu.memory_space<vmem>>)
    %add3A_258 = arith.constant 16 : i32
    %add3A_259 = arith.addi %multiple_of3A_245, %add3A_258 : i32
    %add3A_260 = arith.constant 16 : i32
    %add3A_261 = arith.addi %multiple_of3A_245, %add3A_260 : i32
    %dma_wait3A_262 = arith.constant 0 : i32
    %dma_wait3A_263 = arith.constant 0 : i32
    %dma_wait3A_264 = tpu.memref_slice %arg13[%add3A_261, %dma_wait3A_263] : memref<64x256xf32, #tpu.memory_space<vmem>> -> memref<16x256xf32, #tpu.memory_space<vmem>>
    %dma_wait3A_265 = tpu.memref_slice %arg17[%add3A_259] : memref<64xi32, #tpu.memory_space<vmem>> -> memref<16xi32, #tpu.memory_space<vmem>>
    %dma_wait3A_266 = arith.constant 0 : i32
    %dma_wait3A_267 = arith.constant 0 : i32
    %dma_wait3A_268 = tpu.memref_slice %arg2[%dma_wait3A_266, %dma_wait3A_267] : memref<50000x256xf32, #tpu.memory_space<hbm>> -> memref<50000x256xf32, #tpu.memory_space<hbm>>
    %dma_wait3A_269 = tpu.memref_slice %arg21[%dma_wait3A_262] : memref<2x!tpu.dma_semaphore, #tpu.memory_space<semaphore_mem>> -> memref<1x!tpu.dma_semaphore, #tpu.memory_space<semaphore_mem>>
    %dma_wait3A_270 = tpu.memref_squeeze %dma_wait3A_269 : memref<1x!tpu.dma_semaphore, #tpu.memory_space<semaphore_mem>> -> memref<!tpu.dma_semaphore, #tpu.memory_space<semaphore_mem>>
    tpu.wait_indirect_dma semaphore(%dma_wait3A_270 : memref<!tpu.dma_semaphore, #tpu.memory_space<semaphore_mem>>) src(%dma_wait3A_268 : memref<50000x256xf32, #tpu.memory_space<hbm>>) dst(%dma_wait3A_264 : memref<16x256xf32, #tpu.memory_space<vmem>>)
    %add3A_271 = arith.constant 64 : i32
    %add3A_272 = arith.addi %add3A_271, %multiple_of3A_245 : i32
    %add3A_273 = arith.constant 0 : i32
    %add3A_274 = arith.addi %add3A_272, %add3A_273 : i32
    %get3A_275 = arith.index_cast %add3A_274 : i32 to index
    %get3A_276 = tpu.vector_load %arg15[%get3A_275] {strides = array<i32>} : memref<128xi32, #tpu.memory_space<vmem>>, vector<16xi32>,
    %add3A_277 = arith.constant 64 : i32
    %add3A_278 = arith.addi %add3A_277, %multiple_of3A_245 : i32
    %add3A_279 = arith.constant 16 : i32
    %add3A_280 = arith.addi %add3A_278, %add3A_279 : i32
    %get3A_281 = arith.index_cast %add3A_280 : i32 to index
    %get3A_282 = tpu.vector_load %arg15[%get3A_281] {strides = array<i32>} : memref<128xi32, #tpu.memory_space<vmem>>, vector<16xi32>,
    %add3A_283 = arith.constant 64 : i32
    %add3A_284 = arith.addi %add3A_283, %multiple_of3A_245 : i32
    %add3A_285 = arith.constant 0 : i32
    %add3A_286 = arith.addi %add3A_284, %add3A_285 : i32
    %get3A_287 = arith.index_cast %add3A_286 : i32 to index
    %get3A_288 = tpu.vector_load %arg16[%get3A_287] {strides = array<i32>} : memref<128xf32, #tpu.memory_space<vmem>>, vector<16xf32>,
    %add3A_289 = arith.constant 64 : i32
    %add3A_290 = arith.addi %add3A_289, %multiple_of3A_245 : i32
    %add3A_291 = arith.constant 16 : i32
    %add3A_292 = arith.addi %add3A_290, %add3A_291 : i32
    %get3A_293 = arith.index_cast %add3A_292 : i32 to index
    %get3A_294 = tpu.vector_load %arg16[%get3A_293] {strides = array<i32>} : memref<128xf32, #tpu.memory_space<vmem>>, vector<16xf32>,
    %parallel_loop3A = arith.constant 0 : i32
    %parallel_loop3A_295 = arith.constant 32 : i32
    %parallel_loop3A_296 = arith.constant 1 : i32
    scf.for %parallel_loop3A_297 = %parallel_loop3A to %parallel_loop3A_295 step %parallel_loop3A_296  : i32 {
      %parallel_loop3A_298 = arith.constant 15 : i32
      %parallel_loop3A_299 = arith.andi %parallel_loop3A_297, %parallel_loop3A_298 : i32
      %parallel_loop3A_300 = vector.broadcast %parallel_loop3A_299 : i32 to vector<16xi32>
      %parallel_loop3A_301 = arith.cmpi eq, %iota3A, %parallel_loop3A_300 : vector<16xi32>
      %parallel_loop3A_302 = arith.constant 16 : i32
      %parallel_loop3A_303 = arith.cmpi slt, %parallel_loop3A_297, %parallel_loop3A_302 : i32
      %parallel_loop3A_304 = arith.select %parallel_loop3A_303, %get3A_276, %get3A_282 : vector<16xi32>
      %parallel_loop3A_305 = arith.constant 16 : i32
      %parallel_loop3A_306 = arith.cmpi slt, %parallel_loop3A_297, %parallel_loop3A_305 : i32
      %parallel_loop3A_307 = arith.select %parallel_loop3A_306, %get3A_288, %get3A_294 : vector<16xf32>
      %parallel_loop3A_308 = arith.constant 0 : i32
      %parallel_loop3A_309 = vector.broadcast %parallel_loop3A_308 : i32 to vector<16xi32>
      %parallel_loop3A_310 = arith.select %parallel_loop3A_301, %parallel_loop3A_304, %parallel_loop3A_309 : vector<16xi1>, vector<16xi32>
      %parallel_loop3A_311 = arith.constant true
      %parallel_loop3A_312 = vector.broadcast %parallel_loop3A_311 : i1 to vector<16xi1>
      %parallel_loop3A_313 = tpu.scan <sum>, %parallel_loop3A_310 masked %parallel_loop3A_312 : vector<16xi32>, vector<16xi1> -> vector<16xi32>
      %parallel_loop3A_314 = vector.extract %parallel_loop3A_313[15] : i32 from vector<16xi32>
      %parallel_loop3A_315 = arith.constant 0.000000e+00 : f32
      %parallel_loop3A_316 = vector.broadcast %parallel_loop3A_315 : f32 to vector<16xf32>
      %parallel_loop3A_317 = arith.select %parallel_loop3A_301, %parallel_loop3A_307, %parallel_loop3A_316 : vector<16xi1>, vector<16xf32>
      %parallel_loop3A_318 = arith.constant true
      %parallel_loop3A_319 = vector.broadcast %parallel_loop3A_318 : i1 to vector<16xi1>
      %parallel_loop3A_320 = tpu.scan <sum>, %parallel_loop3A_317 masked %parallel_loop3A_319 : vector<16xf32>, vector<16xi1> -> vector<16xf32>
      %parallel_loop3A_321 = vector.extract %parallel_loop3A_320[15] : f32 from vector<16xf32>
      %parallel_loop3A_322 = arith.addi %multiple_of3A_245, %parallel_loop3A_297 : i32
      %parallel_loop3A_323 = arith.index_cast %parallel_loop3A_322 : i32 to index
      %parallel_loop3A_324 = arith.constant 0 : index
      %parallel_loop3A_325 = tpu.vector_load %arg13[%parallel_loop3A_323, %parallel_loop3A_324] {strides = array<i32>} : memref<64x256xf32, #tpu.memory_space<vmem>>, vector<16xf32>,
      %parallel_loop3A_326 = vector.broadcast %parallel_loop3A_321 : f32 to vector<16xf32>
      %parallel_loop3A_327 = arith.mulf %parallel_loop3A_325, %parallel_loop3A_326 : vector<16xf32>
      %parallel_loop3A_328 = arith.index_cast %parallel_loop3A_314 : i32 to index
      %parallel_loop3A_329 = arith.constant 0 : index
      %parallel_loop3A_330 = tpu.vector_load %arg18[%parallel_loop3A_328, %parallel_loop3A_329] {strides = array<i32>} : memref<328x256xf32, #tpu.memory_space<vmem>>, vector<16xf32>,
      tpu.vector_store %arg18[%parallel_loop3A_328, %parallel_loop3A_329], %parallel_loop3A_327 {add = true, strides = array<i32>} : memref<328x256xf32, #tpu.memory_space<vmem>>, vector<16xf32>,
      %parallel_loop3A_331 = arith.addi %multiple_of3A_245, %parallel_loop3A_297 : i32
      %parallel_loop3A_332 = arith.index_cast %parallel_loop3A_331 : i32 to index
      %parallel_loop3A_333 = arith.constant 16 : index
      %parallel_loop3A_334 = tpu.vector_load %arg13[%parallel_loop3A_332, %parallel_loop3A_333] {strides = array<i32>} : memref<64x256xf32, #tpu.memory_space<vmem>>, vector<16xf32>,
      %parallel_loop3A_335 = vector.broadcast %parallel_loop3A_321 : f32 to vector<16xf32>
      %parallel_loop3A_336 = arith.mulf %parallel_loop3A_334, %parallel_loop3A_335 : vector<16xf32>
      %parallel_loop3A_337 = arith.index_cast %parallel_loop3A_314 : i32 to index
      %parallel_loop3A_338 = arith.constant 16 : index
      %parallel_loop3A_339 = tpu.vector_load %arg18[%parallel_loop3A_337, %parallel_loop3A_338] {strides = array<i32>} : memref<328x256xf32, #tpu.memory_space<vmem>>, vector<16xf32>,
      tpu.vector_store %arg18[%parallel_loop3A_337, %parallel_loop3A_338], %parallel_loop3A_336 {add = true, strides = array<i32>} : memref<328x256xf32, #tpu.memory_space<vmem>>, vector<16xf32>,
      %parallel_loop3A_340 = arith.addi %multiple_of3A_245, %parallel_loop3A_297 : i32
      %parallel_loop3A_341 = arith.index_cast %parallel_loop3A_340 : i32 to index
      %parallel_loop3A_342 = arith.constant 32 : index
      %parallel_loop3A_343 = tpu.vector_load %arg13[%parallel_loop3A_341, %parallel_loop3A_342] {strides = array<i32>} : memref<64x256xf32, #tpu.memory_space<vmem>>, vector<16xf32>,
      %parallel_loop3A_344 = vector.broadcast %parallel_loop3A_321 : f32 to vector<16xf32>
      %parallel_loop3A_345 = arith.mulf %parallel_loop3A_343, %parallel_loop3A_344 : vector<16xf32>
      %parallel_loop3A_346 = arith.index_cast %parallel_loop3A_314 : i32 to index
      %parallel_loop3A_347 = arith.constant 32 : index
      %parallel_loop3A_348 = tpu.vector_load %arg18[%parallel_loop3A_346, %parallel_loop3A_347] {strides = array<i32>} : memref<328x256xf32, #tpu.memory_space<vmem>>, vector<16xf32>,
      tpu.vector_store %arg18[%parallel_loop3A_346, %parallel_loop3A_347], %parallel_loop3A_345 {add = true, strides = array<i32>} : memref<328x256xf32, #tpu.memory_space<vmem>>, vector<16xf32>,
      %parallel_loop3A_349 = arith.addi %multiple_of3A_245, %parallel_loop3A_297 : i32
      %parallel_loop3A_350 = arith.index_cast %parallel_loop3A_349 : i32 to index
      %parallel_loop3A_351 = arith.constant 48 : index
      %parallel_loop3A_352 = tpu.vector_load %arg13[%parallel_loop3A_350, %parallel_loop3A_351] {strides = array<i32>} : memref<64x256xf32, #tpu.memory_space<vmem>>, vector<16xf32>,
      %parallel_loop3A_353 = vector.broadcast %parallel_loop3A_321 : f32 to vector<16xf32>
      %parallel_loop3A_354 = arith.mulf %parallel_loop3A_352, %parallel_loop3A_353 : vector<16xf32>
      %parallel_loop3A_355 = arith.index_cast %parallel_loop3A_314 : i32 to index
      %parallel_loop3A_356 = arith.constant 48 : index
      %parallel_loop3A_357 = tpu.vector_load %arg18[%parallel_loop3A_355, %parallel_loop3A_356] {strides = array<i32>} : memref<328x256xf32, #tpu.memory_space<vmem>>, vector<16xf32>,
      tpu.vector_store %arg18[%parallel_loop3A_355, %parallel_loop3A_356], %parallel_loop3A_354 {add = true, strides = array<i32>} : memref<328x256xf32, #tpu.memory_space<vmem>>, vector<16xf32>,
      %parallel_loop3A_358 = arith.addi %multiple_of3A_245, %parallel_loop3A_297 : i32
      %parallel_loop3A_359 = arith.index_cast %parallel_loop3A_358 : i32 to index
      %parallel_loop3A_360 = arith.constant 64 : index
      %parallel_loop3A_361 = tpu.vector_load %arg13[%parallel_loop3A_359, %parallel_loop3A_360] {strides = array<i32>} : memref<64x256xf32, #tpu.memory_space<vmem>>, vector<16xf32>,
      %parallel_loop3A_362 = vector.broadcast %parallel_loop3A_321 : f32 to vector<16xf32>
      %parallel_loop3A_363 = arith.mulf %parallel_loop3A_361, %parallel_loop3A_362 : vector<16xf32>
      %parallel_loop3A_364 = arith.index_cast %parallel_loop3A_314 : i32 to index
      %parallel_loop3A_365 = arith.constant 64 : index
      %parallel_loop3A_366 = tpu.vector_load %arg18[%parallel_loop3A_364, %parallel_loop3A_365] {strides = array<i32>} : memref<328x256xf32, #tpu.memory_space<vmem>>, vector<16xf32>,
      tpu.vector_store %arg18[%parallel_loop3A_364, %parallel_loop3A_365], %parallel_loop3A_363 {add = true, strides = array<i32>} : memref<328x256xf32, #tpu.memory_space<vmem>>, vector<16xf32>,
      %parallel_loop3A_367 = arith.addi %multiple_of3A_245, %parallel_loop3A_297 : i32
      %parallel_loop3A_368 = arith.index_cast %parallel_loop3A_367 : i32 to index
      %parallel_loop3A_369 = arith.constant 80 : index
      %parallel_loop3A_370 = tpu.vector_load %arg13[%parallel_loop3A_368, %parallel_loop3A_369] {strides = array<i32>} : memref<64x256xf32, #tpu.memory_space<vmem>>, vector<16xf32>,
      %parallel_loop3A_371 = vector.broadcast %parallel_loop3A_321 : f32 to vector<16xf32>
      %parallel_loop3A_372 = arith.mulf %parallel_loop3A_370, %parallel_loop3A_371 : vector<16xf32>
      %parallel_loop3A_373 = arith.index_cast %parallel_loop3A_314 : i32 to index
      %parallel_loop3A_374 = arith.constant 80 : index
      %parallel_loop3A_375 = tpu.vector_load %arg18[%parallel_loop3A_373, %parallel_loop3A_374] {strides = array<i32>} : memref<328x256xf32, #tpu.memory_space<vmem>>, vector<16xf32>,
      tpu.vector_store %arg18[%parallel_loop3A_373, %parallel_loop3A_374], %parallel_loop3A_372 {add = true, strides = array<i32>} : memref<328x256xf32, #tpu.memory_space<vmem>>, vector<16xf32>,
      %parallel_loop3A_376 = arith.addi %multiple_of3A_245, %parallel_loop3A_297 : i32
      %parallel_loop3A_377 = arith.index_cast %parallel_loop3A_376 : i32 to index
      %parallel_loop3A_378 = arith.constant 96 : index
      %parallel_loop3A_379 = tpu.vector_load %arg13[%parallel_loop3A_377, %parallel_loop3A_378] {strides = array<i32>} : memref<64x256xf32, #tpu.memory_space<vmem>>, vector<16xf32>,
      %parallel_loop3A_380 = vector.broadcast %parallel_loop3A_321 : f32 to vector<16xf32>
      %parallel_loop3A_381 = arith.mulf %parallel_loop3A_379, %parallel_loop3A_380 : vector<16xf32>
      %parallel_loop3A_382 = arith.index_cast %parallel_loop3A_314 : i32 to index
      %parallel_loop3A_383 = arith.constant 96 : index
      %parallel_loop3A_384 = tpu.vector_load %arg18[%parallel_loop3A_382, %parallel_loop3A_383] {strides = array<i32>} : memref<328x256xf32, #tpu.memory_space<vmem>>, vector<16xf32>,
      tpu.vector_store %arg18[%parallel_loop3A_382, %parallel_loop3A_383], %parallel_loop3A_381 {add = true, strides = array<i32>} : memref<328x256xf32, #tpu.memory_space<vmem>>, vector<16xf32>,
      %parallel_loop3A_385 = arith.addi %multiple_of3A_245, %parallel_loop3A_297 : i32
      %parallel_loop3A_386 = arith.index_cast %parallel_loop3A_385 : i32 to index
      %parallel_loop3A_387 = arith.constant 112 : index
      %parallel_loop3A_388 = tpu.vector_load %arg13[%parallel_loop3A_386, %parallel_loop3A_387] {strides = array<i32>} : memref<64x256xf32, #tpu.memory_space<vmem>>, vector<16xf32>,
      %parallel_loop3A_389 = vector.broadcast %parallel_loop3A_321 : f32 to vector<16xf32>
      %parallel_loop3A_390 = arith.mulf %parallel_loop3A_388, %parallel_loop3A_389 : vector<16xf32>
      %parallel_loop3A_391 = arith.index_cast %parallel_loop3A_314 : i32 to index
      %parallel_loop3A_392 = arith.constant 112 : index
      %parallel_loop3A_393 = tpu.vector_load %arg18[%parallel_loop3A_391, %parallel_loop3A_392] {strides = array<i32>} : memref<328x256xf32, #tpu.memory_space<vmem>>, vector<16xf32>,
      tpu.vector_store %arg18[%parallel_loop3A_391, %parallel_loop3A_392], %parallel_loop3A_390 {add = true, strides = array<i32>} : memref<328x256xf32, #tpu.memory_space<vmem>>, vector<16xf32>,
      %parallel_loop3A_394 = arith.addi %multiple_of3A_245, %parallel_loop3A_297 : i32
      %parallel_loop3A_395 = arith.index_cast %parallel_loop3A_394 : i32 to index
      %parallel_loop3A_396 = arith.constant 128 : index
      %parallel_loop3A_397 = tpu.vector_load %arg13[%parallel_loop3A_395, %parallel_loop3A_396] {strides = array<i32>} : memref<64x256xf32, #tpu.memory_space<vmem>>, vector<16xf32>,
      %parallel_loop3A_398 = vector.broadcast %parallel_loop3A_321 : f32 to vector<16xf32>
      %parallel_loop3A_399 = arith.mulf %parallel_loop3A_397, %parallel_loop3A_398 : vector<16xf32>
      %parallel_loop3A_400 = arith.index_cast %parallel_loop3A_314 : i32 to index
      %parallel_loop3A_401 = arith.constant 128 : index
      %parallel_loop3A_402 = tpu.vector_load %arg18[%parallel_loop3A_400, %parallel_loop3A_401] {strides = array<i32>} : memref<328x256xf32, #tpu.memory_space<vmem>>, vector<16xf32>,
      tpu.vector_store %arg18[%parallel_loop3A_400, %parallel_loop3A_401], %parallel_loop3A_399 {add = true, strides = array<i32>} : memref<328x256xf32, #tpu.memory_space<vmem>>, vector<16xf32>,
      %parallel_loop3A_403 = arith.addi %multiple_of3A_245, %parallel_loop3A_297 : i32
      %parallel_loop3A_404 = arith.index_cast %parallel_loop3A_403 : i32 to index
      %parallel_loop3A_405 = arith.constant 144 : index
      %parallel_loop3A_406 = tpu.vector_load %arg13[%parallel_loop3A_404, %parallel_loop3A_405] {strides = array<i32>} : memref<64x256xf32, #tpu.memory_space<vmem>>, vector<16xf32>,
      %parallel_loop3A_407 = vector.broadcast %parallel_loop3A_321 : f32 to vector<16xf32>
      %parallel_loop3A_408 = arith.mulf %parallel_loop3A_406, %parallel_loop3A_407 : vector<16xf32>
      %parallel_loop3A_409 = arith.index_cast %parallel_loop3A_314 : i32 to index
      %parallel_loop3A_410 = arith.constant 144 : index
      %parallel_loop3A_411 = tpu.vector_load %arg18[%parallel_loop3A_409, %parallel_loop3A_410] {strides = array<i32>} : memref<328x256xf32, #tpu.memory_space<vmem>>, vector<16xf32>,
      tpu.vector_store %arg18[%parallel_loop3A_409, %parallel_loop3A_410], %parallel_loop3A_408 {add = true, strides = array<i32>} : memref<328x256xf32, #tpu.memory_space<vmem>>, vector<16xf32>,
      %parallel_loop3A_412 = arith.addi %multiple_of3A_245, %parallel_loop3A_297 : i32
      %parallel_loop3A_413 = arith.index_cast %parallel_loop3A_412 : i32 to index
      %parallel_loop3A_414 = arith.constant 160 : index
      %parallel_loop3A_415 = tpu.vector_load %arg13[%parallel_loop3A_413, %parallel_loop3A_414] {strides = array<i32>} : memref<64x256xf32, #tpu.memory_space<vmem>>, vector<16xf32>,
      %parallel_loop3A_416 = vector.broadcast %parallel_loop3A_321 : f32 to vector<16xf32>
      %parallel_loop3A_417 = arith.mulf %parallel_loop3A_415, %parallel_loop3A_416 : vector<16xf32>
      %parallel_loop3A_418 = arith.index_cast %parallel_loop3A_314 : i32 to index
      %parallel_loop3A_419 = arith.constant 160 : index
      %parallel_loop3A_420 = tpu.vector_load %arg18[%parallel_loop3A_418, %parallel_loop3A_419] {strides = array<i32>} : memref<328x256xf32, #tpu.memory_space<vmem>>, vector<16xf32>,
      tpu.vector_store %arg18[%parallel_loop3A_418, %parallel_loop3A_419], %parallel_loop3A_417 {add = true, strides = array<i32>} : memref<328x256xf32, #tpu.memory_space<vmem>>, vector<16xf32>,
      %parallel_loop3A_421 = arith.addi %multiple_of3A_245, %parallel_loop3A_297 : i32
      %parallel_loop3A_422 = arith.index_cast %parallel_loop3A_421 : i32 to index
      %parallel_loop3A_423 = arith.constant 176 : index
      %parallel_loop3A_424 = tpu.vector_load %arg13[%parallel_loop3A_422, %parallel_loop3A_423] {strides = array<i32>} : memref<64x256xf32, #tpu.memory_space<vmem>>, vector<16xf32>,
      %parallel_loop3A_425 = vector.broadcast %parallel_loop3A_321 : f32 to vector<16xf32>
      %parallel_loop3A_426 = arith.mulf %parallel_loop3A_424, %parallel_loop3A_425 : vector<16xf32>
      %parallel_loop3A_427 = arith.index_cast %parallel_loop3A_314 : i32 to index
      %parallel_loop3A_428 = arith.constant 176 : index
      %parallel_loop3A_429 = tpu.vector_load %arg18[%parallel_loop3A_427, %parallel_loop3A_428] {strides = array<i32>} : memref<328x256xf32, #tpu.memory_space<vmem>>, vector<16xf32>,
      tpu.vector_store %arg18[%parallel_loop3A_427, %parallel_loop3A_428], %parallel_loop3A_426 {add = true, strides = array<i32>} : memref<328x256xf32, #tpu.memory_space<vmem>>, vector<16xf32>,
      %parallel_loop3A_430 = arith.addi %multiple_of3A_245, %parallel_loop3A_297 : i32
      %parallel_loop3A_431 = arith.index_cast %parallel_loop3A_430 : i32 to index
      %parallel_loop3A_432 = arith.constant 192 : index
      %parallel_loop3A_433 = tpu.vector_load %arg13[%parallel_loop3A_431, %parallel_loop3A_432] {strides = array<i32>} : memref<64x256xf32, #tpu.memory_space<vmem>>, vector<16xf32>,
      %parallel_loop3A_434 = vector.broadcast %parallel_loop3A_321 : f32 to vector<16xf32>
      %parallel_loop3A_435 = arith.mulf %parallel_loop3A_433, %parallel_loop3A_434 : vector<16xf32>
      %parallel_loop3A_436 = arith.index_cast %parallel_loop3A_314 : i32 to index
      %parallel_loop3A_437 = arith.constant 192 : index
      %parallel_loop3A_438 = tpu.vector_load %arg18[%parallel_loop3A_436, %parallel_loop3A_437] {strides = array<i32>} : memref<328x256xf32, #tpu.memory_space<vmem>>, vector<16xf32>,
      tpu.vector_store %arg18[%parallel_loop3A_436, %parallel_loop3A_437], %parallel_loop3A_435 {add = true, strides = array<i32>} : memref<328x256xf32, #tpu.memory_space<vmem>>, vector<16xf32>,
      %parallel_loop3A_439 = arith.addi %multiple_of3A_245, %parallel_loop3A_297 : i32
      %parallel_loop3A_440 = arith.index_cast %parallel_loop3A_439 : i32 to index
      %parallel_loop3A_441 = arith.constant 208 : index
      %parallel_loop3A_442 = tpu.vector_load %arg13[%parallel_loop3A_440, %parallel_loop3A_441] {strides = array<i32>} : memref<64x256xf32, #tpu.memory_space<vmem>>, vector<16xf32>,
      %parallel_loop3A_443 = vector.broadcast %parallel_loop3A_321 : f32 to vector<16xf32>
      %parallel_loop3A_444 = arith.mulf %parallel_loop3A_442, %parallel_loop3A_443 : vector<16xf32>
      %parallel_loop3A_445 = arith.index_cast %parallel_loop3A_314 : i32 to index
      %parallel_loop3A_446 = arith.constant 208 : index
      %parallel_loop3A_447 = tpu.vector_load %arg18[%parallel_loop3A_445, %parallel_loop3A_446] {strides = array<i32>} : memref<328x256xf32, #tpu.memory_space<vmem>>, vector<16xf32>,
      tpu.vector_store %arg18[%parallel_loop3A_445, %parallel_loop3A_446], %parallel_loop3A_444 {add = true, strides = array<i32>} : memref<328x256xf32, #tpu.memory_space<vmem>>, vector<16xf32>,
      %parallel_loop3A_448 = arith.addi %multiple_of3A_245, %parallel_loop3A_297 : i32
      %parallel_loop3A_449 = arith.index_cast %parallel_loop3A_448 : i32 to index
      %parallel_loop3A_450 = arith.constant 224 : index
      %parallel_loop3A_451 = tpu.vector_load %arg13[%parallel_loop3A_449, %parallel_loop3A_450] {strides = array<i32>} : memref<64x256xf32, #tpu.memory_space<vmem>>, vector<16xf32>,
      %parallel_loop3A_452 = vector.broadcast %parallel_loop3A_321 : f32 to vector<16xf32>
      %parallel_loop3A_453 = arith.mulf %parallel_loop3A_451, %parallel_loop3A_452 : vector<16xf32>
      %parallel_loop3A_454 = arith.index_cast %parallel_loop3A_314 : i32 to index
      %parallel_loop3A_455 = arith.constant 224 : index
      %parallel_loop3A_456 = tpu.vector_load %arg18[%parallel_loop3A_454, %parallel_loop3A_455] {strides = array<i32>} : memref<328x256xf32, #tpu.memory_space<vmem>>, vector<16xf32>,
      tpu.vector_store %arg18[%parallel_loop3A_454, %parallel_loop3A_455], %parallel_loop3A_453 {add = true, strides = array<i32>} : memref<328x256xf32, #tpu.memory_space<vmem>>, vector<16xf32>,
      %parallel_loop3A_457 = arith.addi %multiple_of3A_245, %parallel_loop3A_297 : i32
      %parallel_loop3A_458 = arith.index_cast %parallel_loop3A_457 : i32 to index
      %parallel_loop3A_459 = arith.constant 240 : index
      %parallel_loop3A_460 = tpu.vector_load %arg13[%parallel_loop3A_458, %parallel_loop3A_459] {strides = array<i32>} : memref<64x256xf32, #tpu.memory_space<vmem>>, vector<16xf32>,
      %parallel_loop3A_461 = vector.broadcast %parallel_loop3A_321 : f32 to vector<16xf32>
      %parallel_loop3A_462 = arith.mulf %parallel_loop3A_460, %parallel_loop3A_461 : vector<16xf32>
      %parallel_loop3A_463 = arith.index_cast %parallel_loop3A_314 : i32 to index
      %parallel_loop3A_464 = arith.constant 240 : index
      %parallel_loop3A_465 = tpu.vector_load %arg18[%parallel_loop3A_463, %parallel_loop3A_464] {strides = array<i32>} : memref<328x256xf32, #tpu.memory_space<vmem>>, vector<16xf32>,
      tpu.vector_store %arg18[%parallel_loop3A_463, %parallel_loop3A_464], %parallel_loop3A_462 {add = true, strides = array<i32>} : memref<328x256xf32, #tpu.memory_space<vmem>>, vector<16xf32>,
    } {sc.loop_unroll_factor = 4 : i64, sc.parallel_access}
    "tpu.region"() ({
      %run_scoped3A = tpu.sem_alloc : memref<!tpu.dma_semaphore, #tpu.memory_space<semaphore_mem>>
      %dma_start3A_297 = arith.constant 0 : i32
      %dma_start3A_298 = arith.constant 0 : i32
      %dma_start3A_299 = tpu.memref_slice %arg18[%dma_start3A_297, %dma_start3A_298] : memref<328x256xf32, #tpu.memory_space<vmem>> -> memref<320x256xf32, #tpu.memory_space<vmem>>
      %dma_start3A_300 = arith.constant 0 : i32
      %dma_start3A_301 = tpu.memref_slice %arg7[%min3A_3, %dma_start3A_300] : memref<10000x256xf32, #tpu.memory_space<hbm>> -> memref<320x256xf32, #tpu.memory_space<hbm>>
      %dma_start3A_302 = arith.constant 0 : i32
      %dma_start3A_303 = tpu.memref_slice %arg7[%min3A_3, %dma_start3A_302] : memref<10000x256xf32, #tpu.memory_space<hbm>> -> memref<320x256xf32, #tpu.memory_space<hbm>>
      %dma_start3A_304 = arith.constant 0 : i32
      %dma_start3A_305 = arith.constant 0 : i32
      %dma_start3A_306 = tpu.memref_slice %arg18[%dma_start3A_304, %dma_start3A_305] : memref<328x256xf32, #tpu.memory_space<vmem>> -> memref<320x256xf32, #tpu.memory_space<vmem>>
      tpu.enqueue_dma source(%dma_start3A_306 : memref<320x256xf32, #tpu.memory_space<vmem>>) target(%dma_start3A_303 : memref<320x256xf32, #tpu.memory_space<hbm>>) target_semaphore(%run_scoped3A : memref<!tpu.dma_semaphore, #tpu.memory_space<semaphore_mem>>)
      %dma_wait3A_307 = arith.constant 0 : i32
      %dma_wait3A_308 = arith.constant 0 : i32
      %dma_wait3A_309 = tpu.memref_slice %arg18[%dma_wait3A_307, %dma_wait3A_308] : memref<328x256xf32, #tpu.memory_space<vmem>> -> memref<320x256xf32, #tpu.memory_space<vmem>>
      %dma_wait3A_310 = arith.constant 0 : i32
      %dma_wait3A_311 = tpu.memref_slice %arg7[%min3A_3, %dma_wait3A_310] : memref<10000x256xf32, #tpu.memory_space<hbm>> -> memref<320x256xf32, #tpu.memory_space<hbm>>
      %dma_wait3A_312 = arith.constant 0 : i32
      %dma_wait3A_313 = tpu.memref_slice %arg7[%min3A_3, %dma_wait3A_312] : memref<10000x256xf32, #tpu.memory_space<hbm>> -> memref<320x256xf32, #tpu.memory_space<hbm>>
      %dma_wait3A_314 = arith.constant 0 : i32
      %dma_wait3A_315 = arith.constant 0 : i32
      %dma_wait3A_316 = tpu.memref_slice %arg18[%dma_wait3A_314, %dma_wait3A_315] : memref<328x256xf32, #tpu.memory_space<vmem>> -> memref<320x256xf32, #tpu.memory_space<vmem>>
      tpu.wait_dma2 semaphore(%run_scoped3A : memref<!tpu.dma_semaphore, #tpu.memory_space<semaphore_mem>>) src(%dma_wait3A_316 : memref<320x256xf32, #tpu.memory_space<vmem>>) dst(%dma_wait3A_313 : memref<320x256xf32, #tpu.memory_space<hbm>>)
      tpu.yield
    }) : () -> ()
    return
  }
}

module attributes {stable_mosaic.version = 14 : i64} {
  func.func @_dense_body(%arg0: i32, %arg1: i32, %arg2: memref<1000x256xf32, #tpu.memory_space<vmem>>, %arg3: memref<1x256x256xf32, #tpu.memory_space<vmem>>, %arg4: memref<1x256xf32, #tpu.memory_space<vmem>>, %arg5: memref<1000x256xf32, #tpu.memory_space<vmem>>) attributes {dimension_semantics = [#tpu.dimension_semantics<arbitrary>, #tpu.dimension_semantics<arbitrary>], iteration_bounds = array<i64: 5, 10>, scalar_prefetch = 0 : i64, scratch_operands = 0 : i64, tpu.core_type = #tpu.core_type<tc>, window_params = [{transform_indices = @transform_0, window_bounds = array<i64: 1000, 256>}, {transform_indices = @transform_1, window_bounds = array<i64: 1, 256, 256>}, {pipeline_mode = #tpu.pipeline_mode<synchronous>, transform_indices = @transform_2, window_bounds = array<i64: 1, 256>}, {transform_indices = @transform_3, window_bounds = array<i64: 1000, 256>}]} {
    %get3A = arith.constant 0 : index
    %get3A_0 = arith.constant 0 : index
    %get3A_1 = vector.load %arg2[%get3A, %get3A_0] : memref<1000x256xf32, #tpu.memory_space<vmem>>, vector<1000x256xf32>
    %get3A_2 = arith.constant 0 : index
    %get3A_3 = arith.constant 0 : index
    %get3A_4 = arith.constant 0 : index
    %get3A_5 = vector.load %arg3[%get3A_2, %get3A_3, %get3A_4] : memref<1x256x256xf32, #tpu.memory_space<vmem>>, vector<1x256x256xf32>
    %get3A_6 = vector.shape_cast %get3A_5 : vector<1x256x256xf32> to vector<256x256xf32>
    %dot_general3A = arith.constant dense<0.000000e+00> : vector<1000x256xf32>
    %dot_general3A_7 = tpu.matmul %get3A_1, %get3A_6, %dot_general3A {dimension_numbers = #tpu.dot_dimension_numbers<[1], [0], [0], [1], [0, 0, 1, 1], [], []>, transpose_lhs_hint = false} : vector<1000x256xf32>, vector<256x256xf32>, vector<1000x256xf32> -> vector<1000x256xf32>
    %eq3A = arith.constant 4 : i32
    %eq3A_8 = arith.cmpi eq, %arg0, %eq3A : i32
    %jit3A = arith.constant 1.000000e+00 : f32
    %jit3A_9 = arith.constant 0.000000e+00 : f32
    %select_n3A = arith.select %eq3A_8, %jit3A, %jit3A_9 : f32
    %get3A_10 = arith.constant 0 : index
    %get3A_11 = arith.constant 0 : index
    %get3A_12 = vector.load %arg4[%get3A_10, %get3A_11] : memref<1x256xf32, #tpu.memory_space<vmem>>, vector<1x256xf32>
    %mul3A = vector.broadcast %select_n3A : f32 to vector<1x256xf32>
    %mul3A_13 = arith.mulf %mul3A, %get3A_12 : vector<1x256xf32>
    %add3A = vector.broadcast %mul3A_13 : vector<1x256xf32> to vector<1000x256xf32>
    %add3A_14 = arith.addf %dot_general3A_7, %add3A : vector<1000x256xf32>
    %swap3A = arith.constant 0 : index
    %swap3A_15 = arith.constant 0 : index
    %swap3A_16 = vector.load %arg5[%swap3A, %swap3A_15] : memref<1000x256xf32, #tpu.memory_space<vmem>>, vector<1000x256xf32>
    tpu.vector_store %arg5[%swap3A, %swap3A_15], %add3A_14 {strides = array<i32>} : memref<1000x256xf32, #tpu.memory_space<vmem>>, vector<1000x256xf32>,
    return
  }
  func.func @transform_0(%arg0: i32, %arg1: i32) -> (i32, i32) {
    %c0_i32 = arith.constant 0 : i32
    %c0_i32_0 = arith.constant 0 : i32
    return %arg1, %c0_i32 : i32, i32
  }
  func.func @transform_1(%arg0: i32, %arg1: i32) -> (i32, i32, i32) {
    %c0_i32 = arith.constant 0 : i32
    %c0_i32_0 = arith.constant 0 : i32
    %c0_i32_1 = arith.constant 0 : i32
    return %arg0, %c0_i32, %c0_i32_0 : i32, i32, i32
  }
  func.func @transform_2(%arg0: i32, %arg1: i32) -> (i32, i32) {
    %c0_i32 = arith.constant 0 : i32
    %c0_i32_0 = arith.constant 0 : i32
    %c0_i32_1 = arith.constant 0 : i32
    return %c0_i32, %c0_i32_0 : i32, i32
  }
  func.func @transform_3(%arg0: i32, %arg1: i32) -> (i32, i32) {
    %mul3A = arith.constant 10 : i32
    %mul3A_0 = arith.muli %arg0, %mul3A : i32
    %add3A = arith.addi %mul3A_0, %arg1 : i32
    %c0_i32 = arith.constant 0 : i32
    %c0_i32_1 = arith.constant 0 : i32
    return %add3A, %c0_i32 : i32, i32
  }
}

</mosaic_0001>

<sc_bundles>
// kernel: kernel.4.cloned.1.call-start
scs
__scs_entry_jumppad:
0x0: {  	(pc) =	sbr.rel $0x88, $3  }
0x1: {  	(tag) =	ssettag $0x0;
	lr =	simm.s32 $0x1  }
0x2: {  	[smem:$0x3F9A] =	sst lr;
	_ =	strace $0xD0000000  }
0x3: {  	_ = 	snop  }
0x4: {  	_ = 	snop  }
0x5: {  	_ = 	snop  }
0x6: {  	_ = 	snop  }
0x7: {  	_ = 	snop  }
__scs_overlays_trampoline_lowered:
0x8: {  	[smem:$0x3FA9] =	sst s0  }
0x9: {  	[smem:$0x3FAA] =	sst s1  }
0xa: {  	[smem:$0x3FAB] =	sst s2  }
0xb: {  	[smem:$0x3FAC] =	sst s3  }
0xc: {  	[smem:$0x3FAD] =	sst s4  }
0xd: {  	[smem:$0x3FAE] =	sst s5  }
0xe: {  	[smem:$0x3FAF] =	sst s6  }
0xf: {  	[smem:$0x3FB0] =	sst s7  }
0x10: {  	[smem:$0x3FB1] =	sst s8  }
0x11: {  	[smem:$0x3FB2] =	sst s9;
	s0 =	simm.s32 @!p0 $0x0  }
0x12: {  	s1 =	sld [smem:$0x3F98];
	s0 =	simm.s32 @p0 $0x1  }
0x13: {  	[smem:$0x3FB3] =	sst s0;
	s0 =	simm.s32 @!p1 $0x0  }
0x14: {  	s2 =	sld [smem:$0x3F97];
	s0 =	simm.s32 @p1 $0x1  }
0x15: {  	[smem:$0x3FB4] =	sst s0;
	s0 =	simm.s32 @!p2 $0x0  }
0x16: {  	s3 =	sld [smem:$0x3FDB];
	s0 =	simm.s32 @p2 $0x1  }
0x17: {  	s4 =	simm.s32 $0x1BF5;
	[smem:$0x3FB6] =	sst s0  }
0x18: {  	s0 =	sld [smem:$0x3F99];
	_ =	swait.ge [sflag:s4], $0x0  }
0x19: {  	s7 =	sld [smem:$0x3F9A]  }
0x1a: {  	s8 =	sadd.s32 $0xFFFFE003, lr  }
0x1b: {  	s9 =	sadd.s32 $0xFFFFFEF7, lr;
	s5 =	simm.s32 $0xFFFFFFFF;
	p2 =	slt.u32 s8, $0xFFFFF086  }
0x1c: {  	p1 =	slt.u32 s9, $0xF7A;
	s5 =	simm.s32 @!p2 $0x0  }
0x1d: {  	s5 =	simm.s32 @p1 $0x1;
	p0 =	seq.s32 s7, s2  }
0x1e: {  	s7 =	smul.u32 @!p0 $0xF7A, s2;
	p2 =	seq.s32 @!p0 s5, $0x0  }
0x1f: {  	s9 =	smul.u32 $0xF7A, s1;
	s8 =	simm.s32 @!p0 $0x1BF5;
	p2 =	por !p2, p0  }
0x20: {  	[sflag:s8] =	ssyncset.s32 @!p0 $0xFFFFF086;
	s6 =	sadd.s32 @!p0 s3, s7;
	s7 =	simm.s32 @!p0 $0x108  }
0x21: {  	s3 =	sadd.s32 s3, s9;
	s6 =	sadd.s32 @!p0 $0x88, s6;
	s7 =	simm.s32 @p2 $0x1082  }
0x22: {  	[simem:s7], [sflag:s8] =	dma.local @!p0 [hbm:s6], $0xF7A  }
0x23: {  	s9 =	sor.u32 $0xD0000000, s2;
	s6 =	simm.s32 $0x108;
	_ =	swait.ge @!p0 [sflag:s8], $0x0  }
0x24: {  	s3 =	sadd.s32 $0x88, s3;
	s6 =	simm.s32 @!p1 $0x1082;
	[sflag:s4] =	ssyncset.s32 $0xFFFFF086  }
0x25: {  	[simem:s6], [sflag:s4] =	dma.local [hbm:s3], $0xF7A  }
0x26: {  	[smem:$0x3F9A] =	sst s1;
	(tag) =	ssettag s2;
	_ =	strace s9  }
0x27: {  	s1 =	sld [smem:$0x3FAA]  }
0x28: {  	s2 =	sld [smem:$0x3FAB]  }
0x29: {  	s4 =	sld [smem:$0x3FAD]  }
0x2a: {  	p0 =	seq.s32 s5, $0x0;
	s5 =	sld [smem:$0x3FAE]  }
0x2b: {  	s6 =	sld [smem:$0x3FAF]  }
0x2c: {  	s7 =	sld [smem:$0x3FB0]  }
0x2d: {  	s3 =	simm.s32 $0x108;
	s8 =	sld [smem:$0x3FB1]  }
0x2e: {  	s3 =	simm.s32 @!p0 $0x1082;
	s9 =	sld [smem:$0x3FB2]  }
0x2f: {  	lr =	sadd.s32 s0, s3;
	s0 =	sld [smem:$0x3FA9]  }
0x30: {  	s3 =	sld [smem:$0x3FAC]  }
0x31: {  	[smem:$0x3FB5] =	sst s10  }
0x32: {  	s10 =	sld [smem:$0x3FB3];
	_ =	sdelay $0x3  }
0x33: {  	p0 =	seq.s32 s10, $0x1;
	s10 =	sld [smem:$0x3FB5];
	_ =	sdelay $0x3  }
0x34: {  	[smem:$0x3FB5] =	sst s10  }
0x35: {  	s10 =	sld [smem:$0x3FB4];
	_ =	sdelay $0x3  }
0x36: {  	p1 =	seq.s32 s10, $0x1;
	s10 =	sld [smem:$0x3FB5];
	_ =	sdelay $0x3  }
0x37: {  	[smem:$0x3FB5] =	sst s10  }
0x38: {  	s10 =	sld [smem:$0x3FB6]  }
0x39: {  	_ = 	snop;
	(pc) =	sbr.ind lr, $3  }
0x3a: {  	_ = 	snop  }
0x3b: {  	_ = 	snop  }
0x3c: {  	p2 =	seq.s32 s10, $0x1;
	s10 =	sld [smem:$0x3FB5]  }
0x3d: {  	_ =	shalt  }
0x3e: {  	_ =	shalt  }
0x3f: {  	_ =	shalt  }
0x40: {  	_ =	shalt  }
0x41: {  	_ =	shalt  }
0x42: {  	_ =	shalt  }
0x43: {  	_ =	shalt  }
0x44: {  	_ =	shalt  }
0x45: {  	_ =	shalt  }
0x46: {  	_ =	shalt  }
0x47: {  	_ =	shalt  }
0x48: {  	_ =	shalt  }
0x49: {  	_ =	shalt  }
0x4a: {  	_ =	shalt  }
0x4b: {  	_ =	shalt  }
0x4c: {  	_ =	shalt  }
0x4d: {  	_ =	shalt  }
0x4e: {  	_ =	shalt  }
0x4f: {  	_ =	shalt  }
0x50: {  	_ =	shalt  }
0x51: {  	_ =	shalt  }
0x52: {  	_ =	shalt  }
0x53: {  	_ =	shalt  }
0x54: {  	_ =	shalt  }
0x55: {  	_ =	shalt  }
0x56: {  	_ =	shalt  }
0x57: {  	_ =	shalt  }
0x58: {  	_ =	shalt  }
0x59: {  	_ =	shalt  }
0x5a: {  	_ =	shalt  }
0x5b: {  	_ =	shalt  }
0x5c: {  	_ =	shalt  }
0x5d: {  	_ =	shalt  }
0x5e: {  	_ =	shalt  }
0x5f: {  	_ =	shalt  }
0x60: {  	_ =	shalt  }
0x61: {  	_ =	shalt  }
0x62: {  	_ =	shalt  }
0x63: {  	_ =	shalt  }
0x64: {  	_ =	shalt  }
0x65: {  	_ =	shalt  }
0x66: {  	_ =	shalt  }
0x67: {  	_ =	shalt  }
0x68: {  	_ =	shalt  }
0x69: {  	_ =	shalt  }
0x6a: {  	_ =	shalt  }
0x6b: {  	_ =	shalt  }
0x6c: {  	_ =	shalt  }
0x6d: {  	_ =	shalt  }
0x6e: {  	_ =	shalt  }
0x6f: {  	_ =	shalt  }
0x70: {  	_ =	shalt  }
0x71: {  	_ =	shalt  }
0x72: {  	_ =	shalt  }
0x73: {  	_ =	shalt  }
0x74: {  	_ =	shalt  }
0x75: {  	_ =	shalt  }
0x76: {  	_ =	shalt  }
0x77: {  	_ =	shalt  }
0x78: {  	_ =	shalt  }
0x79: {  	_ =	shalt  }
0x7a: {  	_ =	shalt  }
0x7b: {  	_ =	shalt  }
0x7c: {  	_ =	shalt  }
0x7d: {  	_ =	shalt  }
0x7e: {  	_ =	shalt  }
0x7f: {  	_ =	shalt  }
0x80: {  	_ =	shalt  }
0x81: {  	_ =	shalt  }
0x82: {  	_ =	shalt  }
0x83: {  	_ =	shalt  }
0x84: {  	_ =	shalt  }
0x85: {  	_ =	shalt  }
0x86: {  	_ =	shalt  }
0x87: {  	_ =	shalt  }
.Lfunc_end0:
.L_simem_size_0:
called_computation_lowered:
.L_overlay_start_0:
0x88: {  	s2 =	sld [smem:$0x3FD9]  }
0x89: {  	s3 =	sld [smem:$0x3FFE];
	_ =	sdelay $0x1  }
0x8a: {  	s1 =	srdreg.scid  }
0x8b: {  	s0 =	sand.u32 $0x1, s1  }
0x8c: {  	s17 =	sshll.u32 s0, $0xA;
	s2 =	sadd.s32 s3, s2  }
0x8d: {  	s2 =	sadd.s32 s2, s17  }
0x8e: {  	[smem:$0x3FC1] =	sst s2  }
0x8f: {  	_ = 	snop  }
0x90: {  	s2 =	sld [smem:$0x3FC7]  }
0x91: {  	s18 =	sld [smem:$0x3FC6]  }
0x92: {  	s4 =	sld [smem:$0x3FD0];
	(tm) =	ssettm $0x1  }
0x93: {  	s5 =	sld [smem:$0x3FFB];
	_ =	sdelay $0x3  }
0x94: {  	_ =	strace s5  }
0x95: {  	s5 =	sld [smem:$0x3FFC];
	_ =	sdelay $0x3  }
0x96: {  	_ =	strace s5  }
0x97: {  	s5 =	sld [smem:$0x3FFD];
	_ =	sdelay $0x3  }
0x98: {  	_ =	strace s5  }
0x99: {  	_ =	strace $0x8FFFFFFF  }
0x9a: {  	s19 =	sld [smem:$0x3FDB];
	_ =	sdelay $0x1  }
0x9b: {  	s6 =	simm.s32 $_scs_section_size  }
0x9c: {  	s7 =	simm.s32 $_size__tile_overlayer_lowered;
	s8 =	simm.s32 $_tile_overlayer_lowered  }
0x9d: {  	s22 =	simm.s32 $0x1BFF;
	s21 =	sshll.u32 s8, $0x1;
	s5 =	sadd.s32 s6, s19  }
0x9e: {  	s9 =	simm.s32 $0x0;
	s20 =	sshll.u32 s7, $0x1;
	s7 =	sadd.s32 s21, s5  }
0x9f: {  	[timem:s9], [sflag:s22] =	dma.local [hbm:s7], s20  }
0xa0: {  	_ =	swait.ge [sflag:s22], s20  }
0xa1: {  	s6 =	ssub.s32 $0x0, s20;
	[sflag:s22] =	ssyncset.done $0x0  }
0xa2: {  	[sflag:s22] =	ssyncadd.s32 s6;
	_ =	sdelay $0x1  }
0xa3: {  	s23 =	simm.s32 $0x1B8B  }
0xa4: {  	_ =	swait.ge [sflag:s23], $0x1  }
0xa5: {  	[sflag:s23] =	ssyncset.done $0x0  }
0xa6: {  	s25 =	simm.s32 $0x1B8E;
	s24 =	sld [smem:$0x3FFE];
	[sflag:s23] =	ssyncadd.s32 $0xFFFFFFFF  }
0xa7: {  	s26 =	simm.s32 $execute0_lowered;
	[smem:$0x3FD2] =	sst s25  }
0xa8: {  	s7 =	sshll.u32 s26, $0x1;
	_ =	strace $0x80000046;
	[dreg:$0x1] =	wrdreg $0xFFFFFFFF  }
0xa9: {  	s28 =	simm.s32 $_size_execute0_lowered;
	s5 =	sadd.s32 s5, s7;
	[dreg:$0x0] =	wrdreg $0x0  }
0xaa: {  	s7 =	sshll.u32 s28, $0x1;
	[dreg:$0x2] =	wrdreg s5  }
0xab: {  	[dreg:$0x3] =	wrdreg s7  }
0xac: {  	[dreg:$0x4] =	wrdreg $0xC0  }
0xad: {  	_ =	task [dreg:s9], $0x5FFFF  }
0xae: {  	[dreg:$0x1] =	wrdreg $0xFFFFFFFF  }
0xaf: {  	[dreg:$0x0] =	wrdreg $0x60  }
0xb0: {  	[dreg:$0x2] =	wrdreg s24  }
0xb1: {  	[dreg:$0x3] =	wrdreg s2  }
0xb2: {  	[dreg:$0x4] =	wrdreg s18  }
0xb3: {  	[dreg:$0x5] =	wrdreg s4  }
0xb4: {  	[dreg:$0x6] =	wrdreg $0x9  }
0xb5: {  	_ =	task.clear_ibuf [dreg:s9], $0x7FFFF;
	_ =	strace $0x90000046  }
0xb6: {  	s29 =	simm.s32 $0x9;
	_ =	strace $0x80000048  }
0xb7: {  	_ =	swait.ge [sflag:s29], $0x1  }
0xb8: {  	[sflag:s29] =	ssyncadd.s32 $0xFFFFFFFF  }
0xb9: {  	_ =	strace $0x90000048  }
0xba: {  	_ =	sfence  }
0xbb: {  	s30 =	sld [smem:$0x0];
	_ =	sdelay $0x2  }
0xbc: {  	s31 =	sshll.u32 s1, $0xD;
	s1 =	sshrl.u32 s1, $0x2  }
0xbd: {  	s3 =	sand.u32 $0x4000, s31;
	s1 =	sadd.s32 s1, s30  }
0xbe: {  	s0 =	sor.u32 s3, s0;
	s1 =	sshll.u32 s1, $0x11  }
0xbf: {  	s0 =	sor.u32 s1, s0  }
0xc0: {  	s0 =	sadd.s32 $0x8F2B, s0  }
0xc1: {  	[sflag:s0] =	ssyncadd.remote.s32 $0x1  }
0xc2: {  	_ =	sfence.sel $0xFFFF  }
0xc3: {  	[dreg:$0x0] =	wrdreg $0xFFFFFFFF;
	(pc) =	sbr.abs _section_cstart, $3  }
0xc4: {  	[dreg:$0x1] =	wrdreg $0xFFFFFFFF  }
0xc5: {  	_ =	task.clear_ibuf [dreg:s9], $0x2FFFF;
	_ =	strace $0x9FFFFFFF  }
0xc6: {  	(tm) =	ssettm $0x7FFFFFFF  }
0xc7: {  	_ =	shalt  }
tec
execute0_lowered:
.L_overlay_start_1:
0x0: {  	(tag) =	ssettag $0x1  }
0x1: {  	s0 =	rddreg [dreg:$0x0]  }
0x2: {  	s12 =	rddreg [dreg:$0x1]  }
0x3: {  	s14 =	rddreg [dreg:$0x2];
	s1 =	srdreg.scid  }
0x4: {  	s3 =	stileid.u32;
	s2 =	rddreg [dreg:$0x3];
	s4 =	simm.s32 $0x0  }
0x5: {  	s13 =	simm.s32 $0x6400;
	s1 =	sand.u32 $0x1, s1;
	s3 =	sshll.u32 s3, $0x1  }
0x6: {  	[smem:$0x7FF] =	sst s4;
	s5 =	sadd.s32 $0xA400, s0;
	s3 =	sor.u32 s1, s3  }
0x7: {  	s15 =	sadd.s32 $0x5400, s0;
	s1 =	ssub.s32 $0x2, s1;
	s3 =	smul.u32 $0x140, s3  }
0x8: {  	s16 =	sadd.s32 $0x400, s0;
	_ =	strace $0x80000047;
	s6 =	sshrl.u32 s1, $0x1  }
0x9: {  	[dreg:$0x5] =	wrdreg s15;
	s29 =	ssub.s32 s1, s6;
	s3 =	smin.u32 s3, $0x25D0  }
0xa: {  	[dreg:$0x6] =	wrdreg s16;
	s0 =	smax.u32 s29, $0x1;
	s7 =	sshll.u32 s3, $0x5  }
0xb: {  	[dreg:$0x9] =	wrdreg s0;
	s30 =	sadd.s32 s7, s5;
	s31 =	sadd.s32 s2, s7  }
0xc: {  	v1 =	vimm.f32 $0.0e+00;
	v2 =	vimm.s32 $0x0;
	s6 =	simm.s32 $0x5;
	s1 =	sadd.s32 $0x138800, s30;
	[dreg:$0x8] =	wrdreg s31  }
0xd: {  	v3 =	vimm.f32 $1.000000000e+00;
	v4 =	vlaneseq.u32;
	v0 =	vmov s3;
	s2 =	simm.s32 $0xAB80;
	[dreg:$0x7] =	wrdreg s1;
	s1 =	simm.s32 $0x0  }
.LBB2_1:
0xe: {  	[dreg:$0xa] =	wrdreg s1;
	s0 =	simm.s32 $0x40;
	s1 =	simm.s32 $0x0  }
.LBB2_2:
0xf: {  	p0 =	sne.s32 s0, $0x14C0;
	[tilespmem:s1+$0x6400] =	vst v1;
	s1 =	smov.u32 s0;
	s0 =	sadd.s32 $0x40, s0  }
.Ltmp0:
0x10: {  	(pc) =	sbr.rel @p0 .LBB2_2-.Ltmp0, $2  }
0x11: {  	_ =	sdelay $0x2  }
0x12: {  	s1 =	sshra.s32 s1, $0x2  }
0x13: {  	[tilespmem:s1+$0x6400] =	vst v1  }
0x14: {  	[tilespmem:$0xA980] =	vst v2  }
0x15: {  	[tilespmem:$0xA990] =	vst v2  }
0x16: {  	[tilespmem:$0xA9A0] =	vst v2  }
0x17: {  	s1 =	simm.s32 $0x0;
	s0 =	rddreg [dreg:$0x7];
	[tilespmem:$0xA9B0] =	vst v2  }
0x18: {  	[tilespmem:s2], [sflag:$0x5] =	stream.linear.gather [hbm4b:s0+s1], $0x14000, $0x38;
	[tilespmem:$0x1F380] =	vst v63  }
0x19: {  	_ =	swait.ge [sflag:s6], $0x14000  }
0x1a: {  	[sflag:s6] =	ssyncset.done $0x0  }
0x1b: {  	s0 =	simm.s32 $0x1900;
	s2 =	simm.s32 $0x0;
	[sflag:s6] =	ssyncadd.s32 $0xFFFEC000  }
.LBB2_4:
0x1c: {  	p0 =	sne.s32 s2, $0x180  }
.Ltmp1:
0x1d: {  	_ = 	snop;
	(pc) =	sbr.rel @p0 .LBB2_4-.Ltmp1, $4  }
0x1e: {  	_ = 	snop  }
0x1f: {  	s3 =	sadd.s32 s2, s16  }
0x20: {  	[tilespmem:s0], [sflag:$0x1] =	stream.linear.gather [hbm4b:s3+s1], $0x80, $0x38;
	[tilespmem:$0x1F380] =	vst v63  }
0x21: {  	s2 =	sadd.s32 $0x10, s2;
	s0 =	sadd.s32 $0x100, s0  }
0x22: {  	s2 =	simm.s32 $0x3200  }
.LBB2_6:
0x23: {  	p0 =	seq.s32 s1, $0x180  }
.Ltmp2:
0x24: {  	_ = 	snop;
	(pc) =	sbr.rel @!p0 .LBB2_6-.Ltmp2, $4  }
0x25: {  	_ = 	snop  }
0x26: {  	s3 =	sadd.s32 s1, s12;
	s0 =	simm.s32 $0x0  }
0x27: {  	[tilespmem:s2], [sflag:$0x1] =	stream.linear.gather [hbm4b:s3+s0], $0x80, $0x38;
	[tilespmem:$0x1F380] =	vst v63  }
0x28: {  	s1 =	sadd.s32 $0x10, s1;
	s2 =	sadd.s32 $0x100, s2  }
0x29: {  	p0 =	por $0x1, $0x1;
	p1 =	por $0x0, $0x0  }
.LBB2_8:
0x2a: {  	p2 =	seq.s32 s0, $0x31  }
.Ltmp3:
0x2b: {  	_ = 	snop;
	(pc) =	sbr.rel @p2 .LBB2_14-.Ltmp3, $2  }
0x2c: {  	_ =	sdelay $0x2  }
0x2d: {  	s1 =	sand.u32 $0x1, s0;
	s0 =	sadd.s32 $0x1, s0  }
0x2e: {  	s2 =	simm.s32 $0x1  }
0x2f: {  	s2 =	simm.s32 @!p0 $0x0  }
0x30: {  	s6 =	smul.u32 $0x190, s0;
	s3 =	sshll.u32 s2, $0x7  }
0x31: {  	s8 =	sxor.u32 $0x1, s1;
	s2 =	sor.u32 $0x3200, s3  }
0x32: {  	s7 =	sor.u32 $0x1900, s3;
	s3 =	sadd.s32 $0x1, s8;
	s8 =	sadd.s32 s16, s6  }
0x33: {  	s9 =	simm.s32 $0x10;
	s11 =	sadd.s32 $0x0, s8;
	s10 =	sadd.s32 $0x100, s7  }
.LBB2_10:
0x34: {  	[tilespmem:s7], [sflag:s3] =	stream.linear.gather [hbm4b:s11+s4], $0x80, $0x38;
	[tilespmem:$0x1F380] =	vst v63  }
0x35: {  	s11 =	smov.u32 s9;
	s7 =	smov.u32 s10;
	p2 =	sne.s32 s9, $0x180  }
.Ltmp4:
0x36: {  	s9 =	sadd.s32 $0x10, s9;
	(pc) =	sbr.rel @p2 .LBB2_10-.Ltmp4, $2  }
0x37: {  	_ =	sdelay $0x2  }
0x38: {  	s10 =	sadd.s32 $0x100, s10;
	s11 =	sadd.s32 s11, s8  }
0x39: {  	[tilespmem:s7], [sflag:s3] =	stream.linear.gather [hbm4b:s11+s4], $0x80, $0x38;
	[tilespmem:$0x1F380] =	vst v63  }
0x3a: {  	s6 =	sadd.s32 s12, s6  }
0x3b: {  	s7 =	simm.s32 $0x10;
	s8 =	sadd.s32 $0x100, s2;
	s9 =	sadd.s32 $0x0, s6  }
.LBB2_12:
0x3c: {  	[tilespmem:s2], [sflag:s3] =	stream.linear.gather [hbm4b:s9+s4], $0x80, $0x38;
	[tilespmem:$0x1F380] =	vst v63  }
0x3d: {  	s9 =	smov.u32 s7;
	s2 =	smov.u32 s8;
	p2 =	sne.s32 s7, $0x180  }
.Ltmp5:
0x3e: {  	s7 =	sadd.s32 $0x10, s7;
	(pc) =	sbr.rel @p2 .LBB2_12-.Ltmp5, $2  }
0x3f: {  	_ =	sdelay $0x2  }
0x40: {  	s8 =	sadd.s32 $0x100, s8;
	s9 =	sadd.s32 s9, s6  }
0x41: {  	[tilespmem:s2], [sflag:s3] =	stream.linear.gather [hbm4b:s9+s4], $0x80, $0x38;
	[tilespmem:$0x1F380] =	vst v63  }
.LBB2_14:
0x42: {  	s1 =	sadd.s32 $0x1, s1  }
0x43: {  	_ =	swait.ge [sflag:s1], $0xC80  }
0x44: {  	[sflag:s1] =	ssyncset.done $0x0  }
0x45: {  	s2 =	simm.s32 $0x1;
	[sflag:s1] =	ssyncadd.s32 $0xFFFFF380  }
0x46: {  	s2 =	simm.s32 @!p1 $0x0;
	_ =	swait.ge [sflag:s1], $0xC80  }
0x47: {  	s2 =	sshll.u32 s2, $0x7;
	[sflag:s1] =	ssyncset.done $0x0  }
0x48: {  	s6 =	sor.u32 $0x1940, s2;
	[sflag:s1] =	ssyncadd.s32 $0xFFFFF380  }
0x49: {  	v5 =	vld [tilespmem:s6+$0x20]  }
0x4a: {  	s2 =	sor.u32 $0x3240, s2;
	v6 =	vld [tilespmem:s6+$0xFFFFFFE0]  }
0x4b: {  	v7 =	vld [tilespmem:s2+$0x20]  }
0x4c: {  	v8 =	vld [tilespmem:s6+$0xFFFFFFC0];
	_ =	sdelay $0x1  }
0x4d: {  	v10 =	vld [tilespmem:s2+$0xFFFFFFC0];
	v5 =	vsub.s32 v5, v0  }
0x4e: {  	v9 =	vld [tilespmem:s6+$0x0];
	v11 =	vshll.u32 v5, $0x2  }
0x4f: {  	v12 =	vld [tilespmem:s2+$0xFFFFFFE0];
	vm0 =	vlt.u32 v5, $0x140;
	v5 =	vadd.s32 v7, v11  }
0x50: {  	v6 =	vsub.s32 v6, v0;
	v8 =	vsub.s32 v8, v0;
	v7 =	vld [tilespmem:s2+$0x0];
	v5 =	vnsel vm0, $0x500, v5  }
0x51: {  	s3 =	sadd.s32 $0x100, s6;
	vm1 =	vlt.u32 v6, $0x140;
	v11 =	vshll.u32 v6, $0x2;
	v6 =	vshll.u32 v8, $0x2  }
0x52: {  	s1 =	sadd.s32 $0x100, s2;
	v57 =	vld [tilespmem:s3+$0xFFFFFFE0];
	vm2 =	vlt.u32 v8, $0x140;
	v6 =	vadd.s32 v10, v6  }
0x53: {  	v13 =	vld [tilespmem:s1+$0xFFFFFFC0];
	v9 =	vsub.s32 v9, v0;
	v6 =	vnsel vm2, $0x500, v6  }
0x54: {  	v15 =	vld [tilespmem:s1+$0xFFFFFFE0];
	v8 =	vshll.u32 v9, $0x2  }
0x55: {  	vm3 =	vlt.u32 v9, $0x140;
	v10 =	vadd.s32 v12, v11;
	v7 =	vadd.s32 v7, v8;
	[tilespmem:v5+s13+$0x0] =	vst.idx.add.f32.msk vm0, v3  }
0x56: {  	v9 =	vnsel vm1, $0x500, v10;
	v5 =	vnsel vm3, $0x500, v7;
	v7 =	vld [tilespmem:s6+$0x30]  }
0x57: {  	v8 =	vld [tilespmem:s2+$0x30]  }
0x58: {  	[tilespmem:v6+s13+$0x0] =	vst.idx.add.f32.msk vm2, v3  }
0x59: {  	v6 =	vld [tilespmem:s3+$0x20]  }
0x5a: {  	v10 =	vld [tilespmem:s1+$0x20]  }
0x5b: {  	[tilespmem:v9+s13+$0x0] =	vst.idx.add.f32.msk vm1, v3;
	v7 =	vsub.s32 v7, v0  }
0x5c: {  	v9 =	vld [tilespmem:s6+$0xFFFFFFF0];
	v11 =	vshll.u32 v7, $0x2  }
0x5d: {  	vm0 =	vlt.u32 v7, $0x140;
	v7 =	vadd.s32 v8, v11;
	v8 =	vld [tilespmem:s3+$0xFFFFFFC0]  }
0x5e: {  	v6 =	vsub.s32 v6, v0;
	v11 =	vld [tilespmem:s3+$0x0]  }
0x5f: {  	v16 =	vld [tilespmem:s2+$0xFFFFFFD0];
	v14 =	vshll.u32 v6, $0x2;
	v7 =	vnsel vm0, $0x500, v7  }
0x60: {  	v61 =	vld [tilespmem:s2+$0xFFFFFFF0];
	vm1 =	vlt.u32 v6, $0x140;
	v6 =	vadd.s32 v10, v14  }
0x61: {  	v10 =	vld [tilespmem:s1+$0x0];
	v6 =	vnsel vm1, $0x500, v6  }
0x62: {  	v12 =	vsub.s32 v57, v0;
	[tilespmem:v5+s13+$0x0] =	vst.idx.add.f32.msk vm3, v3  }
0x63: {  	vm2 =	vlt.u32 v12, $0x140;
	v5 =	vld [tilespmem:s6+$0xFFFFFFD0];
	v8 =	vsub.s32 v8, v0;
	v11 =	vsub.s32 v11, v0  }
0x64: {  	[tilespmem:v7+s13+$0x0] =	vst.idx.add.f32.msk vm0, v3;
	v7 =	vshll.u32 v12, $0x2;
	v59 =	vshll.u32 v8, $0x2;
	vm0 =	vlt.u32 v8, $0x140  }
0x65: {  	v58 =	vld [tilespmem:s6+$0x10];
	v60 =	vshll.u32 v11, $0x2;
	vm3 =	vlt.u32 v11, $0x140;
	v8 =	vadd.s32 v13, v59  }
0x66: {  	[tilespmem:v6+s13+$0x0] =	vst.idx.add.f32.msk vm1, v3;
	v7 =	vadd.s32 v15, v7;
	v10 =	vadd.s32 v10, v60;
	v8 =	vnsel vm0, $0x500, v8  }
0x67: {  	v9 =	vsub.s32 v9, v0;
	v7 =	vnsel vm2, $0x500, v7;
	v6 =	vnsel vm3, $0x500, v10;
	v10 =	vld [tilespmem:s3+$0x30]  }
0x68: {  	v62 =	vld [tilespmem:s2+$0x10];
	vm4 =	vlt.u32 v9, $0x140;
	v9 =	vshll.u32 v9, $0x2  }
0x69: {  	v9 =	vadd.s32 v61, v9;
	v5 =	vsub.s32 v5, v0;
	v63 =	vld [tilespmem:s1+$0x30]  }
0x6a: {  	vm1 =	vlt.u32 v5, $0x140;
	v5 =	vshll.u32 v5, $0x2;
	v11 =	vsub.s32 v58, v0  }
0x6b: {  	vm5 =	vlt.u32 v11, $0x140;
	v5 =	vadd.s32 v16, v5;
	[tilespmem:v8+s13+$0x0] =	vst.idx.add.f32.msk vm0, v3;
	v8 =	vshll.u32 v11, $0x2  }
0x6c: {  	vm0 =	vmmov vm1;
	[tilespmem:v7+s13+$0x0] =	vst.idx.add.f32.msk vm2, v3;
	vm1 =	vmmov vm4;
	v10 =	vsub.s32 v10, v0  }
0x6d: {  	[tilespmem:v6+s13+$0x0] =	vst.idx.add.f32.msk vm3, v3;
	v7 =	vnsel vm0, $0x500, v5;
	v5 =	vnsel vm1, $0x500, v9;
	v6 =	vshll.u32 v10, $0x2  }
0x6e: {  	v11 =	vld [tilespmem:s3+$0xFFFFFFD0];
	v8 =	vadd.s32 v62, v8;
	vm3 =	vlt.u32 v10, $0x140;
	v9 =	vadd.s32 v63, v6  }
0x6f: {  	v10 =	vld [tilespmem:s3+$0xFFFFFFF0];
	v6 =	vnsel vm5, $0x500, v8;
	v8 =	vnsel vm3, $0x500, v9  }
0x70: {  	s2 =	simm.s32 $0x4;
	s6 =	sadd.s32 $0x100, s3;
	vm2 =	vmmov vm5;
	v9 =	vld [tilespmem:s3+$0x10];
	s3 =	smov.u32 s1  }
.LBB2_15:
0x71: {  	v12 =	vld [tilespmem:s6+$0x20];
	s2 =	sadd.s32 $0x4, s2  }
0x72: {  	s1 =	sadd.s32 $0x100, s1;
	v13 =	vld [tilespmem:s6+$0xFFFFFFE0];
	p2 =	slt.u32 s2, $0x60  }
0x73: {  	v14 =	vld [tilespmem:s1+$0x20];
	v11 =	vsub.s32 v11, v0  }
0x74: {  	vm6 =	vlt.u32 v11, $0x140;
	v11 =	vshll.u32 v11, $0x2;
	v10 =	vsub.s32 v10, v0;
	[tilespmem:v8+s13+$0x0] =	vst.idx.add.f32.msk vm3, v3  }
0x75: {  	v8 =	vld [tilespmem:s6+$0x0];
	vm4 =	vlt.u32 v10, $0x140;
	v10 =	vshll.u32 v10, $0x2;
	v9 =	vsub.s32 v9, v0  }
0x76: {  	v15 =	vld [tilespmem:s6+$0xFFFFFFC0];
	v12 =	vsub.s32 v12, v0;
	vm3 =	vlt.u32 v9, $0x140;
	v9 =	vshll.u32 v9, $0x2  }
0x77: {  	v16 =	vld [tilespmem:s1+$0xFFFFFFC0];
	v13 =	vsub.s32 v13, v0;
	v17 =	vshll.u32 v12, $0x2  }
0x78: {  	vm8 =	vlt.u32 v12, $0x140;
	v18 =	vld [tilespmem:s1+$0xFFFFFFE0];
	v19 =	vshll.u32 v13, $0x2;
	v12 =	vadd.s32 v14, v17  }
0x79: {  	vm5 =	vlt.u32 v13, $0x140;
	v13 =	vld [tilespmem:s1+$0x0];
	v12 =	vnsel vm8, $0x500, v12  }
0x7a: {  	v8 =	vsub.s32 v8, v0;
	v14 =	vld [tilespmem:s3+$0xFFFFFFD0]  }
0x7b: {  	v15 =	vsub.s32 v15, v0;
	vm7 =	vlt.u32 v8, $0x140;
	v8 =	vshll.u32 v8, $0x2;
	v17 =	vld [tilespmem:s3+$0xFFFFFFF0]  }
0x7c: {  	vm9 =	vlt.u32 v15, $0x140;
	v15 =	vshll.u32 v15, $0x2;
	v20 =	vld [tilespmem:s3+$0x10];
	s3 =	smov.u32 s1  }
0x7d: {  	v15 =	vadd.s32 v16, v15;
	v16 =	vadd.s32 v18, v19;
	[tilespmem:v7+s13+$0x0] =	vst.idx.add.f32.msk vm0, v3;
	vm0 =	vmmov vm6  }
0x7e: {  	v15 =	vnsel vm9, $0x500, v15;
	v16 =	vnsel vm5, $0x500, v16;
	v7 =	vadd.s32 v13, v8;
	[tilespmem:v12+s13+$0x0] =	vst.idx.add.f32.msk vm8, v3  }
0x7f: {  	v8 =	vnsel vm7, $0x500, v7;
	v12 =	vld [tilespmem:s6+$0x30];
	v7 =	vadd.s32 v14, v11  }
0x80: {  	v7 =	vnsel vm0, $0x500, v7;
	v10 =	vadd.s32 v17, v10;
	[tilespmem:v5+s13+$0x0] =	vst.idx.add.f32.msk vm1, v3;
	vm1 =	vmmov vm4  }
0x81: {  	v13 =	vld [tilespmem:s1+$0x30];
	v5 =	vnsel vm1, $0x500, v10;
	v9 =	vadd.s32 v20, v9  }
0x82: {  	[tilespmem:v6+s13+$0x0] =	vst.idx.add.f32.msk vm2, v3;
	v6 =	vnsel vm3, $0x500, v9;
	vm2 =	vmmov vm3  }
0x83: {  	[tilespmem:v15+s13+$0x0] =	vst.idx.add.f32.msk vm9, v3  }
.Ltmp6:
0x84: {  	[tilespmem:v16+s13+$0x0] =	vst.idx.add.f32.msk vm5, v3;
	v9 =	vsub.s32 v12, v0;
	(pc) =	sbr.rel @p2 .LBB2_15-.Ltmp6, $4  }
0x85: {  	[tilespmem:v8+s13+$0x0] =	vst.idx.add.f32.msk vm7, v3;
	v8 =	vshll.u32 v9, $0x2  }
0x86: {  	vm3 =	vlt.u32 v9, $0x140;
	v11 =	vld [tilespmem:s6+$0xFFFFFFD0];
	v8 =	vadd.s32 v13, v8  }
0x87: {  	v10 =	vld [tilespmem:s6+$0xFFFFFFF0];
	v8 =	vnsel vm3, $0x500, v8  }
0x88: {  	v9 =	vld [tilespmem:s6+$0x10];
	s6 =	sadd.s32 $0x100, s6  }
0x89: {  	v12 =	vld [tilespmem:s3+$0xFFFFFFD0]  }
0x8a: {  	v13 =	vld [tilespmem:s3+$0xFFFFFFF0];
	_ =	sdelay $0x1  }
0x8b: {  	v15 =	vld [tilespmem:s3+$0x10];
	v11 =	vsub.s32 v11, v0;
	v10 =	vsub.s32 v10, v0  }
0x8c: {  	v14 =	vshll.u32 v11, $0x2;
	vm4 =	vlt.u32 v11, $0x140;
	vm5 =	vlt.u32 v10, $0x140  }
0x8d: {  	v10 =	vshll.u32 v10, $0x2;
	v9 =	vsub.s32 v9, v0;
	vm4 =	vmmov vm4  }
0x8e: {  	v62 =	vadd.s32 v12, v14;
	v10 =	vadd.s32 v13, v10;
	vm6 =	vlt.u32 v9, $0x140  }
0x8f: {  	v9 =	vshll.u32 v9, $0x2;
	vm5 =	vmmov vm5;
	v11 =	vnsel vm4, $0x500, v62  }
0x90: {  	[tilespmem:v8+s13+$0x0] =	vst.idx.add.f32.msk vm3, v3;
	v63 =	vnsel vm5, $0x500, v10;
	v9 =	vadd.s32 v15, v9  }
0x91: {  	[tilespmem:v7+s13+$0x0] =	vst.idx.add.f32.msk vm0, v3;
	p2 =	seq.s32 s0, $0x32;
	v7 =	vnsel vm6, $0x500, v9  }
.Ltmp7:
0x92: {  	[tilespmem:v5+s13+$0x0] =	vst.idx.add.f32.msk vm1, v3;
	(pc) =	sbr.rel @!p2 .LBB2_8-.Ltmp7, $4  }
0x93: {  	[tilespmem:v6+s13+$0x0] =	vst.idx.add.f32.msk vm2, v3  }
0x94: {  	[tilespmem:v11+s13+$0x0] =	vst.idx.add.f32.msk vm4, v3  }
0x95: {  	[tilespmem:v63+s13+$0x0] =	vst.idx.add.f32.msk vm5, v3  }
0x96: {  	p0 =	por !p0, !p0;
	p1 =	por !p1, !p1;
	s1 =	simm.s32 $0x0;
	vm15 =	vmmov vm6;
	[tilespmem:v7+s13+$0x0] =	vst.idx.add.f32.msk vm6, v3  }
0x97: {  	s0 =	simm.s32 $0x0;
	s2 =	simm.s32 $0x0  }
.LBB2_18:
0x98: {  	p0 =	sne.s32 s2, $0x180  }
.Ltmp8:
0x99: {  	_ = 	snop;
	(pc) =	sbr.rel @p0 .LBB2_18-.Ltmp8, $4  }
0x9a: {  	_ = 	snop  }
0x9b: {  	s3 =	sadd.s32 s2, s15  }
0x9c: {  	[tilespmem:s0], [sflag:$0x1] =	stream.linear.gather [hbm4b:s3+s1], $0x80, $0x38;
	[tilespmem:$0x1F380] =	vst v63  }
0x9d: {  	s2 =	sadd.s32 $0x10, s2;
	s0 =	sadd.s32 $0x100, s0  }
0x9e: {  	s2 =	simm.s32 $0x1900  }
.LBB2_20:
0x9f: {  	p0 =	sne.s32 s1, $0x180  }
.Ltmp9:
0xa0: {  	_ = 	snop;
	(pc) =	sbr.rel @p0 .LBB2_20-.Ltmp9, $4  }
0xa1: {  	_ = 	snop  }
0xa2: {  	s3 =	sadd.s32 s1, s16;
	s0 =	simm.s32 $0x0  }
0xa3: {  	[tilespmem:s2], [sflag:$0x1] =	stream.linear.gather [hbm4b:s3+s0], $0x80, $0x38;
	[tilespmem:$0x1F380] =	vst v63  }
0xa4: {  	s1 =	sadd.s32 $0x10, s1;
	s2 =	sadd.s32 $0x100, s2  }
0xa5: {  	s1 =	simm.s32 $0x3200;
	s2 =	simm.s32 $0x0  }
.LBB2_22:
0xa6: {  	p0 =	sne.s32 s2, $0x180  }
.Ltmp10:
0xa7: {  	_ = 	snop;
	(pc) =	sbr.rel @p0 .LBB2_22-.Ltmp10, $4  }
0xa8: {  	_ = 	snop  }
0xa9: {  	s3 =	sadd.s32 s2, s12  }
0xaa: {  	[tilespmem:s1], [sflag:$0x1] =	stream.linear.gather [hbm4b:s3+s0], $0x80, $0x38;
	[tilespmem:$0x1F380] =	vst v63  }
0xab: {  	s2 =	sadd.s32 $0x10, s2;
	s1 =	sadd.s32 $0x100, s1  }
0xac: {  	s1 =	simm.s32 $0x4B00  }
.LBB2_24:
0xad: {  	p0 =	seq.s32 s0, $0x180  }
.Ltmp11:
0xae: {  	_ = 	snop;
	(pc) =	sbr.rel @!p0 .LBB2_24-.Ltmp11, $4  }
0xaf: {  	_ = 	snop  }
0xb0: {  	s2 =	sadd.s32 s0, s14;
	s22 =	simm.s32 $0x0  }
0xb1: {  	[tilespmem:s1], [sflag:$0x1] =	stream.linear.gather [hbm4b:s2+s22], $0x80, $0x38;
	[tilespmem:$0x1F380] =	vst v63  }
0xb2: {  	s0 =	sadd.s32 $0x10, s0;
	s1 =	sadd.s32 $0x100, s1  }
.Ltmp12:
0xb3: {  	(pc) =	sbr.rel .LBB2_27-.Ltmp12, $3  }
0xb4: {  	_ =	sdelay $0x1  }
0xb5: {  	p0 =	por $0x1, $0x1  }
0xb6: {  	s20 =	simm.s32 $0x0;
	s0 =	simm.s32 $0x0;
	s21 =	simm.s32 $0x0  }
.LBB2_26:
0xb7: {  	s21 =	rddreg [dreg:$0xb]  }
0xb8: {  	p1 =	seq.s32 s21, $0x32  }
.Ltmp13:
0xb9: {  	_ = 	snop;
	(pc) =	sbr.rel @p1 .LBB2_49-.Ltmp13, $2  }
0xba: {  	_ =	sdelay $0x2  }
0xbb: {  	p0 =	por !p0, !p0  }
.LBB2_27:
0xbc: {  	p1 =	seq.s32 s21, $0x31  }
.Ltmp14:
0xbd: {  	_ = 	snop;
	(pc) =	sbr.rel @p1 .LBB2_37-.Ltmp14, $2  }
0xbe: {  	_ =	sdelay $0x2  }
0xbf: {  	s1 =	sand.u32 $0x1, s21;
	s15 =	sadd.s32 $0x1, s21  }
0xc0: {  	s2 =	simm.s32 $0x1;
	s6 =	smul.u32 $0x190, s15  }
0xc1: {  	s3 =	sxor.u32 $0x1, s1;
	s10 =	rddreg [dreg:$0x5];
	s2 =	simm.s32 @!p0 $0x0  }
0xc2: {  	s11 =	simm.s32 $0x10;
	s3 =	sadd.s32 $0x1, s3;
	s9 =	sshll.u32 s2, $0x7  }
0xc3: {  	s10 =	sadd.s32 s10, s6;
	s2 =	sor.u32 $0x4B00, s9;
	s7 =	sor.u32 $0x3200, s9  }
0xc4: {  	s8 =	sor.u32 $0x1900, s9;
	s14 =	sadd.s32 $0x0, s10;
	s12 =	sadd.s32 $0x100, s9  }
.LBB2_29:
0xc5: {  	[tilespmem:s9], [sflag:s3] =	stream.linear.gather [hbm4b:s14+s4], $0x80, $0x38;
	[tilespmem:$0x1F380] =	vst v63  }
0xc6: {  	s14 =	smov.u32 s11;
	s9 =	smov.u32 s12;
	p1 =	sne.s32 s11, $0x180  }
.Ltmp15:
0xc7: {  	s11 =	sadd.s32 $0x10, s11;
	(pc) =	sbr.rel @p1 .LBB2_29-.Ltmp15, $2  }
0xc8: {  	_ =	sdelay $0x2  }
0xc9: {  	s12 =	sadd.s32 $0x100, s12;
	s14 =	sadd.s32 s14, s10  }
0xca: {  	[tilespmem:s9], [sflag:s3] =	stream.linear.gather [hbm4b:s14+s4], $0x80, $0x38;
	[tilespmem:$0x1F380] =	vst v63  }
0xcb: {  	s31 =	rddreg [dreg:$0x6]  }
0xcc: {  	s9 =	sadd.s32 s31, s6  }
0xcd: {  	s10 =	simm.s32 $0x10;
	s11 =	sadd.s32 $0x100, s8;
	s12 =	sadd.s32 $0x0, s9  }
.LBB2_31:
0xce: {  	[tilespmem:s8], [sflag:s3] =	stream.linear.gather [hbm4b:s12+s4], $0x80, $0x38;
	[tilespmem:$0x1F380] =	vst v63  }
0xcf: {  	s12 =	smov.u32 s10;
	s8 =	smov.u32 s11;
	p1 =	sne.s32 s10, $0x180  }
.Ltmp16:
0xd0: {  	s10 =	sadd.s32 $0x10, s10;
	(pc) =	sbr.rel @p1 .LBB2_31-.Ltmp16, $2  }
0xd1: {  	_ =	sdelay $0x2  }
0xd2: {  	s11 =	sadd.s32 $0x100, s11;
	s12 =	sadd.s32 s12, s9  }
0xd3: {  	[tilespmem:s8], [sflag:s3] =	stream.linear.gather [hbm4b:s12+s4], $0x80, $0x38;
	[tilespmem:$0x1F380] =	vst v63  }
0xd4: {  	s31 =	rddreg [dreg:$0x1]  }
0xd5: {  	s8 =	sadd.s32 s31, s6  }
0xd6: {  	s9 =	simm.s32 $0x10;
	s10 =	sadd.s32 $0x100, s7;
	s11 =	sadd.s32 $0x0, s8  }
.LBB2_33:
0xd7: {  	[tilespmem:s7], [sflag:s3] =	stream.linear.gather [hbm4b:s11+s4], $0x80, $0x38;
	[tilespmem:$0x1F380] =	vst v63  }
0xd8: {  	s11 =	smov.u32 s9;
	s7 =	smov.u32 s10;
	p1 =	sne.s32 s9, $0x180  }
.Ltmp17:
0xd9: {  	s9 =	sadd.s32 $0x10, s9;
	(pc) =	sbr.rel @p1 .LBB2_33-.Ltmp17, $2  }
0xda: {  	_ =	sdelay $0x2  }
0xdb: {  	s10 =	sadd.s32 $0x100, s10;
	s11 =	sadd.s32 s11, s8  }
0xdc: {  	[tilespmem:s7], [sflag:s3] =	stream.linear.gather [hbm4b:s11+s4], $0x80, $0x38;
	[tilespmem:$0x1F380] =	vst v63  }
0xdd: {  	s31 =	rddreg [dreg:$0x2]  }
0xde: {  	s6 =	sadd.s32 s31, s6  }
0xdf: {  	s7 =	simm.s32 $0x10;
	s8 =	sadd.s32 $0x100, s2;
	s9 =	sadd.s32 $0x0, s6  }
.LBB2_35:
0xe0: {  	[tilespmem:s2], [sflag:s3] =	stream.linear.gather [hbm4b:s9+s4], $0x80, $0x38;
	[tilespmem:$0x1F380] =	vst v63  }
0xe1: {  	s9 =	smov.u32 s7;
	s2 =	smov.u32 s8;
	p1 =	sne.s32 s7, $0x180  }
.Ltmp18:
0xe2: {  	s7 =	sadd.s32 $0x10, s7;
	(pc) =	sbr.rel @p1 .LBB2_35-.Ltmp18, $2  }
0xe3: {  	_ =	sdelay $0x2  }
0xe4: {  	s8 =	sadd.s32 $0x100, s8;
	s9 =	sadd.s32 s9, s6  }
0xe5: {  	[tilespmem:s2], [sflag:s3] =	stream.linear.gather [hbm4b:s9+s4], $0x80, $0x38;
	[tilespmem:$0x1F380] =	vst v63  }
.LBB2_37:
0xe6: {  	[dreg:$0xb] =	wrdreg s15;
	s2 =	sadd.s32 $0x1, s1  }
0xe7: {  	_ =	swait.ge [sflag:s2], $0xC80  }
0xe8: {  	[sflag:s2] =	ssyncset.done $0x0  }
0xe9: {  	[sflag:s2] =	ssyncadd.s32 $0xFFFFF380  }
0xea: {  	_ =	swait.ge [sflag:s2], $0xC80  }
0xeb: {  	[sflag:s2] =	ssyncset.done $0x0  }
0xec: {  	[sflag:s2] =	ssyncadd.s32 $0xFFFFF380  }
0xed: {  	_ =	swait.ge [sflag:s2], $0xC80  }
.Ltmp19:
0xee: {  	[sflag:s2] =	ssyncset.done $0x0;
	(pc) =	sbr.rel .LBB2_38-.Ltmp19, $4  }
0xef: {  	[sflag:s2] =	ssyncadd.s32 $0xFFFFF380  }
0xf0: {  	_ =	swait.ge [sflag:s2], $0xC80  }
0xf1: {  	s23 =	sshll.u32 s1, $0x7;
	s25 =	simm.s32 $0x0;
	[sflag:s2] =	ssyncset.done $0x0  }
0xf2: {  	s30 =	sor.u32 $0x10, s23;
	[dreg:$0xc] =	wrdreg s23;
	[sflag:s2] =	ssyncadd.s32 $0xFFFFF380  }
.LBB2_44:
0xf3: {  	s22 =	smov.u32 @p1 s28;
	s0 =	simm.s32 @!p1 $0x1  }
.LBB2_48:
0xf4: {  	s25 =	sadd.s32 $0x1, s25  }
0xf5: {  	p2 =	seq.s32 s25, $0x64  }
.Ltmp20:
0xf6: {  	_ = 	snop;
	(pc) =	sbr.rel @p2 .LBB2_26-.Ltmp20, $3  }
0xf7: {  	_ =	sdelay $0x1  }
0xf8: {  	p1 =	sgt.s32 s28, $0x1F;
	s1 =	sxor.u32 $0x1, s20  }
0xf9: {  	s20 =	smov.u32 @p1 s1  }
.LBB2_38:
0xfa: {  	s1 =	sshll.u32 s25, $0x5  }
0xfb: {  	s24 =	sshll.u32 s25, $0x6;
	s28 =	sand.u32 $0x60, s1  }
0xfc: {  	s29 =	sand.u32 $0x1F00, s24;
	s26 =	sor.u32 s23, s28  }
0xfd: {  	s1 =	sor.u32 s29, s26  }
0xfe: {  	v5 =	vld [tilespmem:s1+$0x1900];
	_ =	sdelay $0x1  }
0xff: {  	v6 =	vld [tilespmem:s1+$0x3200];
	_ =	sdelay $0x2  }
0x100: {  	v5 =	vsub.s32 v5, v0  }
0x101: {  	v7 =	vshll.u32 v5, $0x2  }
0x102: {  	vm0 =	vlt.u32 v5, $0x140;
	v7 =	vadd.s32 v6, v7  }
0x103: {  	v7 =	vnsel vm0, $0x500, v7;
	_ =	sdelay $0x4  }
0x104: {  	v8 =	vmpcnt.ones.xlane vm0;
	v7 =	vld.idx.msk [tilespmem:v7+s13+$0x0], $0xffff;
	_ =	sdelay $0x1  }
0x105: {  	(v2sf) =	vpush v8, $0x0;
	_ =	sdelay $0x2  }
0x106: {  	v7 =	vmax.f32 v7, $1.000000000e+00  }
0x107: {  	(erf) = vrcp.f32 v7;
	_ =	sdelay $0x3  }
0x108: {  	v63 =	vld [tilespmem:s1+$0x4B00]  }
0x109: {  	v7 =	vld [tilespmem:s1+$0x0];
	_ =	sdelay $0x2  }
0x10a: {  	v6 =	vmul.u32 $0x2710, v6  }
0x10b: {  	v9 =	vpop (erf)  }
0x10c: {  	v6 =	vadd.s32 v7, v6;
	v8 =	vmul.f32 v9, v63  }
0x10d: {  	s31 =	spop (v2sf);
	[tilespmem:s22+$0xA980] =	vst.msk vm0, v6  }
0x10e: {  	s26 =	sadd.s32 s22, s31;
	[tilespmem:s22+$0xAA00] =	vst.msk vm0, v5;
	v6 =	vnsel vm0, $0x0, v8  }
0x10f: {  	p1 =	slt.s32 s26, $0x20;
	[tilespmem:s22+$0xAA80] =	vst.msk vm0, v6  }
0x110: {  	v5 =	vld @!p1 [tilespmem:s26+$0xA960];
	_ =	sdelay $0x3  }
0x111: {  	s1 =	sshll.u32 @!p1 s20, $0x5  }
0x112: {  	[tilespmem:s1+$0xAB00] =	vst @!p1 v5  }
0x113: {  	v5 =	vld @!p1 [tilespmem:s26+$0xA9E0];
	_ =	sdelay $0x4  }
0x114: {  	[tilespmem:s1+$0xAA40] =	vst @!p1 v5  }
0x115: {  	v5 =	vld @!p1 [tilespmem:s26+$0xAA60];
	_ =	sdelay $0x4  }
0x116: {  	[tilespmem:s1+$0xAAC0] =	vst @!p1 v5  }
0x117: {  	v5 =	vld @!p1 [tilespmem:s26+$0xA970];
	_ =	sdelay $0x2  }
0x118: {  	v6 =	vld @!p1 [tilespmem:s1+$0xAB00];
	_ =	sdelay $0x1  }
0x119: {  	[tilespmem:s1+$0xAB10] =	vst @!p1 v5  }
0x11a: {  	v5 =	vld @!p1 [tilespmem:s26+$0xA9F0];
	_ =	sdelay $0x1  }
0x11b: {  	v7 =	vshll.u32 @!p1 v6, $0x1  }
0x11c: {  	v8 =	vlaneseq.u32 @!p1;
	v6 =	vand.u32 @!p1 $0x7, v6;
	v7 =	vand.u32 @!p1 $0xFFFFFFF0, v7  }
0x11d: {  	v9 =	vshrl.u32 @!p1 v8, $0x3;
	v6 =	vor.u32 @!p1 v6, v7;
	v7 =	vand.u32 @!p1 $0x7, v8  }
0x11e: {  	v9 =	vmul.u32 @!p1 $0x8, v9;
	[tilespmem:s1+$0xAA50] =	vst @!p1 v5;
	v5 =	vperm.xlane @!p1 v6, v7  }
0x11f: {  	v8 =	vor.u32 @!p1 $0x8, v8;
	v10 =	vld @!p1 [tilespmem:s26+$0xAA70]  }
0x120: {  	v6 =	vperm.xlane @!p1 v6, v8;
	v5 =	vadd.s32 @!p1 v9, v5;
	_ =	sdelay $0x1  }
0x121: {  	s2 =	sshll.u32 @!p1 s20, $0xD;
	v6 =	vadd.s32 @!p1 v9, v6  }
0x122: {  	s3 =	sand.u32 @!p1 $0x3FFFE000, s2  }
0x123: {  	s6 =	sadd.s32 @!p1 $0x3, s20;
	s8 =	simm.s32 @!p1 $0x0;
	s7 =	sadd.s32 @!p1 $0x6980, s3;
	vm0 =	vmmov @!p1 $0xffff;
	[tilespmem:s1+$0xAAD0] =	vst @!p1 v10  }
0x124: {  	[tilespmem:s7], [sflag:s6] =	stream.indirect_vreg.gather @!p1 [hbm4b:s5+s8], $0x80, v5, vm0, $0xb8;
	[tilespmem:$0x1F380] =	vst v63  }
0x125: {  	s3 =	sadd.s32 @!p1 $0x7180, s3  }
0x126: {  	[tilespmem:s3], [sflag:s6] =	stream.indirect_vreg.gather @!p1 [hbm4b:s5+s8], $0x80, v6, vm0, $0xb8;
	[tilespmem:$0x1F380] =	vst v63  }
0x127: {  	v5 =	vld @!p1 [tilespmem:s1+$0xAB10];
	_ =	sdelay $0x4  }
0x128: {  	v6 =	vshll.u32 @!p1 v5, $0x1  }
0x129: {  	v5 =	vand.u32 @!p1 $0x7, v5;
	v6 =	vand.u32 @!p1 $0xFFFFFFF0, v6  }
0x12a: {  	v5 =	vor.u32 @!p1 v5, v6  }
0x12b: {  	v6 =	vperm.xlane @!p1 v5, v7;
	_ =	sdelay $0x1  }
0x12c: {  	v5 =	vperm.xlane @!p1 v5, v8;
	v6 =	vadd.s32 @!p1 v9, v6  }
0x12d: {  	p2 =	sne.s32 @!p1 s0, $0x1  }
0x12e: {  	p2 =	por p1, p2;
	s1 =	sor.u32 @!p1 $0x1000, s2;
	v5 =	vadd.s32 @!p1 v9, v5  }
.Ltmp21:
0x12f: {  	s1 =	sand.u32 @!p1 $0x3FFFF000, s1;
	(pc) =	sbr.rel @p2 .LBB2_39-.Ltmp21, $4  }
0x130: {  	s2 =	sadd.s32 @!p1 $0x6980, s1  }
0x131: {  	[tilespmem:s2], [sflag:s6] =	stream.indirect_vreg.gather @!p1 [hbm4b:s5+s8], $0x80, v6, vm0, $0xb8;
	[tilespmem:$0x1F380] =	vst v63  }
0x132: {  	s22 =	sadd.s32 @!p1 $0xFFFFFFE0, s26;
	s1 =	sadd.s32 @!p1 $0x7180, s1  }
0x133: {  	[tilespmem:s1], [sflag:s6] =	stream.indirect_vreg.gather @!p1 [hbm4b:s5+s8], $0x80, v5, vm0, $0xb8;
	[tilespmem:$0x1F380] =	vst v63  }
0x134: {  	s0 =	ssub.s32 $0x4, s20  }
0x135: {  	_ =	swait.ge [sflag:s0], $0x1000  }
0x136: {  	[sflag:s0] =	ssyncset.done $0x0  }
0x137: {  	[sflag:s0] =	ssyncadd.s32 $0xFFFFF000  }
0x138: {  	s1 =	sshll.u32 s20, $0x5;
	_ =	swait.ge [sflag:s0], $0x1000  }
0x139: {  	s1 =	sxor.u32 $0x20, s1;
	[sflag:s0] =	ssyncset.done $0x0  }
0x13a: {  	s2 =	sor.u32 $0xAA40, s1;
	[sflag:s0] =	ssyncadd.s32 $0xFFFFF000  }
0x13b: {  	s3 =	sor.u32 $0xAA50, s1;
	v8 =	vld [tilespmem:s2+$0x0]  }
0x13c: {  	v9 =	vld [tilespmem:s3+$0x0];
	_ =	sdelay $0x1  }
0x13d: {  	s6 =	simm.s32 $0x2  }
0x13e: {  	s0 =	sand.u32 $0xE, s6;
	s2 =	simm.s32 $0x1  }
0x13f: {  	p1 =	por $0x1, $0x1;
	s3 =	simm.s32 $0x0;
	v5 =	vmov s0;
	s2 =	sand.u32 $0xD, s2  }
0x140: {  	s7 =	sand.u32 $0xC, s3;
	vm0 =	veq.s32 v5, v4;
	v7 =	vmov s2;
	v6 =	vpsel p1, v8, v9  }
0x141: {  	vm1 =	veq.s32 v7, v4;
	v7 =	vmov s7;
	v5 =	vnsel vm0, $0x0, v6  }
0x142: {  	vm2 =	veq.s32 v7, v4;
	v10 =	vnsel vm1, $0x0, v6;
	(xrf0) =	vadd.scan.msk.s32 $0xffff, v5  }
0x143: {  	s9 =	sor.u32 $0xAAD0, s1;
	v5 =	vnsel vm2, $0x0, v6;
	(xrf0) =	vadd.scan.msk.s32 $0xffff, v10  }
0x144: {  	s8 =	sor.u32 $0xAAC0, s1;
	v11 =	vld [tilespmem:s9+$0x0];
	(xrf0) =	vadd.scan.msk.s32 $0xffff, v5  }
0x145: {  	v10 =	vld [tilespmem:s8+$0x0];
	_ =	sdelay $0x2  }
0x146: {  	v5, _, _ =	vpop (xrf0)  }
0x147: {  	s10 =	simm.s32 $0x3;
	v7, _, _ =	vpop (xrf0);
	(v2sf) =	vpush v5, $0xF  }
0x148: {  	s0 =	sand.u32 $0xF, s10;
	v5 =	vpsel p1, v10, v11;
	(v2sf) =	vpush v7, $0xF;
	v7, _, _ =	vpop (xrf0)  }
0x149: {  	v13 =	vmov s0;
	v12 =	vnsel vm1, $0x0, v5;
	(v2sf) =	vpush v7, $0xF  }
0x14a: {  	vm12 =	veq.s32 v13, v4;
	v7 =	vnsel vm0, $0x0, v5;
	(xrf2) =	vadd.scan.msk.f32 $0xffff, v12  }
0x14b: {  	v12 =	vnsel vm12, $0x0, v5;
	(xrf2) =	vadd.scan.msk.f32 $0xffff, v7  }
0x14c: {  	v5 =	vnsel vm2, $0x0, v5;
	(xrf2) =	vadd.scan.msk.f32 $0xffff, v12  }
0x14d: {  	(xrf2) =	vadd.scan.msk.f32 $0xffff, v5;
	_ =	sdelay $0x2  }
0x14e: {  	s11 =	sshll.u32 s20, $0xD  }
0x14f: {  	s7 =	ssub.s32 $0x2000, s11  }
0x150: {  	s12 =	simm.s32 $0x0;
	s0 =	sand.u32 $0x3800, s7  }
0x151: {  	s1 =	sand.u32 $0x200, s12;
	s0 =	sadd.s32 $0x6980, s0  }
0x152: {  	s8 =	sor.u32 s1, s0;
	v5 =	vnsel vm12, $0x0, v6;
	v7, _, _ =	vpop (xrf2)  }
0x153: {  	v13 =	vld [tilespmem:s8+$0x0];
	v12, _, _ =	vpop (xrf2)  }
0x154: {  	v14, _, _ =	vpop (xrf2);
	s14 =	spop (v2sf)  }
0x155: {  	(xrf0) =	vadd.scan.msk.s32 $0xffff, v5;
	v5, _, _ =	vpop (xrf2);
	s6 =	spop (v2sf)  }
0x156: {  	v5 =	vbroadcast v5, $0xF;
	s15 =	spop (v2sf)  }
0x157: {  	s16 =	sshll.u32 s15, $0x8;
	s1 =	sshll.u32 s15, $0x7  }
0x158: {  	v6 =	vmul.f32 v13, v5;
	s3 =	sand.u32 $0xFFFFF800, s16;
	s1 =	sand.u32 $0x380, s1  }
0x159: {  	s23 =	smov.u32 s30;
	s30 =	sor.u32 s1, s3  }
0x15a: {  	[tilespmem:s30+$0xAB80] =	vst.add.f32.msk $0xffff, v6  }
0x15b: {  	v13 =	vld [tilespmem:s8+$0x10]  }
0x15c: {  	v6, _, _ =	vpop (xrf0)  }
0x15d: {  	(v2sf) =	vpush v6, $0xF;
	_ =	sdelay $0x2  }
0x15e: {  	v6 =	vmul.f32 v13, v5;
	_ =	sdelay $0x1  }
0x15f: {  	[tilespmem:s30+$0xAB90] =	vst.add.f32.msk $0xffff, v6  }
0x160: {  	s17 =	simm.s32 $0x100;
	v6 =	vld [tilespmem:s8+$0x20]  }
0x161: {  	s18 =	simm.s32 $0x80;
	s1 =	sand.u32 $0x300, s17  }
0x162: {  	s3 =	sand.u32 $0x280, s18;
	s1 =	sadd.s32 s1, s0  }
0x163: {  	s9 =	simm.s32 $0x180;
	s3 =	sadd.s32 s3, s0;
	v13 =	vld [tilespmem:s1+$0x0]  }
0x164: {  	s9 =	sand.u32 $0x380, s9;
	v15 =	vld [tilespmem:s3+$0x0]  }
0x165: {  	v16 =	vbroadcast v12, $0xF;
	s0 =	sadd.s32 s9, s0;
	v12 =	vmul.f32 v6, v5  }
0x166: {  	s19 =	sshll.u32 s14, $0x8;
	v17 =	vld [tilespmem:s0+$0x0]  }
0x167: {  	s2 =	sshll.u32 s14, $0x7;
	s10 =	sshll.u32 s6, $0x8;
	s6 =	sshll.u32 s6, $0x7;
	v6 =	vbroadcast v7, $0xF;
	[tilespmem:s30+$0xABA0] =	vst.add.f32.msk $0xffff, v12  }
0x168: {  	s2 =	sand.u32 $0x380, s2;
	s10 =	sand.u32 $0xFFFFF800, s10;
	s9 =	sand.u32 $0xFFFFF800, s19;
	v13 =	vmul.f32 v13, v16;
	v7 =	vbroadcast v14, $0xF;
	v14 =	vld [tilespmem:s8+$0x30]  }
0x169: {  	s11 =	sand.u32 $0x380, s6;
	s6 =	sor.u32 s2, s9;
	v12 =	vmul.f32 v15, v6;
	s21 =	spop (v2sf)  }
0x16a: {  	s31 =	sor.u32 s11, s10;
	[tilespmem:s6+$0xAB80] =	vst.add.f32.msk $0xffff, v13;
	s24 =	sshll.u32 s21, $0x8;
	s2 =	sshll.u32 s21, $0x7  }
0x16b: {  	v13 =	vmul.f32 v17, v7;
	[tilespmem:s31+$0xAB80] =	vst.add.f32.msk $0xffff, v12;
	s9 =	sand.u32 $0xFFFFF800, s24;
	s2 =	sand.u32 $0x380, s2  }
0x16c: {  	v12 =	vld [tilespmem:s3+$0x10];
	s2 =	sor.u32 s2, s9  }
0x16d: {  	[tilespmem:s2+$0xAB80] =	vst.add.f32.msk $0xffff, v13;
	v14 =	vmul.f32 v14, v5  }
0x16e: {  	v13 =	vld [tilespmem:s0+$0x10]  }
0x16f: {  	[tilespmem:s30+$0xABB0] =	vst.add.f32.msk $0xffff, v14  }
0x170: {  	v14 =	vld [tilespmem:s8+$0x40]  }
0x171: {  	v12 =	vmul.f32 v12, v6  }
0x172: {  	v15 =	vld [tilespmem:s1+$0x10]  }
0x173: {  	[tilespmem:s31+$0xAB90] =	vst.add.f32.msk $0xffff, v12;
	v13 =	vmul.f32 v13, v7  }
0x174: {  	v12 =	vld [tilespmem:s3+$0x20]  }
0x175: {  	[tilespmem:s2+$0xAB90] =	vst.add.f32.msk $0xffff, v13;
	v14 =	vmul.f32 v14, v5  }
0x176: {  	v13 =	vld [tilespmem:s0+$0x20]  }
0x177: {  	v15 =	vmul.f32 v15, v16;
	[tilespmem:s30+$0xABC0] =	vst.add.f32.msk $0xffff, v14  }
0x178: {  	v14 =	vld [tilespmem:s8+$0x50]  }
0x179: {  	[tilespmem:s6+$0xAB90] =	vst.add.f32.msk $0xffff, v15;
	v12 =	vmul.f32 v12, v6  }
0x17a: {  	v15 =	vld [tilespmem:s1+$0x20]  }
0x17b: {  	[tilespmem:s31+$0xABA0] =	vst.add.f32.msk $0xffff, v12;
	v12 =	vmul.f32 v13, v7  }
0x17c: {  	v13 =	vld [tilespmem:s3+$0x30]  }
0x17d: {  	[tilespmem:s2+$0xABA0] =	vst.add.f32.msk $0xffff, v12;
	v14 =	vmul.f32 v14, v5  }
0x17e: {  	v12 =	vld [tilespmem:s0+$0x30]  }
0x17f: {  	v15 =	vmul.f32 v15, v16;
	[tilespmem:s30+$0xABD0] =	vst.add.f32.msk $0xffff, v14  }
0x180: {  	v14 =	vld [tilespmem:s8+$0x60]  }
0x181: {  	[tilespmem:s6+$0xABA0] =	vst.add.f32.msk $0xffff, v15;
	v13 =	vmul.f32 v13, v6  }
0x182: {  	v15 =	vld [tilespmem:s1+$0x30]  }
0x183: {  	[tilespmem:s31+$0xABB0] =	vst.add.f32.msk $0xffff, v13;
	v12 =	vmul.f32 v12, v7  }
0x184: {  	v13 =	vld [tilespmem:s3+$0x40]  }
0x185: {  	[tilespmem:s2+$0xABB0] =	vst.add.f32.msk $0xffff, v12;
	v14 =	vmul.f32 v14, v5  }
0x186: {  	v12 =	vld [tilespmem:s0+$0x40]  }
0x187: {  	[tilespmem:s30+$0xABE0] =	vst.add.f32.msk $0xffff, v14  }
0x188: {  	v15 =	vmul.f32 v15, v16;
	v14 =	vld [tilespmem:s8+$0x70]  }
0x189: {  	v13 =	vmul.f32 v13, v6  }
0x18a: {  	[tilespmem:s6+$0xABB0] =	vst.add.f32.msk $0xffff, v15  }
0x18b: {  	[tilespmem:s31+$0xABC0] =	vst.add.f32.msk $0xffff, v13;
	v12 =	vmul.f32 v12, v7  }
0x18c: {  	p1 =	por $0x0, $0x0;
	s8 =	simm.s32 $0x1;
	v13 =	vld [tilespmem:s3+$0x50]  }
0x18d: {  	s8 =	simm.s32 @!p1 $0x0;
	[tilespmem:s2+$0xABC0] =	vst.add.f32.msk $0xffff, v12;
	v14 =	vmul.f32 v14, v5  }
0x18e: {  	s8 =	sshll.u32 s8, $0x9;
	v12 =	vld [tilespmem:s0+$0x50]  }
0x18f: {  	s14 =	sadd.s32 s8, s7;
	[tilespmem:s30+$0xABF0] =	vst.add.f32.msk $0xffff, v14  }
0x190: {  	s8 =	sor.u32 $0x400, s14;
	v14 =	vld [tilespmem:s1+$0x40]  }
0x191: {  	v13 =	vmul.f32 v13, v6;
	v15 =	vld [tilespmem:s8+$0x6980];
	_ =	sdelay $0x1  }
0x192: {  	[tilespmem:s31+$0xABD0] =	vst.add.f32.msk $0xffff, v13;
	v12 =	vmul.f32 v12, v7  }
0x193: {  	v13 =	vld [tilespmem:s3+$0x60]  }
0x194: {  	v14 =	vmul.f32 v14, v16;
	[tilespmem:s2+$0xABD0] =	vst.add.f32.msk $0xffff, v12  }
0x195: {  	s10 =	simm.s32 $0x6;
	v12 =	vmul.f32 v15, v5;
	v15 =	vld [tilespmem:s0+$0x60]  }
0x196: {  	s11 =	simm.s32 $0x5;
	s8 =	sand.u32 $0xE, s10;
	[tilespmem:s6+$0xABC0] =	vst.add.f32.msk $0xffff, v14  }
0x197: {  	s9 =	sand.u32 $0xD, s11;
	s12 =	sor.u32 $0x410, s14;
	v14 =	vmov s8;
	[tilespmem:s30+$0xAF80] =	vst.add.f32.msk $0xffff, v12  }
0x198: {  	p2 =	por $0x1, $0x1;
	v17 =	vmov s9;
	vm13 =	veq.s32 v14, v4;
	v14 =	vld [tilespmem:s12+$0x6980]  }
0x199: {  	s11 =	simm.s32 $0x4;
	vm14 =	veq.s32 v17, v4;
	v12 =	vpsel p2, v8, v9;
	v19 =	vld [tilespmem:s1+$0x50];
	v13 =	vmul.f32 v13, v6  }
0x19a: {  	s15 =	sand.u32 $0xC, s11;
	v18 =	vnsel vm13, $0x0, v12;
	v17 =	vnsel vm14, $0x0, v12  }
0x19b: {  	(xrf0) =	vadd.scan.msk.s32 $0xffff, v18;
	v18 =	vmov s15;
	[tilespmem:s31+$0xABE0] =	vst.add.f32.msk $0xffff, v13;
	v15 =	vmul.f32 v15, v7  }
0x19c: {  	(xrf0) =	vadd.scan.msk.s32 $0xffff, v17;
	vm15 =	veq.s32 v18, v4;
	v17 =	vld [tilespmem:s3+$0x70]  }
0x19d: {  	s16 =	simm.s32 $0x7;
	v13 =	vnsel vm15, $0x0, v12;
	[tilespmem:s2+$0xABE0] =	vst.add.f32.msk $0xffff, v15;
	v14 =	vmul.f32 v14, v5  }
0x19e: {  	s8 =	sand.u32 $0xF, s16;
	(xrf0) =	vadd.scan.msk.s32 $0xffff, v13;
	v13 =	vmul.f32 v19, v16;
	v15 =	vld [tilespmem:s0+$0x70]  }
0x19f: {  	v18 =	vmov s8  }
0x1a0: {  	vm3 =	veq.s32 v18, v4;
	[tilespmem:s6+$0xABD0] =	vst.add.f32.msk $0xffff, v13  }
0x1a1: {  	v12 =	vnsel vm3, $0x0, v12;
	[tilespmem:s30+$0xAF90] =	vst.add.f32.msk $0xffff, v14;
	v14, _, _ =	vpop (xrf0)  }
0x1a2: {  	s17 =	sor.u32 $0x420, s14;
	v19 =	vld [tilespmem:s1+$0x60];
	(xrf0) =	vadd.scan.msk.s32 $0xffff, v12;
	v12 =	vmul.f32 v17, v6;
	(v2sf) =	vpush v14, $0xF  }
0x1a3: {  	v13 =	vpsel p2, v10, v11;
	v18 =	vld [tilespmem:s17+$0x6980];
	v14, _, _ =	vpop (xrf0);
	v15 =	vmul.f32 v15, v7  }
0x1a4: {  	s9 =	sadd.s32 $0x400, s7;
	(v2sf) =	vpush v14, $0xF;
	v14 =	vnsel vm14, $0x0, v13;
	[tilespmem:s31+$0xABF0] =	vst.add.f32.msk $0xffff, v12  }
0x1a5: {  	s18 =	simm.s32 $0x200;
	s24 =	simm.s32 $0x300;
	s7 =	sand.u32 $0x3800, s9;
	v20 =	vnsel vm13, $0x0, v13;
	v17, _, _ =	vpop (xrf0);
	(xrf2) =	vadd.scan.msk.f32 $0xffff, v14;
	[tilespmem:s2+$0xABF0] =	vst.add.f32.msk $0xffff, v15  }
0x1a6: {  	s16 =	sand.u32 $0x300, s24;
	s12 =	simm.s32 $0x280;
	s17 =	sadd.s32 $0x6980, s7;
	v12 =	vnsel vm3, $0x0, v13;
	(v2sf) =	vpush v17, $0xF;
	v14 =	vld [tilespmem:s3+$0x400];
	(xrf2) =	vadd.scan.msk.f32 $0xffff, v20  }
0x1a7: {  	s21 =	sand.u32 $0x280, s12;
	s12 =	simm.s32 $0x380;
	s16 =	sadd.s32 s16, s17;
	(xrf2) =	vadd.scan.msk.f32 $0xffff, v12;
	v12 =	vld [tilespmem:s0+$0x400]  }
0x1a8: {  	s8 =	sand.u32 $0x200, s18;
	s18 =	sand.u32 $0x380, s12;
	s15 =	sadd.s32 s21, s17;
	v13 =	vnsel vm15, $0x0, v13;
	v17 =	vmul.f32 v19, v16;
	v19 =	vld [tilespmem:s16+$0x0]  }
0x1a9: {  	s18 =	sadd.s32 s18, s17;
	v15 =	vmul.f32 v18, v5;
	v18 =	vld [tilespmem:s15+$0x0]  }
0x1aa: {  	v20 =	vld [tilespmem:s18+$0x0];
	(xrf2) =	vadd.scan.msk.f32 $0xffff, v13  }
0x1ab: {  	[tilespmem:s6+$0xABE0] =	vst.add.f32.msk $0xffff, v17;
	v13, _, _ =	vpop (xrf0)  }
0x1ac: {  	s19 =	sor.u32 $0x430, s14;
	[tilespmem:s30+$0xAFA0] =	vst.add.f32.msk $0xffff, v15;
	(v2sf) =	vpush v13, $0xF;
	v13 =	vmul.f32 v14, v6;
	v21 =	vmul.f32 v12, v7  }
0x1ad: {  	v17 =	vld [tilespmem:s19+$0x6980]  }
0x1ae: {  	[tilespmem:s2+$0xAF80] =	vst.add.f32.msk $0xffff, v21  }
0x1af: {  	v14, _, _ =	vpop (xrf2);
	v21 =	vld [tilespmem:s0+$0x410]  }
0x1b0: {  	s7 =	sor.u32 s8, s17;
	[tilespmem:s31+$0xAF80] =	vst.add.f32.msk $0xffff, v13;
	v13, _, _ =	vpop (xrf2)  }
0x1b1: {  	v15 =	vld [tilespmem:s7+$0x0];
	v12 =	vbroadcast v13, $0xF;
	s19 =	spop (v2sf)  }
0x1b2: {  	v24 =	vld [tilespmem:s1+$0x70];
	v17 =	vmul.f32 v17, v5;
	s21 =	sshll.u32 s19, $0x8;
	s8 =	sshll.u32 s19, $0x7  }
0x1b3: {  	v22 =	vld [tilespmem:s3+$0x410];
	v23, _, _ =	vpop (xrf2);
	s24 =	spop (v2sf);
	v19 =	vmul.f32 v19, v12;
	s10 =	sand.u32 $0xFFFFF800, s21;
	s8 =	sand.u32 $0x380, s8  }
0x1b4: {  	v14 =	vbroadcast v14, $0xF;
	[tilespmem:s30+$0xAFB0] =	vst.add.f32.msk $0xffff, v17;
	v13, _, _ =	vpop (xrf2);
	s19 =	sshll.u32 s24, $0x8;
	v21 =	vmul.f32 v21, v7;
	s17 =	sor.u32 s8, s10  }
0x1b5: {  	v13 =	vbroadcast v13, $0xF;
	s24 =	sshll.u32 s24, $0x7;
	s21 =	spop (v2sf);
	s19 =	sand.u32 $0xFFFFF800, s19;
	[tilespmem:s17+$0xAB80] =	vst.add.f32.msk $0xffff, v19  }
0x1b6: {  	v18 =	vmul.f32 v18, v14;
	s10 =	sand.u32 $0x380, s24;
	s24 =	sshll.u32 s21, $0x8;
	s21 =	sshll.u32 s21, $0x7;
	[tilespmem:s2+$0xAF90] =	vst.add.f32.msk $0xffff, v21  }
0x1b7: {  	v15 =	vmul.f32 v15, v13;
	s8 =	sor.u32 s10, s19;
	s19 =	sand.u32 $0xFFFFF800, s24;
	s24 =	sand.u32 $0x380, s21;
	v19 =	vld [tilespmem:s16+$0x10]  }
0x1b8: {  	s10 =	sor.u32 s24, s19;
	[tilespmem:s8+$0xAB80] =	vst.add.f32.msk $0xffff, v18;
	v18 =	vmul.f32 v22, v6  }
0x1b9: {  	v22 =	vmul.f32 v24, v16;
	[tilespmem:s10+$0xAB80] =	vst.add.f32.msk $0xffff, v15  }
0x1ba: {  	[tilespmem:s31+$0xAF90] =	vst.add.f32.msk $0xffff, v18  }
0x1bb: {  	[tilespmem:s6+$0xABF0] =	vst.add.f32.msk $0xffff, v22  }
0x1bc: {  	s21 =	spop (v2sf);
	v18 =	vld [tilespmem:s3+$0x420]  }
0x1bd: {  	v15 =	vbroadcast v23, $0xF;
	s24 =	sshll.u32 s21, $0x8;
	v22 =	vld [tilespmem:s1+$0x400]  }
0x1be: {  	v62 =	vld [tilespmem:s15+$0x10];
	s19 =	sshll.u32 s21, $0x7;
	s21 =	sand.u32 $0xFFFFF800, s24;
	s24 =	sor.u32 $0x440, s14  }
0x1bf: {  	v20 =	vmul.f32 v20, v15;
	s19 =	sand.u32 $0x380, s19;
	v17 =	vld [tilespmem:s24+$0x6980]  }
0x1c0: {  	v23 =	vld [tilespmem:s7+$0x10];
	s19 =	sor.u32 s19, s21  }
0x1c1: {  	[tilespmem:s19+$0xAB80] =	vst.add.f32.msk $0xffff, v20;
	v18 =	vmul.f32 v18, v6  }
0x1c2: {  	v20 =	vld [tilespmem:s18+$0x10];
	v22 =	vmul.f32 v22, v16  }
0x1c3: {  	[tilespmem:s31+$0xAFA0] =	vst.add.f32.msk $0xffff, v18  }
0x1c4: {  	v17 =	vmul.f32 v17, v5;
	[tilespmem:s6+$0xAF80] =	vst.add.f32.msk $0xffff, v22  }
0x1c5: {  	v18 =	vmul.f32 v23, v13;
	v23 =	vld [tilespmem:s3+$0x430]  }
0x1c6: {  	[tilespmem:s30+$0xAFC0] =	vst.add.f32.msk $0xffff, v17  }
0x1c7: {  	[tilespmem:s10+$0xAB90] =	vst.add.f32.msk $0xffff, v18;
	v18 =	vmul.f32 v20, v15  }
0x1c8: {  	v21 =	vld [tilespmem:s7+$0x20]  }
0x1c9: {  	v20 =	vmul.f32 v62, v14;
	[tilespmem:s19+$0xAB90] =	vst.add.f32.msk $0xffff, v18  }
0x1ca: {  	v18 =	vmul.f32 v19, v12;
	v19 =	vld [tilespmem:s1+$0x410]  }
0x1cb: {  	[tilespmem:s8+$0xAB90] =	vst.add.f32.msk $0xffff, v20  }
0x1cc: {  	[tilespmem:s17+$0xAB90] =	vst.add.f32.msk $0xffff, v18  }
0x1cd: {  	v18 =	vld [tilespmem:s15+$0x20]  }
0x1ce: {  	v20 =	vmul.f32 v23, v6;
	v22 =	vld [tilespmem:s16+$0x20]  }
0x1cf: {  	v23 =	vld [tilespmem:s18+$0x20]  }
0x1d0: {  	[tilespmem:s31+$0xAFB0] =	vst.add.f32.msk $0xffff, v20;
	v19 =	vmul.f32 v19, v16  }
0x1d1: {  	v20 =	vld [tilespmem:s3+$0x440]  }
0x1d2: {  	[tilespmem:s6+$0xAF90] =	vst.add.f32.msk $0xffff, v19;
	v18 =	vmul.f32 v18, v14  }
0x1d3: {  	v19 =	vld [tilespmem:s1+$0x420];
	v22 =	vmul.f32 v22, v12  }
0x1d4: {  	[tilespmem:s8+$0xABA0] =	vst.add.f32.msk $0xffff, v18;
	v18 =	vmul.f32 v21, v13  }
0x1d5: {  	[tilespmem:s17+$0xABA0] =	vst.add.f32.msk $0xffff, v22  }
0x1d6: {  	v20 =	vmul.f32 v20, v6;
	[tilespmem:s10+$0xABA0] =	vst.add.f32.msk $0xffff, v18  }
0x1d7: {  	v18 =	vld [tilespmem:s15+$0x30]  }
0x1d8: {  	[tilespmem:s31+$0xAFC0] =	vst.add.f32.msk $0xffff, v20;
	v19 =	vmul.f32 v19, v16  }
0x1d9: {  	v20 =	vld [tilespmem:s3+$0x450]  }
0x1da: {  	[tilespmem:s6+$0xAFA0] =	vst.add.f32.msk $0xffff, v19  }
0x1db: {  	v19 =	vmul.f32 v23, v15;
	v23 =	vld [tilespmem:s7+$0x30]  }
0x1dc: {  	v21 =	vld [tilespmem:s1+$0x430]  }
0x1dd: {  	v18 =	vmul.f32 v18, v14;
	[tilespmem:s19+$0xABA0] =	vst.add.f32.msk $0xffff, v19  }
0x1de: {  	v20 =	vmul.f32 v20, v6;
	v19 =	vld [tilespmem:s18+$0x30]  }
0x1df: {  	[tilespmem:s8+$0xABB0] =	vst.add.f32.msk $0xffff, v18  }
0x1e0: {  	[tilespmem:s31+$0xAFD0] =	vst.add.f32.msk $0xffff, v20;
	v22 =	vmul.f32 v23, v13  }
0x1e1: {  	v20 =	vmul.f32 v21, v16;
	v21 =	vld [tilespmem:s0+$0x420]  }
0x1e2: {  	[tilespmem:s10+$0xABB0] =	vst.add.f32.msk $0xffff, v22  }
0x1e3: {  	[tilespmem:s6+$0xAFB0] =	vst.add.f32.msk $0xffff, v20  }
0x1e4: {  	v22 =	vld [tilespmem:s7+$0x40];
	v19 =	vmul.f32 v19, v15  }
0x1e5: {  	v20 =	vld [tilespmem:s1+$0x440]  }
0x1e6: {  	[tilespmem:s19+$0xABB0] =	vst.add.f32.msk $0xffff, v19  }
0x1e7: {  	v18 =	vmul.f32 v21, v7;
	v21 =	vld [tilespmem:s15+$0x40]  }
0x1e8: {  	v63 =	vld [tilespmem:s18+$0x40]  }
0x1e9: {  	[tilespmem:s2+$0xAFA0] =	vst.add.f32.msk $0xffff, v18;
	v22 =	vmul.f32 v22, v13  }
0x1ea: {  	v18 =	vld [tilespmem:s0+$0x430]  }
0x1eb: {  	v20 =	vmul.f32 v20, v16;
	[tilespmem:s10+$0xABC0] =	vst.add.f32.msk $0xffff, v22  }
0x1ec: {  	v22 =	vld [tilespmem:s3+$0x460]  }
0x1ed: {  	[tilespmem:s6+$0xAFC0] =	vst.add.f32.msk $0xffff, v20;
	v20 =	vmul.f32 v21, v14  }
0x1ee: {  	v21 =	vld [tilespmem:s1+$0x450]  }
0x1ef: {  	[tilespmem:s8+$0xABC0] =	vst.add.f32.msk $0xffff, v20  }
0x1f0: {  	v20 =	vld [tilespmem:s7+$0x50]  }
0x1f1: {  	v23 =	vld [tilespmem:s16+$0x30];
	v18 =	vmul.f32 v18, v7  }
0x1f2: {  	v19 =	vld [tilespmem:s15+$0x50];
	v22 =	vmul.f32 v22, v6  }
0x1f3: {  	[tilespmem:s2+$0xAFB0] =	vst.add.f32.msk $0xffff, v18  }
0x1f4: {  	v21 =	vmul.f32 v21, v16;
	[tilespmem:s31+$0xAFE0] =	vst.add.f32.msk $0xffff, v22  }
0x1f5: {  	v22 =	vmul.f32 v63, v15;
	v18 =	vmul.f32 v20, v13;
	v20 =	vld [tilespmem:s0+$0x440]  }
0x1f6: {  	[tilespmem:s6+$0xAFD0] =	vst.add.f32.msk $0xffff, v21  }
0x1f7: {  	[tilespmem:s19+$0xABC0] =	vst.add.f32.msk $0xffff, v22  }
0x1f8: {  	v21 =	vld [tilespmem:s1+$0x460]  }
0x1f9: {  	v22 =	vmul.f32 v23, v12;
	[tilespmem:s10+$0xABD0] =	vst.add.f32.msk $0xffff, v18  }
0x1fa: {  	v18 =	vld [tilespmem:s7+$0x60];
	v20 =	vmul.f32 v20, v7  }
0x1fb: {  	[tilespmem:s17+$0xABB0] =	vst.add.f32.msk $0xffff, v22  }
0x1fc: {  	[tilespmem:s2+$0xAFC0] =	vst.add.f32.msk $0xffff, v20  }
0x1fd: {  	v21 =	vmul.f32 v21, v16;
	v20 =	vld [tilespmem:s16+$0x40]  }
0x1fe: {  	v17 =	vmul.f32 v19, v14;
	v19 =	vld [tilespmem:s0+$0x450]  }
0x1ff: {  	v18 =	vmul.f32 v18, v13;
	[tilespmem:s6+$0xAFE0] =	vst.add.f32.msk $0xffff, v21  }
0x200: {  	v21 =	vld [tilespmem:s1+$0x470]  }
0x201: {  	[tilespmem:s10+$0xABE0] =	vst.add.f32.msk $0xffff, v18  }
0x202: {  	s21 =	sor.u32 $0x450, s14;
	v18 =	vld [tilespmem:s7+$0x70]  }
0x203: {  	v23 =	vld [tilespmem:s21+$0x6980]  }
0x204: {  	[tilespmem:s8+$0xABD0] =	vst.add.f32.msk $0xffff, v17;
	v20 =	vmul.f32 v20, v12  }
0x205: {  	p1 =	por !p1, !p1;
	s1 =	simm.s32 $0x1;
	v19 =	vmul.f32 v19, v7;
	v16 =	vmul.f32 v21, v16;
	v21 =	vld [tilespmem:s18+$0x50]  }
0x206: {  	s1 =	simm.s32 @!p1 $0x0;
	[tilespmem:s17+$0xABC0] =	vst.add.f32.msk $0xffff, v20  }
0x207: {  	s1 =	sshll.u32 s1, $0x9;
	[tilespmem:s2+$0xAFD0] =	vst.add.f32.msk $0xffff, v19;
	v18 =	vmul.f32 v18, v13  }
0x208: {  	s1 =	sadd.s32 s1, s9;
	v22 =	vld [tilespmem:s16+$0x50]  }
0x209: {  	s7 =	sor.u32 $0x400, s1;
	[tilespmem:s10+$0xABF0] =	vst.add.f32.msk $0xffff, v18  }
0x20a: {  	v17 =	vld [tilespmem:s7+$0x6980];
	v21 =	vmul.f32 v21, v15  }
0x20b: {  	[tilespmem:s6+$0xAFF0] =	vst.add.f32.msk $0xffff, v16  }
0x20c: {  	[tilespmem:s19+$0xABD0] =	vst.add.f32.msk $0xffff, v21  }
0x20d: {  	v21 =	vld [tilespmem:s0+$0x460]  }
0x20e: {  	v16 =	vld [tilespmem:s3+$0x470]  }
0x20f: {  	v18 =	vld [tilespmem:s15+$0x60];
	v17 =	vmul.f32 v17, v13  }
0x210: {  	v19 =	vld [tilespmem:s18+$0x60]  }
0x211: {  	s24 =	sor.u32 $0x410, s1;
	[tilespmem:s10+$0xAF80] =	vst.add.f32.msk $0xffff, v17  }
0x212: {  	v20 =	vmul.f32 v23, v5;
	v17 =	vld [tilespmem:s24+$0x6980];
	v21 =	vmul.f32 v21, v7  }
.LBB2_41:
0x213: {  	s3 =	sadd.s32 $0x6, s11  }
0x214: {  	s6 =	sadd.s32 $0x7, s11;
	[tilespmem:s30+$0xAFD0] =	vst.add.f32.msk $0xffff, v20;
	s7 =	smov.u32 s11;
	s11 =	sadd.s32 $0x4, s11  }
0x215: {  	v18 =	vmul.f32 v18, v14;
	p2 =	slt.u32 s11, $0x10;
	s7 =	sadd.s32 $0x5, s7;
	s3 =	sand.u32 $0xE, s3;
	v20 =	vmul.f32 v22, v12;
	[tilespmem:s2+$0xAFE0] =	vst.add.f32.msk $0xffff, v21  }
0x216: {  	s21 =	sand.u32 $0xC, s11;
	v21 =	vpsel p2, v8, v9;
	v22 =	vpsel p2, v10, v11;
	s7 =	sand.u32 $0xD, s7;
	v23 =	vmov s3;
	s3 =	sand.u32 $0xF, s6;
	v24 =	vld [tilespmem:s0+$0x470]  }
0x217: {  	p2 =	slt.u32 s11, $0x1C;
	s6 =	sor.u32 $0x460, s14;
	s0 =	smov.u32 s18;
	v25 =	vmov s7;
	vm0 =	veq.s32 v23, v4;
	[tilespmem:s8+$0xABE0] =	vst.add.f32.msk $0xffff, v18;
	v18 =	vmul.f32 v19, v15  }
0x218: {  	vm1 =	veq.s32 v25, v4;
	v19 =	vnsel vm0, $0x0, v21;
	v17 =	vmul.f32 v17, v13;
	v23 =	vld [tilespmem:s6+$0x6980]  }
0x219: {  	v16 =	vmul.f32 v16, v6;
	v6 =	vmovc v14;
	v25 =	vnsel vm1, $0x0, v21;
	v26 =	vnsel vm1, $0x0, v22;
	(xrf0) =	vadd.scan.msk.s32 $0xffff, v19;
	v19 =	vld [tilespmem:s15+$0x70]  }
0x21a: {  	v14 =	vmov s21;
	v27 =	vmov s3;
	(xrf0) =	vadd.scan.msk.s32 $0xffff, v25;
	[tilespmem:s10+$0xAF90] =	vst.add.f32.msk $0xffff, v17  }
0x21b: {  	vm1 =	veq.s32 v14, v4;
	[tilespmem:s19+$0xABE0] =	vst.add.f32.msk $0xffff, v18;
	v14 =	vmul.f32 v24, v7;
	v7 =	vmov v15  }
0x21c: {  	v17 =	vnsel vm0, $0x0, v22;
	vm0 =	veq.s32 v27, v4;
	v15 =	vnsel vm1, $0x0, v21;
	(xrf2) =	vadd.scan.msk.f32 $0xffff, v26;
	v18 =	vld [tilespmem:s0+$0x70]  }
0x21d: {  	v21 =	vnsel vm0, $0x0, v21;
	v24 =	vnsel vm0, $0x0, v22;
	v23 =	vmul.f32 v23, v5;
	[tilespmem:s2+$0xAFF0] =	vst.add.f32.msk $0xffff, v14;
	s2 =	smov.u32 s19  }
0x21e: {  	v14 =	vnsel vm1, $0x0, v22;
	(xrf0) =	vadd.scan.msk.s32 $0xffff, v15;
	[tilespmem:s17+$0xABD0] =	vst.add.f32.msk $0xffff, v20  }
0x21f: {  	s3 =	sor.u32 $0x470, s14;
	s14 =	smov.u32 s1;
	v15, _, _ =	vpop (xrf0);
	(xrf2) =	vadd.scan.msk.f32 $0xffff, v17;
	v17 =	vld [tilespmem:s16+$0x60]  }
0x220: {  	v20, _, _ =	vpop (xrf0);
	(v2sf) =	vpush v15, $0xF;
	[tilespmem:s30+$0xAFE0] =	vst.add.f32.msk $0xffff, v23  }
0x221: {  	s1 =	sor.u32 $0x420, s14;
	(xrf0) =	vadd.scan.msk.s32 $0xffff, v21;
	v21 =	vmul.f32 v18, v7;
	v18 =	vld [tilespmem:s3+$0x6980]  }
0x222: {  	v19 =	vmul.f32 v19, v6;
	(v2sf) =	vpush v20, $0xF;
	v20 =	vld [tilespmem:s1+$0x6980]  }
0x223: {  	[tilespmem:s2+$0xABF0] =	vst.add.f32.msk $0xffff, v21  }
0x224: {  	v15, _, _ =	vpop (xrf0);
	(xrf2) =	vadd.scan.msk.f32 $0xffff, v24;
	[tilespmem:s8+$0xABF0] =	vst.add.f32.msk $0xffff, v19  }
0x225: {  	(v2sf) =	vpush v15, $0xF;
	v15 =	vld [tilespmem:s15+$0x400]  }
0x226: {  	v19, _, _ =	vpop (xrf2);
	v21 =	vld [tilespmem:s0+$0x400];
	v18 =	vmul.f32 v18, v5;
	v5 =	vmov v13  }
0x227: {  	v17 =	vmul.f32 v17, v12;
	v13, _, _ =	vpop (xrf0);
	v20 =	vmul.f32 v20, v5;
	[tilespmem:s31+$0xAFF0] =	vst.add.f32.msk $0xffff, v16;
	s31 =	smov.u32 s8  }
0x228: {  	s12 =	sadd.s32 $0x200, s12;
	s9 =	sadd.s32 $0x400, s9;
	(v2sf) =	vpush v13, $0xF;
	[tilespmem:s30+$0xAFF0] =	vst.add.f32.msk $0xffff, v18;
	s30 =	smov.u32 s10  }
0x229: {  	s6 =	sor.u32 $0x430, s14;
	s3 =	sadd.s32 $0xFFFFFE80, s12;
	s1 =	sand.u32 $0x3800, s9;
	(xrf2) =	vadd.scan.msk.f32 $0xffff, v14;
	v13, _, _ =	vpop (xrf2);
	[tilespmem:s30+$0xAFA0] =	vst.add.f32.msk $0xffff, v20  }
0x22a: {  	s3 =	sand.u32 $0x200, s3;
	s7 =	sadd.s32 $0x6980, s1;
	s1 =	sadd.s32 $0xFFFFFF00, s12;
	v14 =	vmul.f32 v15, v6;
	[tilespmem:s17+$0xABE0] =	vst.add.f32.msk $0xffff, v17  }
0x22b: {  	s3 =	sor.u32 s3, s7;
	s1 =	sand.u32 $0x280, s1;
	s8 =	sadd.s32 $0xFFFFFF80, s12;
	v15 =	vld [tilespmem:s6+$0x6980];
	v18 =	vmul.f32 v21, v7  }
0x22c: {  	s1 =	sadd.s32 s1, s7;
	s6 =	sand.u32 $0x300, s8;
	v20 =	vld [tilespmem:s3+$0x0]  }
0x22d: {  	s6 =	sadd.s32 s6, s7;
	v21 =	vld [tilespmem:s1+$0x0]  }
0x22e: {  	s8 =	sand.u32 $0x380, s12;
	v22 =	vld [tilespmem:s6+$0x0];
	v23, _, _ =	vpop (xrf2)  }
0x22f: {  	s18 =	sadd.s32 s8, s7;
	s7 =	spop (v2sf);
	[tilespmem:s31+$0xAF80] =	vst.add.f32.msk $0xffff, v14  }
0x230: {  	v14 =	vbroadcast v19, $0xF;
	s8 =	sshll.u32 s7, $0x8;
	s7 =	sshll.u32 s7, $0x7;
	v19 =	vld [tilespmem:s18+$0x0];
	v17 =	vmul.f32 v15, v5  }
0x231: {  	v16 =	vbroadcast v13, $0xF;
	s8 =	sand.u32 $0xFFFFF800, s8;
	s10 =	spop (v2sf);
	v24 =	vld [tilespmem:s15+$0x410]  }
0x232: {  	v21 =	vmul.f32 v21, v14;
	s19 =	sshll.u32 s10, $0x8;
	s10 =	sshll.u32 s10, $0x7;
	v25 =	vld [tilespmem:s16+$0x70]  }
0x233: {  	s7 =	sand.u32 $0x380, s7;
	s19 =	sand.u32 $0xFFFFF800, s19;
	v22 =	vmul.f32 v22, v16;
	v13, _, _ =	vpop (xrf2);
	[tilespmem:s2+$0xAF80] =	vst.add.f32.msk $0xffff, v18  }
0x234: {  	v15 =	vbroadcast v23, $0xF;
	s7 =	sor.u32 s7, s8;
	s10 =	sand.u32 $0x380, s10;
	v13 =	vbroadcast v13, $0xF;
	s8 =	spop (v2sf);
	v18 =	vld [tilespmem:s0+$0x410]  }
0x235: {  	s21 =	sshll.u32 s8, $0x8;
	s24 =	sshll.u32 s8, $0x7;
	s8 =	sor.u32 s10, s19;
	[tilespmem:s7+$0xAB80] =	vst.add.f32.msk $0xffff, v22  }
0x236: {  	v19 =	vmul.f32 v19, v15;
	v20 =	vmul.f32 v20, v13;
	s10 =	sand.u32 $0xFFFFF800, s21;
	s19 =	sand.u32 $0x380, s24;
	v22 =	vld [tilespmem:s6+$0x10]  }
0x237: {  	s10 =	sor.u32 s19, s10;
	[tilespmem:s8+$0xAB80] =	vst.add.f32.msk $0xffff, v21;
	s19 =	spop (v2sf);
	v21 =	vmul.f32 v24, v6;
	v23 =	vmul.f32 v25, v12  }
0x238: {  	[tilespmem:s10+$0xAB80] =	vst.add.f32.msk $0xffff, v20;
	s21 =	sshll.u32 s19, $0x8;
	s19 =	sshll.u32 s19, $0x7  }
0x239: {  	s21 =	sand.u32 $0xFFFFF800, s21;
	s19 =	sand.u32 $0x380, s19;
	[tilespmem:s31+$0xAF90] =	vst.add.f32.msk $0xffff, v21;
	v18 =	vmul.f32 v18, v7  }
0x23a: {  	v20 =	vld [tilespmem:s15+$0x420]  }
0x23b: {  	v21 =	vmul.f32 v22, v16;
	[tilespmem:s17+$0xABF0] =	vst.add.f32.msk $0xffff, v23  }
0x23c: {  	v22 =	vld [tilespmem:s16+$0x400]  }
0x23d: {  	s19 =	sor.u32 s19, s21;
	v23 =	vld [tilespmem:s3+$0x10]  }
0x23e: {  	[tilespmem:s19+$0xAB80] =	vst.add.f32.msk $0xffff, v19  }
0x23f: {  	v19 =	vld [tilespmem:s18+$0x10];
	v20 =	vmul.f32 v20, v6  }
0x240: {  	v24 =	vld [tilespmem:s1+$0x10]  }
0x241: {  	[tilespmem:s31+$0xAFA0] =	vst.add.f32.msk $0xffff, v20;
	v20 =	vmul.f32 v22, v12  }
0x242: {  	v22 =	vmul.f32 v23, v13;
	v23 =	vld [tilespmem:s15+$0x430]  }
0x243: {  	[tilespmem:s2+$0xAF90] =	vst.add.f32.msk $0xffff, v18  }
0x244: {  	[tilespmem:s10+$0xAB90] =	vst.add.f32.msk $0xffff, v22;
	v18 =	vmul.f32 v19, v15  }
0x245: {  	v19 =	vmul.f32 v24, v14;
	[tilespmem:s17+$0xAF80] =	vst.add.f32.msk $0xffff, v20  }
0x246: {  	[tilespmem:s19+$0xAB90] =	vst.add.f32.msk $0xffff, v18  }
0x247: {  	v18 =	vmul.f32 v23, v6;
	v20 =	vld [tilespmem:s16+$0x410]  }
0x248: {  	[tilespmem:s8+$0xAB90] =	vst.add.f32.msk $0xffff, v19  }
0x249: {  	[tilespmem:s7+$0xAB90] =	vst.add.f32.msk $0xffff, v21  }
0x24a: {  	v19 =	vld [tilespmem:s1+$0x20]  }
0x24b: {  	[tilespmem:s31+$0xAFB0] =	vst.add.f32.msk $0xffff, v18  }
0x24c: {  	v18 =	vld [tilespmem:s15+$0x440];
	v20 =	vmul.f32 v20, v12  }
0x24d: {  	v21 =	vld [tilespmem:s3+$0x20]  }
0x24e: {  	[tilespmem:s17+$0xAF90] =	vst.add.f32.msk $0xffff, v20  }
0x24f: {  	v19 =	vmul.f32 v19, v14;
	v20 =	vld [tilespmem:s16+$0x420]  }
0x250: {  	v22 =	vld [tilespmem:s6+$0x20]  }
0x251: {  	v23 =	vld [tilespmem:s18+$0x20];
	v18 =	vmul.f32 v18, v6  }
0x252: {  	v21 =	vmul.f32 v21, v13;
	[tilespmem:s8+$0xABA0] =	vst.add.f32.msk $0xffff, v19  }
0x253: {  	[tilespmem:s31+$0xAFC0] =	vst.add.f32.msk $0xffff, v18  }
0x254: {  	v18 =	vld [tilespmem:s15+$0x450];
	v19 =	vmul.f32 v20, v12  }
0x255: {  	[tilespmem:s10+$0xABA0] =	vst.add.f32.msk $0xffff, v21;
	v20 =	vmul.f32 v22, v16  }
0x256: {  	v21 =	vmul.f32 v23, v15;
	[tilespmem:s17+$0xAFA0] =	vst.add.f32.msk $0xffff, v19  }
0x257: {  	v19 =	vld [tilespmem:s1+$0x30]  }
0x258: {  	v22 =	vld [tilespmem:s16+$0x430]  }
0x259: {  	v23 =	vld [tilespmem:s3+$0x30];
	v18 =	vmul.f32 v18, v6  }
0x25a: {  	[tilespmem:s19+$0xABA0] =	vst.add.f32.msk $0xffff, v21  }
0x25b: {  	v21 =	vld [tilespmem:s18+$0x30]  }
0x25c: {  	v19 =	vmul.f32 v19, v14;
	[tilespmem:s31+$0xAFD0] =	vst.add.f32.msk $0xffff, v18  }
0x25d: {  	v18 =	vmul.f32 v22, v12;
	v22 =	vld [tilespmem:s0+$0x420]  }
0x25e: {  	v23 =	vmul.f32 v23, v13;
	[tilespmem:s7+$0xABA0] =	vst.add.f32.msk $0xffff, v20  }
0x25f: {  	[tilespmem:s17+$0xAFB0] =	vst.add.f32.msk $0xffff, v18  }
0x260: {  	v18 =	vld [tilespmem:s16+$0x440]  }
0x261: {  	[tilespmem:s10+$0xABB0] =	vst.add.f32.msk $0xffff, v23  }
0x262: {  	[tilespmem:s8+$0xABB0] =	vst.add.f32.msk $0xffff, v19;
	v19 =	vmul.f32 v21, v15;
	v20 =	vmul.f32 v22, v7  }
0x263: {  	v21 =	vld [tilespmem:s1+$0x40]  }
0x264: {  	v22 =	vld [tilespmem:s3+$0x40]  }
0x265: {  	v18 =	vmul.f32 v18, v12;
	[tilespmem:s2+$0xAFA0] =	vst.add.f32.msk $0xffff, v20  }
0x266: {  	v20 =	vld [tilespmem:s0+$0x430]  }
0x267: {  	[tilespmem:s17+$0xAFC0] =	vst.add.f32.msk $0xffff, v18  }
0x268: {  	v18 =	vmul.f32 v21, v14;
	v21 =	vld [tilespmem:s16+$0x450]  }
0x269: {  	v22 =	vmul.f32 v22, v13;
	[tilespmem:s19+$0xABB0] =	vst.add.f32.msk $0xffff, v19  }
0x26a: {  	[tilespmem:s8+$0xABC0] =	vst.add.f32.msk $0xffff, v18  }
0x26b: {  	[tilespmem:s10+$0xABC0] =	vst.add.f32.msk $0xffff, v22;
	v18 =	vmul.f32 v20, v7  }
0x26c: {  	v19 =	vld [tilespmem:s1+$0x50]  }
0x26d: {  	p1 =	por !p1, !p1;
	v20 =	vld [tilespmem:s3+$0x50];
	v21 =	vmul.f32 v21, v12  }
0x26e: {  	v22 =	vld [tilespmem:s15+$0x460]  }
0x26f: {  	[tilespmem:s17+$0xAFD0] =	vst.add.f32.msk $0xffff, v21  }
0x270: {  	v21 =	vld [tilespmem:s16+$0x460]  }
0x271: {  	[tilespmem:s2+$0xAFB0] =	vst.add.f32.msk $0xffff, v18  }
0x272: {  	v18 =	vmul.f32 v20, v13;
	v20 =	vld [tilespmem:s0+$0x440]  }
0x273: {  	v23 =	vld [tilespmem:s6+$0x30];
	v22 =	vmul.f32 v22, v6  }
0x274: {  	[tilespmem:s10+$0xABD0] =	vst.add.f32.msk $0xffff, v18  }
0x275: {  	v18 =	vld [tilespmem:s3+$0x60];
	v21 =	vmul.f32 v21, v12  }
0x276: {  	v24 =	vld [tilespmem:s18+$0x40]  }
0x277: {  	[tilespmem:s17+$0xAFE0] =	vst.add.f32.msk $0xffff, v21  }
0x278: {  	v21 =	vmul.f32 v23, v16;
	v23 =	vld [tilespmem:s16+$0x470];
	s16 =	smov.u32 s6  }
0x279: {  	[tilespmem:s31+$0xAFE0] =	vst.add.f32.msk $0xffff, v22  }
0x27a: {  	s6 =	sor.u32 $0x440, s14;
	v18 =	vmul.f32 v18, v13;
	[tilespmem:s30+$0xAFB0] =	vst.add.f32.msk $0xffff, v17  }
0x27b: {  	v17 =	vmul.f32 v24, v15;
	v22 =	vld [tilespmem:s6+$0x6980]  }
0x27c: {  	[tilespmem:s10+$0xABE0] =	vst.add.f32.msk $0xffff, v18  }
0x27d: {  	v18 =	vld [tilespmem:s3+$0x70]  }
0x27e: {  	[tilespmem:s19+$0xABC0] =	vst.add.f32.msk $0xffff, v17;
	v17 =	vmul.f32 v23, v12;
	v12 =	vmov v16  }
0x27f: {  	v19 =	vmul.f32 v19, v14;
	v23 =	vld [tilespmem:s18+$0x50]  }
0x280: {  	v22 =	vmul.f32 v22, v5;
	[tilespmem:s17+$0xAFF0] =	vst.add.f32.msk $0xffff, v17;
	v17 =	vmul.f32 v20, v7;
	s17 =	smov.u32 s7  }
0x281: {  	v16 =	vld [tilespmem:s15+$0x470];
	s15 =	smov.u32 s1  }
0x282: {  	v18 =	vmul.f32 v18, v13;
	[tilespmem:s17+$0xABB0] =	vst.add.f32.msk $0xffff, v21  }
0x283: {  	[tilespmem:s2+$0xAFC0] =	vst.add.f32.msk $0xffff, v17  }
0x284: {  	s1 =	simm.s32 $0x1;
	v17 =	vmul.f32 v23, v15;
	[tilespmem:s30+$0xAFC0] =	vst.add.f32.msk $0xffff, v22  }
0x285: {  	s1 =	simm.s32 @!p1 $0x0;
	[tilespmem:s10+$0xABF0] =	vst.add.f32.msk $0xffff, v18  }
0x286: {  	s1 =	sshll.u32 s1, $0x9;
	v20 =	vld [tilespmem:s0+$0x450]  }
0x287: {  	s1 =	sadd.s32 s1, s9;
	v21 =	vld [tilespmem:s16+$0x40]  }
0x288: {  	s3 =	sor.u32 $0x400, s1;
	[tilespmem:s8+$0xABD0] =	vst.add.f32.msk $0xffff, v19  }
0x289: {  	v19 =	vld [tilespmem:s3+$0x6980];
	s3 =	sor.u32 $0x450, s14  }
0x28a: {  	v22 =	vld [tilespmem:s3+$0x6980]  }
0x28b: {  	v18 =	vld [tilespmem:s15+$0x60];
	v20 =	vmul.f32 v20, v7  }
0x28c: {  	v21 =	vmul.f32 v21, v12;
	[tilespmem:s19+$0xABD0] =	vst.add.f32.msk $0xffff, v17  }
0x28d: {  	[tilespmem:s2+$0xAFD0] =	vst.add.f32.msk $0xffff, v20  }
0x28e: {  	v17 =	vmul.f32 v19, v13;
	v23 =	vld [tilespmem:s0+$0x460]  }
.Ltmp22:
0x28f: {  	[tilespmem:s17+$0xABC0] =	vst.add.f32.msk $0xffff, v21;
	v20 =	vmul.f32 v22, v5;
	(pc) =	sbr.rel @p2 .LBB2_41-.Ltmp22, $4  }
0x290: {  	v22 =	vld [tilespmem:s16+$0x50]  }
0x291: {  	v19 =	vld [tilespmem:s18+$0x60]  }
0x292: {  	s3 =	sor.u32 $0x410, s1;
	[tilespmem:s10+$0xAF80] =	vst.add.f32.msk $0xffff, v17  }
0x293: {  	v17 =	vld [tilespmem:s3+$0x6980];
	v21 =	vmul.f32 v23, v7  }
0x294: {  	_ = 	snop  }
0x295: {  	v8 =	vmul.f32 v22, v12;
	_ =	sdelay $0x1  }
0x296: {  	[tilespmem:s17+$0xABD0] =	vst.add.f32.msk $0xffff, v8  }
0x297: {  	v9 =	vmul.f32 v18, v14;
	v8 =	vld [tilespmem:s16+$0x60];
	_ =	sdelay $0x1  }
0x298: {  	[tilespmem:s8+$0xABE0] =	vst.add.f32.msk $0xffff, v9;
	v51 =	vmul.f32 v19, v15  }
0x299: {  	v10 =	vld [tilespmem:s15+$0x70]  }
0x29a: {  	[tilespmem:s19+$0xABE0] =	vst.add.f32.msk $0xffff, v51  }
0x29b: {  	v9 =	vld [tilespmem:s18+$0x70];
	v8 =	vmul.f32 v8, v12;
	_ =	sdelay $0x1  }
0x29c: {  	v17 =	vmul.f32 v17, v13;
	[tilespmem:s17+$0xABE0] =	vst.add.f32.msk $0xffff, v8  }
0x29d: {  	v10 =	vmul.f32 v10, v14;
	v8 =	vld [tilespmem:s16+$0x70]  }
0x29e: {  	[tilespmem:s10+$0xAF90] =	vst.add.f32.msk $0xffff, v17  }
0x29f: {  	v9 =	vmul.f32 v9, v15;
	[tilespmem:s8+$0xABF0] =	vst.add.f32.msk $0xffff, v10  }
0x2a0: {  	v10 =	vld [tilespmem:s15+$0x400]  }
0x2a1: {  	[tilespmem:s19+$0xABF0] =	vst.add.f32.msk $0xffff, v9  }
0x2a2: {  	s3 =	sor.u32 $0x420, s1;
	v9 =	vld [tilespmem:s18+$0x400];
	v8 =	vmul.f32 v8, v12  }
0x2a3: {  	v59 =	vld [tilespmem:s3+$0x6980]  }
0x2a4: {  	[tilespmem:s17+$0xABF0] =	vst.add.f32.msk $0xffff, v8  }
0x2a5: {  	v10 =	vmul.f32 v10, v14;
	v8 =	vld [tilespmem:s16+$0x400]  }
0x2a6: {  	[tilespmem:s30+$0xAFD0] =	vst.add.f32.msk $0xffff, v20  }
0x2a7: {  	v9 =	vmul.f32 v9, v15;
	[tilespmem:s8+$0xAF80] =	vst.add.f32.msk $0xffff, v10  }
0x2a8: {  	v10 =	vld [tilespmem:s15+$0x410]  }
0x2a9: {  	v18 =	vmul.f32 v59, v13;
	[tilespmem:s19+$0xAF80] =	vst.add.f32.msk $0xffff, v9  }
0x2aa: {  	v54 =	vld [tilespmem:s18+$0x410];
	v8 =	vmul.f32 v8, v12  }
0x2ab: {  	[tilespmem:s10+$0xAFA0] =	vst.add.f32.msk $0xffff, v18  }
0x2ac: {  	[tilespmem:s17+$0xAF80] =	vst.add.f32.msk $0xffff, v8  }
0x2ad: {  	s11 =	sor.u32 $0x430, s1;
	v55 =	vmul.f32 v10, v14;
	v8 =	vld [tilespmem:s16+$0x410]  }
0x2ae: {  	v18 =	vld [tilespmem:s11+$0x6980]  }
0x2af: {  	[tilespmem:s8+$0xAF90] =	vst.add.f32.msk $0xffff, v55;
	v56 =	vmul.f32 v54, v15  }
0x2b0: {  	v57 =	vld [tilespmem:s15+$0x420]  }
0x2b1: {  	[tilespmem:s19+$0xAF90] =	vst.add.f32.msk $0xffff, v56  }
0x2b2: {  	v9 =	vld [tilespmem:s18+$0x420];
	v8 =	vmul.f32 v8, v12  }
0x2b3: {  	[tilespmem:s2+$0xAFE0] =	vst.add.f32.msk $0xffff, v21  }
0x2b4: {  	v18 =	vmul.f32 v18, v13;
	[tilespmem:s17+$0xAF90] =	vst.add.f32.msk $0xffff, v8  }
0x2b5: {  	v10 =	vmul.f32 v57, v14;
	v8 =	vld [tilespmem:s16+$0x420]  }
0x2b6: {  	[tilespmem:s10+$0xAFB0] =	vst.add.f32.msk $0xffff, v18  }
0x2b7: {  	[tilespmem:s8+$0xAFA0] =	vst.add.f32.msk $0xffff, v10;
	v9 =	vmul.f32 v9, v15  }
0x2b8: {  	v10 =	vld [tilespmem:s15+$0x430]  }
0x2b9: {  	[tilespmem:s19+$0xAFA0] =	vst.add.f32.msk $0xffff, v9  }
0x2ba: {  	s12 =	sor.u32 $0x440, s1;
	v9 =	vld [tilespmem:s18+$0x430];
	v8 =	vmul.f32 v8, v12  }
0x2bb: {  	v18 =	vld [tilespmem:s12+$0x6980]  }
0x2bc: {  	[tilespmem:s17+$0xAFA0] =	vst.add.f32.msk $0xffff, v8  }
0x2bd: {  	s7 =	sor.u32 $0x460, s14;
	v10 =	vmul.f32 v10, v14;
	v8 =	vld [tilespmem:s16+$0x430]  }
0x2be: {  	v52 =	vld [tilespmem:s7+$0x6980]  }
0x2bf: {  	[tilespmem:s8+$0xAFB0] =	vst.add.f32.msk $0xffff, v10;
	v9 =	vmul.f32 v9, v15  }
0x2c0: {  	v10 =	vld [tilespmem:s15+$0x440]  }
0x2c1: {  	v18 =	vmul.f32 v18, v13;
	[tilespmem:s19+$0xAFB0] =	vst.add.f32.msk $0xffff, v9  }
0x2c2: {  	v9 =	vld [tilespmem:s18+$0x440];
	v8 =	vmul.f32 v8, v12  }
0x2c3: {  	[tilespmem:s10+$0xAFC0] =	vst.add.f32.msk $0xffff, v18  }
0x2c4: {  	[tilespmem:s17+$0xAFB0] =	vst.add.f32.msk $0xffff, v8  }
0x2c5: {  	s9 =	sor.u32 $0x470, s14;
	s14 =	sor.u32 $0x450, s1;
	v10 =	vmul.f32 v10, v14;
	v8 =	vld [tilespmem:s16+$0x440]  }
0x2c6: {  	v18 =	vld [tilespmem:s14+$0x6980]  }
0x2c7: {  	[tilespmem:s8+$0xAFC0] =	vst.add.f32.msk $0xffff, v10;
	v9 =	vmul.f32 v9, v15  }
0x2c8: {  	v10 =	vld [tilespmem:s15+$0x450]  }
0x2c9: {  	[tilespmem:s19+$0xAFC0] =	vst.add.f32.msk $0xffff, v9  }
0x2ca: {  	v9 =	vld [tilespmem:s18+$0x450];
	v8 =	vmul.f32 v8, v12  }
0x2cb: {  	v11 =	vld [tilespmem:s0+$0x470]  }
0x2cc: {  	v60 =	vmul.f32 v18, v13;
	[tilespmem:s17+$0xAFC0] =	vst.add.f32.msk $0xffff, v8  }
0x2cd: {  	v10 =	vmul.f32 v10, v14;
	v8 =	vld [tilespmem:s16+$0x450]  }
0x2ce: {  	[tilespmem:s10+$0xAFD0] =	vst.add.f32.msk $0xffff, v60  }
0x2cf: {  	[tilespmem:s8+$0xAFD0] =	vst.add.f32.msk $0xffff, v10;
	v9 =	vmul.f32 v9, v15  }
0x2d0: {  	v10 =	vld [tilespmem:s15+$0x460]  }
0x2d1: {  	s21 =	sor.u32 $0x460, s1;
	[tilespmem:s19+$0xAFD0] =	vst.add.f32.msk $0xffff, v9  }
0x2d2: {  	v9 =	vld [tilespmem:s21+$0x6980];
	v8 =	vmul.f32 v8, v12  }
0x2d3: {  	v61 =	vld [tilespmem:s18+$0x460]  }
0x2d4: {  	v53 =	vmul.f32 v52, v5;
	[tilespmem:s17+$0xAFD0] =	vst.add.f32.msk $0xffff, v8  }
0x2d5: {  	v8 =	vld [tilespmem:s16+$0x460]  }
0x2d6: {  	[tilespmem:s30+$0xAFE0] =	vst.add.f32.msk $0xffff, v53;
	v10 =	vmul.f32 v10, v14  }
0x2d7: {  	v58 =	vld [tilespmem:s9+$0x6980];
	v9 =	vmul.f32 v9, v13  }
0x2d8: {  	[tilespmem:s8+$0xAFE0] =	vst.add.f32.msk $0xffff, v10;
	v62 =	vmul.f32 v61, v15  }
0x2d9: {  	[tilespmem:s10+$0xAFE0] =	vst.add.f32.msk $0xffff, v9  }
0x2da: {  	[tilespmem:s19+$0xAFE0] =	vst.add.f32.msk $0xffff, v62;
	v8 =	vmul.f32 v8, v12  }
0x2db: {  	v10 =	vld [tilespmem:s18+$0x470]  }
0x2dc: {  	[tilespmem:s17+$0xAFE0] =	vst.add.f32.msk $0xffff, v8  }
0x2dd: {  	s24 =	sor.u32 $0x470, s1;
	v8 =	vld [tilespmem:s16+$0x470]  }
0x2de: {  	v6 =	vmul.f32 v16, v6;
	v9 =	vld [tilespmem:s24+$0x6980]  }
0x2df: {  	v5 =	vmul.f32 v58, v5;
	v63 =	vld [tilespmem:s15+$0x470]  }
0x2e0: {  	[tilespmem:s31+$0xAFF0] =	vst.add.f32.msk $0xffff, v6;
	v7 =	vmul.f32 v11, v7  }
0x2e1: {  	[tilespmem:s30+$0xAFF0] =	vst.add.f32.msk $0xffff, v5;
	v5 =	vmul.f32 v10, v15  }
0x2e2: {  	[tilespmem:s2+$0xAFF0] =	vst.add.f32.msk $0xffff, v7;
	v6 =	vmul.f32 v8, v12  }
.Ltmp23:
0x2e3: {  	[tilespmem:s19+$0xAFF0] =	vst.add.f32.msk $0xffff, v5;
	v5 =	vmul.f32 v9, v13;
	(pc) =	sbr.rel .LBB2_43-.Ltmp23, $4  }
0x2e4: {  	[tilespmem:s17+$0xAFF0] =	vst.add.f32.msk $0xffff, v6;
	v6 =	vmul.f32 v63, v14  }
0x2e5: {  	[tilespmem:s10+$0xAFF0] =	vst.add.f32.msk $0xffff, v5  }
0x2e6: {  	[tilespmem:s8+$0xAFF0] =	vst.add.f32.msk $0xffff, v6  }
0x2e7: {  	s0 =	simm.s32 $0x1;
	s30 =	smov.u32 s23;
	s23 =	rddreg [dreg:$0xc]  }
.LBB2_39:
0x2e8: {  	s22 =	smov.u32 @p1 s26;
	s0 =	simm.s32 @!p1 $0x1  }
.LBB2_43:
0x2e9: {  	s1 =	sor.u32 s30, s28  }
0x2ea: {  	s1 =	sor.u32 s29, s1  }
0x2eb: {  	v5 =	vld [tilespmem:s1+$0x1900];
	_ =	sdelay $0x1  }
0x2ec: {  	v6 =	vld [tilespmem:s1+$0x3200];
	_ =	sdelay $0x2  }
0x2ed: {  	v5 =	vsub.s32 v5, v0  }
0x2ee: {  	v7 =	vshll.u32 v5, $0x2  }
0x2ef: {  	vm0 =	vlt.u32 v5, $0x140;
	v7 =	vadd.s32 v6, v7  }
0x2f0: {  	v7 =	vnsel vm0, $0x500, v7;
	_ =	sdelay $0x4  }
0x2f1: {  	v8 =	vmpcnt.ones.xlane vm0;
	v7 =	vld.idx.msk [tilespmem:v7+s13+$0x0], $0xffff;
	_ =	sdelay $0x1  }
0x2f2: {  	(v2sf) =	vpush v8, $0x0;
	_ =	sdelay $0x2  }
0x2f3: {  	v7 =	vmax.f32 v7, $1.000000000e+00  }
0x2f4: {  	(erf) = vrcp.f32 v7;
	_ =	sdelay $0x3  }
0x2f5: {  	v63 =	vld [tilespmem:s1+$0x4B00]  }
0x2f6: {  	v7 =	vld [tilespmem:s1+$0x0];
	_ =	sdelay $0x2  }
0x2f7: {  	v6 =	vmul.u32 $0x2710, v6  }
0x2f8: {  	v9 =	vpop (erf)  }
0x2f9: {  	v6 =	vadd.s32 v7, v6;
	v8 =	vmul.f32 v9, v63  }
0x2fa: {  	s31 =	spop (v2sf);
	[tilespmem:s22+$0xA980] =	vst.msk vm0, v6  }
0x2fb: {  	s28 =	sadd.s32 s22, s31;
	[tilespmem:s22+$0xAA00] =	vst.msk vm0, v5;
	v6 =	vnsel vm0, $0x0, v8  }
0x2fc: {  	p1 =	slt.s32 s28, $0x20;
	[tilespmem:s22+$0xAA80] =	vst.msk vm0, v6  }
0x2fd: {  	v5 =	vld @!p1 [tilespmem:s28+$0xA960];
	_ =	sdelay $0x1  }
0x2fe: {  	p2 =	sgt.s32 s26, $0x1F;
	s1 =	sxor.u32 $0x1, s20  }
0x2ff: {  	s20 =	smov.u32 @p2 s1  }
0x300: {  	s1 =	sshll.u32 @!p1 s20, $0x5  }
0x301: {  	[tilespmem:s1+$0xAB00] =	vst @!p1 v5  }
0x302: {  	v5 =	vld @!p1 [tilespmem:s28+$0xA9E0];
	_ =	sdelay $0x4  }
0x303: {  	[tilespmem:s1+$0xAA40] =	vst @!p1 v5  }
0x304: {  	v5 =	vld @!p1 [tilespmem:s28+$0xAA60];
	_ =	sdelay $0x4  }
0x305: {  	[tilespmem:s1+$0xAAC0] =	vst @!p1 v5  }
0x306: {  	v5 =	vld @!p1 [tilespmem:s28+$0xA970];
	_ =	sdelay $0x2  }
0x307: {  	v6 =	vld @!p1 [tilespmem:s1+$0xAB00];
	_ =	sdelay $0x1  }
0x308: {  	[tilespmem:s1+$0xAB10] =	vst @!p1 v5  }
0x309: {  	v5 =	vld @!p1 [tilespmem:s28+$0xA9F0];
	_ =	sdelay $0x1  }
0x30a: {  	v7 =	vshll.u32 @!p1 v6, $0x1  }
0x30b: {  	v8 =	vlaneseq.u32 @!p1;
	v6 =	vand.u32 @!p1 $0x7, v6;
	v7 =	vand.u32 @!p1 $0xFFFFFFF0, v7  }
0x30c: {  	v9 =	vshrl.u32 @!p1 v8, $0x3;
	v6 =	vor.u32 @!p1 v6, v7;
	v7 =	vand.u32 @!p1 $0x7, v8  }
0x30d: {  	v9 =	vmul.u32 @!p1 $0x8, v9;
	[tilespmem:s1+$0xAA50] =	vst @!p1 v5;
	v5 =	vperm.xlane @!p1 v6, v7  }
0x30e: {  	v8 =	vor.u32 @!p1 $0x8, v8;
	v10 =	vld @!p1 [tilespmem:s28+$0xAA70]  }
0x30f: {  	v6 =	vperm.xlane @!p1 v6, v8;
	v5 =	vadd.s32 @!p1 v9, v5;
	_ =	sdelay $0x1  }
0x310: {  	s2 =	sshll.u32 @!p1 s20, $0xD;
	v6 =	vadd.s32 @!p1 v9, v6  }
0x311: {  	s3 =	sand.u32 @!p1 $0x3FFFE000, s2  }
0x312: {  	s6 =	sadd.s32 @!p1 $0x3, s20;
	s8 =	simm.s32 @!p1 $0x0;
	s7 =	sadd.s32 @!p1 $0x6980, s3;
	vm0 =	vmmov @!p1 $0xffff;
	[tilespmem:s1+$0xAAD0] =	vst @!p1 v10  }
0x313: {  	[tilespmem:s7], [sflag:s6] =	stream.indirect_vreg.gather @!p1 [hbm4b:s5+s8], $0x80, v5, vm0, $0xb8;
	[tilespmem:$0x1F380] =	vst v63  }
0x314: {  	s3 =	sadd.s32 @!p1 $0x7180, s3  }
0x315: {  	[tilespmem:s3], [sflag:s6] =	stream.indirect_vreg.gather @!p1 [hbm4b:s5+s8], $0x80, v6, vm0, $0xb8;
	[tilespmem:$0x1F380] =	vst v63  }
0x316: {  	v5 =	vld @!p1 [tilespmem:s1+$0xAB10];
	_ =	sdelay $0x4  }
0x317: {  	v6 =	vshll.u32 @!p1 v5, $0x1  }
0x318: {  	v5 =	vand.u32 @!p1 $0x7, v5;
	v6 =	vand.u32 @!p1 $0xFFFFFFF0, v6  }
0x319: {  	v5 =	vor.u32 @!p1 v5, v6  }
0x31a: {  	v6 =	vperm.xlane @!p1 v5, v7;
	_ =	sdelay $0x1  }
0x31b: {  	v5 =	vperm.xlane @!p1 v5, v8;
	v6 =	vadd.s32 @!p1 v9, v6  }
0x31c: {  	p2 =	sne.s32 @!p1 s0, $0x1  }
0x31d: {  	p2 =	por p1, p2;
	s1 =	sor.u32 @!p1 $0x1000, s2;
	v5 =	vadd.s32 @!p1 v9, v5  }
.Ltmp24:
0x31e: {  	s1 =	sand.u32 @!p1 $0x3FFFF000, s1;
	(pc) =	sbr.rel @p2 .LBB2_44-.Ltmp24, $4  }
0x31f: {  	s2 =	sadd.s32 @!p1 $0x6980, s1  }
0x320: {  	[tilespmem:s2], [sflag:s6] =	stream.indirect_vreg.gather @!p1 [hbm4b:s5+s8], $0x80, v6, vm0, $0xb8;
	[tilespmem:$0x1F380] =	vst v63  }
0x321: {  	s22 =	sadd.s32 @!p1 $0xFFFFFFE0, s28;
	s1 =	sadd.s32 @!p1 $0x7180, s1  }
0x322: {  	[tilespmem:s1], [sflag:s6] =	stream.indirect_vreg.gather @!p1 [hbm4b:s5+s8], $0x80, v5, vm0, $0xb8;
	[tilespmem:$0x1F380] =	vst v63  }
0x323: {  	s0 =	ssub.s32 $0x4, s20  }
0x324: {  	_ =	swait.ge [sflag:s0], $0x1000  }
0x325: {  	[sflag:s0] =	ssyncset.done $0x0  }
0x326: {  	[sflag:s0] =	ssyncadd.s32 $0xFFFFF000  }
0x327: {  	s1 =	sshll.u32 s20, $0x5;
	_ =	swait.ge [sflag:s0], $0x1000  }
0x328: {  	s1 =	sxor.u32 $0x20, s1;
	[sflag:s0] =	ssyncset.done $0x0  }
0x329: {  	s11 =	sor.u32 $0xAA40, s1;
	[sflag:s0] =	ssyncadd.s32 $0xFFFFF000  }
0x32a: {  	s12 =	sor.u32 $0xAA50, s1;
	v8 =	vld [tilespmem:s11+$0x0]  }
0x32b: {  	v9 =	vld [tilespmem:s12+$0x0];
	_ =	sdelay $0x1  }
0x32c: {  	s14 =	simm.s32 $0x2  }
0x32d: {  	s2 =	simm.s32 $0x1;
	s0 =	sand.u32 $0xE, s14  }
0x32e: {  	s3 =	simm.s32 $0x0;
	p1 =	por $0x1, $0x1;
	s2 =	sand.u32 $0xD, s2;
	v5 =	vmov s0  }
0x32f: {  	s15 =	sand.u32 $0xC, s3;
	v7 =	vmov s2;
	vm0 =	veq.s32 v5, v4;
	v6 =	vpsel p1, v8, v9  }
0x330: {  	vm1 =	veq.s32 v7, v4;
	v7 =	vmov s15;
	v5 =	vnsel vm0, $0x0, v6  }
0x331: {  	vm2 =	veq.s32 v7, v4;
	v10 =	vnsel vm1, $0x0, v6;
	(xrf0) =	vadd.scan.msk.s32 $0xffff, v5  }
0x332: {  	s17 =	sor.u32 $0xAAD0, s1;
	v5 =	vnsel vm2, $0x0, v6;
	(xrf0) =	vadd.scan.msk.s32 $0xffff, v10  }
0x333: {  	s16 =	sor.u32 $0xAAC0, s1;
	v11 =	vld [tilespmem:s17+$0x0];
	(xrf0) =	vadd.scan.msk.s32 $0xffff, v5  }
0x334: {  	v10 =	vld [tilespmem:s16+$0x0];
	_ =	sdelay $0x2  }
0x335: {  	v5, _, _ =	vpop (xrf0)  }
0x336: {  	s18 =	simm.s32 $0x3;
	v7, _, _ =	vpop (xrf0);
	(v2sf) =	vpush v5, $0xF  }
0x337: {  	s0 =	sand.u32 $0xF, s18;
	v5 =	vpsel p1, v10, v11;
	(v2sf) =	vpush v7, $0xF;
	v7, _, _ =	vpop (xrf0)  }
0x338: {  	v13 =	vmov s0;
	v12 =	vnsel vm1, $0x0, v5;
	(v2sf) =	vpush v7, $0xF  }
0x339: {  	vm12 =	veq.s32 v13, v4;
	v7 =	vnsel vm0, $0x0, v5;
	(xrf2) =	vadd.scan.msk.f32 $0xffff, v12  }
0x33a: {  	v12 =	vnsel vm12, $0x0, v5;
	(xrf2) =	vadd.scan.msk.f32 $0xffff, v7  }
0x33b: {  	v5 =	vnsel vm2, $0x0, v5;
	(xrf2) =	vadd.scan.msk.f32 $0xffff, v12  }
0x33c: {  	(xrf2) =	vadd.scan.msk.f32 $0xffff, v5;
	_ =	sdelay $0x2  }
0x33d: {  	s19 =	sshll.u32 s20, $0xD  }
0x33e: {  	s7 =	ssub.s32 $0x2000, s19  }
0x33f: {  	s21 =	simm.s32 $0x0;
	s0 =	sand.u32 $0x3800, s7  }
0x340: {  	s1 =	sand.u32 $0x200, s21;
	s0 =	sadd.s32 $0x6980, s0  }
0x341: {  	s8 =	sor.u32 s1, s0;
	v5 =	vnsel vm12, $0x0, v6;
	v7, _, _ =	vpop (xrf2)  }
0x342: {  	v13 =	vld [tilespmem:s8+$0x0];
	v12, _, _ =	vpop (xrf2)  }
0x343: {  	v14, _, _ =	vpop (xrf2);
	s24 =	spop (v2sf)  }
0x344: {  	(xrf0) =	vadd.scan.msk.s32 $0xffff, v5;
	v5, _, _ =	vpop (xrf2);
	s6 =	spop (v2sf)  }
0x345: {  	v5 =	vbroadcast v5, $0xF;
	s26 =	spop (v2sf)  }
0x346: {  	s31 =	sshll.u32 s26, $0x8;
	s1 =	sshll.u32 s26, $0x7  }
0x347: {  	v6 =	vmul.f32 v13, v5;
	s3 =	sand.u32 $0xFFFFF800, s31;
	s1 =	sand.u32 $0x380, s1  }
0x348: {  	s26 =	sor.u32 s1, s3  }
0x349: {  	[tilespmem:s26+$0xAB80] =	vst.add.f32.msk $0xffff, v6  }
0x34a: {  	v13 =	vld [tilespmem:s8+$0x10]  }
0x34b: {  	v6, _, _ =	vpop (xrf0)  }
0x34c: {  	(v2sf) =	vpush v6, $0xF;
	_ =	sdelay $0x2  }
0x34d: {  	v6 =	vmul.f32 v13, v5;
	_ =	sdelay $0x1  }
0x34e: {  	[tilespmem:s26+$0xAB90] =	vst.add.f32.msk $0xffff, v6  }
0x34f: {  	s9 =	simm.s32 $0x100;
	v6 =	vld [tilespmem:s8+$0x20]  }
0x350: {  	s10 =	simm.s32 $0x80;
	s1 =	sand.u32 $0x300, s9  }
0x351: {  	s3 =	sand.u32 $0x280, s10;
	s1 =	sadd.s32 s1, s0  }
0x352: {  	s9 =	simm.s32 $0x180;
	s3 =	sadd.s32 s3, s0;
	v13 =	vld [tilespmem:s1+$0x0]  }
0x353: {  	s9 =	sand.u32 $0x380, s9;
	v15 =	vld [tilespmem:s3+$0x0]  }
0x354: {  	v16 =	vbroadcast v12, $0xF;
	s0 =	sadd.s32 s9, s0;
	v12 =	vmul.f32 v6, v5  }
0x355: {  	s2 =	sshll.u32 s24, $0x7;
	v17 =	vld [tilespmem:s0+$0x0]  }
0x356: {  	s11 =	sshll.u32 s24, $0x8;
	s2 =	sand.u32 $0x380, s2;
	s10 =	sshll.u32 s6, $0x8;
	v6 =	vbroadcast v7, $0xF;
	[tilespmem:s26+$0xABA0] =	vst.add.f32.msk $0xffff, v12  }
0x357: {  	s6 =	sshll.u32 s6, $0x7;
	s10 =	sand.u32 $0xFFFFF800, s10;
	s9 =	sand.u32 $0xFFFFF800, s11;
	v13 =	vmul.f32 v13, v16;
	v7 =	vbroadcast v14, $0xF;
	v14 =	vld [tilespmem:s8+$0x30]  }
0x358: {  	s11 =	sand.u32 $0x380, s6;
	s6 =	sor.u32 s2, s9;
	v12 =	vmul.f32 v15, v6;
	s12 =	spop (v2sf)  }
0x359: {  	s29 =	sor.u32 s11, s10;
	[tilespmem:s6+$0xAB80] =	vst.add.f32.msk $0xffff, v13;
	s14 =	sshll.u32 s12, $0x8;
	s2 =	sshll.u32 s12, $0x7  }
0x35a: {  	v13 =	vmul.f32 v17, v7;
	[tilespmem:s29+$0xAB80] =	vst.add.f32.msk $0xffff, v12;
	s9 =	sand.u32 $0xFFFFF800, s14;
	s2 =	sand.u32 $0x380, s2  }
0x35b: {  	v12 =	vld [tilespmem:s3+$0x10];
	s2 =	sor.u32 s2, s9  }
0x35c: {  	[tilespmem:s2+$0xAB80] =	vst.add.f32.msk $0xffff, v13;
	v14 =	vmul.f32 v14, v5  }
0x35d: {  	v13 =	vld [tilespmem:s0+$0x10]  }
0x35e: {  	[tilespmem:s26+$0xABB0] =	vst.add.f32.msk $0xffff, v14  }
0x35f: {  	v14 =	vld [tilespmem:s8+$0x40]  }
0x360: {  	v12 =	vmul.f32 v12, v6  }
0x361: {  	v15 =	vld [tilespmem:s1+$0x10]  }
0x362: {  	[tilespmem:s29+$0xAB90] =	vst.add.f32.msk $0xffff, v12;
	v13 =	vmul.f32 v13, v7  }
0x363: {  	v12 =	vld [tilespmem:s3+$0x20]  }
0x364: {  	[tilespmem:s2+$0xAB90] =	vst.add.f32.msk $0xffff, v13;
	v14 =	vmul.f32 v14, v5  }
0x365: {  	v13 =	vld [tilespmem:s0+$0x20]  }
0x366: {  	v15 =	vmul.f32 v15, v16;
	[tilespmem:s26+$0xABC0] =	vst.add.f32.msk $0xffff, v14  }
0x367: {  	v14 =	vld [tilespmem:s8+$0x50]  }
0x368: {  	[tilespmem:s6+$0xAB90] =	vst.add.f32.msk $0xffff, v15;
	v12 =	vmul.f32 v12, v6  }
0x369: {  	v15 =	vld [tilespmem:s1+$0x20]  }
0x36a: {  	[tilespmem:s29+$0xABA0] =	vst.add.f32.msk $0xffff, v12;
	v12 =	vmul.f32 v13, v7  }
0x36b: {  	v13 =	vld [tilespmem:s3+$0x30]  }
0x36c: {  	[tilespmem:s2+$0xABA0] =	vst.add.f32.msk $0xffff, v12;
	v14 =	vmul.f32 v14, v5  }
0x36d: {  	v12 =	vld [tilespmem:s0+$0x30]  }
0x36e: {  	v15 =	vmul.f32 v15, v16;
	[tilespmem:s26+$0xABD0] =	vst.add.f32.msk $0xffff, v14  }
0x36f: {  	v14 =	vld [tilespmem:s8+$0x60]  }
0x370: {  	[tilespmem:s6+$0xABA0] =	vst.add.f32.msk $0xffff, v15;
	v13 =	vmul.f32 v13, v6  }
0x371: {  	v15 =	vld [tilespmem:s1+$0x30]  }
0x372: {  	[tilespmem:s29+$0xABB0] =	vst.add.f32.msk $0xffff, v13;
	v12 =	vmul.f32 v12, v7  }
0x373: {  	v13 =	vld [tilespmem:s3+$0x40]  }
0x374: {  	[tilespmem:s2+$0xABB0] =	vst.add.f32.msk $0xffff, v12;
	v14 =	vmul.f32 v14, v5  }
0x375: {  	v12 =	vld [tilespmem:s0+$0x40]  }
0x376: {  	[tilespmem:s26+$0xABE0] =	vst.add.f32.msk $0xffff, v14  }
0x377: {  	v15 =	vmul.f32 v15, v16;
	v14 =	vld [tilespmem:s8+$0x70]  }
0x378: {  	v13 =	vmul.f32 v13, v6  }
0x379: {  	[tilespmem:s6+$0xABB0] =	vst.add.f32.msk $0xffff, v15  }
0x37a: {  	[tilespmem:s29+$0xABC0] =	vst.add.f32.msk $0xffff, v13;
	v12 =	vmul.f32 v12, v7  }
0x37b: {  	p1 =	por $0x0, $0x0;
	s8 =	simm.s32 $0x1;
	v13 =	vld [tilespmem:s3+$0x50]  }
0x37c: {  	s8 =	simm.s32 @!p1 $0x0;
	[tilespmem:s2+$0xABC0] =	vst.add.f32.msk $0xffff, v12;
	v14 =	vmul.f32 v14, v5  }
0x37d: {  	s8 =	sshll.u32 s8, $0x9;
	v12 =	vld [tilespmem:s0+$0x50]  }
0x37e: {  	s14 =	sadd.s32 s8, s7;
	[tilespmem:s26+$0xABF0] =	vst.add.f32.msk $0xffff, v14  }
0x37f: {  	s8 =	sor.u32 $0x400, s14;
	v14 =	vld [tilespmem:s1+$0x40]  }
0x380: {  	v13 =	vmul.f32 v13, v6;
	v15 =	vld [tilespmem:s8+$0x6980];
	_ =	sdelay $0x1  }
0x381: {  	[tilespmem:s29+$0xABD0] =	vst.add.f32.msk $0xffff, v13;
	v12 =	vmul.f32 v12, v7  }
0x382: {  	v13 =	vld [tilespmem:s3+$0x60]  }
0x383: {  	v14 =	vmul.f32 v14, v16;
	[tilespmem:s2+$0xABD0] =	vst.add.f32.msk $0xffff, v12  }
0x384: {  	s15 =	simm.s32 $0x6;
	v12 =	vmul.f32 v15, v5;
	v15 =	vld [tilespmem:s0+$0x60]  }
0x385: {  	s16 =	simm.s32 $0x5;
	s8 =	sand.u32 $0xE, s15;
	[tilespmem:s6+$0xABC0] =	vst.add.f32.msk $0xffff, v14  }
0x386: {  	s9 =	sand.u32 $0xD, s16;
	s17 =	sor.u32 $0x410, s14;
	v14 =	vmov s8;
	[tilespmem:s26+$0xAF80] =	vst.add.f32.msk $0xffff, v12  }
0x387: {  	p2 =	por $0x1, $0x1;
	v17 =	vmov s9;
	vm13 =	veq.s32 v14, v4;
	v14 =	vld [tilespmem:s17+$0x6980]  }
0x388: {  	s11 =	simm.s32 $0x4;
	vm14 =	veq.s32 v17, v4;
	v12 =	vpsel p2, v8, v9;
	v19 =	vld [tilespmem:s1+$0x50];
	v13 =	vmul.f32 v13, v6  }
0x389: {  	s18 =	sand.u32 $0xC, s11;
	v18 =	vnsel vm13, $0x0, v12;
	v17 =	vnsel vm14, $0x0, v12  }
0x38a: {  	(xrf0) =	vadd.scan.msk.s32 $0xffff, v18;
	v18 =	vmov s18;
	[tilespmem:s29+$0xABE0] =	vst.add.f32.msk $0xffff, v13;
	v15 =	vmul.f32 v15, v7  }
0x38b: {  	(xrf0) =	vadd.scan.msk.s32 $0xffff, v17;
	vm15 =	veq.s32 v18, v4;
	v17 =	vld [tilespmem:s3+$0x70]  }
0x38c: {  	s19 =	simm.s32 $0x7;
	v13 =	vnsel vm15, $0x0, v12;
	[tilespmem:s2+$0xABE0] =	vst.add.f32.msk $0xffff, v15;
	v14 =	vmul.f32 v14, v5  }
0x38d: {  	s8 =	sand.u32 $0xF, s19;
	(xrf0) =	vadd.scan.msk.s32 $0xffff, v13;
	v13 =	vmul.f32 v19, v16;
	v15 =	vld [tilespmem:s0+$0x70]  }
0x38e: {  	v18 =	vmov s8  }
0x38f: {  	vm3 =	veq.s32 v18, v4;
	[tilespmem:s6+$0xABD0] =	vst.add.f32.msk $0xffff, v13  }
0x390: {  	v12 =	vnsel vm3, $0x0, v12;
	[tilespmem:s26+$0xAF90] =	vst.add.f32.msk $0xffff, v14;
	v14, _, _ =	vpop (xrf0)  }
0x391: {  	s21 =	sor.u32 $0x420, s14;
	v19 =	vld [tilespmem:s1+$0x60];
	(xrf0) =	vadd.scan.msk.s32 $0xffff, v12;
	v12 =	vmul.f32 v17, v6;
	(v2sf) =	vpush v14, $0xF  }
0x392: {  	v13 =	vpsel p2, v10, v11;
	v18 =	vld [tilespmem:s21+$0x6980];
	v14, _, _ =	vpop (xrf0);
	v15 =	vmul.f32 v15, v7  }
0x393: {  	s9 =	sadd.s32 $0x400, s7;
	(v2sf) =	vpush v14, $0xF;
	v14 =	vnsel vm14, $0x0, v13;
	[tilespmem:s29+$0xABF0] =	vst.add.f32.msk $0xffff, v12  }
0x394: {  	s16 =	simm.s32 $0x300;
	s7 =	sand.u32 $0x3800, s9;
	v20 =	vnsel vm13, $0x0, v13;
	v17, _, _ =	vpop (xrf0);
	(xrf2) =	vadd.scan.msk.f32 $0xffff, v14;
	[tilespmem:s2+$0xABF0] =	vst.add.f32.msk $0xffff, v15  }
0x395: {  	s12 =	simm.s32 $0x280;
	s17 =	sadd.s32 $0x6980, s7;
	s18 =	sand.u32 $0x300, s16;
	v12 =	vnsel vm3, $0x0, v13;
	(v2sf) =	vpush v17, $0xF;
	v14 =	vld [tilespmem:s3+$0x400];
	(xrf2) =	vadd.scan.msk.f32 $0xffff, v20  }
0x396: {  	s15 =	sand.u32 $0x280, s12;
	s12 =	simm.s32 $0x380;
	s16 =	sadd.s32 s18, s17;
	(xrf2) =	vadd.scan.msk.f32 $0xffff, v12;
	v12 =	vld [tilespmem:s0+$0x400]  }
0x397: {  	s19 =	sand.u32 $0x380, s12;
	s15 =	sadd.s32 s15, s17;
	v13 =	vnsel vm15, $0x0, v13;
	v17 =	vmul.f32 v19, v16;
	v19 =	vld [tilespmem:s16+$0x0]  }
0x398: {  	s18 =	sadd.s32 s19, s17;
	v15 =	vmul.f32 v18, v5;
	v18 =	vld [tilespmem:s15+$0x0]  }
0x399: {  	v20 =	vld [tilespmem:s18+$0x0];
	(xrf2) =	vadd.scan.msk.f32 $0xffff, v13  }
0x39a: {  	[tilespmem:s6+$0xABE0] =	vst.add.f32.msk $0xffff, v17;
	v13, _, _ =	vpop (xrf0)  }
0x39b: {  	s31 =	sor.u32 $0x430, s14;
	[tilespmem:s26+$0xAFA0] =	vst.add.f32.msk $0xffff, v15;
	(v2sf) =	vpush v13, $0xF;
	v13 =	vmul.f32 v14, v6;
	v21 =	vmul.f32 v12, v7  }
0x39c: {  	v17 =	vld [tilespmem:s31+$0x6980]  }
0x39d: {  	s24 =	simm.s32 $0x200;
	[tilespmem:s2+$0xAF80] =	vst.add.f32.msk $0xffff, v21  }
0x39e: {  	s8 =	sand.u32 $0x200, s24;
	v14, _, _ =	vpop (xrf2);
	v21 =	vld [tilespmem:s0+$0x410]  }
0x39f: {  	s7 =	sor.u32 s8, s17;
	[tilespmem:s29+$0xAF80] =	vst.add.f32.msk $0xffff, v13;
	v13, _, _ =	vpop (xrf2)  }
0x3a0: {  	v15 =	vld [tilespmem:s7+$0x0];
	v12 =	vbroadcast v13, $0xF;
	s21 =	spop (v2sf)  }
0x3a1: {  	v24 =	vld [tilespmem:s1+$0x70];
	v17 =	vmul.f32 v17, v5;
	s24 =	sshll.u32 s21, $0x8;
	s8 =	sshll.u32 s21, $0x7  }
0x3a2: {  	v22 =	vld [tilespmem:s3+$0x410];
	v23, _, _ =	vpop (xrf2);
	s31 =	spop (v2sf);
	v19 =	vmul.f32 v19, v12;
	s10 =	sand.u32 $0xFFFFF800, s24;
	s8 =	sand.u32 $0x380, s8  }
0x3a3: {  	v14 =	vbroadcast v14, $0xF;
	[tilespmem:s26+$0xAFB0] =	vst.add.f32.msk $0xffff, v17;
	v13, _, _ =	vpop (xrf2);
	s19 =	sshll.u32 s31, $0x8;
	v21 =	vmul.f32 v21, v7;
	s17 =	sor.u32 s8, s10  }
0x3a4: {  	v13 =	vbroadcast v13, $0xF;
	s21 =	sshll.u32 s31, $0x7;
	s19 =	sand.u32 $0xFFFFF800, s19;
	s10 =	spop (v2sf);
	[tilespmem:s17+$0xAB80] =	vst.add.f32.msk $0xffff, v19  }
0x3a5: {  	v18 =	vmul.f32 v18, v14;
	s21 =	sand.u32 $0x380, s21;
	s31 =	sshll.u32 s10, $0x8;
	s24 =	sshll.u32 s10, $0x7;
	[tilespmem:s2+$0xAF90] =	vst.add.f32.msk $0xffff, v21  }
0x3a6: {  	v15 =	vmul.f32 v15, v13;
	s8 =	sor.u32 s21, s19;
	s21 =	sand.u32 $0xFFFFF800, s31;
	s31 =	sand.u32 $0x380, s24;
	v19 =	vld [tilespmem:s16+$0x10]  }
0x3a7: {  	[tilespmem:s8+$0xAB80] =	vst.add.f32.msk $0xffff, v18;
	v18 =	vmul.f32 v22, v6;
	s10 =	sor.u32 s31, s21  }
0x3a8: {  	v22 =	vmul.f32 v24, v16;
	[tilespmem:s10+$0xAB80] =	vst.add.f32.msk $0xffff, v15  }
0x3a9: {  	[tilespmem:s29+$0xAF90] =	vst.add.f32.msk $0xffff, v18  }
0x3aa: {  	s31 =	sor.u32 $0x440, s14;
	[tilespmem:s6+$0xABF0] =	vst.add.f32.msk $0xffff, v22  }
0x3ab: {  	v17 =	vld [tilespmem:s31+$0x6980]  }
0x3ac: {  	s21 =	spop (v2sf);
	v15 =	vbroadcast v23, $0xF;
	v18 =	vld [tilespmem:s3+$0x420]  }
0x3ad: {  	s24 =	sshll.u32 s21, $0x8;
	s19 =	sshll.u32 s21, $0x7;
	v22 =	vld [tilespmem:s1+$0x400]  }
0x3ae: {  	v62 =	vld [tilespmem:s15+$0x10];
	s21 =	sand.u32 $0xFFFFF800, s24;
	s19 =	sand.u32 $0x380, s19;
	v20 =	vmul.f32 v20, v15  }
0x3af: {  	v23 =	vld [tilespmem:s7+$0x10];
	s19 =	sor.u32 s19, s21  }
0x3b0: {  	[tilespmem:s19+$0xAB80] =	vst.add.f32.msk $0xffff, v20;
	v17 =	vmul.f32 v17, v5  }
0x3b1: {  	v20 =	vld [tilespmem:s18+$0x10];
	v18 =	vmul.f32 v18, v6  }
0x3b2: {  	v22 =	vmul.f32 v22, v16;
	[tilespmem:s26+$0xAFC0] =	vst.add.f32.msk $0xffff, v17  }
0x3b3: {  	[tilespmem:s29+$0xAFA0] =	vst.add.f32.msk $0xffff, v18  }
0x3b4: {  	v18 =	vmul.f32 v23, v13;
	[tilespmem:s6+$0xAF80] =	vst.add.f32.msk $0xffff, v22  }
0x3b5: {  	v23 =	vld [tilespmem:s3+$0x430]  }
0x3b6: {  	[tilespmem:s10+$0xAB90] =	vst.add.f32.msk $0xffff, v18;
	v18 =	vmul.f32 v20, v15  }
0x3b7: {  	v21 =	vld [tilespmem:s7+$0x20]  }
0x3b8: {  	v20 =	vmul.f32 v62, v14;
	[tilespmem:s19+$0xAB90] =	vst.add.f32.msk $0xffff, v18  }
0x3b9: {  	v18 =	vmul.f32 v19, v12;
	v19 =	vld [tilespmem:s1+$0x410]  }
0x3ba: {  	[tilespmem:s8+$0xAB90] =	vst.add.f32.msk $0xffff, v20  }
0x3bb: {  	[tilespmem:s17+$0xAB90] =	vst.add.f32.msk $0xffff, v18  }
0x3bc: {  	v18 =	vld [tilespmem:s15+$0x20]  }
0x3bd: {  	v20 =	vmul.f32 v23, v6;
	v22 =	vld [tilespmem:s16+$0x20]  }
0x3be: {  	v23 =	vld [tilespmem:s18+$0x20]  }
0x3bf: {  	[tilespmem:s29+$0xAFB0] =	vst.add.f32.msk $0xffff, v20;
	v19 =	vmul.f32 v19, v16  }
0x3c0: {  	v20 =	vld [tilespmem:s3+$0x440]  }
0x3c1: {  	[tilespmem:s6+$0xAF90] =	vst.add.f32.msk $0xffff, v19;
	v18 =	vmul.f32 v18, v14  }
0x3c2: {  	v19 =	vld [tilespmem:s1+$0x420];
	v22 =	vmul.f32 v22, v12  }
0x3c3: {  	[tilespmem:s8+$0xABA0] =	vst.add.f32.msk $0xffff, v18;
	v18 =	vmul.f32 v21, v13  }
0x3c4: {  	[tilespmem:s17+$0xABA0] =	vst.add.f32.msk $0xffff, v22  }
0x3c5: {  	v20 =	vmul.f32 v20, v6;
	[tilespmem:s10+$0xABA0] =	vst.add.f32.msk $0xffff, v18  }
0x3c6: {  	v18 =	vld [tilespmem:s15+$0x30]  }
0x3c7: {  	[tilespmem:s29+$0xAFC0] =	vst.add.f32.msk $0xffff, v20;
	v19 =	vmul.f32 v19, v16  }
0x3c8: {  	v20 =	vld [tilespmem:s3+$0x450]  }
0x3c9: {  	[tilespmem:s6+$0xAFA0] =	vst.add.f32.msk $0xffff, v19  }
0x3ca: {  	v19 =	vmul.f32 v23, v15;
	v23 =	vld [tilespmem:s7+$0x30]  }
0x3cb: {  	v21 =	vld [tilespmem:s1+$0x430]  }
0x3cc: {  	v18 =	vmul.f32 v18, v14;
	[tilespmem:s19+$0xABA0] =	vst.add.f32.msk $0xffff, v19  }
0x3cd: {  	v20 =	vmul.f32 v20, v6;
	v19 =	vld [tilespmem:s18+$0x30]  }
0x3ce: {  	[tilespmem:s8+$0xABB0] =	vst.add.f32.msk $0xffff, v18  }
0x3cf: {  	[tilespmem:s29+$0xAFD0] =	vst.add.f32.msk $0xffff, v20;
	v22 =	vmul.f32 v23, v13  }
0x3d0: {  	v20 =	vmul.f32 v21, v16;
	v21 =	vld [tilespmem:s0+$0x420]  }
0x3d1: {  	[tilespmem:s10+$0xABB0] =	vst.add.f32.msk $0xffff, v22  }
0x3d2: {  	[tilespmem:s6+$0xAFB0] =	vst.add.f32.msk $0xffff, v20  }
0x3d3: {  	v22 =	vld [tilespmem:s7+$0x40];
	v19 =	vmul.f32 v19, v15  }
0x3d4: {  	v20 =	vld [tilespmem:s1+$0x440]  }
0x3d5: {  	[tilespmem:s19+$0xABB0] =	vst.add.f32.msk $0xffff, v19  }
0x3d6: {  	v18 =	vmul.f32 v21, v7;
	v21 =	vld [tilespmem:s15+$0x40]  }
0x3d7: {  	v63 =	vld [tilespmem:s18+$0x40]  }
0x3d8: {  	[tilespmem:s2+$0xAFA0] =	vst.add.f32.msk $0xffff, v18;
	v22 =	vmul.f32 v22, v13  }
0x3d9: {  	v18 =	vld [tilespmem:s0+$0x430]  }
0x3da: {  	v20 =	vmul.f32 v20, v16;
	[tilespmem:s10+$0xABC0] =	vst.add.f32.msk $0xffff, v22  }
0x3db: {  	v22 =	vld [tilespmem:s3+$0x460]  }
0x3dc: {  	[tilespmem:s6+$0xAFC0] =	vst.add.f32.msk $0xffff, v20;
	v20 =	vmul.f32 v21, v14  }
0x3dd: {  	v21 =	vld [tilespmem:s1+$0x450]  }
0x3de: {  	[tilespmem:s8+$0xABC0] =	vst.add.f32.msk $0xffff, v20  }
0x3df: {  	v20 =	vld [tilespmem:s7+$0x50]  }
0x3e0: {  	v23 =	vld [tilespmem:s16+$0x30];
	v18 =	vmul.f32 v18, v7  }
0x3e1: {  	v19 =	vld [tilespmem:s15+$0x50];
	v22 =	vmul.f32 v22, v6  }
0x3e2: {  	[tilespmem:s2+$0xAFB0] =	vst.add.f32.msk $0xffff, v18  }
0x3e3: {  	v21 =	vmul.f32 v21, v16;
	[tilespmem:s29+$0xAFE0] =	vst.add.f32.msk $0xffff, v22  }
0x3e4: {  	v22 =	vmul.f32 v63, v15;
	v18 =	vmul.f32 v20, v13;
	v20 =	vld [tilespmem:s0+$0x440]  }
0x3e5: {  	[tilespmem:s6+$0xAFD0] =	vst.add.f32.msk $0xffff, v21  }
0x3e6: {  	[tilespmem:s19+$0xABC0] =	vst.add.f32.msk $0xffff, v22  }
0x3e7: {  	v21 =	vld [tilespmem:s1+$0x460]  }
0x3e8: {  	v22 =	vmul.f32 v23, v12;
	[tilespmem:s10+$0xABD0] =	vst.add.f32.msk $0xffff, v18  }
0x3e9: {  	v18 =	vld [tilespmem:s7+$0x60];
	v20 =	vmul.f32 v20, v7  }
0x3ea: {  	[tilespmem:s17+$0xABB0] =	vst.add.f32.msk $0xffff, v22  }
0x3eb: {  	[tilespmem:s2+$0xAFC0] =	vst.add.f32.msk $0xffff, v20  }
0x3ec: {  	v21 =	vmul.f32 v21, v16;
	v20 =	vld [tilespmem:s16+$0x40]  }
0x3ed: {  	v17 =	vmul.f32 v19, v14;
	v19 =	vld [tilespmem:s0+$0x450]  }
0x3ee: {  	v18 =	vmul.f32 v18, v13;
	[tilespmem:s6+$0xAFE0] =	vst.add.f32.msk $0xffff, v21  }
0x3ef: {  	v21 =	vld [tilespmem:s1+$0x470]  }
0x3f0: {  	[tilespmem:s10+$0xABE0] =	vst.add.f32.msk $0xffff, v18  }
0x3f1: {  	s24 =	sor.u32 $0x450, s14;
	v18 =	vld [tilespmem:s7+$0x70]  }
0x3f2: {  	v23 =	vld [tilespmem:s24+$0x6980]  }
0x3f3: {  	[tilespmem:s8+$0xABD0] =	vst.add.f32.msk $0xffff, v17;
	v20 =	vmul.f32 v20, v12  }
0x3f4: {  	p1 =	por !p1, !p1;
	s1 =	simm.s32 $0x1;
	v19 =	vmul.f32 v19, v7;
	v16 =	vmul.f32 v21, v16;
	v21 =	vld [tilespmem:s18+$0x50]  }
0x3f5: {  	s1 =	simm.s32 @!p1 $0x0;
	[tilespmem:s17+$0xABC0] =	vst.add.f32.msk $0xffff, v20  }
0x3f6: {  	s1 =	sshll.u32 s1, $0x9;
	[tilespmem:s2+$0xAFD0] =	vst.add.f32.msk $0xffff, v19;
	v18 =	vmul.f32 v18, v13  }
0x3f7: {  	s1 =	sadd.s32 s1, s9;
	v22 =	vld [tilespmem:s16+$0x50]  }
0x3f8: {  	s21 =	sor.u32 $0x400, s1;
	[tilespmem:s10+$0xABF0] =	vst.add.f32.msk $0xffff, v18  }
0x3f9: {  	v17 =	vld [tilespmem:s21+$0x6980];
	v21 =	vmul.f32 v21, v15  }
0x3fa: {  	[tilespmem:s6+$0xAFF0] =	vst.add.f32.msk $0xffff, v16  }
0x3fb: {  	[tilespmem:s19+$0xABD0] =	vst.add.f32.msk $0xffff, v21  }
0x3fc: {  	v21 =	vld [tilespmem:s0+$0x460]  }
0x3fd: {  	v16 =	vld [tilespmem:s3+$0x470]  }
0x3fe: {  	v18 =	vld [tilespmem:s15+$0x60];
	v17 =	vmul.f32 v17, v13  }
0x3ff: {  	v19 =	vld [tilespmem:s18+$0x60]  }
0x400: {  	s31 =	sor.u32 $0x410, s1;
	[tilespmem:s10+$0xAF80] =	vst.add.f32.msk $0xffff, v17  }
0x401: {  	v20 =	vmul.f32 v23, v5;
	v17 =	vld [tilespmem:s31+$0x6980];
	v21 =	vmul.f32 v21, v7  }
.LBB2_46:
0x402: {  	s3 =	sadd.s32 $0x6, s11  }
0x403: {  	s6 =	sadd.s32 $0x7, s11;
	[tilespmem:s26+$0xAFD0] =	vst.add.f32.msk $0xffff, v20;
	s7 =	smov.u32 s11;
	s11 =	sadd.s32 $0x4, s11  }
0x404: {  	v18 =	vmul.f32 v18, v14;
	p2 =	slt.u32 s11, $0x10;
	s7 =	sadd.s32 $0x5, s7;
	s3 =	sand.u32 $0xE, s3;
	v20 =	vmul.f32 v22, v12;
	[tilespmem:s2+$0xAFE0] =	vst.add.f32.msk $0xffff, v21  }
0x405: {  	s21 =	sand.u32 $0xC, s11;
	v21 =	vpsel p2, v8, v9;
	v22 =	vpsel p2, v10, v11;
	s7 =	sand.u32 $0xD, s7;
	v23 =	vmov s3;
	s3 =	sand.u32 $0xF, s6;
	v24 =	vld [tilespmem:s0+$0x470]  }
0x406: {  	p2 =	slt.u32 s11, $0x1C;
	s6 =	sor.u32 $0x460, s14;
	s0 =	smov.u32 s18;
	v25 =	vmov s7;
	vm0 =	veq.s32 v23, v4;
	[tilespmem:s8+$0xABE0] =	vst.add.f32.msk $0xffff, v18;
	v18 =	vmul.f32 v19, v15  }
0x407: {  	vm1 =	veq.s32 v25, v4;
	v19 =	vnsel vm0, $0x0, v21;
	v17 =	vmul.f32 v17, v13;
	v23 =	vld [tilespmem:s6+$0x6980]  }
0x408: {  	v16 =	vmul.f32 v16, v6;
	v6 =	vmovc v14;
	v25 =	vnsel vm1, $0x0, v21;
	v26 =	vnsel vm1, $0x0, v22;
	(xrf0) =	vadd.scan.msk.s32 $0xffff, v19;
	v19 =	vld [tilespmem:s15+$0x70]  }
0x409: {  	v14 =	vmov s21;
	v27 =	vmov s3;
	(xrf0) =	vadd.scan.msk.s32 $0xffff, v25;
	[tilespmem:s10+$0xAF90] =	vst.add.f32.msk $0xffff, v17  }
0x40a: {  	vm1 =	veq.s32 v14, v4;
	[tilespmem:s19+$0xABE0] =	vst.add.f32.msk $0xffff, v18;
	v14 =	vmul.f32 v24, v7;
	v7 =	vmov v15  }
0x40b: {  	v17 =	vnsel vm0, $0x0, v22;
	vm0 =	veq.s32 v27, v4;
	v15 =	vnsel vm1, $0x0, v21;
	(xrf2) =	vadd.scan.msk.f32 $0xffff, v26;
	v18 =	vld [tilespmem:s0+$0x70]  }
0x40c: {  	v21 =	vnsel vm0, $0x0, v21;
	v24 =	vnsel vm0, $0x0, v22;
	v23 =	vmul.f32 v23, v5;
	[tilespmem:s2+$0xAFF0] =	vst.add.f32.msk $0xffff, v14;
	s2 =	smov.u32 s19  }
0x40d: {  	v14 =	vnsel vm1, $0x0, v22;
	(xrf0) =	vadd.scan.msk.s32 $0xffff, v15;
	[tilespmem:s17+$0xABD0] =	vst.add.f32.msk $0xffff, v20  }
0x40e: {  	s3 =	sor.u32 $0x470, s14;
	s14 =	smov.u32 s1;
	v15, _, _ =	vpop (xrf0);
	(xrf2) =	vadd.scan.msk.f32 $0xffff, v17;
	v17 =	vld [tilespmem:s16+$0x60]  }
0x40f: {  	v20, _, _ =	vpop (xrf0);
	(v2sf) =	vpush v15, $0xF;
	[tilespmem:s26+$0xAFE0] =	vst.add.f32.msk $0xffff, v23  }
0x410: {  	s1 =	sor.u32 $0x420, s14;
	(xrf0) =	vadd.scan.msk.s32 $0xffff, v21;
	v21 =	vmul.f32 v18, v7;
	v18 =	vld [tilespmem:s3+$0x6980]  }
0x411: {  	v19 =	vmul.f32 v19, v6;
	(v2sf) =	vpush v20, $0xF;
	v20 =	vld [tilespmem:s1+$0x6980]  }
0x412: {  	[tilespmem:s2+$0xABF0] =	vst.add.f32.msk $0xffff, v21  }
0x413: {  	v15, _, _ =	vpop (xrf0);
	(xrf2) =	vadd.scan.msk.f32 $0xffff, v24;
	[tilespmem:s8+$0xABF0] =	vst.add.f32.msk $0xffff, v19  }
0x414: {  	(v2sf) =	vpush v15, $0xF;
	v15 =	vld [tilespmem:s15+$0x400]  }
0x415: {  	v19, _, _ =	vpop (xrf2);
	v21 =	vld [tilespmem:s0+$0x400];
	v18 =	vmul.f32 v18, v5;
	v5 =	vmov v13  }
0x416: {  	v17 =	vmul.f32 v17, v12;
	v13, _, _ =	vpop (xrf0);
	v20 =	vmul.f32 v20, v5;
	[tilespmem:s29+$0xAFF0] =	vst.add.f32.msk $0xffff, v16;
	s29 =	smov.u32 s8  }
0x417: {  	s12 =	sadd.s32 $0x200, s12;
	s9 =	sadd.s32 $0x400, s9;
	(v2sf) =	vpush v13, $0xF;
	[tilespmem:s26+$0xAFF0] =	vst.add.f32.msk $0xffff, v18;
	s26 =	smov.u32 s10  }
0x418: {  	s6 =	sor.u32 $0x430, s14;
	s3 =	sadd.s32 $0xFFFFFE80, s12;
	s1 =	sand.u32 $0x3800, s9;
	(xrf2) =	vadd.scan.msk.f32 $0xffff, v14;
	v13, _, _ =	vpop (xrf2);
	[tilespmem:s26+$0xAFA0] =	vst.add.f32.msk $0xffff, v20  }
0x419: {  	s3 =	sand.u32 $0x200, s3;
	s7 =	sadd.s32 $0x6980, s1;
	s1 =	sadd.s32 $0xFFFFFF00, s12;
	v14 =	vmul.f32 v15, v6;
	[tilespmem:s17+$0xABE0] =	vst.add.f32.msk $0xffff, v17  }
0x41a: {  	s3 =	sor.u32 s3, s7;
	s1 =	sand.u32 $0x280, s1;
	s8 =	sadd.s32 $0xFFFFFF80, s12;
	v15 =	vld [tilespmem:s6+$0x6980];
	v18 =	vmul.f32 v21, v7  }
0x41b: {  	s1 =	sadd.s32 s1, s7;
	s6 =	sand.u32 $0x300, s8;
	v20 =	vld [tilespmem:s3+$0x0]  }
0x41c: {  	s6 =	sadd.s32 s6, s7;
	v21 =	vld [tilespmem:s1+$0x0]  }
0x41d: {  	s8 =	sand.u32 $0x380, s12;
	v22 =	vld [tilespmem:s6+$0x0];
	v23, _, _ =	vpop (xrf2)  }
0x41e: {  	s18 =	sadd.s32 s8, s7;
	s7 =	spop (v2sf);
	[tilespmem:s29+$0xAF80] =	vst.add.f32.msk $0xffff, v14  }
0x41f: {  	v14 =	vbroadcast v19, $0xF;
	s8 =	sshll.u32 s7, $0x8;
	s7 =	sshll.u32 s7, $0x7;
	v19 =	vld [tilespmem:s18+$0x0];
	v17 =	vmul.f32 v15, v5  }
0x420: {  	v16 =	vbroadcast v13, $0xF;
	s8 =	sand.u32 $0xFFFFF800, s8;
	s10 =	spop (v2sf);
	v24 =	vld [tilespmem:s15+$0x410]  }
0x421: {  	v21 =	vmul.f32 v21, v14;
	s19 =	sshll.u32 s10, $0x8;
	s10 =	sshll.u32 s10, $0x7;
	v25 =	vld [tilespmem:s16+$0x70]  }
0x422: {  	s7 =	sand.u32 $0x380, s7;
	s19 =	sand.u32 $0xFFFFF800, s19;
	v22 =	vmul.f32 v22, v16;
	v13, _, _ =	vpop (xrf2);
	[tilespmem:s2+$0xAF80] =	vst.add.f32.msk $0xffff, v18  }
0x423: {  	v15 =	vbroadcast v23, $0xF;
	s7 =	sor.u32 s7, s8;
	s10 =	sand.u32 $0x380, s10;
	v13 =	vbroadcast v13, $0xF;
	s8 =	spop (v2sf);
	v18 =	vld [tilespmem:s0+$0x410]  }
0x424: {  	s21 =	sshll.u32 s8, $0x8;
	s24 =	sshll.u32 s8, $0x7;
	s8 =	sor.u32 s10, s19;
	[tilespmem:s7+$0xAB80] =	vst.add.f32.msk $0xffff, v22  }
0x425: {  	v19 =	vmul.f32 v19, v15;
	v20 =	vmul.f32 v20, v13;
	s10 =	sand.u32 $0xFFFFF800, s21;
	s19 =	sand.u32 $0x380, s24;
	v22 =	vld [tilespmem:s6+$0x10]  }
0x426: {  	s10 =	sor.u32 s19, s10;
	[tilespmem:s8+$0xAB80] =	vst.add.f32.msk $0xffff, v21;
	s19 =	spop (v2sf);
	v21 =	vmul.f32 v24, v6;
	v23 =	vmul.f32 v25, v12  }
0x427: {  	[tilespmem:s10+$0xAB80] =	vst.add.f32.msk $0xffff, v20;
	s21 =	sshll.u32 s19, $0x8;
	s19 =	sshll.u32 s19, $0x7  }
0x428: {  	s21 =	sand.u32 $0xFFFFF800, s21;
	s19 =	sand.u32 $0x380, s19;
	[tilespmem:s29+$0xAF90] =	vst.add.f32.msk $0xffff, v21;
	v18 =	vmul.f32 v18, v7  }
0x429: {  	v20 =	vld [tilespmem:s15+$0x420]  }
0x42a: {  	v21 =	vmul.f32 v22, v16;
	[tilespmem:s17+$0xABF0] =	vst.add.f32.msk $0xffff, v23  }
0x42b: {  	v22 =	vld [tilespmem:s16+$0x400]  }
0x42c: {  	s19 =	sor.u32 s19, s21;
	v23 =	vld [tilespmem:s3+$0x10]  }
0x42d: {  	[tilespmem:s19+$0xAB80] =	vst.add.f32.msk $0xffff, v19  }
0x42e: {  	v19 =	vld [tilespmem:s18+$0x10];
	v20 =	vmul.f32 v20, v6  }
0x42f: {  	v24 =	vld [tilespmem:s1+$0x10]  }
0x430: {  	[tilespmem:s29+$0xAFA0] =	vst.add.f32.msk $0xffff, v20;
	v20 =	vmul.f32 v22, v12  }
0x431: {  	v22 =	vmul.f32 v23, v13;
	v23 =	vld [tilespmem:s15+$0x430]  }
0x432: {  	[tilespmem:s2+$0xAF90] =	vst.add.f32.msk $0xffff, v18  }
0x433: {  	[tilespmem:s10+$0xAB90] =	vst.add.f32.msk $0xffff, v22;
	v18 =	vmul.f32 v19, v15  }
0x434: {  	v19 =	vmul.f32 v24, v14;
	[tilespmem:s17+$0xAF80] =	vst.add.f32.msk $0xffff, v20  }
0x435: {  	[tilespmem:s19+$0xAB90] =	vst.add.f32.msk $0xffff, v18  }
0x436: {  	v18 =	vmul.f32 v23, v6;
	v20 =	vld [tilespmem:s16+$0x410]  }
0x437: {  	[tilespmem:s8+$0xAB90] =	vst.add.f32.msk $0xffff, v19  }
0x438: {  	[tilespmem:s7+$0xAB90] =	vst.add.f32.msk $0xffff, v21  }
0x439: {  	v19 =	vld [tilespmem:s1+$0x20]  }
0x43a: {  	[tilespmem:s29+$0xAFB0] =	vst.add.f32.msk $0xffff, v18  }
0x43b: {  	v18 =	vld [tilespmem:s15+$0x440];
	v20 =	vmul.f32 v20, v12  }
0x43c: {  	v21 =	vld [tilespmem:s3+$0x20]  }
0x43d: {  	[tilespmem:s17+$0xAF90] =	vst.add.f32.msk $0xffff, v20  }
0x43e: {  	v19 =	vmul.f32 v19, v14;
	v20 =	vld [tilespmem:s16+$0x420]  }
0x43f: {  	v22 =	vld [tilespmem:s6+$0x20]  }
0x440: {  	v23 =	vld [tilespmem:s18+$0x20];
	v18 =	vmul.f32 v18, v6  }
0x441: {  	v21 =	vmul.f32 v21, v13;
	[tilespmem:s8+$0xABA0] =	vst.add.f32.msk $0xffff, v19  }
0x442: {  	[tilespmem:s29+$0xAFC0] =	vst.add.f32.msk $0xffff, v18  }
0x443: {  	v18 =	vld [tilespmem:s15+$0x450];
	v19 =	vmul.f32 v20, v12  }
0x444: {  	[tilespmem:s10+$0xABA0] =	vst.add.f32.msk $0xffff, v21;
	v20 =	vmul.f32 v22, v16  }
0x445: {  	v21 =	vmul.f32 v23, v15;
	[tilespmem:s17+$0xAFA0] =	vst.add.f32.msk $0xffff, v19  }
0x446: {  	v19 =	vld [tilespmem:s1+$0x30]  }
0x447: {  	v22 =	vld [tilespmem:s16+$0x430]  }
0x448: {  	v23 =	vld [tilespmem:s3+$0x30];
	v18 =	vmul.f32 v18, v6  }
0x449: {  	[tilespmem:s19+$0xABA0] =	vst.add.f32.msk $0xffff, v21  }
0x44a: {  	v21 =	vld [tilespmem:s18+$0x30]  }
0x44b: {  	v19 =	vmul.f32 v19, v14;
	[tilespmem:s29+$0xAFD0] =	vst.add.f32.msk $0xffff, v18  }
0x44c: {  	v18 =	vmul.f32 v22, v12;
	v22 =	vld [tilespmem:s0+$0x420]  }
0x44d: {  	v23 =	vmul.f32 v23, v13;
	[tilespmem:s7+$0xABA0] =	vst.add.f32.msk $0xffff, v20  }
0x44e: {  	[tilespmem:s17+$0xAFB0] =	vst.add.f32.msk $0xffff, v18  }
0x44f: {  	v18 =	vld [tilespmem:s16+$0x440]  }
0x450: {  	[tilespmem:s10+$0xABB0] =	vst.add.f32.msk $0xffff, v23  }
0x451: {  	[tilespmem:s8+$0xABB0] =	vst.add.f32.msk $0xffff, v19;
	v19 =	vmul.f32 v21, v15;
	v20 =	vmul.f32 v22, v7  }
0x452: {  	v21 =	vld [tilespmem:s1+$0x40]  }
0x453: {  	v22 =	vld [tilespmem:s3+$0x40]  }
0x454: {  	v18 =	vmul.f32 v18, v12;
	[tilespmem:s2+$0xAFA0] =	vst.add.f32.msk $0xffff, v20  }
0x455: {  	v20 =	vld [tilespmem:s0+$0x430]  }
0x456: {  	[tilespmem:s17+$0xAFC0] =	vst.add.f32.msk $0xffff, v18  }
0x457: {  	v18 =	vmul.f32 v21, v14;
	v21 =	vld [tilespmem:s16+$0x450]  }
0x458: {  	v22 =	vmul.f32 v22, v13;
	[tilespmem:s19+$0xABB0] =	vst.add.f32.msk $0xffff, v19  }
0x459: {  	[tilespmem:s8+$0xABC0] =	vst.add.f32.msk $0xffff, v18  }
0x45a: {  	[tilespmem:s10+$0xABC0] =	vst.add.f32.msk $0xffff, v22;
	v18 =	vmul.f32 v20, v7  }
0x45b: {  	v19 =	vld [tilespmem:s1+$0x50]  }
0x45c: {  	p1 =	por !p1, !p1;
	v20 =	vld [tilespmem:s3+$0x50];
	v21 =	vmul.f32 v21, v12  }
0x45d: {  	v22 =	vld [tilespmem:s15+$0x460]  }
0x45e: {  	[tilespmem:s17+$0xAFD0] =	vst.add.f32.msk $0xffff, v21  }
0x45f: {  	v21 =	vld [tilespmem:s16+$0x460]  }
0x460: {  	[tilespmem:s2+$0xAFB0] =	vst.add.f32.msk $0xffff, v18  }
0x461: {  	v18 =	vmul.f32 v20, v13;
	v20 =	vld [tilespmem:s0+$0x440]  }
0x462: {  	v23 =	vld [tilespmem:s6+$0x30];
	v22 =	vmul.f32 v22, v6  }
0x463: {  	[tilespmem:s10+$0xABD0] =	vst.add.f32.msk $0xffff, v18  }
0x464: {  	v18 =	vld [tilespmem:s3+$0x60];
	v21 =	vmul.f32 v21, v12  }
0x465: {  	v24 =	vld [tilespmem:s18+$0x40]  }
0x466: {  	[tilespmem:s17+$0xAFE0] =	vst.add.f32.msk $0xffff, v21  }
0x467: {  	v21 =	vmul.f32 v23, v16;
	v23 =	vld [tilespmem:s16+$0x470];
	s16 =	smov.u32 s6  }
0x468: {  	[tilespmem:s29+$0xAFE0] =	vst.add.f32.msk $0xffff, v22  }
0x469: {  	s6 =	sor.u32 $0x440, s14;
	v18 =	vmul.f32 v18, v13;
	[tilespmem:s26+$0xAFB0] =	vst.add.f32.msk $0xffff, v17  }
0x46a: {  	v17 =	vmul.f32 v24, v15;
	v22 =	vld [tilespmem:s6+$0x6980]  }
0x46b: {  	[tilespmem:s10+$0xABE0] =	vst.add.f32.msk $0xffff, v18  }
0x46c: {  	v18 =	vld [tilespmem:s3+$0x70]  }
0x46d: {  	[tilespmem:s19+$0xABC0] =	vst.add.f32.msk $0xffff, v17;
	v17 =	vmul.f32 v23, v12;
	v12 =	vmov v16  }
0x46e: {  	v19 =	vmul.f32 v19, v14;
	v23 =	vld [tilespmem:s18+$0x50]  }
0x46f: {  	v22 =	vmul.f32 v22, v5;
	[tilespmem:s17+$0xAFF0] =	vst.add.f32.msk $0xffff, v17;
	v17 =	vmul.f32 v20, v7;
	s17 =	smov.u32 s7  }
0x470: {  	v16 =	vld [tilespmem:s15+$0x470];
	s15 =	smov.u32 s1  }
0x471: {  	v18 =	vmul.f32 v18, v13;
	[tilespmem:s17+$0xABB0] =	vst.add.f32.msk $0xffff, v21  }
0x472: {  	[tilespmem:s2+$0xAFC0] =	vst.add.f32.msk $0xffff, v17  }
0x473: {  	s1 =	simm.s32 $0x1;
	v17 =	vmul.f32 v23, v15;
	[tilespmem:s26+$0xAFC0] =	vst.add.f32.msk $0xffff, v22  }
0x474: {  	s1 =	simm.s32 @!p1 $0x0;
	[tilespmem:s10+$0xABF0] =	vst.add.f32.msk $0xffff, v18  }
0x475: {  	s1 =	sshll.u32 s1, $0x9;
	v20 =	vld [tilespmem:s0+$0x450]  }
0x476: {  	s1 =	sadd.s32 s1, s9;
	v21 =	vld [tilespmem:s16+$0x40]  }
0x477: {  	s3 =	sor.u32 $0x400, s1;
	[tilespmem:s8+$0xABD0] =	vst.add.f32.msk $0xffff, v19  }
0x478: {  	v19 =	vld [tilespmem:s3+$0x6980];
	s3 =	sor.u32 $0x450, s14  }
0x479: {  	v22 =	vld [tilespmem:s3+$0x6980]  }
0x47a: {  	v18 =	vld [tilespmem:s15+$0x60];
	v20 =	vmul.f32 v20, v7  }
0x47b: {  	v21 =	vmul.f32 v21, v12;
	[tilespmem:s19+$0xABD0] =	vst.add.f32.msk $0xffff, v17  }
0x47c: {  	[tilespmem:s2+$0xAFD0] =	vst.add.f32.msk $0xffff, v20  }
0x47d: {  	v17 =	vmul.f32 v19, v13;
	v23 =	vld [tilespmem:s0+$0x460]  }
.Ltmp25:
0x47e: {  	[tilespmem:s17+$0xABC0] =	vst.add.f32.msk $0xffff, v21;
	v20 =	vmul.f32 v22, v5;
	(pc) =	sbr.rel @p2 .LBB2_46-.Ltmp25, $4  }
0x47f: {  	v22 =	vld [tilespmem:s16+$0x50]  }
0x480: {  	v19 =	vld [tilespmem:s18+$0x60]  }
0x481: {  	s3 =	sor.u32 $0x410, s1;
	[tilespmem:s10+$0xAF80] =	vst.add.f32.msk $0xffff, v17  }
0x482: {  	v17 =	vld [tilespmem:s3+$0x6980];
	v21 =	vmul.f32 v23, v7  }
0x483: {  	_ = 	snop  }
0x484: {  	v8 =	vmul.f32 v22, v12;
	_ =	sdelay $0x1  }
0x485: {  	[tilespmem:s17+$0xABD0] =	vst.add.f32.msk $0xffff, v8  }
0x486: {  	v9 =	vmul.f32 v18, v14;
	v8 =	vld [tilespmem:s16+$0x60];
	_ =	sdelay $0x1  }
0x487: {  	[tilespmem:s8+$0xABE0] =	vst.add.f32.msk $0xffff, v9;
	v51 =	vmul.f32 v19, v15  }
0x488: {  	v10 =	vld [tilespmem:s15+$0x70]  }
0x489: {  	[tilespmem:s19+$0xABE0] =	vst.add.f32.msk $0xffff, v51  }
0x48a: {  	v9 =	vld [tilespmem:s18+$0x70];
	v8 =	vmul.f32 v8, v12;
	_ =	sdelay $0x1  }
0x48b: {  	v17 =	vmul.f32 v17, v13;
	[tilespmem:s17+$0xABE0] =	vst.add.f32.msk $0xffff, v8  }
0x48c: {  	v10 =	vmul.f32 v10, v14;
	v8 =	vld [tilespmem:s16+$0x70]  }
0x48d: {  	[tilespmem:s10+$0xAF90] =	vst.add.f32.msk $0xffff, v17  }
0x48e: {  	v9 =	vmul.f32 v9, v15;
	[tilespmem:s8+$0xABF0] =	vst.add.f32.msk $0xffff, v10  }
0x48f: {  	v10 =	vld [tilespmem:s15+$0x400]  }
0x490: {  	[tilespmem:s19+$0xABF0] =	vst.add.f32.msk $0xffff, v9  }
0x491: {  	s3 =	sor.u32 $0x420, s1;
	v9 =	vld [tilespmem:s18+$0x400];
	v8 =	vmul.f32 v8, v12  }
0x492: {  	v59 =	vld [tilespmem:s3+$0x6980]  }
0x493: {  	[tilespmem:s17+$0xABF0] =	vst.add.f32.msk $0xffff, v8  }
0x494: {  	v10 =	vmul.f32 v10, v14;
	v8 =	vld [tilespmem:s16+$0x400]  }
0x495: {  	[tilespmem:s26+$0xAFD0] =	vst.add.f32.msk $0xffff, v20  }
0x496: {  	v9 =	vmul.f32 v9, v15;
	[tilespmem:s8+$0xAF80] =	vst.add.f32.msk $0xffff, v10  }
0x497: {  	v10 =	vld [tilespmem:s15+$0x410]  }
0x498: {  	v18 =	vmul.f32 v59, v13;
	[tilespmem:s19+$0xAF80] =	vst.add.f32.msk $0xffff, v9  }
0x499: {  	v54 =	vld [tilespmem:s18+$0x410];
	v8 =	vmul.f32 v8, v12  }
0x49a: {  	[tilespmem:s10+$0xAFA0] =	vst.add.f32.msk $0xffff, v18  }
0x49b: {  	[tilespmem:s17+$0xAF80] =	vst.add.f32.msk $0xffff, v8  }
0x49c: {  	s12 =	sor.u32 $0x430, s1;
	v55 =	vmul.f32 v10, v14;
	v8 =	vld [tilespmem:s16+$0x410]  }
0x49d: {  	v18 =	vld [tilespmem:s12+$0x6980]  }
0x49e: {  	[tilespmem:s8+$0xAF90] =	vst.add.f32.msk $0xffff, v55;
	v56 =	vmul.f32 v54, v15  }
0x49f: {  	v57 =	vld [tilespmem:s15+$0x420]  }
0x4a0: {  	[tilespmem:s19+$0xAF90] =	vst.add.f32.msk $0xffff, v56  }
0x4a1: {  	v9 =	vld [tilespmem:s18+$0x420];
	v8 =	vmul.f32 v8, v12  }
0x4a2: {  	[tilespmem:s2+$0xAFE0] =	vst.add.f32.msk $0xffff, v21  }
0x4a3: {  	v18 =	vmul.f32 v18, v13;
	[tilespmem:s17+$0xAF90] =	vst.add.f32.msk $0xffff, v8  }
0x4a4: {  	v10 =	vmul.f32 v57, v14;
	v8 =	vld [tilespmem:s16+$0x420]  }
0x4a5: {  	[tilespmem:s10+$0xAFB0] =	vst.add.f32.msk $0xffff, v18  }
0x4a6: {  	[tilespmem:s8+$0xAFA0] =	vst.add.f32.msk $0xffff, v10;
	v9 =	vmul.f32 v9, v15  }
0x4a7: {  	v10 =	vld [tilespmem:s15+$0x430]  }
0x4a8: {  	[tilespmem:s19+$0xAFA0] =	vst.add.f32.msk $0xffff, v9  }
0x4a9: {  	s9 =	sor.u32 $0x460, s14;
	s11 =	sor.u32 $0x470, s14;
	s14 =	sor.u32 $0x440, s1;
	v9 =	vld [tilespmem:s18+$0x430];
	v8 =	vmul.f32 v8, v12  }
0x4aa: {  	v18 =	vld [tilespmem:s14+$0x6980]  }
0x4ab: {  	[tilespmem:s17+$0xAFA0] =	vst.add.f32.msk $0xffff, v8  }
0x4ac: {  	v10 =	vmul.f32 v10, v14;
	v8 =	vld [tilespmem:s16+$0x430]  }
0x4ad: {  	v52 =	vld [tilespmem:s9+$0x6980]  }
0x4ae: {  	[tilespmem:s8+$0xAFB0] =	vst.add.f32.msk $0xffff, v10;
	v9 =	vmul.f32 v9, v15  }
0x4af: {  	v10 =	vld [tilespmem:s15+$0x440]  }
0x4b0: {  	v18 =	vmul.f32 v18, v13;
	[tilespmem:s19+$0xAFB0] =	vst.add.f32.msk $0xffff, v9  }
0x4b1: {  	v9 =	vld [tilespmem:s18+$0x440];
	v8 =	vmul.f32 v8, v12  }
0x4b2: {  	[tilespmem:s10+$0xAFC0] =	vst.add.f32.msk $0xffff, v18  }
0x4b3: {  	[tilespmem:s17+$0xAFB0] =	vst.add.f32.msk $0xffff, v8  }
0x4b4: {  	s21 =	sor.u32 $0x450, s1;
	v10 =	vmul.f32 v10, v14;
	v8 =	vld [tilespmem:s16+$0x440]  }
0x4b5: {  	v18 =	vld [tilespmem:s21+$0x6980]  }
0x4b6: {  	[tilespmem:s8+$0xAFC0] =	vst.add.f32.msk $0xffff, v10;
	v9 =	vmul.f32 v9, v15  }
0x4b7: {  	v10 =	vld [tilespmem:s15+$0x450]  }
0x4b8: {  	[tilespmem:s19+$0xAFC0] =	vst.add.f32.msk $0xffff, v9  }
0x4b9: {  	v9 =	vld [tilespmem:s18+$0x450];
	v8 =	vmul.f32 v8, v12  }
0x4ba: {  	v11 =	vld [tilespmem:s0+$0x470]  }
0x4bb: {  	v60 =	vmul.f32 v18, v13;
	[tilespmem:s17+$0xAFC0] =	vst.add.f32.msk $0xffff, v8  }
0x4bc: {  	v10 =	vmul.f32 v10, v14;
	v8 =	vld [tilespmem:s16+$0x450]  }
0x4bd: {  	[tilespmem:s10+$0xAFD0] =	vst.add.f32.msk $0xffff, v60  }
0x4be: {  	[tilespmem:s8+$0xAFD0] =	vst.add.f32.msk $0xffff, v10;
	v9 =	vmul.f32 v9, v15  }
0x4bf: {  	v10 =	vld [tilespmem:s15+$0x460]  }
0x4c0: {  	s24 =	sor.u32 $0x460, s1;
	[tilespmem:s19+$0xAFD0] =	vst.add.f32.msk $0xffff, v9  }
0x4c1: {  	v9 =	vld [tilespmem:s24+$0x6980];
	v8 =	vmul.f32 v8, v12  }
0x4c2: {  	v61 =	vld [tilespmem:s18+$0x460]  }
0x4c3: {  	v53 =	vmul.f32 v52, v5;
	[tilespmem:s17+$0xAFD0] =	vst.add.f32.msk $0xffff, v8  }
0x4c4: {  	v8 =	vld [tilespmem:s16+$0x460]  }
0x4c5: {  	[tilespmem:s26+$0xAFE0] =	vst.add.f32.msk $0xffff, v53;
	v10 =	vmul.f32 v10, v14  }
0x4c6: {  	v58 =	vld [tilespmem:s11+$0x6980];
	v9 =	vmul.f32 v9, v13  }
0x4c7: {  	[tilespmem:s8+$0xAFE0] =	vst.add.f32.msk $0xffff, v10;
	v62 =	vmul.f32 v61, v15  }
0x4c8: {  	[tilespmem:s10+$0xAFE0] =	vst.add.f32.msk $0xffff, v9  }
0x4c9: {  	[tilespmem:s19+$0xAFE0] =	vst.add.f32.msk $0xffff, v62;
	v8 =	vmul.f32 v8, v12  }
0x4ca: {  	v10 =	vld [tilespmem:s18+$0x470]  }
0x4cb: {  	[tilespmem:s17+$0xAFE0] =	vst.add.f32.msk $0xffff, v8  }
0x4cc: {  	s31 =	sor.u32 $0x470, s1;
	v8 =	vld [tilespmem:s16+$0x470]  }
0x4cd: {  	v6 =	vmul.f32 v16, v6;
	v9 =	vld [tilespmem:s31+$0x6980]  }
0x4ce: {  	v5 =	vmul.f32 v58, v5;
	v63 =	vld [tilespmem:s15+$0x470]  }
0x4cf: {  	[tilespmem:s29+$0xAFF0] =	vst.add.f32.msk $0xffff, v6;
	v7 =	vmul.f32 v11, v7  }
0x4d0: {  	[tilespmem:s26+$0xAFF0] =	vst.add.f32.msk $0xffff, v5;
	v5 =	vmul.f32 v10, v15  }
.Ltmp26:
0x4d1: {  	[tilespmem:s2+$0xAFF0] =	vst.add.f32.msk $0xffff, v7;
	v6 =	vmul.f32 v8, v12;
	(pc) =	sbr.rel .LBB2_48-.Ltmp26, $4  }
0x4d2: {  	[tilespmem:s19+$0xAFF0] =	vst.add.f32.msk $0xffff, v5;
	v5 =	vmul.f32 v9, v13  }
0x4d3: {  	[tilespmem:s17+$0xAFF0] =	vst.add.f32.msk $0xffff, v6;
	v6 =	vmul.f32 v63, v14  }
0x4d4: {  	[tilespmem:s10+$0xAFF0] =	vst.add.f32.msk $0xffff, v5  }
0x4d5: {  	s0 =	simm.s32 $0x1;
	[tilespmem:s8+$0xAFF0] =	vst.add.f32.msk $0xffff, v6  }
.LBB2_49:
0x4d6: {  	p0 =	sne.s32 s0, $0x1  }
.Ltmp27:
0x4d7: {  	_ = 	snop;
	(pc) =	sbr.rel @p0 .LBB2_53-.Ltmp27, $1  }
0x4d8: {  	_ =	sdelay $0x3  }
0x4d9: {  	s0 =	ssub.s32 $0x4, s20  }
0x4da: {  	_ =	swait.ge [sflag:s0], $0x1000  }
0x4db: {  	[sflag:s0] =	ssyncset.done $0x0  }
0x4dc: {  	[sflag:s0] =	ssyncadd.s32 $0xFFFFF000  }
0x4dd: {  	s1 =	sshll.u32 s20, $0x5;
	_ =	swait.ge [sflag:s0], $0x1000  }
0x4de: {  	s1 =	sxor.u32 $0x20, s1;
	[sflag:s0] =	ssyncset.done $0x0  }
0x4df: {  	s11 =	sor.u32 $0xAA40, s1;
	[sflag:s0] =	ssyncadd.s32 $0xFFFFF000  }
0x4e0: {  	s12 =	sor.u32 $0xAA50, s1;
	v8 =	vld [tilespmem:s11+$0x0]  }
0x4e1: {  	v9 =	vld [tilespmem:s12+$0x0];
	_ =	sdelay $0x1  }
0x4e2: {  	s14 =	simm.s32 $0x2  }
0x4e3: {  	s2 =	simm.s32 $0x1;
	s0 =	sand.u32 $0xE, s14  }
0x4e4: {  	s3 =	simm.s32 $0x0;
	p0 =	por $0x1, $0x1;
	s2 =	sand.u32 $0xD, s2;
	v5 =	vmov s0  }
0x4e5: {  	s15 =	sand.u32 $0xC, s3;
	v7 =	vmov s2;
	vm0 =	veq.s32 v5, v4;
	v6 =	vpsel p0, v8, v9  }
0x4e6: {  	vm1 =	veq.s32 v7, v4;
	v7 =	vmov s15;
	v5 =	vnsel vm0, $0x0, v6  }
0x4e7: {  	vm2 =	veq.s32 v7, v4;
	v10 =	vnsel vm1, $0x0, v6;
	(xrf0) =	vadd.scan.msk.s32 $0xffff, v5  }
0x4e8: {  	s17 =	sor.u32 $0xAAD0, s1;
	v5 =	vnsel vm2, $0x0, v6;
	(xrf0) =	vadd.scan.msk.s32 $0xffff, v10  }
0x4e9: {  	s16 =	sor.u32 $0xAAC0, s1;
	v11 =	vld [tilespmem:s17+$0x0];
	(xrf0) =	vadd.scan.msk.s32 $0xffff, v5  }
0x4ea: {  	v10 =	vld [tilespmem:s16+$0x0];
	_ =	sdelay $0x2  }
0x4eb: {  	v5, _, _ =	vpop (xrf0)  }
0x4ec: {  	s18 =	simm.s32 $0x3;
	v7, _, _ =	vpop (xrf0);
	(v2sf) =	vpush v5, $0xF  }
0x4ed: {  	s0 =	sand.u32 $0xF, s18;
	v5 =	vpsel p0, v10, v11;
	(v2sf) =	vpush v7, $0xF;
	v7, _, _ =	vpop (xrf0)  }
0x4ee: {  	v13 =	vmov s0;
	v12 =	vnsel vm1, $0x0, v5;
	(v2sf) =	vpush v7, $0xF  }
0x4ef: {  	vm12 =	veq.s32 v13, v4;
	v7 =	vnsel vm0, $0x0, v5;
	(xrf2) =	vadd.scan.msk.f32 $0xffff, v12  }
0x4f0: {  	v12 =	vnsel vm12, $0x0, v5;
	(xrf2) =	vadd.scan.msk.f32 $0xffff, v7  }
0x4f1: {  	v5 =	vnsel vm2, $0x0, v5;
	(xrf2) =	vadd.scan.msk.f32 $0xffff, v12  }
0x4f2: {  	(xrf2) =	vadd.scan.msk.f32 $0xffff, v5;
	_ =	sdelay $0x2  }
0x4f3: {  	s19 =	sshll.u32 s20, $0xD  }
0x4f4: {  	s7 =	ssub.s32 $0x2000, s19  }
0x4f5: {  	s20 =	simm.s32 $0x0;
	s0 =	sand.u32 $0x3800, s7  }
0x4f6: {  	s1 =	sand.u32 $0x200, s20;
	s21 =	sadd.s32 $0x6980, s0  }
0x4f7: {  	s0 =	sor.u32 s1, s21;
	v5 =	vnsel vm12, $0x0, v6;
	v7, _, _ =	vpop (xrf2)  }
0x4f8: {  	v13 =	vld [tilespmem:s0+$0x0];
	v12, _, _ =	vpop (xrf2)  }
0x4f9: {  	v14, _, _ =	vpop (xrf2);
	s6 =	spop (v2sf)  }
0x4fa: {  	(xrf0) =	vadd.scan.msk.s32 $0xffff, v5;
	v5, _, _ =	vpop (xrf2);
	s8 =	spop (v2sf)  }
0x4fb: {  	v5 =	vbroadcast v5, $0xF;
	s23 =	spop (v2sf)  }
0x4fc: {  	s24 =	sshll.u32 s23, $0x8;
	s1 =	sshll.u32 s23, $0x7  }
0x4fd: {  	v6 =	vmul.f32 v13, v5;
	s3 =	sand.u32 $0xFFFFF800, s24;
	s1 =	sand.u32 $0x380, s1  }
0x4fe: {  	s20 =	sor.u32 s1, s3  }
0x4ff: {  	[tilespmem:s20+$0xAB80] =	vst.add.f32.msk $0xffff, v6  }
0x500: {  	v13 =	vld [tilespmem:s0+$0x10]  }
0x501: {  	v6, _, _ =	vpop (xrf0)  }
0x502: {  	(v2sf) =	vpush v6, $0xF;
	_ =	sdelay $0x2  }
0x503: {  	v6 =	vmul.f32 v13, v5;
	_ =	sdelay $0x1  }
0x504: {  	[tilespmem:s20+$0xAB90] =	vst.add.f32.msk $0xffff, v6  }
0x505: {  	s25 =	simm.s32 $0x100;
	v6 =	vld [tilespmem:s0+$0x20]  }
0x506: {  	s26 =	simm.s32 $0x80;
	s1 =	sand.u32 $0x300, s25  }
0x507: {  	s3 =	sand.u32 $0x280, s26;
	s1 =	sadd.s32 s1, s21  }
0x508: {  	s9 =	simm.s32 $0x180;
	s3 =	sadd.s32 s3, s21;
	v13 =	vld [tilespmem:s1+$0x0]  }
0x509: {  	s9 =	sand.u32 $0x380, s9;
	v15 =	vld [tilespmem:s3+$0x0]  }
0x50a: {  	s2 =	sadd.s32 s9, s21;
	v16 =	vbroadcast v12, $0xF;
	v12 =	vmul.f32 v6, v5  }
0x50b: {  	v17 =	vld [tilespmem:s2+$0x0];
	s28 =	sshll.u32 s6, $0x8  }
0x50c: {  	s6 =	sshll.u32 s6, $0x7;
	s9 =	sand.u32 $0xFFFFF800, s28;
	s10 =	sshll.u32 s8, $0x8;
	v6 =	vbroadcast v7, $0xF;
	[tilespmem:s20+$0xABA0] =	vst.add.f32.msk $0xffff, v12  }
0x50d: {  	s8 =	sshll.u32 s8, $0x7;
	s6 =	sand.u32 $0x380, s6;
	s10 =	sand.u32 $0xFFFFF800, s10;
	v13 =	vmul.f32 v13, v16;
	v7 =	vbroadcast v14, $0xF;
	v14 =	vld [tilespmem:s0+$0x30]  }
0x50e: {  	s8 =	sand.u32 $0x380, s8;
	s6 =	sor.u32 s6, s9;
	v12 =	vmul.f32 v15, v6;
	s29 =	spop (v2sf)  }
0x50f: {  	s21 =	sor.u32 s8, s10;
	[tilespmem:s6+$0xAB80] =	vst.add.f32.msk $0xffff, v13;
	s30 =	sshll.u32 s29, $0x8;
	s9 =	sshll.u32 s29, $0x7  }
0x510: {  	v13 =	vmul.f32 v17, v7;
	[tilespmem:s21+$0xAB80] =	vst.add.f32.msk $0xffff, v12;
	s8 =	sand.u32 $0xFFFFF800, s30;
	s9 =	sand.u32 $0x380, s9  }
0x511: {  	v12 =	vld [tilespmem:s3+$0x10];
	s23 =	sor.u32 s9, s8  }
0x512: {  	[tilespmem:s23+$0xAB80] =	vst.add.f32.msk $0xffff, v13;
	v14 =	vmul.f32 v14, v5  }
0x513: {  	v13 =	vld [tilespmem:s2+$0x10]  }
0x514: {  	[tilespmem:s20+$0xABB0] =	vst.add.f32.msk $0xffff, v14  }
0x515: {  	v14 =	vld [tilespmem:s0+$0x40]  }
0x516: {  	v12 =	vmul.f32 v12, v6  }
0x517: {  	v15 =	vld [tilespmem:s1+$0x10]  }
0x518: {  	[tilespmem:s21+$0xAB90] =	vst.add.f32.msk $0xffff, v12;
	v13 =	vmul.f32 v13, v7  }
0x519: {  	v12 =	vld [tilespmem:s3+$0x20]  }
0x51a: {  	[tilespmem:s23+$0xAB90] =	vst.add.f32.msk $0xffff, v13;
	v14 =	vmul.f32 v14, v5  }
0x51b: {  	v13 =	vld [tilespmem:s2+$0x20]  }
0x51c: {  	v15 =	vmul.f32 v15, v16;
	[tilespmem:s20+$0xABC0] =	vst.add.f32.msk $0xffff, v14  }
0x51d: {  	v14 =	vld [tilespmem:s0+$0x50]  }
0x51e: {  	[tilespmem:s6+$0xAB90] =	vst.add.f32.msk $0xffff, v15;
	v12 =	vmul.f32 v12, v6  }
0x51f: {  	v15 =	vld [tilespmem:s1+$0x20]  }
0x520: {  	[tilespmem:s21+$0xABA0] =	vst.add.f32.msk $0xffff, v12;
	v12 =	vmul.f32 v13, v7  }
0x521: {  	v13 =	vld [tilespmem:s3+$0x30]  }
0x522: {  	[tilespmem:s23+$0xABA0] =	vst.add.f32.msk $0xffff, v12;
	v14 =	vmul.f32 v14, v5  }
0x523: {  	v12 =	vld [tilespmem:s2+$0x30]  }
0x524: {  	v15 =	vmul.f32 v15, v16;
	[tilespmem:s20+$0xABD0] =	vst.add.f32.msk $0xffff, v14  }
0x525: {  	v14 =	vld [tilespmem:s0+$0x60]  }
0x526: {  	[tilespmem:s6+$0xABA0] =	vst.add.f32.msk $0xffff, v15;
	v13 =	vmul.f32 v13, v6  }
0x527: {  	v15 =	vld [tilespmem:s1+$0x30]  }
0x528: {  	[tilespmem:s21+$0xABB0] =	vst.add.f32.msk $0xffff, v13;
	v12 =	vmul.f32 v12, v7  }
0x529: {  	v13 =	vld [tilespmem:s3+$0x40]  }
0x52a: {  	[tilespmem:s23+$0xABB0] =	vst.add.f32.msk $0xffff, v12;
	v14 =	vmul.f32 v14, v5  }
0x52b: {  	v12 =	vld [tilespmem:s2+$0x40]  }
0x52c: {  	[tilespmem:s20+$0xABE0] =	vst.add.f32.msk $0xffff, v14  }
0x52d: {  	v15 =	vmul.f32 v15, v16;
	v14 =	vld [tilespmem:s0+$0x70]  }
0x52e: {  	v13 =	vmul.f32 v13, v6  }
0x52f: {  	[tilespmem:s6+$0xABB0] =	vst.add.f32.msk $0xffff, v15  }
0x530: {  	[tilespmem:s21+$0xABC0] =	vst.add.f32.msk $0xffff, v13;
	v12 =	vmul.f32 v12, v7  }
0x531: {  	p0 =	por $0x0, $0x0;
	s0 =	simm.s32 $0x1;
	v13 =	vld [tilespmem:s3+$0x50]  }
0x532: {  	s0 =	simm.s32 @!p0 $0x0;
	[tilespmem:s23+$0xABC0] =	vst.add.f32.msk $0xffff, v12;
	v14 =	vmul.f32 v14, v5  }
0x533: {  	s0 =	sshll.u32 s0, $0x9;
	v12 =	vld [tilespmem:s2+$0x50]  }
0x534: {  	s0 =	sadd.s32 s0, s7;
	[tilespmem:s20+$0xABF0] =	vst.add.f32.msk $0xffff, v14  }
0x535: {  	s31 =	sor.u32 $0x400, s0;
	v14 =	vld [tilespmem:s1+$0x40]  }
0x536: {  	v13 =	vmul.f32 v13, v6;
	v15 =	vld [tilespmem:s31+$0x6980];
	_ =	sdelay $0x1  }
0x537: {  	[tilespmem:s21+$0xABD0] =	vst.add.f32.msk $0xffff, v13;
	v12 =	vmul.f32 v12, v7  }
0x538: {  	v13 =	vld [tilespmem:s3+$0x60]  }
0x539: {  	v14 =	vmul.f32 v14, v16;
	[tilespmem:s23+$0xABD0] =	vst.add.f32.msk $0xffff, v12  }
0x53a: {  	s10 =	simm.s32 $0x5;
	s9 =	simm.s32 $0x6;
	v12 =	vmul.f32 v15, v5;
	v15 =	vld [tilespmem:s2+$0x60]  }
0x53b: {  	s8 =	sand.u32 $0xE, s9;
	s9 =	sand.u32 $0xD, s10;
	[tilespmem:s6+$0xABC0] =	vst.add.f32.msk $0xffff, v14  }
0x53c: {  	v17 =	vmov s9;
	[tilespmem:s20+$0xAF80] =	vst.add.f32.msk $0xffff, v12  }
0x53d: {  	p1 =	por $0x1, $0x1;
	vm14 =	veq.s32 v17, v4;
	s11 =	sor.u32 $0x410, s0;
	v14 =	vmov s8;
	v19 =	vld [tilespmem:s1+$0x50]  }
0x53e: {  	s17 =	simm.s32 $0x4;
	v12 =	vpsel p1, v8, v9;
	vm13 =	veq.s32 v14, v4;
	v13 =	vmul.f32 v13, v6;
	v14 =	vld [tilespmem:s11+$0x6980]  }
0x53f: {  	s12 =	sand.u32 $0xC, s17;
	v18 =	vnsel vm13, $0x0, v12;
	v17 =	vnsel vm14, $0x0, v12  }
0x540: {  	(xrf0) =	vadd.scan.msk.s32 $0xffff, v18;
	v18 =	vmov s12;
	[tilespmem:s21+$0xABE0] =	vst.add.f32.msk $0xffff, v13;
	v15 =	vmul.f32 v15, v7  }
0x541: {  	(xrf0) =	vadd.scan.msk.s32 $0xffff, v17;
	vm15 =	veq.s32 v18, v4;
	v17 =	vld [tilespmem:s3+$0x70]  }
0x542: {  	s14 =	simm.s32 $0x7;
	v13 =	vnsel vm15, $0x0, v12;
	[tilespmem:s23+$0xABE0] =	vst.add.f32.msk $0xffff, v15  }
0x543: {  	s8 =	sand.u32 $0xF, s14;
	(xrf0) =	vadd.scan.msk.s32 $0xffff, v13;
	v13 =	vmul.f32 v19, v16;
	v14 =	vmul.f32 v14, v5;
	v15 =	vld [tilespmem:s2+$0x70]  }
0x544: {  	v18 =	vmov s8  }
0x545: {  	vm3 =	veq.s32 v18, v4;
	[tilespmem:s6+$0xABD0] =	vst.add.f32.msk $0xffff, v13  }
0x546: {  	v12 =	vnsel vm3, $0x0, v12;
	[tilespmem:s20+$0xAF90] =	vst.add.f32.msk $0xffff, v14  }
0x547: {  	s15 =	sor.u32 $0x420, s0;
	v19 =	vld [tilespmem:s1+$0x60];
	v14, _, _ =	vpop (xrf0);
	(xrf0) =	vadd.scan.msk.s32 $0xffff, v12;
	v12 =	vmul.f32 v17, v6  }
0x548: {  	s24 =	sadd.s32 $0x400, s7;
	v18 =	vld [tilespmem:s15+$0x6980];
	(v2sf) =	vpush v14, $0xF;
	v14, _, _ =	vpop (xrf0);
	v15 =	vmul.f32 v15, v7  }
0x549: {  	s26 =	simm.s32 $0x300;
	s7 =	sand.u32 $0x3800, s24;
	v13 =	vpsel p1, v10, v11;
	(v2sf) =	vpush v14, $0xF;
	[tilespmem:s21+$0xABF0] =	vst.add.f32.msk $0xffff, v12  }
0x54a: {  	s28 =	sand.u32 $0x300, s26;
	s19 =	sadd.s32 $0x6980, s7;
	v14 =	vnsel vm14, $0x0, v13;
	[tilespmem:s23+$0xABF0] =	vst.add.f32.msk $0xffff, v15  }
0x54b: {  	s11 =	simm.s32 $0x280;
	v20 =	vnsel vm13, $0x0, v13;
	s15 =	sadd.s32 s28, s19;
	v17, _, _ =	vpop (xrf0);
	(xrf2) =	vadd.scan.msk.f32 $0xffff, v14;
	v14 =	vld [tilespmem:s3+$0x400]  }
0x54c: {  	s9 =	simm.s32 $0x380;
	s25 =	sand.u32 $0x280, s11;
	v12 =	vnsel vm3, $0x0, v13;
	(v2sf) =	vpush v17, $0xF;
	v17 =	vmul.f32 v19, v16;
	v19 =	vld [tilespmem:s15+$0x0];
	(xrf2) =	vadd.scan.msk.f32 $0xffff, v20  }
0x54d: {  	s29 =	sand.u32 $0x380, s9;
	s14 =	sadd.s32 s25, s19;
	(xrf2) =	vadd.scan.msk.f32 $0xffff, v12;
	v12 =	vld [tilespmem:s2+$0x400]  }
0x54e: {  	s10 =	sadd.s32 s29, s19;
	v13 =	vnsel vm15, $0x0, v13;
	v15 =	vmul.f32 v18, v5;
	v18 =	vld [tilespmem:s14+$0x0]  }
0x54f: {  	v20 =	vld [tilespmem:s10+$0x0]  }
0x550: {  	s16 =	simm.s32 $0x200;
	[tilespmem:s6+$0xABE0] =	vst.add.f32.msk $0xffff, v17;
	(xrf2) =	vadd.scan.msk.f32 $0xffff, v13  }
0x551: {  	s18 =	sor.u32 $0x430, s0;
	s8 =	sand.u32 $0x200, s16;
	[tilespmem:s20+$0xAFA0] =	vst.add.f32.msk $0xffff, v15;
	v13, _, _ =	vpop (xrf0)  }
0x552: {  	s7 =	sor.u32 s8, s19;
	(v2sf) =	vpush v13, $0xF;
	v17 =	vld [tilespmem:s18+$0x6980];
	v13 =	vmul.f32 v14, v6;
	v21 =	vmul.f32 v12, v7  }
0x553: {  	v15 =	vld [tilespmem:s7+$0x0]  }
0x554: {  	[tilespmem:s23+$0xAF80] =	vst.add.f32.msk $0xffff, v21  }
0x555: {  	v14, _, _ =	vpop (xrf2);
	v21 =	vld [tilespmem:s2+$0x410]  }
0x556: {  	[tilespmem:s21+$0xAF80] =	vst.add.f32.msk $0xffff, v13;
	v13, _, _ =	vpop (xrf2)  }
0x557: {  	s28 =	sor.u32 $0x440, s0;
	v24 =	vld [tilespmem:s1+$0x70];
	v17 =	vmul.f32 v17, v5;
	v12 =	vbroadcast v13, $0xF;
	s30 =	spop (v2sf)  }
0x558: {  	v22 =	vld [tilespmem:s3+$0x410];
	s31 =	sshll.u32 s30, $0x8;
	s8 =	sshll.u32 s30, $0x7;
	s12 =	spop (v2sf)  }
0x559: {  	[tilespmem:s20+$0xAFB0] =	vst.add.f32.msk $0xffff, v17;
	v23, _, _ =	vpop (xrf2);
	v19 =	vmul.f32 v19, v12;
	s11 =	sand.u32 $0xFFFFF800, s31;
	s16 =	sshll.u32 s12, $0x8;
	s8 =	sand.u32 $0x380, s8  }
0x55a: {  	v14 =	vbroadcast v14, $0xF;
	v17 =	vld [tilespmem:s28+$0x6980];
	v13, _, _ =	vpop (xrf2);
	v21 =	vmul.f32 v21, v7;
	s18 =	sand.u32 $0xFFFFF800, s16;
	s16 =	sor.u32 s8, s11  }
0x55b: {  	v13 =	vbroadcast v13, $0xF;
	s12 =	sshll.u32 s12, $0x7;
	s11 =	spop (v2sf);
	[tilespmem:s16+$0xAB80] =	vst.add.f32.msk $0xffff, v19  }
0x55c: {  	v18 =	vmul.f32 v18, v14;
	s12 =	sand.u32 $0x380, s12;
	s19 =	sshll.u32 s11, $0x8;
	s8 =	sshll.u32 s11, $0x7;
	[tilespmem:s23+$0xAF90] =	vst.add.f32.msk $0xffff, v21  }
0x55d: {  	v15 =	vmul.f32 v15, v13;
	s11 =	sor.u32 s12, s18;
	s12 =	sand.u32 $0xFFFFF800, s19;
	s8 =	sand.u32 $0x380, s8;
	v19 =	vld [tilespmem:s15+$0x10]  }
0x55e: {  	[tilespmem:s11+$0xAB80] =	vst.add.f32.msk $0xffff, v18;
	v18 =	vmul.f32 v22, v6;
	s8 =	sor.u32 s8, s12  }
0x55f: {  	v22 =	vmul.f32 v24, v16;
	[tilespmem:s8+$0xAB80] =	vst.add.f32.msk $0xffff, v15  }
0x560: {  	[tilespmem:s21+$0xAF90] =	vst.add.f32.msk $0xffff, v18  }
0x561: {  	[tilespmem:s6+$0xABF0] =	vst.add.f32.msk $0xffff, v22  }
0x562: {  	s25 =	spop (v2sf);
	v15 =	vbroadcast v23, $0xF;
	v18 =	vld [tilespmem:s3+$0x420]  }
0x563: {  	s26 =	sshll.u32 s25, $0x8;
	s12 =	sshll.u32 s25, $0x7;
	v22 =	vld [tilespmem:s1+$0x400]  }
0x564: {  	v62 =	vld [tilespmem:s14+$0x10];
	s18 =	sand.u32 $0xFFFFF800, s26;
	s12 =	sand.u32 $0x380, s12;
	v20 =	vmul.f32 v20, v15  }
0x565: {  	v23 =	vld [tilespmem:s7+$0x10];
	s12 =	sor.u32 s12, s18  }
0x566: {  	v17 =	vmul.f32 v17, v5;
	[tilespmem:s12+$0xAB80] =	vst.add.f32.msk $0xffff, v20  }
0x567: {  	v20 =	vld [tilespmem:s10+$0x10];
	v18 =	vmul.f32 v18, v6  }
0x568: {  	[tilespmem:s20+$0xAFC0] =	vst.add.f32.msk $0xffff, v17;
	v22 =	vmul.f32 v22, v16  }
0x569: {  	[tilespmem:s21+$0xAFA0] =	vst.add.f32.msk $0xffff, v18  }
0x56a: {  	v18 =	vmul.f32 v23, v13;
	[tilespmem:s6+$0xAF80] =	vst.add.f32.msk $0xffff, v22  }
0x56b: {  	v23 =	vld [tilespmem:s3+$0x430]  }
0x56c: {  	[tilespmem:s8+$0xAB90] =	vst.add.f32.msk $0xffff, v18;
	v18 =	vmul.f32 v20, v15  }
0x56d: {  	v21 =	vld [tilespmem:s7+$0x20]  }
0x56e: {  	v20 =	vmul.f32 v62, v14;
	[tilespmem:s12+$0xAB90] =	vst.add.f32.msk $0xffff, v18  }
0x56f: {  	v18 =	vmul.f32 v19, v12;
	v19 =	vld [tilespmem:s1+$0x410]  }
0x570: {  	[tilespmem:s11+$0xAB90] =	vst.add.f32.msk $0xffff, v20  }
0x571: {  	[tilespmem:s16+$0xAB90] =	vst.add.f32.msk $0xffff, v18  }
0x572: {  	v18 =	vld [tilespmem:s14+$0x20]  }
0x573: {  	v20 =	vmul.f32 v23, v6;
	v22 =	vld [tilespmem:s15+$0x20]  }
0x574: {  	v23 =	vld [tilespmem:s10+$0x20]  }
0x575: {  	[tilespmem:s21+$0xAFB0] =	vst.add.f32.msk $0xffff, v20;
	v19 =	vmul.f32 v19, v16  }
0x576: {  	v20 =	vld [tilespmem:s3+$0x440]  }
0x577: {  	[tilespmem:s6+$0xAF90] =	vst.add.f32.msk $0xffff, v19;
	v18 =	vmul.f32 v18, v14  }
0x578: {  	v19 =	vld [tilespmem:s1+$0x420];
	v22 =	vmul.f32 v22, v12  }
0x579: {  	[tilespmem:s11+$0xABA0] =	vst.add.f32.msk $0xffff, v18;
	v18 =	vmul.f32 v21, v13  }
0x57a: {  	[tilespmem:s16+$0xABA0] =	vst.add.f32.msk $0xffff, v22  }
0x57b: {  	v20 =	vmul.f32 v20, v6;
	[tilespmem:s8+$0xABA0] =	vst.add.f32.msk $0xffff, v18  }
0x57c: {  	v18 =	vld [tilespmem:s14+$0x30]  }
0x57d: {  	[tilespmem:s21+$0xAFC0] =	vst.add.f32.msk $0xffff, v20;
	v19 =	vmul.f32 v19, v16  }
0x57e: {  	v20 =	vld [tilespmem:s3+$0x450]  }
0x57f: {  	[tilespmem:s6+$0xAFA0] =	vst.add.f32.msk $0xffff, v19  }
0x580: {  	v19 =	vmul.f32 v23, v15;
	v23 =	vld [tilespmem:s7+$0x30]  }
0x581: {  	v21 =	vld [tilespmem:s1+$0x430]  }
0x582: {  	v18 =	vmul.f32 v18, v14;
	[tilespmem:s12+$0xABA0] =	vst.add.f32.msk $0xffff, v19  }
0x583: {  	v20 =	vmul.f32 v20, v6;
	v19 =	vld [tilespmem:s10+$0x30]  }
0x584: {  	[tilespmem:s11+$0xABB0] =	vst.add.f32.msk $0xffff, v18  }
0x585: {  	[tilespmem:s21+$0xAFD0] =	vst.add.f32.msk $0xffff, v20;
	v22 =	vmul.f32 v23, v13  }
0x586: {  	v20 =	vmul.f32 v21, v16;
	v21 =	vld [tilespmem:s2+$0x420]  }
0x587: {  	[tilespmem:s8+$0xABB0] =	vst.add.f32.msk $0xffff, v22  }
0x588: {  	[tilespmem:s6+$0xAFB0] =	vst.add.f32.msk $0xffff, v20  }
0x589: {  	v22 =	vld [tilespmem:s7+$0x40];
	v19 =	vmul.f32 v19, v15  }
0x58a: {  	v20 =	vld [tilespmem:s1+$0x440]  }
0x58b: {  	[tilespmem:s12+$0xABB0] =	vst.add.f32.msk $0xffff, v19  }
0x58c: {  	v18 =	vmul.f32 v21, v7;
	v21 =	vld [tilespmem:s14+$0x40]  }
0x58d: {  	v63 =	vld [tilespmem:s10+$0x40]  }
0x58e: {  	[tilespmem:s23+$0xAFA0] =	vst.add.f32.msk $0xffff, v18;
	v22 =	vmul.f32 v22, v13  }
0x58f: {  	v18 =	vld [tilespmem:s2+$0x430]  }
0x590: {  	v20 =	vmul.f32 v20, v16;
	[tilespmem:s8+$0xABC0] =	vst.add.f32.msk $0xffff, v22  }
0x591: {  	v22 =	vld [tilespmem:s3+$0x460]  }
0x592: {  	[tilespmem:s6+$0xAFC0] =	vst.add.f32.msk $0xffff, v20;
	v20 =	vmul.f32 v21, v14  }
0x593: {  	v21 =	vld [tilespmem:s1+$0x450]  }
0x594: {  	[tilespmem:s11+$0xABC0] =	vst.add.f32.msk $0xffff, v20  }
0x595: {  	v20 =	vld [tilespmem:s7+$0x50]  }
0x596: {  	v23 =	vld [tilespmem:s15+$0x30];
	v18 =	vmul.f32 v18, v7  }
0x597: {  	v19 =	vld [tilespmem:s14+$0x50];
	v22 =	vmul.f32 v22, v6  }
0x598: {  	[tilespmem:s23+$0xAFB0] =	vst.add.f32.msk $0xffff, v18  }
0x599: {  	v21 =	vmul.f32 v21, v16;
	[tilespmem:s21+$0xAFE0] =	vst.add.f32.msk $0xffff, v22  }
0x59a: {  	v22 =	vmul.f32 v63, v15;
	v18 =	vmul.f32 v20, v13;
	v20 =	vld [tilespmem:s2+$0x440]  }
0x59b: {  	[tilespmem:s6+$0xAFD0] =	vst.add.f32.msk $0xffff, v21  }
0x59c: {  	[tilespmem:s12+$0xABC0] =	vst.add.f32.msk $0xffff, v22  }
0x59d: {  	v21 =	vld [tilespmem:s1+$0x460]  }
0x59e: {  	v22 =	vmul.f32 v23, v12;
	[tilespmem:s8+$0xABD0] =	vst.add.f32.msk $0xffff, v18  }
0x59f: {  	v18 =	vld [tilespmem:s7+$0x60];
	v20 =	vmul.f32 v20, v7  }
0x5a0: {  	[tilespmem:s16+$0xABB0] =	vst.add.f32.msk $0xffff, v22  }
0x5a1: {  	[tilespmem:s23+$0xAFC0] =	vst.add.f32.msk $0xffff, v20  }
0x5a2: {  	v21 =	vmul.f32 v21, v16;
	v20 =	vld [tilespmem:s15+$0x40]  }
0x5a3: {  	v17 =	vmul.f32 v19, v14;
	v19 =	vld [tilespmem:s2+$0x450]  }
0x5a4: {  	v18 =	vmul.f32 v18, v13;
	[tilespmem:s6+$0xAFE0] =	vst.add.f32.msk $0xffff, v21  }
0x5a5: {  	v21 =	vld [tilespmem:s1+$0x470]  }
0x5a6: {  	[tilespmem:s8+$0xABE0] =	vst.add.f32.msk $0xffff, v18  }
0x5a7: {  	s30 =	sor.u32 $0x450, s0;
	v18 =	vld [tilespmem:s7+$0x70]  }
0x5a8: {  	v23 =	vld [tilespmem:s30+$0x6980]  }
0x5a9: {  	[tilespmem:s11+$0xABD0] =	vst.add.f32.msk $0xffff, v17;
	v20 =	vmul.f32 v20, v12  }
0x5aa: {  	p0 =	por !p0, !p0;
	s1 =	simm.s32 $0x1;
	v19 =	vmul.f32 v19, v7;
	v16 =	vmul.f32 v21, v16;
	v21 =	vld [tilespmem:s10+$0x50]  }
0x5ab: {  	s1 =	simm.s32 @!p0 $0x0;
	[tilespmem:s16+$0xABC0] =	vst.add.f32.msk $0xffff, v20  }
0x5ac: {  	s1 =	sshll.u32 s1, $0x9;
	[tilespmem:s23+$0xAFD0] =	vst.add.f32.msk $0xffff, v19;
	v18 =	vmul.f32 v18, v13  }
0x5ad: {  	s1 =	sadd.s32 s1, s24;
	v22 =	vld [tilespmem:s15+$0x50]  }
0x5ae: {  	s29 =	sor.u32 $0x400, s1;
	[tilespmem:s8+$0xABF0] =	vst.add.f32.msk $0xffff, v18  }
0x5af: {  	v17 =	vld [tilespmem:s29+$0x6980];
	v21 =	vmul.f32 v21, v15  }
0x5b0: {  	[tilespmem:s6+$0xAFF0] =	vst.add.f32.msk $0xffff, v16  }
0x5b1: {  	[tilespmem:s12+$0xABD0] =	vst.add.f32.msk $0xffff, v21  }
0x5b2: {  	v21 =	vld [tilespmem:s2+$0x460]  }
0x5b3: {  	v16 =	vld [tilespmem:s3+$0x470]  }
0x5b4: {  	v18 =	vld [tilespmem:s14+$0x60];
	v17 =	vmul.f32 v17, v13  }
0x5b5: {  	v19 =	vld [tilespmem:s10+$0x60]  }
0x5b6: {  	s31 =	sor.u32 $0x410, s1;
	[tilespmem:s8+$0xAF80] =	vst.add.f32.msk $0xffff, v17  }
0x5b7: {  	v20 =	vmul.f32 v23, v5;
	v17 =	vld [tilespmem:s31+$0x6980];
	v21 =	vmul.f32 v21, v7  }
.LBB2_51:
0x5b8: {  	s3 =	sadd.s32 $0x6, s17  }
0x5b9: {  	s6 =	sadd.s32 $0x7, s17;
	[tilespmem:s20+$0xAFD0] =	vst.add.f32.msk $0xffff, v20;
	s7 =	smov.u32 s17;
	s17 =	sadd.s32 $0x4, s17  }
0x5ba: {  	v18 =	vmul.f32 v18, v14;
	p1 =	slt.u32 s17, $0x10;
	s7 =	sadd.s32 $0x5, s7;
	s3 =	sand.u32 $0xE, s3;
	v20 =	vmul.f32 v22, v12;
	[tilespmem:s23+$0xAFE0] =	vst.add.f32.msk $0xffff, v21  }
0x5bb: {  	s18 =	sand.u32 $0xC, s17;
	v21 =	vpsel p1, v8, v9;
	v22 =	vpsel p1, v10, v11;
	s7 =	sand.u32 $0xD, s7;
	v23 =	vmov s3;
	s3 =	sand.u32 $0xF, s6;
	v24 =	vld [tilespmem:s2+$0x470]  }
0x5bc: {  	p1 =	slt.u32 s17, $0x1C;
	s6 =	sor.u32 $0x460, s0;
	s2 =	smov.u32 s10;
	v25 =	vmov s7;
	vm0 =	veq.s32 v23, v4;
	[tilespmem:s11+$0xABE0] =	vst.add.f32.msk $0xffff, v18;
	v18 =	vmul.f32 v19, v15  }
0x5bd: {  	vm1 =	veq.s32 v25, v4;
	v19 =	vnsel vm0, $0x0, v21;
	v17 =	vmul.f32 v17, v13;
	v23 =	vld [tilespmem:s6+$0x6980]  }
0x5be: {  	v16 =	vmul.f32 v16, v6;
	v6 =	vmovc v14;
	v25 =	vnsel vm1, $0x0, v21;
	v26 =	vnsel vm1, $0x0, v22;
	(xrf0) =	vadd.scan.msk.s32 $0xffff, v19;
	v19 =	vld [tilespmem:s14+$0x70]  }
0x5bf: {  	v14 =	vmov s18;
	v27 =	vmov s3;
	(xrf0) =	vadd.scan.msk.s32 $0xffff, v25;
	[tilespmem:s8+$0xAF90] =	vst.add.f32.msk $0xffff, v17  }
0x5c0: {  	vm1 =	veq.s32 v14, v4;
	[tilespmem:s12+$0xABE0] =	vst.add.f32.msk $0xffff, v18;
	v14 =	vmul.f32 v24, v7;
	v7 =	vmov v15  }
0x5c1: {  	v17 =	vnsel vm0, $0x0, v22;
	vm0 =	veq.s32 v27, v4;
	v15 =	vnsel vm1, $0x0, v21;
	(xrf2) =	vadd.scan.msk.f32 $0xffff, v26;
	v18 =	vld [tilespmem:s2+$0x70]  }
0x5c2: {  	v21 =	vnsel vm0, $0x0, v21;
	v24 =	vnsel vm0, $0x0, v22;
	v23 =	vmul.f32 v23, v5;
	[tilespmem:s23+$0xAFF0] =	vst.add.f32.msk $0xffff, v14;
	s23 =	smov.u32 s12  }
0x5c3: {  	v14 =	vnsel vm1, $0x0, v22;
	(xrf0) =	vadd.scan.msk.s32 $0xffff, v15;
	[tilespmem:s16+$0xABD0] =	vst.add.f32.msk $0xffff, v20  }
0x5c4: {  	s3 =	sor.u32 $0x470, s0;
	s0 =	smov.u32 s1;
	v15, _, _ =	vpop (xrf0);
	(xrf2) =	vadd.scan.msk.f32 $0xffff, v17;
	v17 =	vld [tilespmem:s15+$0x60]  }
0x5c5: {  	v20, _, _ =	vpop (xrf0);
	(v2sf) =	vpush v15, $0xF;
	[tilespmem:s20+$0xAFE0] =	vst.add.f32.msk $0xffff, v23  }
0x5c6: {  	s1 =	sor.u32 $0x420, s0;
	(xrf0) =	vadd.scan.msk.s32 $0xffff, v21;
	v21 =	vmul.f32 v18, v7;
	v18 =	vld [tilespmem:s3+$0x6980]  }
0x5c7: {  	v19 =	vmul.f32 v19, v6;
	(v2sf) =	vpush v20, $0xF;
	v20 =	vld [tilespmem:s1+$0x6980]  }
0x5c8: {  	[tilespmem:s23+$0xABF0] =	vst.add.f32.msk $0xffff, v21  }
0x5c9: {  	v15, _, _ =	vpop (xrf0);
	(xrf2) =	vadd.scan.msk.f32 $0xffff, v24;
	[tilespmem:s11+$0xABF0] =	vst.add.f32.msk $0xffff, v19  }
0x5ca: {  	(v2sf) =	vpush v15, $0xF;
	v15 =	vld [tilespmem:s14+$0x400]  }
0x5cb: {  	v19, _, _ =	vpop (xrf2);
	v21 =	vld [tilespmem:s2+$0x400];
	v18 =	vmul.f32 v18, v5;
	v5 =	vmov v13  }
0x5cc: {  	v17 =	vmul.f32 v17, v12;
	v13, _, _ =	vpop (xrf0);
	v20 =	vmul.f32 v20, v5;
	[tilespmem:s21+$0xAFF0] =	vst.add.f32.msk $0xffff, v16;
	s21 =	smov.u32 s11  }
0x5cd: {  	s9 =	sadd.s32 $0x200, s9;
	s24 =	sadd.s32 $0x400, s24;
	(v2sf) =	vpush v13, $0xF;
	[tilespmem:s20+$0xAFF0] =	vst.add.f32.msk $0xffff, v18;
	s20 =	smov.u32 s8  }
0x5ce: {  	s6 =	sor.u32 $0x430, s0;
	s3 =	sadd.s32 $0xFFFFFE80, s9;
	s1 =	sand.u32 $0x3800, s24;
	(xrf2) =	vadd.scan.msk.f32 $0xffff, v14;
	v13, _, _ =	vpop (xrf2);
	[tilespmem:s20+$0xAFA0] =	vst.add.f32.msk $0xffff, v20  }
0x5cf: {  	s3 =	sand.u32 $0x200, s3;
	s7 =	sadd.s32 $0x6980, s1;
	s1 =	sadd.s32 $0xFFFFFF00, s9;
	v14 =	vmul.f32 v15, v6;
	[tilespmem:s16+$0xABE0] =	vst.add.f32.msk $0xffff, v17  }
0x5d0: {  	s3 =	sor.u32 s3, s7;
	s1 =	sand.u32 $0x280, s1;
	s8 =	sadd.s32 $0xFFFFFF80, s9;
	v15 =	vld [tilespmem:s6+$0x6980];
	v18 =	vmul.f32 v21, v7  }
0x5d1: {  	s1 =	sadd.s32 s1, s7;
	s6 =	sand.u32 $0x300, s8;
	v20 =	vld [tilespmem:s3+$0x0]  }
0x5d2: {  	s6 =	sadd.s32 s6, s7;
	v21 =	vld [tilespmem:s1+$0x0]  }
0x5d3: {  	s8 =	sand.u32 $0x380, s9;
	v22 =	vld [tilespmem:s6+$0x0];
	v23, _, _ =	vpop (xrf2)  }
0x5d4: {  	s10 =	sadd.s32 s8, s7;
	s7 =	spop (v2sf);
	[tilespmem:s21+$0xAF80] =	vst.add.f32.msk $0xffff, v14  }
0x5d5: {  	v14 =	vbroadcast v19, $0xF;
	s8 =	sshll.u32 s7, $0x8;
	s7 =	sshll.u32 s7, $0x7;
	v19 =	vld [tilespmem:s10+$0x0];
	v17 =	vmul.f32 v15, v5  }
0x5d6: {  	v16 =	vbroadcast v13, $0xF;
	s8 =	sand.u32 $0xFFFFF800, s8;
	s11 =	spop (v2sf);
	v24 =	vld [tilespmem:s14+$0x410]  }
0x5d7: {  	v21 =	vmul.f32 v21, v14;
	s12 =	sshll.u32 s11, $0x8;
	s11 =	sshll.u32 s11, $0x7;
	v25 =	vld [tilespmem:s15+$0x70]  }
0x5d8: {  	s7 =	sand.u32 $0x380, s7;
	s12 =	sand.u32 $0xFFFFF800, s12;
	v22 =	vmul.f32 v22, v16;
	v13, _, _ =	vpop (xrf2);
	[tilespmem:s23+$0xAF80] =	vst.add.f32.msk $0xffff, v18  }
0x5d9: {  	v15 =	vbroadcast v23, $0xF;
	s7 =	sor.u32 s7, s8;
	s11 =	sand.u32 $0x380, s11;
	v13 =	vbroadcast v13, $0xF;
	s8 =	spop (v2sf);
	v18 =	vld [tilespmem:s2+$0x410]  }
0x5da: {  	s11 =	sor.u32 s11, s12;
	s18 =	sshll.u32 s8, $0x8;
	s8 =	sshll.u32 s8, $0x7;
	[tilespmem:s7+$0xAB80] =	vst.add.f32.msk $0xffff, v22  }
0x5db: {  	v19 =	vmul.f32 v19, v15;
	v20 =	vmul.f32 v20, v13;
	s12 =	sand.u32 $0xFFFFF800, s18;
	s8 =	sand.u32 $0x380, s8;
	v22 =	vld [tilespmem:s6+$0x10]  }
0x5dc: {  	s8 =	sor.u32 s8, s12;
	[tilespmem:s11+$0xAB80] =	vst.add.f32.msk $0xffff, v21;
	s12 =	spop (v2sf);
	v21 =	vmul.f32 v24, v6;
	v23 =	vmul.f32 v25, v12  }
0x5dd: {  	[tilespmem:s8+$0xAB80] =	vst.add.f32.msk $0xffff, v20;
	s18 =	sshll.u32 s12, $0x8;
	s12 =	sshll.u32 s12, $0x7  }
0x5de: {  	s18 =	sand.u32 $0xFFFFF800, s18;
	s12 =	sand.u32 $0x380, s12;
	[tilespmem:s21+$0xAF90] =	vst.add.f32.msk $0xffff, v21;
	v18 =	vmul.f32 v18, v7  }
0x5df: {  	v20 =	vld [tilespmem:s14+$0x420]  }
0x5e0: {  	v21 =	vmul.f32 v22, v16;
	[tilespmem:s16+$0xABF0] =	vst.add.f32.msk $0xffff, v23  }
0x5e1: {  	v22 =	vld [tilespmem:s15+$0x400]  }
0x5e2: {  	s12 =	sor.u32 s12, s18;
	v23 =	vld [tilespmem:s3+$0x10]  }
0x5e3: {  	[tilespmem:s12+$0xAB80] =	vst.add.f32.msk $0xffff, v19  }
0x5e4: {  	v19 =	vld [tilespmem:s10+$0x10];
	v20 =	vmul.f32 v20, v6  }
0x5e5: {  	v24 =	vld [tilespmem:s1+$0x10]  }
0x5e6: {  	[tilespmem:s21+$0xAFA0] =	vst.add.f32.msk $0xffff, v20;
	v20 =	vmul.f32 v22, v12  }
0x5e7: {  	v22 =	vmul.f32 v23, v13;
	v23 =	vld [tilespmem:s14+$0x430]  }
0x5e8: {  	[tilespmem:s23+$0xAF90] =	vst.add.f32.msk $0xffff, v18  }
0x5e9: {  	[tilespmem:s8+$0xAB90] =	vst.add.f32.msk $0xffff, v22;
	v18 =	vmul.f32 v19, v15  }
0x5ea: {  	v19 =	vmul.f32 v24, v14;
	[tilespmem:s16+$0xAF80] =	vst.add.f32.msk $0xffff, v20  }
0x5eb: {  	[tilespmem:s12+$0xAB90] =	vst.add.f32.msk $0xffff, v18  }
0x5ec: {  	v18 =	vmul.f32 v23, v6;
	v20 =	vld [tilespmem:s15+$0x410]  }
0x5ed: {  	[tilespmem:s11+$0xAB90] =	vst.add.f32.msk $0xffff, v19  }
0x5ee: {  	[tilespmem:s7+$0xAB90] =	vst.add.f32.msk $0xffff, v21  }
0x5ef: {  	v19 =	vld [tilespmem:s1+$0x20]  }
0x5f0: {  	[tilespmem:s21+$0xAFB0] =	vst.add.f32.msk $0xffff, v18  }
0x5f1: {  	v18 =	vld [tilespmem:s14+$0x440];
	v20 =	vmul.f32 v20, v12  }
0x5f2: {  	v21 =	vld [tilespmem:s3+$0x20]  }
0x5f3: {  	[tilespmem:s16+$0xAF90] =	vst.add.f32.msk $0xffff, v20  }
0x5f4: {  	v19 =	vmul.f32 v19, v14;
	v20 =	vld [tilespmem:s15+$0x420]  }
0x5f5: {  	v22 =	vld [tilespmem:s6+$0x20]  }
0x5f6: {  	v23 =	vld [tilespmem:s10+$0x20];
	v18 =	vmul.f32 v18, v6  }
0x5f7: {  	v21 =	vmul.f32 v21, v13;
	[tilespmem:s11+$0xABA0] =	vst.add.f32.msk $0xffff, v19  }
0x5f8: {  	[tilespmem:s21+$0xAFC0] =	vst.add.f32.msk $0xffff, v18  }
0x5f9: {  	v18 =	vld [tilespmem:s14+$0x450];
	v19 =	vmul.f32 v20, v12  }
0x5fa: {  	[tilespmem:s8+$0xABA0] =	vst.add.f32.msk $0xffff, v21;
	v20 =	vmul.f32 v22, v16  }
0x5fb: {  	v21 =	vmul.f32 v23, v15;
	[tilespmem:s16+$0xAFA0] =	vst.add.f32.msk $0xffff, v19  }
0x5fc: {  	v19 =	vld [tilespmem:s1+$0x30]  }
0x5fd: {  	v22 =	vld [tilespmem:s15+$0x430]  }
0x5fe: {  	v23 =	vld [tilespmem:s3+$0x30];
	v18 =	vmul.f32 v18, v6  }
0x5ff: {  	[tilespmem:s12+$0xABA0] =	vst.add.f32.msk $0xffff, v21  }
0x600: {  	v21 =	vld [tilespmem:s10+$0x30]  }
0x601: {  	v19 =	vmul.f32 v19, v14;
	[tilespmem:s21+$0xAFD0] =	vst.add.f32.msk $0xffff, v18  }
0x602: {  	v18 =	vmul.f32 v22, v12;
	v22 =	vld [tilespmem:s2+$0x420]  }
0x603: {  	v23 =	vmul.f32 v23, v13;
	[tilespmem:s7+$0xABA0] =	vst.add.f32.msk $0xffff, v20  }
0x604: {  	[tilespmem:s16+$0xAFB0] =	vst.add.f32.msk $0xffff, v18  }
0x605: {  	v18 =	vld [tilespmem:s15+$0x440]  }
0x606: {  	[tilespmem:s8+$0xABB0] =	vst.add.f32.msk $0xffff, v23  }
0x607: {  	[tilespmem:s11+$0xABB0] =	vst.add.f32.msk $0xffff, v19;
	v19 =	vmul.f32 v21, v15;
	v20 =	vmul.f32 v22, v7  }
0x608: {  	v21 =	vld [tilespmem:s1+$0x40]  }
0x609: {  	v22 =	vld [tilespmem:s3+$0x40]  }
0x60a: {  	v18 =	vmul.f32 v18, v12;
	[tilespmem:s23+$0xAFA0] =	vst.add.f32.msk $0xffff, v20  }
0x60b: {  	v20 =	vld [tilespmem:s2+$0x430]  }
0x60c: {  	[tilespmem:s16+$0xAFC0] =	vst.add.f32.msk $0xffff, v18  }
0x60d: {  	v18 =	vmul.f32 v21, v14;
	v21 =	vld [tilespmem:s15+$0x450]  }
0x60e: {  	v22 =	vmul.f32 v22, v13;
	[tilespmem:s12+$0xABB0] =	vst.add.f32.msk $0xffff, v19  }
0x60f: {  	[tilespmem:s11+$0xABC0] =	vst.add.f32.msk $0xffff, v18  }
0x610: {  	[tilespmem:s8+$0xABC0] =	vst.add.f32.msk $0xffff, v22;
	v18 =	vmul.f32 v20, v7  }
0x611: {  	v19 =	vld [tilespmem:s1+$0x50]  }
0x612: {  	p0 =	por !p0, !p0;
	v20 =	vld [tilespmem:s3+$0x50];
	v21 =	vmul.f32 v21, v12  }
0x613: {  	v22 =	vld [tilespmem:s14+$0x460]  }
0x614: {  	[tilespmem:s16+$0xAFD0] =	vst.add.f32.msk $0xffff, v21  }
0x615: {  	v21 =	vld [tilespmem:s15+$0x460]  }
0x616: {  	[tilespmem:s23+$0xAFB0] =	vst.add.f32.msk $0xffff, v18  }
0x617: {  	v18 =	vmul.f32 v20, v13;
	v20 =	vld [tilespmem:s2+$0x440]  }
0x618: {  	v23 =	vld [tilespmem:s6+$0x30];
	v22 =	vmul.f32 v22, v6  }
0x619: {  	[tilespmem:s8+$0xABD0] =	vst.add.f32.msk $0xffff, v18  }
0x61a: {  	v18 =	vld [tilespmem:s3+$0x60];
	v21 =	vmul.f32 v21, v12  }
0x61b: {  	v24 =	vld [tilespmem:s10+$0x40]  }
0x61c: {  	[tilespmem:s16+$0xAFE0] =	vst.add.f32.msk $0xffff, v21  }
0x61d: {  	v21 =	vmul.f32 v23, v16;
	v23 =	vld [tilespmem:s15+$0x470];
	s15 =	smov.u32 s6  }
0x61e: {  	[tilespmem:s21+$0xAFE0] =	vst.add.f32.msk $0xffff, v22  }
0x61f: {  	s6 =	sor.u32 $0x440, s0;
	v18 =	vmul.f32 v18, v13;
	[tilespmem:s20+$0xAFB0] =	vst.add.f32.msk $0xffff, v17  }
0x620: {  	v17 =	vmul.f32 v24, v15;
	v22 =	vld [tilespmem:s6+$0x6980]  }
0x621: {  	[tilespmem:s8+$0xABE0] =	vst.add.f32.msk $0xffff, v18  }
0x622: {  	v18 =	vld [tilespmem:s3+$0x70]  }
0x623: {  	[tilespmem:s12+$0xABC0] =	vst.add.f32.msk $0xffff, v17;
	v17 =	vmul.f32 v23, v12;
	v12 =	vmov v16  }
0x624: {  	v19 =	vmul.f32 v19, v14;
	v23 =	vld [tilespmem:s10+$0x50]  }
0x625: {  	v22 =	vmul.f32 v22, v5;
	[tilespmem:s16+$0xAFF0] =	vst.add.f32.msk $0xffff, v17;
	v17 =	vmul.f32 v20, v7;
	s16 =	smov.u32 s7  }
0x626: {  	v16 =	vld [tilespmem:s14+$0x470];
	s14 =	smov.u32 s1  }
0x627: {  	v18 =	vmul.f32 v18, v13;
	[tilespmem:s16+$0xABB0] =	vst.add.f32.msk $0xffff, v21  }
0x628: {  	[tilespmem:s23+$0xAFC0] =	vst.add.f32.msk $0xffff, v17  }
0x629: {  	s1 =	simm.s32 $0x1;
	v17 =	vmul.f32 v23, v15;
	[tilespmem:s20+$0xAFC0] =	vst.add.f32.msk $0xffff, v22  }
0x62a: {  	s1 =	simm.s32 @!p0 $0x0;
	[tilespmem:s8+$0xABF0] =	vst.add.f32.msk $0xffff, v18  }
0x62b: {  	s1 =	sshll.u32 s1, $0x9;
	v20 =	vld [tilespmem:s2+$0x450]  }
0x62c: {  	s1 =	sadd.s32 s1, s24;
	v21 =	vld [tilespmem:s15+$0x40]  }
0x62d: {  	s3 =	sor.u32 $0x400, s1;
	[tilespmem:s11+$0xABD0] =	vst.add.f32.msk $0xffff, v19  }
0x62e: {  	v19 =	vld [tilespmem:s3+$0x6980];
	s3 =	sor.u32 $0x450, s0  }
0x62f: {  	v22 =	vld [tilespmem:s3+$0x6980]  }
0x630: {  	v18 =	vld [tilespmem:s14+$0x60];
	v20 =	vmul.f32 v20, v7  }
0x631: {  	v21 =	vmul.f32 v21, v12;
	[tilespmem:s12+$0xABD0] =	vst.add.f32.msk $0xffff, v17  }
0x632: {  	[tilespmem:s23+$0xAFD0] =	vst.add.f32.msk $0xffff, v20  }
0x633: {  	v17 =	vmul.f32 v19, v13;
	v23 =	vld [tilespmem:s2+$0x460]  }
.Ltmp28:
0x634: {  	[tilespmem:s16+$0xABC0] =	vst.add.f32.msk $0xffff, v21;
	v20 =	vmul.f32 v22, v5;
	(pc) =	sbr.rel @p1 .LBB2_51-.Ltmp28, $4  }
0x635: {  	v22 =	vld [tilespmem:s15+$0x50]  }
0x636: {  	v19 =	vld [tilespmem:s10+$0x60]  }
0x637: {  	s3 =	sor.u32 $0x410, s1;
	[tilespmem:s8+$0xAF80] =	vst.add.f32.msk $0xffff, v17  }
0x638: {  	v17 =	vld [tilespmem:s3+$0x6980];
	v21 =	vmul.f32 v23, v7  }
0x639: {  	_ = 	snop  }
0x63a: {  	v8 =	vmul.f32 v22, v12;
	_ =	sdelay $0x1  }
0x63b: {  	[tilespmem:s16+$0xABD0] =	vst.add.f32.msk $0xffff, v8  }
0x63c: {  	v9 =	vmul.f32 v18, v14;
	v8 =	vld [tilespmem:s15+$0x60];
	_ =	sdelay $0x1  }
0x63d: {  	[tilespmem:s11+$0xABE0] =	vst.add.f32.msk $0xffff, v9;
	v51 =	vmul.f32 v19, v15  }
0x63e: {  	v10 =	vld [tilespmem:s14+$0x70]  }
0x63f: {  	[tilespmem:s12+$0xABE0] =	vst.add.f32.msk $0xffff, v51  }
0x640: {  	v9 =	vld [tilespmem:s10+$0x70];
	v8 =	vmul.f32 v8, v12;
	_ =	sdelay $0x1  }
0x641: {  	v17 =	vmul.f32 v17, v13;
	[tilespmem:s16+$0xABE0] =	vst.add.f32.msk $0xffff, v8  }
0x642: {  	v10 =	vmul.f32 v10, v14;
	v8 =	vld [tilespmem:s15+$0x70]  }
0x643: {  	[tilespmem:s8+$0xAF90] =	vst.add.f32.msk $0xffff, v17  }
0x644: {  	v9 =	vmul.f32 v9, v15;
	[tilespmem:s11+$0xABF0] =	vst.add.f32.msk $0xffff, v10  }
0x645: {  	v10 =	vld [tilespmem:s14+$0x400]  }
0x646: {  	[tilespmem:s12+$0xABF0] =	vst.add.f32.msk $0xffff, v9  }
0x647: {  	s25 =	sor.u32 $0x420, s1;
	v9 =	vld [tilespmem:s10+$0x400];
	v8 =	vmul.f32 v8, v12  }
0x648: {  	v59 =	vld [tilespmem:s25+$0x6980]  }
0x649: {  	[tilespmem:s16+$0xABF0] =	vst.add.f32.msk $0xffff, v8  }
0x64a: {  	v10 =	vmul.f32 v10, v14;
	v8 =	vld [tilespmem:s15+$0x400]  }
0x64b: {  	[tilespmem:s20+$0xAFD0] =	vst.add.f32.msk $0xffff, v20  }
0x64c: {  	v9 =	vmul.f32 v9, v15;
	[tilespmem:s11+$0xAF80] =	vst.add.f32.msk $0xffff, v10  }
0x64d: {  	v10 =	vld [tilespmem:s14+$0x410]  }
0x64e: {  	v18 =	vmul.f32 v59, v13;
	[tilespmem:s12+$0xAF80] =	vst.add.f32.msk $0xffff, v9  }
0x64f: {  	v54 =	vld [tilespmem:s10+$0x410];
	v8 =	vmul.f32 v8, v12  }
0x650: {  	[tilespmem:s8+$0xAFA0] =	vst.add.f32.msk $0xffff, v18  }
0x651: {  	[tilespmem:s16+$0xAF80] =	vst.add.f32.msk $0xffff, v8  }
0x652: {  	s26 =	sor.u32 $0x430, s1;
	v55 =	vmul.f32 v10, v14;
	v8 =	vld [tilespmem:s15+$0x410]  }
0x653: {  	v18 =	vld [tilespmem:s26+$0x6980]  }
0x654: {  	[tilespmem:s11+$0xAF90] =	vst.add.f32.msk $0xffff, v55;
	v56 =	vmul.f32 v54, v15  }
0x655: {  	v57 =	vld [tilespmem:s14+$0x420]  }
0x656: {  	[tilespmem:s12+$0xAF90] =	vst.add.f32.msk $0xffff, v56  }
0x657: {  	v9 =	vld [tilespmem:s10+$0x420];
	v8 =	vmul.f32 v8, v12  }
0x658: {  	[tilespmem:s23+$0xAFE0] =	vst.add.f32.msk $0xffff, v21  }
0x659: {  	v18 =	vmul.f32 v18, v13;
	[tilespmem:s16+$0xAF90] =	vst.add.f32.msk $0xffff, v8  }
0x65a: {  	v10 =	vmul.f32 v57, v14;
	v8 =	vld [tilespmem:s15+$0x420]  }
0x65b: {  	[tilespmem:s8+$0xAFB0] =	vst.add.f32.msk $0xffff, v18  }
0x65c: {  	[tilespmem:s11+$0xAFA0] =	vst.add.f32.msk $0xffff, v10;
	v9 =	vmul.f32 v9, v15  }
0x65d: {  	v10 =	vld [tilespmem:s14+$0x430]  }
0x65e: {  	[tilespmem:s12+$0xAFA0] =	vst.add.f32.msk $0xffff, v9  }
0x65f: {  	s28 =	sor.u32 $0x440, s1;
	v9 =	vld [tilespmem:s10+$0x430];
	v8 =	vmul.f32 v8, v12  }
0x660: {  	v18 =	vld [tilespmem:s28+$0x6980]  }
0x661: {  	[tilespmem:s16+$0xAFA0] =	vst.add.f32.msk $0xffff, v8  }
0x662: {  	s19 =	sor.u32 $0x460, s0;
	v10 =	vmul.f32 v10, v14;
	v8 =	vld [tilespmem:s15+$0x430]  }
0x663: {  	v52 =	vld [tilespmem:s19+$0x6980]  }
0x664: {  	[tilespmem:s11+$0xAFB0] =	vst.add.f32.msk $0xffff, v10;
	v9 =	vmul.f32 v9, v15  }
0x665: {  	v10 =	vld [tilespmem:s14+$0x440]  }
0x666: {  	v18 =	vmul.f32 v18, v13;
	[tilespmem:s12+$0xAFB0] =	vst.add.f32.msk $0xffff, v9  }
0x667: {  	v9 =	vld [tilespmem:s10+$0x440];
	v8 =	vmul.f32 v8, v12  }
0x668: {  	[tilespmem:s8+$0xAFC0] =	vst.add.f32.msk $0xffff, v18  }
0x669: {  	[tilespmem:s16+$0xAFB0] =	vst.add.f32.msk $0xffff, v8  }
0x66a: {  	s29 =	sor.u32 $0x450, s1;
	v10 =	vmul.f32 v10, v14;
	v8 =	vld [tilespmem:s15+$0x440]  }
0x66b: {  	v18 =	vld [tilespmem:s29+$0x6980]  }
0x66c: {  	[tilespmem:s11+$0xAFC0] =	vst.add.f32.msk $0xffff, v10;
	v9 =	vmul.f32 v9, v15  }
0x66d: {  	v10 =	vld [tilespmem:s14+$0x450]  }
0x66e: {  	[tilespmem:s12+$0xAFC0] =	vst.add.f32.msk $0xffff, v9  }
0x66f: {  	v9 =	vld [tilespmem:s10+$0x450];
	v8 =	vmul.f32 v8, v12  }
0x670: {  	v11 =	vld [tilespmem:s2+$0x470]  }
0x671: {  	v60 =	vmul.f32 v18, v13;
	[tilespmem:s16+$0xAFC0] =	vst.add.f32.msk $0xffff, v8  }
0x672: {  	v10 =	vmul.f32 v10, v14;
	v8 =	vld [tilespmem:s15+$0x450]  }
0x673: {  	[tilespmem:s8+$0xAFD0] =	vst.add.f32.msk $0xffff, v60  }
0x674: {  	[tilespmem:s11+$0xAFD0] =	vst.add.f32.msk $0xffff, v10;
	v9 =	vmul.f32 v9, v15  }
0x675: {  	v10 =	vld [tilespmem:s14+$0x460]  }
0x676: {  	s30 =	sor.u32 $0x460, s1;
	[tilespmem:s12+$0xAFD0] =	vst.add.f32.msk $0xffff, v9  }
0x677: {  	v9 =	vld [tilespmem:s30+$0x6980];
	v8 =	vmul.f32 v8, v12  }
0x678: {  	v61 =	vld [tilespmem:s10+$0x460]  }
0x679: {  	v53 =	vmul.f32 v52, v5;
	[tilespmem:s16+$0xAFD0] =	vst.add.f32.msk $0xffff, v8  }
0x67a: {  	v8 =	vld [tilespmem:s15+$0x460]  }
0x67b: {  	s24 =	sor.u32 $0x470, s0;
	[tilespmem:s20+$0xAFE0] =	vst.add.f32.msk $0xffff, v53;
	v10 =	vmul.f32 v10, v14  }
0x67c: {  	v58 =	vld [tilespmem:s24+$0x6980];
	v9 =	vmul.f32 v9, v13  }
0x67d: {  	[tilespmem:s11+$0xAFE0] =	vst.add.f32.msk $0xffff, v10;
	v62 =	vmul.f32 v61, v15  }
0x67e: {  	[tilespmem:s8+$0xAFE0] =	vst.add.f32.msk $0xffff, v9  }
0x67f: {  	[tilespmem:s12+$0xAFE0] =	vst.add.f32.msk $0xffff, v62;
	v8 =	vmul.f32 v8, v12  }
0x680: {  	v10 =	vld [tilespmem:s10+$0x470]  }
0x681: {  	[tilespmem:s16+$0xAFE0] =	vst.add.f32.msk $0xffff, v8  }
0x682: {  	s31 =	sor.u32 $0x470, s1;
	v8 =	vld [tilespmem:s15+$0x470]  }
0x683: {  	v6 =	vmul.f32 v16, v6;
	v9 =	vld [tilespmem:s31+$0x6980]  }
0x684: {  	v5 =	vmul.f32 v58, v5;
	v63 =	vld [tilespmem:s14+$0x470]  }
0x685: {  	[tilespmem:s21+$0xAFF0] =	vst.add.f32.msk $0xffff, v6;
	v7 =	vmul.f32 v11, v7  }
0x686: {  	[tilespmem:s20+$0xAFF0] =	vst.add.f32.msk $0xffff, v5;
	v5 =	vmul.f32 v10, v15  }
0x687: {  	[tilespmem:s23+$0xAFF0] =	vst.add.f32.msk $0xffff, v7;
	v6 =	vmul.f32 v8, v12  }
0x688: {  	[tilespmem:s12+$0xAFF0] =	vst.add.f32.msk $0xffff, v5;
	v5 =	vmul.f32 v9, v13  }
0x689: {  	[tilespmem:s16+$0xAFF0] =	vst.add.f32.msk $0xffff, v6;
	v6 =	vmul.f32 v63, v14  }
0x68a: {  	[tilespmem:s8+$0xAFF0] =	vst.add.f32.msk $0xffff, v5  }
0x68b: {  	[tilespmem:s11+$0xAFF0] =	vst.add.f32.msk $0xffff, v6  }
.LBB2_53:
0x68c: {  	v5 =	vld [tilespmem:$0xA980];
	_ =	sdelay $0x1  }
0x68d: {  	v6 =	vld [tilespmem:$0xAA00]  }
0x68e: {  	v7 =	vld [tilespmem:$0xAA80]  }
0x68f: {  	v8 =	vld [tilespmem:$0xAA10]  }
0x690: {  	p0 =	slt.s32 s22, $0x10;
	s0 =	sadd.s32 $0xFFFFFFF0, s22;
	v10 =	vld [tilespmem:$0xAA90];
	[tilespmem:$0xAB00] =	vst v5  }
0x691: {  	s22 =	simm.s32 @!p0 $0x10;
	p0 =	sgt.s32 s0, $0x0;
	v5 =	vld [tilespmem:$0xAB00]  }
0x692: {  	s0 =	simm.s32 @!p0 $0x0;
	v9 =	vmov s22  }
0x693: {  	s0 =	smin.u32 s0, $0x10;
	vm0 =	vgt.s32 v9, v4  }
0x694: {  	v9 =	vmov s0;
	v6 =	vnsel vm0, $0x140, v6  }
0x695: {  	vm9 =	vgt.u32 v9, v4;
	[tilespmem:$0xAA00] =	vst v6;
	v6 =	vnsel vm0, $0x0, v7  }
0x696: {  	v9 =	vnsel vm9, $0x0, v10;
	[tilespmem:$0xAA80] =	vst v6;
	v6 =	vnsel vm9, $0x140, v8;
	v7 =	vld [tilespmem:$0xAA00];
	v8 =	vshll.u32 v5, $0x1  }
0x697: {  	[tilespmem:$0xAA90] =	vst v9;
	v10 =	vld [tilespmem:$0xAA80];
	v5 =	vand.u32 $0x7, v5;
	v8 =	vand.u32 $0xFFFFFFF0, v8  }
0x698: {  	v11 =	vshrl.u32 v4, $0x3;
	[tilespmem:$0xAA10] =	vst v6;
	v6 =	vld [tilespmem:$0xA990];
	v5 =	vor.u32 v5, v8;
	v8 =	vand.u32 $0x7, v4  }
0x699: {  	v11 =	vmul.u32 $0x8, v11;
	v13 =	vld [tilespmem:$0xAA90];
	v12 =	vperm.xlane v5, v8  }
0x69a: {  	v14 =	vor.u32 $0x8, v4;
	v9 =	vld [tilespmem:$0xAA10]  }
0x69b: {  	[tilespmem:$0xAA40] =	vst v7;
	v5 =	vperm.xlane v5, v14;
	v7 =	vadd.s32 v11, v12  }
0x69c: {  	[tilespmem:$0xAAC0] =	vst v10  }
0x69d: {  	[tilespmem:$0xAB10] =	vst v6;
	v5 =	vadd.s32 v11, v5  }
0x69e: {  	[tilespmem:$0xAAD0] =	vst v13  }
0x69f: {  	vm10 =	vmmov $0xffff;
	s1 =	simm.s32 $0x6980;
	s0 =	simm.s32 $0x0;
	[tilespmem:$0xAA50] =	vst v9  }
0x6a0: {  	[tilespmem:s1], [sflag:$0x3] =	stream.indirect_vreg.gather [hbm4b:s5+s0], $0x80, v7, vm10, $0xb8;
	[tilespmem:$0x1F380] =	vst v63  }
0x6a1: {  	s11 =	simm.s32 $0x7180  }
0x6a2: {  	[tilespmem:s11], [sflag:$0x3] =	stream.indirect_vreg.gather [hbm4b:s5+s0], $0x80, v5, vm10, $0xb8;
	[tilespmem:$0x1F380] =	vst v63  }
0x6a3: {  	v5 =	vld [tilespmem:$0xAB10];
	_ =	sdelay $0x4  }
0x6a4: {  	v6 =	vshll.u32 v5, $0x1  }
0x6a5: {  	v5 =	vand.u32 $0x7, v5;
	v6 =	vand.u32 $0xFFFFFFF0, v6  }
0x6a6: {  	v5 =	vor.u32 v5, v6  }
0x6a7: {  	v6 =	vperm.xlane v5, v8;
	_ =	sdelay $0x1  }
0x6a8: {  	v5 =	vperm.xlane v5, v14;
	v6 =	vadd.s32 v11, v6;
	_ =	sdelay $0x1  }
0x6a9: {  	v5 =	vadd.s32 v11, v5;
	_ =	sdelay $0x1  }
0x6aa: {  	s12 =	simm.s32 $0x7980  }
0x6ab: {  	[tilespmem:s12], [sflag:$0x3] =	stream.indirect_vreg.gather [hbm4b:s5+s0], $0x80, v6, vm10, $0xb8;
	[tilespmem:$0x1F380] =	vst v63  }
0x6ac: {  	s14 =	simm.s32 $0x8180;
	s15 =	simm.s32 $0x3  }
0x6ad: {  	[tilespmem:s14], [sflag:$0x3] =	stream.indirect_vreg.gather [hbm4b:s5+s0], $0x80, v5, vm10, $0xb8;
	[tilespmem:$0x1F380] =	vst v63  }
0x6ae: {  	_ =	swait.ge [sflag:s15], $0x1000  }
0x6af: {  	[sflag:s15] =	ssyncset.done $0x0  }
0x6b0: {  	[sflag:s15] =	ssyncadd.s32 $0xFFFFF000  }
0x6b1: {  	_ =	swait.ge [sflag:s15], $0x1000  }
0x6b2: {  	[sflag:s15] =	ssyncset.done $0x0  }
0x6b3: {  	[sflag:s15] =	ssyncadd.s32 $0xFFFFF000  }
0x6b4: {  	v9 =	vld [tilespmem:$0xAA40]  }
0x6b5: {  	v10 =	vld [tilespmem:$0xAA50];
	_ =	sdelay $0x1  }
0x6b6: {  	s16 =	simm.s32 $0x1  }
0x6b7: {  	s2 =	simm.s32 $0x2;
	s1 =	sand.u32 $0xD, s16  }
0x6b8: {  	p6 =	por $0x1, $0x1;
	s17 =	sand.u32 $0xE, s2;
	v5 =	vmov s1  }
0x6b9: {  	vm11 =	veq.s32 v5, v4;
	v5 =	vmov s17;
	v6 =	vpsel p6, v9, v10  }
0x6ba: {  	s18 =	simm.s32 $0x3;
	vm1 =	veq.s32 v5, v4;
	v7 =	vnsel vm11, $0x0, v6  }
0x6bb: {  	s1 =	sand.u32 $0xF, s18;
	v5 =	vnsel vm1, $0x0, v6;
	(xrf0) =	vadd.scan.msk.s32 $0xffff, v7  }
0x6bc: {  	v11 =	vld [tilespmem:$0xAAC0];
	(xrf0) =	vadd.scan.msk.s32 $0xffff, v5;
	v5 =	vmov s1  }
0x6bd: {  	s19 =	simm.s32 $0x0;
	v12 =	vld [tilespmem:$0xAAD0];
	vm2 =	veq.s32 v5, v4  }
0x6be: {  	s2 =	sand.u32 $0xC, s19;
	v5 =	vnsel vm2, $0x0, v6  }
0x6bf: {  	v7 =	vmov s2  }
0x6c0: {  	vm3 =	veq.s32 v7, v4  }
0x6c1: {  	v6 =	vnsel vm3, $0x0, v6;
	(xrf0) =	vadd.scan.msk.s32 $0xffff, v5;
	v5, _, _ =	vpop (xrf0)  }
0x6c2: {  	(xrf0) =	vadd.scan.msk.s32 $0xffff, v6;
	v6 =	vpsel p6, v11, v12;
	(v2sf) =	vpush v5, $0xF;
	v5, _, _ =	vpop (xrf0)  }
0x6c3: {  	(v2sf) =	vpush v5, $0xF;
	v5 =	vnsel vm11, $0x0, v6  }
0x6c4: {  	(xrf2) =	vadd.scan.msk.f32 $0xffff, v5;
	v5 =	vnsel vm2, $0x0, v6  }
0x6c5: {  	v7 =	vnsel vm1, $0x0, v6;
	(xrf2) =	vadd.scan.msk.f32 $0xffff, v5  }
0x6c6: {  	(xrf2) =	vadd.scan.msk.f32 $0xffff, v7  }
0x6c7: {  	v5, _, _ =	vpop (xrf0)  }
0x6c8: {  	(v2sf) =	vpush v5, $0xF;
	v5, _, _ =	vpop (xrf0)  }
0x6c9: {  	(v2sf) =	vpush v5, $0xF;
	_ =	sdelay $0x1  }
0x6ca: {  	s21 =	simm.s32 $0x100;
	s20 =	sand.u32 $0x1800, s0  }
0x6cb: {  	s22 =	sand.u32 $0x300, s21;
	s6 =	sadd.s32 $0x6980, s20;
	v5 =	vnsel vm3, $0x0, v6  }
0x6cc: {  	s3 =	sadd.s32 s22, s6;
	(xrf2) =	vadd.scan.msk.f32 $0xffff, v5  }
0x6cd: {  	v7 =	vld [tilespmem:s3+$0x0];
	v6, _, _ =	vpop (xrf2)  }
0x6ce: {  	v13, _, _ =	vpop (xrf2)  }
0x6cf: {  	v5, _, _ =	vpop (xrf2)  }
0x6d0: {  	s7 =	spop (v2sf);
	v5 =	vbroadcast v5, $0xF  }
0x6d1: {  	s23 =	simm.s32 $0x0;
	s24 =	spop (v2sf)  }
0x6d2: {  	s1 =	sand.u32 $0x200, s23;
	s8 =	sshll.u32 s24, $0x8;
	s9 =	sshll.u32 s24, $0x7;
	v7 =	vmul.f32 v7, v5  }
0x6d3: {  	s2 =	sor.u32 s1, s6;
	s25 =	sand.u32 $0xFFFFF800, s8;
	s26 =	sand.u32 $0x380, s9  }
0x6d4: {  	v14 =	vld [tilespmem:s2+$0x0];
	s21 =	sor.u32 s26, s25  }
0x6d5: {  	s29 =	simm.s32 $0x80;
	[tilespmem:s21+$0xAB80] =	vst.add.f32.msk $0xffff, v7  }
0x6d6: {  	s30 =	simm.s32 $0x180;
	s1 =	sand.u32 $0x280, s29;
	v7, _, _ =	vpop (xrf2);
	s31 =	spop (v2sf);
	v15 =	vld [tilespmem:s3+$0x10]  }
0x6d7: {  	s1 =	sadd.s32 s1, s6;
	s8 =	sand.u32 $0x380, s30;
	s10 =	spop (v2sf);
	v8 =	vbroadcast v7, $0xF  }
0x6d8: {  	v16 =	vld [tilespmem:s1+$0x0];
	s6 =	sadd.s32 s8, s6;
	s11 =	sshll.u32 s10, $0x8;
	s10 =	sshll.u32 s10, $0x7  }
0x6d9: {  	v17 =	vld [tilespmem:s6+$0x0];
	s8 =	sand.u32 $0xFFFFF800, s11;
	s10 =	sand.u32 $0x380, s10;
	v7 =	vmul.f32 v14, v8  }
0x6da: {  	s22 =	sor.u32 s10, s8  }
0x6db: {  	v6 =	vbroadcast v6, $0xF;
	s12 =	sshll.u32 s7, $0x8;
	s7 =	sshll.u32 s7, $0x7;
	[tilespmem:s22+$0xAB80] =	vst.add.f32.msk $0xffff, v7;
	v14 =	vmul.f32 v15, v5  }
0x6dc: {  	s7 =	sand.u32 $0x380, s7;
	v7 =	vbroadcast v13, $0xF;
	v13 =	vld [tilespmem:s2+$0x10]  }
0x6dd: {  	s14 =	sshll.u32 s31, $0x8;
	s9 =	sshll.u32 s31, $0x7;
	s8 =	sand.u32 $0xFFFFF800, s12;
	v15 =	vmul.f32 v16, v6;
	[tilespmem:s21+$0xAB90] =	vst.add.f32.msk $0xffff, v14  }
0x6de: {  	s15 =	sand.u32 $0xFFFFF800, s14;
	s16 =	sand.u32 $0x380, s9;
	s23 =	sor.u32 s7, s8;
	v14 =	vmul.f32 v17, v7;
	v16 =	vld [tilespmem:s3+$0x20]  }
0x6df: {  	s20 =	sor.u32 s16, s15;
	[tilespmem:s23+$0xAB80] =	vst.add.f32.msk $0xffff, v15  }
0x6e0: {  	[tilespmem:s20+$0xAB80] =	vst.add.f32.msk $0xffff, v14  }
0x6e1: {  	v14 =	vld [tilespmem:s6+$0x10];
	v13 =	vmul.f32 v13, v8  }
0x6e2: {  	v15 =	vld [tilespmem:s1+$0x10]  }
0x6e3: {  	[tilespmem:s22+$0xAB90] =	vst.add.f32.msk $0xffff, v13;
	v13 =	vmul.f32 v16, v5  }
0x6e4: {  	v16 =	vld [tilespmem:s2+$0x20]  }
0x6e5: {  	[tilespmem:s21+$0xABA0] =	vst.add.f32.msk $0xffff, v13  }
0x6e6: {  	v13 =	vmul.f32 v14, v7;
	v14 =	vld [tilespmem:s3+$0x30];
	_ =	sdelay $0x1  }
0x6e7: {  	v15 =	vmul.f32 v15, v6;
	[tilespmem:s20+$0xAB90] =	vst.add.f32.msk $0xffff, v13  }
0x6e8: {  	v13 =	vld [tilespmem:s6+$0x20]  }
0x6e9: {  	[tilespmem:s23+$0xAB90] =	vst.add.f32.msk $0xffff, v15;
	v15 =	vmul.f32 v16, v8  }
0x6ea: {  	v16 =	vld [tilespmem:s1+$0x20];
	v14 =	vmul.f32 v14, v5  }
0x6eb: {  	[tilespmem:s22+$0xABA0] =	vst.add.f32.msk $0xffff, v15  }
0x6ec: {  	[tilespmem:s21+$0xABB0] =	vst.add.f32.msk $0xffff, v14  }
0x6ed: {  	v13 =	vmul.f32 v13, v7;
	v14 =	vld [tilespmem:s3+$0x40]  }
0x6ee: {  	v15 =	vld [tilespmem:s2+$0x30]  }
0x6ef: {  	v16 =	vmul.f32 v16, v6;
	[tilespmem:s20+$0xABA0] =	vst.add.f32.msk $0xffff, v13  }
0x6f0: {  	v13 =	vld [tilespmem:s6+$0x30]  }
0x6f1: {  	[tilespmem:s23+$0xABA0] =	vst.add.f32.msk $0xffff, v16  }
0x6f2: {  	v16 =	vld [tilespmem:s1+$0x30];
	v14 =	vmul.f32 v14, v5;
	_ =	sdelay $0x1  }
0x6f3: {  	v15 =	vmul.f32 v15, v8;
	[tilespmem:s21+$0xABC0] =	vst.add.f32.msk $0xffff, v14  }
0x6f4: {  	v13 =	vmul.f32 v13, v7;
	v14 =	vld [tilespmem:s3+$0x50]  }
0x6f5: {  	[tilespmem:s22+$0xABB0] =	vst.add.f32.msk $0xffff, v15  }
0x6f6: {  	v15 =	vmul.f32 v16, v6;
	[tilespmem:s20+$0xABB0] =	vst.add.f32.msk $0xffff, v13  }
0x6f7: {  	v13 =	vld [tilespmem:s6+$0x40]  }
0x6f8: {  	[tilespmem:s23+$0xABB0] =	vst.add.f32.msk $0xffff, v15  }
0x6f9: {  	v15 =	vld [tilespmem:s2+$0x40];
	v14 =	vmul.f32 v14, v5  }
0x6fa: {  	v16 =	vld [tilespmem:s1+$0x40]  }
0x6fb: {  	[tilespmem:s21+$0xABD0] =	vst.add.f32.msk $0xffff, v14  }
0x6fc: {  	v13 =	vmul.f32 v13, v7;
	v14 =	vld [tilespmem:s3+$0x60];
	_ =	sdelay $0x1  }
0x6fd: {  	v15 =	vmul.f32 v15, v8;
	[tilespmem:s20+$0xABC0] =	vst.add.f32.msk $0xffff, v13  }
0x6fe: {  	v13 =	vmul.f32 v16, v6;
	v16 =	vld [tilespmem:s6+$0x50]  }
0x6ff: {  	[tilespmem:s22+$0xABC0] =	vst.add.f32.msk $0xffff, v15  }
0x700: {  	[tilespmem:s23+$0xABC0] =	vst.add.f32.msk $0xffff, v13;
	v13 =	vmul.f32 v14, v5  }
0x701: {  	v14 =	vld [tilespmem:s2+$0x50]  }
0x702: {  	[tilespmem:s21+$0xABE0] =	vst.add.f32.msk $0xffff, v13  }
0x703: {  	v13 =	vmul.f32 v16, v7;
	v16 =	vld [tilespmem:s1+$0x50]  }
0x704: {  	v15 =	vld [tilespmem:s3+$0x70]  }
0x705: {  	[tilespmem:s20+$0xABD0] =	vst.add.f32.msk $0xffff, v13  }
0x706: {  	v13 =	vmul.f32 v14, v8;
	v14 =	vld [tilespmem:s6+$0x60]  }
0x707: {  	s17 =	sand.u32 $0x3, s0  }
0x708: {  	s3 =	sshll.u32 s17, $0x8;
	[tilespmem:s22+$0xABD0] =	vst.add.f32.msk $0xffff, v13;
	v16 =	vmul.f32 v16, v6  }
0x709: {  	s3 =	sadd.s32 $0x0, s3;
	v13 =	vmul.f32 v15, v5;
	v15 =	vld [tilespmem:s2+$0x60]  }
0x70a: {  	s24 =	sadd.s32 $0x100, s3;
	[tilespmem:s23+$0xABD0] =	vst.add.f32.msk $0xffff, v16  }
0x70b: {  	s3 =	sor.u32 $0x400, s24;
	[tilespmem:s21+$0xABF0] =	vst.add.f32.msk $0xffff, v13;
	v14 =	vmul.f32 v14, v7  }
0x70c: {  	v13 =	vld [tilespmem:s3+$0x6980]  }
0x70d: {  	[tilespmem:s20+$0xABE0] =	vst.add.f32.msk $0xffff, v14  }
0x70e: {  	v14 =	vmul.f32 v15, v8;
	v15 =	vld [tilespmem:s6+$0x70]  }
0x70f: {  	s18 =	simm.s32 $0x5;
	v16 =	vld [tilespmem:s1+$0x60]  }
0x710: {  	s19 =	simm.s32 $0x6;
	s3 =	sand.u32 $0xD, s18;
	[tilespmem:s22+$0xABE0] =	vst.add.f32.msk $0xffff, v14  }
0x711: {  	p1 =	por $0x1, $0x1;
	s0 =	sand.u32 $0x7, s0;
	s25 =	sand.u32 $0xE, s19;
	v14 =	vmov s3;
	v13 =	vmul.f32 v13, v5;
	v17 =	vld [tilespmem:s2+$0x70]  }
0x712: {  	p0 =	por $0x0, $0x0;
	s0 =	sshll.u32 s0, $0x7;
	v18 =	vpsel p1, v9, v10;
	vm12 =	veq.s32 v14, v4;
	v14 =	vmov s25  }
0x713: {  	s14 =	simm.s32 $0x4;
	s26 =	sor.u32 $0x410, s24;
	s6 =	sadd.s32 $0x0, s0;
	vm13 =	veq.s32 v14, v4;
	[tilespmem:s21+$0xAF80] =	vst.add.f32.msk $0xffff, v13;
	v13 =	vnsel vm12, $0x0, v18;
	v15 =	vmul.f32 v15, v7  }
0x714: {  	s29 =	simm.s32 $0x7;
	s31 =	sand.u32 $0xC, s14;
	s2 =	sadd.s32 $0x180, s6;
	v14 =	vld [tilespmem:s26+$0x6980];
	(xrf0) =	vadd.scan.msk.s32 $0xffff, v13;
	v13 =	vnsel vm13, $0x0, v18  }
0x715: {  	s30 =	sand.u32 $0xF, s29;
	s3 =	simm.s32 $0x1;
	s8 =	sor.u32 $0x400, s2;
	(xrf0) =	vadd.scan.msk.s32 $0xffff, v13;
	v13 =	vmul.f32 v16, v6;
	v16 =	vmov s31;
	[tilespmem:s20+$0xABF0] =	vst.add.f32.msk $0xffff, v15  }
0x716: {  	v19 =	vmov s30;
	s3 =	simm.s32 @!p0 $0x0;
	v15 =	vmul.f32 v17, v8;
	vm15 =	veq.s32 v16, v4;
	v16 =	vld [tilespmem:s8+$0x6980]  }
0x717: {  	vm14 =	veq.s32 v19, v4;
	s3 =	sshll.u32 s3, $0x9  }
0x718: {  	s28 =	sadd.s32 $0x0, s3;
	v17 =	vnsel vm14, $0x0, v18;
	[tilespmem:s23+$0xABE0] =	vst.add.f32.msk $0xffff, v13  }
0x719: {  	s9 =	sor.u32 $0x400, s28;
	v13 =	vnsel vm15, $0x0, v18;
	(xrf0) =	vadd.scan.msk.s32 $0xffff, v17;
	[tilespmem:s22+$0xABF0] =	vst.add.f32.msk $0xffff, v15;
	v14 =	vmul.f32 v14, v5  }
0x71a: {  	(xrf0) =	vadd.scan.msk.s32 $0xffff, v13;
	v13 =	vld [tilespmem:s9+$0x6980];
	v15, _, _ =	vpop (xrf0)  }
0x71b: {  	(v2sf) =	vpush v15, $0xF;
	v15 =	vmul.f32 v16, v7  }
0x71c: {  	s10 =	sor.u32 $0x420, s24;
	[tilespmem:s21+$0xAF90] =	vst.add.f32.msk $0xffff, v14  }
0x71d: {  	v17 =	vpsel p1, v11, v12;
	v16 =	vld [tilespmem:s10+$0x6980];
	v14, _, _ =	vpop (xrf0)  }
0x71e: {  	v18 =	vnsel vm12, $0x0, v17;
	[tilespmem:s20+$0xAF80] =	vst.add.f32.msk $0xffff, v15;
	(v2sf) =	vpush v14, $0xF  }
0x71f: {  	s16 =	simm.s32 $0x400;
	s11 =	sor.u32 $0x410, s2;
	(xrf2) =	vadd.scan.msk.f32 $0xffff, v18;
	v18 =	vnsel vm14, $0x0, v17;
	v14 =	vld [tilespmem:s1+$0x70];
	v13 =	vmul.f32 v13, v8;
	v15, _, _ =	vpop (xrf0)  }
0x720: {  	s17 =	sand.u32 $0x1800, s16;
	s18 =	simm.s32 $0x300;
	v20 =	vnsel vm13, $0x0, v17;
	(xrf2) =	vadd.scan.msk.f32 $0xffff, v18;
	(v2sf) =	vpush v15, $0xF;
	v15 =	vld [tilespmem:s11+$0x6980];
	v19, _, _ =	vpop (xrf0)  }
0x721: {  	s3 =	sand.u32 $0x300, s18;
	s12 =	sor.u32 $0x410, s28;
	(xrf2) =	vadd.scan.msk.f32 $0xffff, v20;
	s1 =	sadd.s32 $0x6980, s17;
	[tilespmem:s22+$0xAF80] =	vst.add.f32.msk $0xffff, v13;
	(v2sf) =	vpush v19, $0xF  }
0x722: {  	v17 =	vnsel vm15, $0x0, v17;
	s8 =	sadd.s32 s3, s1;
	v13 =	vmul.f32 v16, v5;
	v16 =	vld [tilespmem:s12+$0x6980]  }
0x723: {  	s19 =	simm.s32 $0x280;
	(xrf2) =	vadd.scan.msk.f32 $0xffff, v17;
	v17 =	vld [tilespmem:s8+$0x0]  }
0x724: {  	s15 =	sor.u32 $0x430, s24;
	s0 =	sand.u32 $0x280, s19;
	[tilespmem:s21+$0xAFA0] =	vst.add.f32.msk $0xffff, v13  }
0x725: {  	s25 =	simm.s32 $0x200;
	s3 =	sadd.s32 s0, s1;
	v13 =	vmul.f32 v15, v7;
	v15 =	vld [tilespmem:s15+$0x6980]  }
0x726: {  	s7 =	sand.u32 $0x200, s25;
	s26 =	simm.s32 $0x380;
	v18 =	vld [tilespmem:s3+$0x0]  }
0x727: {  	s7 =	sor.u32 s7, s1;
	s0 =	sand.u32 $0x380, s26;
	[tilespmem:s20+$0xAF90] =	vst.add.f32.msk $0xffff, v13;
	v13 =	vmul.f32 v16, v8  }
0x728: {  	s1 =	sadd.s32 s0, s1;
	v19 =	vld [tilespmem:s7+$0x0];
	v14 =	vmul.f32 v14, v6  }
0x729: {  	v21 =	vld [tilespmem:s1+$0x0];
	v16, _, _ =	vpop (xrf2)  }
0x72a: {  	[tilespmem:s23+$0xABF0] =	vst.add.f32.msk $0xffff, v14;
	v14 =	vmul.f32 v15, v5;
	v15, _, _ =	vpop (xrf2)  }
0x72b: {  	s19 =	sor.u32 $0x420, s2;
	s30 =	sor.u32 $0x420, s28;
	[tilespmem:s22+$0xAF90] =	vst.add.f32.msk $0xffff, v13;
	s29 =	spop (v2sf);
	v13, _, _ =	vpop (xrf2)  }
0x72c: {  	s31 =	sor.u32 $0x440, s24;
	s11 =	sshll.u32 s29, $0x8;
	s0 =	sshll.u32 s29, $0x7;
	[tilespmem:s21+$0xAFB0] =	vst.add.f32.msk $0xffff, v14;
	v14 =	vbroadcast v13, $0xF;
	v13 =	vbroadcast v16, $0xF  }
0x72d: {  	v23 =	vld [tilespmem:s19+$0x6980];
	s11 =	sand.u32 $0xFFFFF800, s11;
	s0 =	sand.u32 $0x380, s0;
	s12 =	spop (v2sf)  }
0x72e: {  	v22 =	vld [tilespmem:s30+$0x6980];
	s0 =	sor.u32 s0, s11;
	s15 =	sshll.u32 s12, $0x8;
	s12 =	sshll.u32 s12, $0x7;
	v18 =	vmul.f32 v18, v13  }
0x72f: {  	v16, _, _ =	vpop (xrf2);
	v20 =	vld [tilespmem:s31+$0x6980];
	v17 =	vmul.f32 v17, v14;
	s17 =	sand.u32 $0xFFFFF800, s15;
	s10 =	sand.u32 $0x380, s12;
	s18 =	spop (v2sf)  }
0x730: {  	v15 =	vbroadcast v15, $0xF;
	v16 =	vbroadcast v16, $0xF;
	s25 =	sor.u32 s10, s17;
	s26 =	spop (v2sf);
	[tilespmem:s0+$0xAB80] =	vst.add.f32.msk $0xffff, v18  }
0x731: {  	s29 =	sshll.u32 s18, $0x8;
	s31 =	sshll.u32 s18, $0x7;
	s30 =	sshll.u32 s26, $0x8;
	[tilespmem:s25+$0xAB80] =	vst.add.f32.msk $0xffff, v17  }
0x732: {  	s10 =	sshll.u32 s26, $0x7;
	v17 =	vmul.f32 v19, v16;
	s9 =	sand.u32 $0xFFFFF800, s29;
	s12 =	sand.u32 $0x380, s31;
	v18 =	vld [tilespmem:s3+$0x10];
	v19 =	vmul.f32 v21, v15  }
0x733: {  	s11 =	sand.u32 $0xFFFFF800, s30;
	s10 =	sand.u32 $0x380, s10;
	s26 =	sor.u32 s12, s9;
	v21 =	vld [tilespmem:s8+$0x10]  }
0x734: {  	s15 =	sor.u32 s10, s11;
	[tilespmem:s26+$0xAB80] =	vst.add.f32.msk $0xffff, v19  }
0x735: {  	v20 =	vmul.f32 v20, v5;
	[tilespmem:s15+$0xAB80] =	vst.add.f32.msk $0xffff, v17  }
0x736: {  	v17 =	vmul.f32 v22, v8;
	v19 =	vld [tilespmem:s7+$0x10]  }
0x737: {  	[tilespmem:s21+$0xAFC0] =	vst.add.f32.msk $0xffff, v20  }
0x738: {  	s12 =	sor.u32 $0x430, s28;
	v22 =	vmul.f32 v23, v7;
	[tilespmem:s22+$0xAFA0] =	vst.add.f32.msk $0xffff, v17  }
0x739: {  	v17 =	vmul.f32 v18, v13;
	v18 =	vld [tilespmem:s12+$0x6980]  }
0x73a: {  	[tilespmem:s20+$0xAFA0] =	vst.add.f32.msk $0xffff, v22  }
0x73b: {  	[tilespmem:s0+$0xAB90] =	vst.add.f32.msk $0xffff, v17;
	v17 =	vmul.f32 v19, v16  }
0x73c: {  	v19 =	vld [tilespmem:s1+$0x10]  }
0x73d: {  	v21 =	vmul.f32 v21, v14;
	[tilespmem:s15+$0xAB90] =	vst.add.f32.msk $0xffff, v17  }
0x73e: {  	v17 =	vmul.f32 v18, v8;
	v18 =	vld [tilespmem:s3+$0x20]  }
0x73f: {  	[tilespmem:s25+$0xAB90] =	vst.add.f32.msk $0xffff, v21  }
0x740: {  	v20 =	vld [tilespmem:s7+$0x20]  }
0x741: {  	s17 =	sor.u32 $0x440, s28;
	[tilespmem:s22+$0xAFB0] =	vst.add.f32.msk $0xffff, v17;
	v19 =	vmul.f32 v19, v15  }
0x742: {  	v17 =	vld [tilespmem:s17+$0x6980]  }
0x743: {  	[tilespmem:s26+$0xAB90] =	vst.add.f32.msk $0xffff, v19;
	v18 =	vmul.f32 v18, v13  }
0x744: {  	v19 =	vld [tilespmem:s1+$0x20]  }
0x745: {  	[tilespmem:s0+$0xABA0] =	vst.add.f32.msk $0xffff, v18  }
0x746: {  	s19 =	sor.u32 $0x430, s2;
	v18 =	vmul.f32 v20, v16;
	v20 =	vld [tilespmem:s8+$0x20]  }
0x747: {  	v21 =	vld [tilespmem:s19+$0x6980]  }
0x748: {  	v17 =	vmul.f32 v17, v8;
	[tilespmem:s15+$0xABA0] =	vst.add.f32.msk $0xffff, v18  }
0x749: {  	v18 =	vld [tilespmem:s7+$0x30]  }
0x74a: {  	s18 =	sor.u32 $0x450, s28;
	[tilespmem:s22+$0xAFC0] =	vst.add.f32.msk $0xffff, v17;
	v19 =	vmul.f32 v19, v15  }
0x74b: {  	v17 =	vld [tilespmem:s18+$0x6980];
	v20 =	vmul.f32 v20, v14  }
0x74c: {  	[tilespmem:s26+$0xABA0] =	vst.add.f32.msk $0xffff, v19  }
0x74d: {  	[tilespmem:s25+$0xABA0] =	vst.add.f32.msk $0xffff, v20  }
0x74e: {  	v18 =	vmul.f32 v18, v16;
	v20 =	vld [tilespmem:s8+$0x30]  }
0x74f: {  	s11 =	sadd.s32 $0x80, s6;
	v19 =	vld [tilespmem:s3+$0x30]  }
0x750: {  	s6 =	sor.u32 $0x400, s11;
	v17 =	vmul.f32 v17, v8;
	[tilespmem:s15+$0xABB0] =	vst.add.f32.msk $0xffff, v18  }
0x751: {  	v18 =	vld [tilespmem:s6+$0x6980]  }
0x752: {  	[tilespmem:s22+$0xAFD0] =	vst.add.f32.msk $0xffff, v17  }
0x753: {  	s29 =	sor.u32 $0x460, s28;
	v17 =	vld [tilespmem:s1+$0x30];
	v20 =	vmul.f32 v20, v14  }
0x754: {  	v22 =	vld [tilespmem:s29+$0x6980]  }
0x755: {  	v19 =	vmul.f32 v19, v13;
	[tilespmem:s25+$0xABB0] =	vst.add.f32.msk $0xffff, v20  }
0x756: {  	v18 =	vmul.f32 v18, v6;
	v20 =	vld [tilespmem:s8+$0x40]  }
0x757: {  	[tilespmem:s0+$0xABB0] =	vst.add.f32.msk $0xffff, v19  }
0x758: {  	v17 =	vmul.f32 v17, v15;
	[tilespmem:s23+$0xAF80] =	vst.add.f32.msk $0xffff, v18  }
0x759: {  	v18 =	vld [tilespmem:s3+$0x40]  }
0x75a: {  	[tilespmem:s26+$0xABB0] =	vst.add.f32.msk $0xffff, v17  }
0x75b: {  	v19 =	vld [tilespmem:s1+$0x40];
	v17 =	vmul.f32 v20, v14  }
0x75c: {  	v20 =	vmul.f32 v21, v7;
	v21 =	vld [tilespmem:s7+$0x40]  }
0x75d: {  	[tilespmem:s25+$0xABC0] =	vst.add.f32.msk $0xffff, v17  }
0x75e: {  	s31 =	sor.u32 $0x410, s11;
	[tilespmem:s20+$0xAFB0] =	vst.add.f32.msk $0xffff, v20  }
0x75f: {  	s30 =	sor.u32 $0x440, s2;
	v17 =	vmul.f32 v22, v8;
	v22 =	vld [tilespmem:s31+$0x6980]  }
0x760: {  	v20 =	vld [tilespmem:s30+$0x6980]  }
0x761: {  	v19 =	vmul.f32 v19, v15;
	[tilespmem:s22+$0xAFE0] =	vst.add.f32.msk $0xffff, v17  }
0x762: {  	v17 =	vmul.f32 v18, v13;
	v18 =	vld [tilespmem:s8+$0x50]  }
0x763: {  	s9 =	sor.u32 $0x450, s24;
	[tilespmem:s26+$0xABC0] =	vst.add.f32.msk $0xffff, v19  }
0x764: {  	v21 =	vmul.f32 v21, v16;
	v19 =	vld [tilespmem:s9+$0x6980]  }
0x765: {  	[tilespmem:s0+$0xABC0] =	vst.add.f32.msk $0xffff, v17  }
0x766: {  	[tilespmem:s15+$0xABC0] =	vst.add.f32.msk $0xffff, v21  }
0x767: {  	v17 =	vmul.f32 v22, v6;
	v22 =	vld [tilespmem:s1+$0x50]  }
0x768: {  	v23 =	vld [tilespmem:s3+$0x50]  }
0x769: {  	v21 =	vld [tilespmem:s7+$0x50]  }
0x76a: {  	s10 =	sor.u32 $0x420, s11;
	v20 =	vmul.f32 v20, v7;
	[tilespmem:s23+$0xAF90] =	vst.add.f32.msk $0xffff, v17  }
0x76b: {  	v18 =	vmul.f32 v18, v14;
	v17 =	vld [tilespmem:s10+$0x6980]  }
0x76c: {  	[tilespmem:s20+$0xAFC0] =	vst.add.f32.msk $0xffff, v20  }
0x76d: {  	[tilespmem:s25+$0xABD0] =	vst.add.f32.msk $0xffff, v18;
	v22 =	vmul.f32 v22, v15  }
0x76e: {  	v18 =	vld [tilespmem:s8+$0x60];
	v20 =	vmul.f32 v21, v16  }
0x76f: {  	[tilespmem:s26+$0xABD0] =	vst.add.f32.msk $0xffff, v22  }
0x770: {  	v17 =	vmul.f32 v17, v6;
	[tilespmem:s15+$0xABD0] =	vst.add.f32.msk $0xffff, v20  }
0x771: {  	v21 =	vld [tilespmem:s7+$0x60]  }
0x772: {  	s12 =	sor.u32 $0x430, s11;
	[tilespmem:s23+$0xAFA0] =	vst.add.f32.msk $0xffff, v17;
	v17 =	vmul.f32 v23, v13  }
0x773: {  	v20 =	vld [tilespmem:s12+$0x6980]  }
0x774: {  	[tilespmem:s0+$0xABD0] =	vst.add.f32.msk $0xffff, v17;
	v17 =	vmul.f32 v18, v14  }
0x775: {  	v18 =	vld [tilespmem:s3+$0x60]  }
0x776: {  	[tilespmem:s25+$0xABE0] =	vst.add.f32.msk $0xffff, v17;
	v21 =	vmul.f32 v21, v16  }
0x777: {  	v17 =	vld [tilespmem:s8+$0x70]  }
0x778: {  	v20 =	vmul.f32 v20, v6;
	[tilespmem:s15+$0xABE0] =	vst.add.f32.msk $0xffff, v21  }
0x779: {  	v21 =	vld [tilespmem:s7+$0x70]  }
0x77a: {  	s17 =	sor.u32 $0x440, s11;
	s8 =	simm.s32 $0x2;
	[tilespmem:s23+$0xAFB0] =	vst.add.f32.msk $0xffff, v20;
	v18 =	vmul.f32 v18, v13  }
0x77b: {  	s18 =	sand.u32 $0x3, s8;
	v20 =	vld [tilespmem:s17+$0x6980]  }
0x77c: {  	s6 =	sshll.u32 s18, $0x8;
	[tilespmem:s0+$0xABE0] =	vst.add.f32.msk $0xffff, v18  }
0x77d: {  	s6 =	sadd.s32 $0x400, s6;
	v17 =	vmul.f32 v17, v14;
	v18 =	vld [tilespmem:s1+$0x60]  }
0x77e: {  	v22 =	vld [tilespmem:s3+$0x70];
	s3 =	sadd.s32 $0x100, s6  }
0x77f: {  	[tilespmem:s25+$0xABF0] =	vst.add.f32.msk $0xffff, v17;
	s6 =	sor.u32 $0x400, s3;
	v17 =	vmul.f32 v21, v16  }
0x780: {  	p0 =	por !p0, !p0;
	s7 =	simm.s32 $0x1;
	v23 =	vld [tilespmem:s6+$0x6980];
	v20 =	vmul.f32 v20, v6  }
0x781: {  	s7 =	simm.s32 @!p0 $0x0;
	[tilespmem:s15+$0xABF0] =	vst.add.f32.msk $0xffff, v17  }
0x782: {  	s29 =	sor.u32 $0x450, s11;
	s19 =	sshll.u32 s7, $0x9;
	[tilespmem:s23+$0xAFC0] =	vst.add.f32.msk $0xffff, v20  }
0x783: {  	s31 =	sor.u32 $0x450, s2;
	s6 =	sadd.s32 $0x400, s19;
	v21 =	vld [tilespmem:s29+$0x6980]  }
0x784: {  	s30 =	sor.u32 $0x400, s6;
	v17 =	vmul.f32 v19, v5;
	v19 =	vld [tilespmem:s31+$0x6980];
	v20 =	vmul.f32 v18, v15  }
0x785: {  	v18 =	vld [tilespmem:s30+$0x6980]  }
0x786: {  	v24 =	vmul.f32 v22, v13;
	[tilespmem:s26+$0xABE0] =	vst.add.f32.msk $0xffff, v20  }
0x787: {  	s9 =	simm.s32 $0x4;
	s10 =	simm.s32 $0x580;
	v20 =	vld [tilespmem:s1+$0x70]  }
0x788: {  	s17 =	sor.u32 $0x460, s11;
	s12 =	sor.u32 $0x410, s3;
	v22 =	vmul.f32 v23, v14;
	[tilespmem:s0+$0xABF0] =	vst.add.f32.msk $0xffff, v24;
	s1 =	sand.u32 $0x7, s9;
	v21 =	vmul.f32 v21, v6  }
.LBB2_54:
0x789: {  	s7 =	sadd.s32 $0xFFFFFE80, s10  }
0x78a: {  	s18 =	sadd.s32 $0x5, s14;
	[tilespmem:s25+$0xAF80] =	vst.add.f32.msk $0xffff, v22;
	s19 =	smov.u32 s14;
	s14 =	sadd.s32 $0x4, s14  }
0x78b: {  	v18 =	vmul.f32 v18, v16;
	s29 =	sand.u32 $0xC, s14;
	s7 =	sand.u32 $0x200, s7;
	s18 =	sand.u32 $0xD, s18;
	v22 =	vld [tilespmem:s12+$0x6980]  }
0x78c: {  	s1 =	sshll.u32 s1, $0x7;
	p1 =	slt.u32 s14, $0x10;
	s12 =	sadd.s32 $0x6, s19;
	v23 =	vmov s29;
	v24 =	vmov s18;
	v20 =	vmul.f32 v20, v15;
	[tilespmem:s23+$0xAFD0] =	vst.add.f32.msk $0xffff, v21  }
0x78d: {  	v21 =	vpsel p1, v9, v10;
	s12 =	sand.u32 $0xE, s12;
	s18 =	sadd.s32 $0x7, s19;
	s19 =	sadd.s32 s16, s1;
	vm0 =	veq.s32 v24, v4;
	[tilespmem:s21+$0xAFD0] =	vst.add.f32.msk $0xffff, v17;
	v17 =	vmul.f32 v19, v7  }
0x78e: {  	v19 =	vpsel p1, v11, v12;
	v25 =	vmov s12;
	s18 =	sand.u32 $0xF, s18;
	s1 =	sadd.s32 $0x80, s19;
	s12 =	sadd.s32 $0x180, s19;
	v24 =	vnsel vm0, $0x0, v21;
	v26 =	vld [tilespmem:s17+$0x6980]  }
0x78f: {  	p1 =	slt.u32 s14, $0x1C;
	vm1 =	veq.s32 v25, v4;
	v25 =	vmov s18;
	s17 =	sor.u32 $0x400, s12;
	(xrf0) =	vadd.scan.msk.s32 $0xffff, v24;
	[tilespmem:s26+$0xABF0] =	vst.add.f32.msk $0xffff, v20  }
0x790: {  	vm2 =	veq.s32 v23, v4;
	v20 =	vnsel vm1, $0x0, v21;
	v23 =	vnsel vm1, $0x0, v19;
	v24 =	vld [tilespmem:s17+$0x6980];
	s17 =	sor.u32 $0x460, s24  }
0x791: {  	v27 =	vnsel vm0, $0x0, v19;
	vm0 =	veq.s32 v25, v4;
	(xrf0) =	vadd.scan.msk.s32 $0xffff, v20;
	v20 =	vmul.f32 v22, v14;
	v22 =	vld [tilespmem:s17+$0x6980]  }
0x792: {  	v25 =	vnsel vm2, $0x0, v21;
	v21 =	vnsel vm0, $0x0, v21;
	(xrf2) =	vadd.scan.msk.f32 $0xffff, v27;
	[tilespmem:s20+$0xAFD0] =	vst.add.f32.msk $0xffff, v17  }
0x793: {  	s17 =	sor.u32 $0x460, s2;
	v17 =	vnsel vm2, $0x0, v19;
	v19 =	vnsel vm0, $0x0, v19;
	(xrf0) =	vadd.scan.msk.s32 $0xffff, v21;
	[tilespmem:s15+$0xAF80] =	vst.add.f32.msk $0xffff, v18  }
0x794: {  	v18 =	vld [tilespmem:s17+$0x6980]  }
0x795: {  	s17 =	sor.u32 $0x410, s6;
	(xrf0) =	vadd.scan.msk.s32 $0xffff, v25;
	v21, _, _ =	vpop (xrf0);
	[tilespmem:s25+$0xAF90] =	vst.add.f32.msk $0xffff, v20;
	v20 =	vmul.f32 v24, v15  }
0x796: {  	(v2sf) =	vpush v21, $0xF;
	(xrf2) =	vadd.scan.msk.f32 $0xffff, v19;
	v19 =	vld [tilespmem:s17+$0x6980];
	s17 =	sor.u32 $0x420, s3;
	v21 =	vmul.f32 v22, v5  }
0x797: {  	v22, _, _ =	vpop (xrf0);
	v24 =	vld [tilespmem:s17+$0x6980]  }
0x798: {  	s17 =	sor.u32 $0x470, s28;
	s28 =	smov.u32 s6;
	(v2sf) =	vpush v22, $0xF;
	[tilespmem:s26+$0xAF80] =	vst.add.f32.msk $0xffff, v20  }
0x799: {  	s6 =	sor.u32 $0x410, s12;
	(xrf2) =	vadd.scan.msk.f32 $0xffff, v23;
	v20, _, _ =	vpop (xrf0);
	v22 =	vld [tilespmem:s17+$0x6980];
	v23 =	vmul.f32 v26, v6;
	v18 =	vmul.f32 v18, v7  }
0x79a: {  	(v2sf) =	vpush v20, $0xF;
	v20 =	vld [tilespmem:s6+$0x6980]  }
0x79b: {  	s6 =	sor.u32 $0x470, s24;
	s24 =	smov.u32 s3;
	v25, _, _ =	vpop (xrf0);
	v19 =	vmul.f32 v19, v16;
	[tilespmem:s21+$0xAFE0] =	vst.add.f32.msk $0xffff, v21  }
0x79c: {  	(v2sf) =	vpush v25, $0xF;
	(xrf2) =	vadd.scan.msk.f32 $0xffff, v17;
	v17, _, _ =	vpop (xrf2);
	v21 =	vmul.f32 v24, v14;
	v24 =	vld [tilespmem:s6+$0x6980]  }
0x79d: {  	[tilespmem:s23+$0xAFE0] =	vst.add.f32.msk $0xffff, v23  }
0x79e: {  	s16 =	sadd.s32 $0x400, s16;
	s3 =	sor.u32 $0x470, s2;
	s2 =	smov.u32 s12;
	v22 =	vmul.f32 v22, v8;
	[tilespmem:s20+$0xAFE0] =	vst.add.f32.msk $0xffff, v18;
	v8 =	vmov v16  }
0x79f: {  	s12 =	sor.u32 $0x470, s11;
	s11 =	smov.u32 s1;
	s6 =	sand.u32 $0x1800, s16;
	v16 =	vmul.f32 v20, v15;
	v18 =	vld [tilespmem:s3+$0x6980]  }
0x7a0: {  	s1 =	sadd.s32 $0xFFFFFF00, s10;
	v20, _, _ =	vpop (xrf2);
	v23 =	vld [tilespmem:s12+$0x6980]  }
0x7a1: {  	s1 =	sand.u32 $0x280, s1;
	s12 =	sadd.s32 $0x6980, s6;
	s6 =	sadd.s32 $0xFFFFFF80, s10;
	[tilespmem:s22+$0xAFF0] =	vst.add.f32.msk $0xffff, v22;
	v22 =	vmul.f32 v24, v5;
	v5 =	vmov v14  }
0x7a2: {  	s3 =	sadd.s32 s1, s12;
	s1 =	sand.u32 $0x300, s6;
	s22 =	smov.u32 s15;
	[tilespmem:s26+$0xAF90] =	vst.add.f32.msk $0xffff, v16  }
0x7a3: {  	s15 =	sor.u32 $0x430, s24;
	s6 =	sadd.s32 s1, s12;
	s1 =	sand.u32 $0x380, s10;
	v14, _, _ =	vpop (xrf2);
	[tilespmem:s25+$0xAFA0] =	vst.add.f32.msk $0xffff, v21  }
0x7a4: {  	s1 =	sadd.s32 s1, s12;
	v16 =	vld [tilespmem:s15+$0x6980];
	v18 =	vmul.f32 v18, v7;
	v7 =	vmov v15  }
0x7a5: {  	s17 =	sor.u32 $0x420, s28;
	s18 =	sor.u32 $0x440, s24;
	v21 =	vld [tilespmem:s6+$0x0];
	s15 =	spop (v2sf);
	v23 =	vmul.f32 v23, v6;
	v6 =	vmov v13  }
0x7a6: {  	s12 =	sor.u32 s7, s12;
	v13 =	vbroadcast v17, $0xF;
	v24 =	vld [tilespmem:s3+$0x0];
	s7 =	sshll.u32 s15, $0x8;
	s15 =	sshll.u32 s15, $0x7;
	v17, _, _ =	vpop (xrf2)  }
0x7a7: {  	v14 =	vbroadcast v14, $0xF;
	s7 =	sand.u32 $0xFFFFF800, s7;
	s15 =	sand.u32 $0x380, s15;
	s19 =	spop (v2sf);
	[tilespmem:s21+$0xAFF0] =	vst.add.f32.msk $0xffff, v22  }
0x7a8: {  	v22 =	vld [tilespmem:s12+$0x0];
	s7 =	sor.u32 s15, s7;
	s15 =	sshll.u32 s19, $0x8;
	s19 =	sshll.u32 s19, $0x7  }
0x7a9: {  	v15 =	vbroadcast v20, $0xF;
	s15 =	sand.u32 $0xFFFFF800, s15;
	s19 =	sand.u32 $0x380, s19;
	s21 =	spop (v2sf);
	[tilespmem:s22+$0xAF90] =	vst.add.f32.msk $0xffff, v19;
	v16 =	vmul.f32 v16, v5  }
0x7aa: {  	s19 =	sor.u32 s19, s15;
	s15 =	sshll.u32 s21, $0x8;
	s21 =	sshll.u32 s21, $0x7;
	[tilespmem:s23+$0xAFF0] =	vst.add.f32.msk $0xffff, v23  }
0x7ab: {  	s15 =	sand.u32 $0xFFFFF800, s15;
	s21 =	sand.u32 $0x380, s21;
	s23 =	spop (v2sf);
	[tilespmem:s25+$0xAFB0] =	vst.add.f32.msk $0xffff, v16  }
0x7ac: {  	v16 =	vbroadcast v17, $0xF;
	s29 =	sshll.u32 s23, $0x8;
	s23 =	sshll.u32 s23, $0x7;
	s30 =	sor.u32 s21, s15;
	v17 =	vld [tilespmem:s18+$0x6980]  }
0x7ad: {  	v19 =	vmul.f32 v24, v13;
	s15 =	sand.u32 $0xFFFFF800, s29;
	s18 =	sand.u32 $0x380, s23;
	v20 =	vld [tilespmem:s17+$0x6980];
	s23 =	smov.u32 s0  }
0x7ae: {  	v21 =	vmul.f32 v21, v14;
	s21 =	smov.u32 s25;
	s17 =	sor.u32 $0x420, s2;
	s0 =	smov.u32 s7;
	v23 =	vld [tilespmem:s1+$0x0]  }
0x7af: {  	s25 =	smov.u32 s19;
	s15 =	sor.u32 s18, s15;
	v24 =	vld [tilespmem:s17+$0x6980]  }
0x7b0: {  	v22 =	vmul.f32 v22, v16;
	[tilespmem:s20+$0xAFF0] =	vst.add.f32.msk $0xffff, v18;
	s20 =	smov.u32 s26;
	s26 =	smov.u32 s30  }
0x7b1: {  	[tilespmem:s25+$0xAB80] =	vst.add.f32.msk $0xffff, v21;
	v17 =	vmul.f32 v17, v5  }
0x7b2: {  	[tilespmem:s0+$0xAB80] =	vst.add.f32.msk $0xffff, v19  }
0x7b3: {  	v20 =	vmul.f32 v20, v8;
	v18 =	vld [tilespmem:s3+$0x10];
	v19 =	vmul.f32 v23, v15  }
0x7b4: {  	[tilespmem:s15+$0xAB80] =	vst.add.f32.msk $0xffff, v22;
	v21 =	vmul.f32 v24, v7  }
0x7b5: {  	[tilespmem:s26+$0xAB80] =	vst.add.f32.msk $0xffff, v19  }
0x7b6: {  	v19 =	vld [tilespmem:s12+$0x10]  }
0x7b7: {  	s7 =	sor.u32 $0x430, s28;
	[tilespmem:s22+$0xAFA0] =	vst.add.f32.msk $0xffff, v20  }
0x7b8: {  	v18 =	vmul.f32 v18, v13;
	v20 =	vld [tilespmem:s7+$0x6980]  }
0x7b9: {  	v22 =	vld [tilespmem:s6+$0x10]  }
0x7ba: {  	[tilespmem:s0+$0xAB90] =	vst.add.f32.msk $0xffff, v18  }
0x7bb: {  	v18 =	vmul.f32 v19, v16;
	v19 =	vld [tilespmem:s1+$0x10]  }
0x7bc: {  	[tilespmem:s21+$0xAFC0] =	vst.add.f32.msk $0xffff, v17  }
0x7bd: {  	[tilespmem:s15+$0xAB90] =	vst.add.f32.msk $0xffff, v18;
	v17 =	vmul.f32 v20, v8  }
0x7be: {  	v18 =	vld [tilespmem:s3+$0x20];
	v20 =	vmul.f32 v22, v14  }
0x7bf: {  	v22 =	vld [tilespmem:s12+$0x20]  }
0x7c0: {  	s7 =	sor.u32 $0x440, s28;
	v19 =	vmul.f32 v19, v15;
	[tilespmem:s22+$0xAFB0] =	vst.add.f32.msk $0xffff, v17  }
0x7c1: {  	v17 =	vld [tilespmem:s7+$0x6980]  }
0x7c2: {  	[tilespmem:s26+$0xAB90] =	vst.add.f32.msk $0xffff, v19  }
0x7c3: {  	v18 =	vmul.f32 v18, v13;
	v19 =	vld [tilespmem:s1+$0x20]  }
0x7c4: {  	v22 =	vmul.f32 v22, v16;
	[tilespmem:s20+$0xAFA0] =	vst.add.f32.msk $0xffff, v21  }
0x7c5: {  	[tilespmem:s0+$0xABA0] =	vst.add.f32.msk $0xffff, v18  }
0x7c6: {  	[tilespmem:s25+$0xAB90] =	vst.add.f32.msk $0xffff, v20;
	v17 =	vmul.f32 v17, v8  }
0x7c7: {  	v18 =	vld [tilespmem:s6+$0x20]  }
0x7c8: {  	[tilespmem:s15+$0xABA0] =	vst.add.f32.msk $0xffff, v22;
	v19 =	vmul.f32 v19, v15  }
0x7c9: {  	v20 =	vld [tilespmem:s12+$0x30]  }
0x7ca: {  	s7 =	sor.u32 $0x450, s28;
	[tilespmem:s22+$0xAFC0] =	vst.add.f32.msk $0xffff, v17  }
0x7cb: {  	v17 =	vld [tilespmem:s7+$0x6980]  }
0x7cc: {  	v18 =	vmul.f32 v18, v14;
	[tilespmem:s26+$0xABA0] =	vst.add.f32.msk $0xffff, v19  }
0x7cd: {  	v19 =	vld [tilespmem:s3+$0x30]  }
0x7ce: {  	v20 =	vmul.f32 v20, v16;
	[tilespmem:s25+$0xABA0] =	vst.add.f32.msk $0xffff, v18  }
0x7cf: {  	v18 =	vld [tilespmem:s6+$0x30]  }
0x7d0: {  	s7 =	sor.u32 $0x400, s11;
	[tilespmem:s15+$0xABB0] =	vst.add.f32.msk $0xffff, v20;
	v17 =	vmul.f32 v17, v8  }
0x7d1: {  	v20 =	vld [tilespmem:s7+$0x6980]  }
0x7d2: {  	[tilespmem:s22+$0xAFD0] =	vst.add.f32.msk $0xffff, v17  }
0x7d3: {  	s7 =	sor.u32 $0x430, s2;
	v17 =	vld [tilespmem:s1+$0x30]  }
0x7d4: {  	s17 =	sor.u32 $0x460, s28;
	v19 =	vmul.f32 v19, v13;
	v18 =	vmul.f32 v18, v14;
	v21 =	vld [tilespmem:s7+$0x6980]  }
0x7d5: {  	v22 =	vld [tilespmem:s17+$0x6980]  }
0x7d6: {  	[tilespmem:s25+$0xABB0] =	vst.add.f32.msk $0xffff, v18;
	v18 =	vmul.f32 v20, v6  }
0x7d7: {  	v20 =	vld [tilespmem:s6+$0x40]  }
0x7d8: {  	v17 =	vmul.f32 v17, v15;
	[tilespmem:s23+$0xAF80] =	vst.add.f32.msk $0xffff, v18  }
0x7d9: {  	[tilespmem:s0+$0xABB0] =	vst.add.f32.msk $0xffff, v19;
	v18 =	vmul.f32 v21, v7  }
0x7da: {  	v19 =	vld [tilespmem:s3+$0x40];
	v21 =	vmul.f32 v22, v8  }
0x7db: {  	[tilespmem:s26+$0xABB0] =	vst.add.f32.msk $0xffff, v17  }
0x7dc: {  	v17 =	vmul.f32 v20, v14;
	v20 =	vld [tilespmem:s1+$0x40]  }
0x7dd: {  	v22 =	vld [tilespmem:s12+$0x40]  }
0x7de: {  	[tilespmem:s25+$0xABC0] =	vst.add.f32.msk $0xffff, v17  }
0x7df: {  	s7 =	sor.u32 $0x440, s2;
	v17 =	vmul.f32 v19, v13;
	[tilespmem:s20+$0xAFB0] =	vst.add.f32.msk $0xffff, v18  }
0x7e0: {  	s8 =	sadd.s32 $0x2, s8;
	s17 =	sor.u32 $0x410, s11;
	v18 =	vld [tilespmem:s7+$0x6980]  }
0x7e1: {  	v19 =	vmul.f32 v20, v15;
	v20 =	vld [tilespmem:s17+$0x6980]  }
0x7e2: {  	s9 =	sadd.s32 $0x4, s9;
	v22 =	vmul.f32 v22, v16;
	[tilespmem:s22+$0xAFE0] =	vst.add.f32.msk $0xffff, v21  }
0x7e3: {  	[tilespmem:s26+$0xABC0] =	vst.add.f32.msk $0xffff, v19  }
0x7e4: {  	[tilespmem:s15+$0xABC0] =	vst.add.f32.msk $0xffff, v22  }
0x7e5: {  	p0 =	por !p0, !p0;
	v19 =	vld [tilespmem:s6+$0x50];
	v18 =	vmul.f32 v18, v7  }
0x7e6: {  	s7 =	sor.u32 $0x450, s24;
	[tilespmem:s0+$0xABC0] =	vst.add.f32.msk $0xffff, v17;
	v17 =	vmul.f32 v20, v6  }
0x7e7: {  	v20 =	vld [tilespmem:s7+$0x6980]  }
0x7e8: {  	v21 =	vld [tilespmem:s12+$0x50]  }
0x7e9: {  	s7 =	sor.u32 $0x420, s11;
	[tilespmem:s23+$0xAF90] =	vst.add.f32.msk $0xffff, v17  }
0x7ea: {  	v19 =	vmul.f32 v19, v14;
	v22 =	vld [tilespmem:s7+$0x6980]  }
0x7eb: {  	v23 =	vld [tilespmem:s1+$0x50]  }
0x7ec: {  	v24 =	vld [tilespmem:s3+$0x50];
	v17 =	vmul.f32 v20, v5  }
0x7ed: {  	v20 =	vmul.f32 v21, v16;
	[tilespmem:s20+$0xAFC0] =	vst.add.f32.msk $0xffff, v18  }
0x7ee: {  	[tilespmem:s25+$0xABD0] =	vst.add.f32.msk $0xffff, v19  }
0x7ef: {  	v18 =	vld [tilespmem:s6+$0x60];
	v19 =	vmul.f32 v22, v6  }
0x7f0: {  	[tilespmem:s15+$0xABD0] =	vst.add.f32.msk $0xffff, v20;
	v20 =	vmul.f32 v23, v15  }
0x7f1: {  	s7 =	sor.u32 $0x430, s11;
	v21 =	vmul.f32 v24, v13;
	[tilespmem:s23+$0xAFA0] =	vst.add.f32.msk $0xffff, v19  }
0x7f2: {  	v19 =	vld [tilespmem:s7+$0x6980]  }
0x7f3: {  	v22 =	vld [tilespmem:s12+$0x60]  }
0x7f4: {  	[tilespmem:s0+$0xABD0] =	vst.add.f32.msk $0xffff, v21;
	v18 =	vmul.f32 v18, v14  }
0x7f5: {  	v21 =	vld [tilespmem:s3+$0x60]  }
0x7f6: {  	[tilespmem:s25+$0xABE0] =	vst.add.f32.msk $0xffff, v18  }
0x7f7: {  	v18 =	vld [tilespmem:s6+$0x70];
	v19 =	vmul.f32 v19, v6  }
0x7f8: {  	v22 =	vmul.f32 v22, v16;
	[tilespmem:s26+$0xABD0] =	vst.add.f32.msk $0xffff, v20  }
0x7f9: {  	s6 =	sor.u32 $0x440, s11;
	[tilespmem:s23+$0xAFB0] =	vst.add.f32.msk $0xffff, v19  }
0x7fa: {  	v19 =	vmul.f32 v21, v13;
	v20 =	vld [tilespmem:s6+$0x6980]  }
0x7fb: {  	[tilespmem:s15+$0xABE0] =	vst.add.f32.msk $0xffff, v22  }
0x7fc: {  	s6 =	sand.u32 $0x3, s8;
	v21 =	vld [tilespmem:s12+$0x70];
	v18 =	vmul.f32 v18, v14  }
0x7fd: {  	s6 =	sshll.u32 s6, $0x8;
	[tilespmem:s0+$0xABE0] =	vst.add.f32.msk $0xffff, v19  }
0x7fe: {  	s6 =	sadd.s32 s16, s6;
	v19 =	vld [tilespmem:s1+$0x60]  }
0x7ff: {  	v22 =	vld [tilespmem:s3+$0x70];
	s3 =	sadd.s32 $0x100, s6;
	v20 =	vmul.f32 v20, v6  }
0x800: {  	s7 =	simm.s32 $0x1;
	[tilespmem:s25+$0xABF0] =	vst.add.f32.msk $0xffff, v18;
	s6 =	sor.u32 $0x400, s3;
	s12 =	sor.u32 $0x410, s3  }
0x801: {  	s7 =	simm.s32 @!p0 $0x0;
	v18 =	vmul.f32 v21, v16;
	v21 =	vld [tilespmem:s6+$0x6980]  }
0x802: {  	s6 =	sshll.u32 s7, $0x9;
	s7 =	sor.u32 $0x450, s11;
	[tilespmem:s23+$0xAFC0] =	vst.add.f32.msk $0xffff, v20  }
0x803: {  	s6 =	sadd.s32 s6, s16;
	v19 =	vmul.f32 v19, v15;
	v23 =	vld [tilespmem:s7+$0x6980]  }
0x804: {  	s7 =	sor.u32 $0x400, s6;
	[tilespmem:s15+$0xABF0] =	vst.add.f32.msk $0xffff, v18;
	v24 =	vmul.f32 v22, v13  }
.Ltmp29:
0x805: {  	v18 =	vld [tilespmem:s7+$0x6980];
	(pc) =	sbr.rel @p1 .LBB2_54-.Ltmp29, $4  }
0x806: {  	v22 =	vmul.f32 v21, v14;
	[tilespmem:s26+$0xABE0] =	vst.add.f32.msk $0xffff, v19  }
0x807: {  	v20 =	vld [tilespmem:s1+$0x70];
	s1 =	sor.u32 $0x450, s2  }
0x808: {  	v21 =	vmul.f32 v23, v6;
	v19 =	vld [tilespmem:s1+$0x6980]  }
0x809: {  	s10 =	sadd.s32 $0x200, s10;
	s17 =	sor.u32 $0x460, s11;
	s1 =	sand.u32 $0x7, s9;
	[tilespmem:s0+$0xABF0] =	vst.add.f32.msk $0xffff, v24  }
0x80a: {  	[tilespmem:s25+$0xAF80] =	vst.add.f32.msk $0xffff, v22  }
0x80b: {  	[tilespmem:s23+$0xAFD0] =	vst.add.f32.msk $0xffff, v21  }
0x80c: {  	[tilespmem:s21+$0xAFD0] =	vst.add.f32.msk $0xffff, v17  }
0x80d: {  	v9 =	vld [tilespmem:s12+$0x6980]  }
0x80e: {  	s1 =	sshll.u32 s1, $0x7;
	s30 =	sor.u32 $0x470, s28;
	v11 =	vld [tilespmem:s17+$0x6980]  }
0x80f: {  	v31 =	vmul.f32 v18, v16;
	s7 =	sadd.s32 s16, s1;
	s16 =	sor.u32 $0x460, s24;
	v37 =	vld [tilespmem:s30+$0x6980]  }
0x810: {  	v32 =	vld [tilespmem:s16+$0x6980]  }
0x811: {  	s19 =	sor.u32 $0x410, s6;
	v10 =	vmul.f32 v20, v15;
	[tilespmem:s15+$0xAF80] =	vst.add.f32.msk $0xffff, v31  }
0x812: {  	s1 =	sadd.s32 $0x180, s7;
	s7 =	sadd.s32 $0x80, s7;
	v35 =	vld [tilespmem:s19+$0x6980]  }
0x813: {  	s18 =	sor.u32 $0x400, s7;
	[tilespmem:s26+$0xABF0] =	vst.add.f32.msk $0xffff, v10  }
0x814: {  	s8 =	sor.u32 $0x400, s1;
	v30 =	vmul.f32 v19, v7;
	v33 =	vld [tilespmem:s18+$0x6980]  }
0x815: {  	v12 =	vld [tilespmem:s8+$0x6980]  }
0x816: {  	s17 =	sor.u32 $0x460, s2;
	[tilespmem:s20+$0xAFD0] =	vst.add.f32.msk $0xffff, v30;
	v9 =	vmul.f32 v9, v14  }
0x817: {  	v10 =	vld [tilespmem:s17+$0x6980];
	v11 =	vmul.f32 v11, v6  }
0x818: {  	v8 =	vmul.f32 v37, v8;
	[tilespmem:s25+$0xAF90] =	vst.add.f32.msk $0xffff, v9  }
0x819: {  	[tilespmem:s23+$0xAFE0] =	vst.add.f32.msk $0xffff, v11  }
0x81a: {  	s29 =	sor.u32 $0x420, s3;
	v18 =	vmul.f32 v32, v5;
	[tilespmem:s22+$0xAFF0] =	vst.add.f32.msk $0xffff, v8  }
0x81b: {  	v36 =	vld [tilespmem:s29+$0x6980];
	v17 =	vmul.f32 v33, v13  }
0x81c: {  	[tilespmem:s21+$0xAFE0] =	vst.add.f32.msk $0xffff, v18;
	v34 =	vmul.f32 v12, v15  }
0x81d: {  	[tilespmem:s0+$0xAF80] =	vst.add.f32.msk $0xffff, v17  }
0x81e: {  	s31 =	sor.u32 $0x410, s7;
	v12 =	vmul.f32 v35, v16;
	[tilespmem:s26+$0xAF80] =	vst.add.f32.msk $0xffff, v34  }
0x81f: {  	v17 =	vld [tilespmem:s31+$0x6980]  }
0x820: {  	s9 =	sor.u32 $0x410, s1;
	v10 =	vmul.f32 v10, v7;
	[tilespmem:s15+$0xAF90] =	vst.add.f32.msk $0xffff, v12  }
0x821: {  	v38 =	vld [tilespmem:s9+$0x6980]  }
0x822: {  	s10 =	sor.u32 $0x420, s6;
	[tilespmem:s20+$0xAFE0] =	vst.add.f32.msk $0xffff, v10;
	v41 =	vmul.f32 v36, v14  }
0x823: {  	v40 =	vld [tilespmem:s10+$0x6980]  }
0x824: {  	s14 =	sor.u32 $0x430, s3;
	[tilespmem:s25+$0xAFA0] =	vst.add.f32.msk $0xffff, v41;
	v39 =	vmul.f32 v17, v13  }
0x825: {  	v12 =	vld [tilespmem:s14+$0x6980]  }
0x826: {  	s12 =	sor.u32 $0x420, s7;
	v42 =	vmul.f32 v38, v15;
	[tilespmem:s0+$0xAF90] =	vst.add.f32.msk $0xffff, v39  }
0x827: {  	v10 =	vld [tilespmem:s12+$0x6980]  }
0x828: {  	s16 =	sor.u32 $0x420, s1;
	[tilespmem:s26+$0xAF90] =	vst.add.f32.msk $0xffff, v42  }
0x829: {  	s9 =	sor.u32 $0x470, s24;
	v11 =	vmul.f32 v40, v16;
	v17 =	vld [tilespmem:s16+$0x6980]  }
0x82a: {  	v18 =	vld [tilespmem:s9+$0x6980]  }
0x82b: {  	s17 =	sor.u32 $0x430, s6;
	[tilespmem:s15+$0xAFA0] =	vst.add.f32.msk $0xffff, v11;
	v12 =	vmul.f32 v12, v14  }
0x82c: {  	v11 =	vld [tilespmem:s17+$0x6980];
	v10 =	vmul.f32 v10, v13  }
0x82d: {  	[tilespmem:s25+$0xAFB0] =	vst.add.f32.msk $0xffff, v12  }
0x82e: {  	s18 =	sor.u32 $0x430, s7;
	v43 =	vmul.f32 v17, v15;
	[tilespmem:s0+$0xAFA0] =	vst.add.f32.msk $0xffff, v10  }
0x82f: {  	v10 =	vld [tilespmem:s18+$0x6980]  }
0x830: {  	s24 =	sor.u32 $0x430, s1;
	[tilespmem:s26+$0xAFA0] =	vst.add.f32.msk $0xffff, v43  }
0x831: {  	s30 =	sor.u32 $0x470, s2;
	v12 =	vld [tilespmem:s24+$0x6980]  }
0x832: {  	s19 =	sor.u32 $0x440, s3;
	v47 =	vld [tilespmem:s30+$0x6980];
	v11 =	vmul.f32 v11, v16  }
0x833: {  	v44 =	vld [tilespmem:s19+$0x6980]  }
0x834: {  	s28 =	sor.u32 $0x440, s6;
	[tilespmem:s15+$0xAFB0] =	vst.add.f32.msk $0xffff, v11;
	v10 =	vmul.f32 v10, v13  }
0x835: {  	v11 =	vld [tilespmem:s28+$0x6980]  }
0x836: {  	s29 =	sor.u32 $0x440, s7;
	v12 =	vmul.f32 v12, v15;
	[tilespmem:s0+$0xAFB0] =	vst.add.f32.msk $0xffff, v10  }
0x837: {  	v46 =	vld [tilespmem:s29+$0x6980]  }
0x838: {  	s31 =	sor.u32 $0x440, s1;
	v45 =	vmul.f32 v44, v14;
	[tilespmem:s26+$0xAFB0] =	vst.add.f32.msk $0xffff, v12  }
0x839: {  	v49 =	vld [tilespmem:s31+$0x6980]  }
0x83a: {  	s10 =	sor.u32 $0x450, s3;
	[tilespmem:s25+$0xAFC0] =	vst.add.f32.msk $0xffff, v45;
	v48 =	vmul.f32 v11, v16  }
0x83b: {  	v52 =	vld [tilespmem:s10+$0x6980]  }
0x83c: {  	s8 =	sor.u32 $0x450, s6;
	[tilespmem:s15+$0xAFC0] =	vst.add.f32.msk $0xffff, v48;
	v50 =	vmul.f32 v46, v13  }
0x83d: {  	v51 =	vld [tilespmem:s8+$0x6980]  }
0x83e: {  	s9 =	sor.u32 $0x450, s7;
	v11 =	vmul.f32 v49, v15;
	[tilespmem:s0+$0xAFC0] =	vst.add.f32.msk $0xffff, v50  }
0x83f: {  	v10 =	vld [tilespmem:s9+$0x6980]  }
0x840: {  	s14 =	sor.u32 $0x450, s1;
	v17 =	vmul.f32 v52, v14;
	[tilespmem:s26+$0xAFC0] =	vst.add.f32.msk $0xffff, v11  }
0x841: {  	v11 =	vld [tilespmem:s14+$0x6980]  }
0x842: {  	s17 =	sor.u32 $0x460, s3;
	[tilespmem:s25+$0xAFD0] =	vst.add.f32.msk $0xffff, v17;
	v12 =	vmul.f32 v51, v16  }
0x843: {  	v55 =	vld [tilespmem:s17+$0x6980]  }
0x844: {  	s16 =	sor.u32 $0x460, s6;
	[tilespmem:s15+$0xAFD0] =	vst.add.f32.msk $0xffff, v12;
	v10 =	vmul.f32 v10, v13  }
0x845: {  	v12 =	vld [tilespmem:s16+$0x6980]  }
0x846: {  	s18 =	sor.u32 $0x460, s7;
	v54 =	vmul.f32 v11, v15;
	[tilespmem:s0+$0xAFD0] =	vst.add.f32.msk $0xffff, v10  }
0x847: {  	v56 =	vld [tilespmem:s18+$0x6980]  }
0x848: {  	s19 =	sor.u32 $0x460, s1;
	[tilespmem:s26+$0xAFD0] =	vst.add.f32.msk $0xffff, v54  }
0x849: {  	s12 =	sor.u32 $0x470, s11;
	v58 =	vmul.f32 v55, v14;
	v10 =	vld [tilespmem:s19+$0x6980]  }
0x84a: {  	v53 =	vld [tilespmem:s12+$0x6980]  }
0x84b: {  	s28 =	sor.u32 $0x470, s3;
	[tilespmem:s25+$0xAFE0] =	vst.add.f32.msk $0xffff, v58;
	v57 =	vmul.f32 v12, v16  }
0x84c: {  	v61 =	vld [tilespmem:s28+$0x6980]  }
0x84d: {  	s24 =	sor.u32 $0x470, s6;
	[tilespmem:s15+$0xAFE0] =	vst.add.f32.msk $0xffff, v57;
	v59 =	vmul.f32 v56, v13  }
0x84e: {  	v9 =	vld [tilespmem:s24+$0x6980];
	v60 =	vmul.f32 v10, v15  }
0x84f: {  	[tilespmem:s0+$0xAFE0] =	vst.add.f32.msk $0xffff, v59  }
0x850: {  	s29 =	sor.u32 $0x470, s7;
	[tilespmem:s26+$0xAFE0] =	vst.add.f32.msk $0xffff, v60  }
0x851: {  	v5 =	vmul.f32 v18, v5;
	s1 =	sor.u32 $0x470, s1;
	v62 =	vld [tilespmem:s29+$0x6980]  }
0x852: {  	v7 =	vmul.f32 v47, v7;
	v63 =	vld [tilespmem:s1+$0x6980]  }
0x853: {  	[tilespmem:s21+$0xAFF0] =	vst.add.f32.msk $0xffff, v5;
	v6 =	vmul.f32 v53, v6  }
0x854: {  	[tilespmem:s20+$0xAFF0] =	vst.add.f32.msk $0xffff, v7;
	v5 =	vmul.f32 v9, v16  }
0x855: {  	[tilespmem:s23+$0xAFF0] =	vst.add.f32.msk $0xffff, v6;
	v6 =	vmul.f32 v61, v14  }
0x856: {  	[tilespmem:s15+$0xAFF0] =	vst.add.f32.msk $0xffff, v5;
	v5 =	vmul.f32 v62, v13  }
0x857: {  	[tilespmem:s25+$0xAFF0] =	vst.add.f32.msk $0xffff, v6;
	v7 =	vmul.f32 v63, v15  }
0x858: {  	[tilespmem:s0+$0xAFF0] =	vst.add.f32.msk $0xffff, v5  }
0x859: {  	[tilespmem:s26+$0xAFF0] =	vst.add.f32.msk $0xffff, v7  }
0x85a: {  	s2 =	simm.s32 $0xAB80;
	s6 =	simm.s32 $0x5;
	s0 =	rddreg [dreg:$0x8]  }
0x85b: {  	[hbm4b:s0+s4] =	stream.linear.scatter [tilespmem:s2], [sflag:$0x5], $0x14000, $0x38;
	[tilespmem:$0x1F380] =	vst v63  }
0x85c: {  	_ =	swait.ge [sflag:s6], $0x14000  }
0x85d: {  	s30 =	rddreg [dreg:$0xa]  }
0x85e: {  	s31 =	rddreg [dreg:$0x9];
	s1 =	sadd.s32 $0x1, s30  }
0x85f: {  	p0 =	sne.s32 s1, s31  }
.Ltmp30:
0x860: {  	_ = 	snop;
	(pc) =	sbr.rel @p0 .LBB2_1-.Ltmp30, $4  }
0x861: {  	[sflag:s6] =	ssyncset.done $0x0;
	s15 =	rddreg [dreg:$0x5]  }
0x862: {  	s16 =	rddreg [dreg:$0x6];
	[sflag:s6] =	ssyncadd.s32 $0xFFFEC000  }
0x863: {  	s12 =	rddreg [dreg:$0x1]  }
0x864: {  	s14 =	rddreg [dreg:$0x2]  }
0x865: {  	_ =	sfence.sel $0x180000  }
0x866: {  	[bflag:$0x0] =	sbarrier.arrive $0xFFFF  }
0x867: {  	_ =	strace $0x90000047  }
0x868: {  	s0 =	stileid.u32;
	[bflag:$0x2] =	sbarrier.arrive $0xFFFF  }
0x869: {  	p0 =	sne.s32 s0, $0x0;
	s0 =	rddreg [dreg:$0x4]  }
0x86a: {  	s0 =	sadd.s32 @!p0 $0x100000, s0  }
0x86b: {  	[sflag:s0] =	ssyncadd.tile.s32 @!p0 $0x1;
	_ =	shalt  }
.Lfunc_end2:
_tile_overlayer_lowered:
.L_overlay_start_2:
0x86c: {  	(tag) =	ssettag $0x2  }
0x86d: {  	s0 =	rddreg [dreg:$0x0];
	s2 =	stileid.u32  }
0x86e: {  	s1 =	rddreg [dreg:$0x1];
	p0 =	sne.s32 s2, $0x0  }
0x86f: {  	s3 =	rddreg [dreg:$0x2];
	[bflag:$0x3] =	sbarrier.arrive $0xFFFF;
	s2 =	simm.s32 @!p0 $0x1C05  }
0x870: {  	[timem:s3], [sflag:s2] =	dma.local @!p0 [hbm:s0], s1  }
0x871: {  	s0 =	simm.s32 @!p0 $0x5  }
0x872: {  	_ =	swait.ge @!p0 [sflag:s0], s1  }
0x873: {  	s1 =	ssub.s32 @!p0 $0x0, s1;
	[sflag:s0] =	ssyncset.done @!p0 $0x0  }
0x874: {  	[sflag:s0] =	ssyncadd.s32 @!p0 s1  }
0x875: {  	[bflag:$0x3] =	sbarrier.arrive $0xFFFF  }
0x876: {  	_ =	shalt  }

</sc_bundles>
